<compile_context>
chip_gen: v7x
topology: tpu7x:2x2x1
jax: 0.10.2.dev20260603
libtpu: 0.0.44.dev20260713+nightly
codegen_flags: <defaults>
</compile_context>

<pallas_src>
import functools

import jax
import jax.numpy as jnp
from jax import lax
from jax.experimental import pallas as pl
from jax.experimental.pallas import tpu as pltpu
from jax.experimental.pallas import tpu_sc as plsc

EDGE_DIM = 64
NUM_WORKERS = 32
LANES = 16
VPR = EDGE_DIM // LANES


def _round_up(x, m):
    return (x + m - 1) // m * m


def _bounds(seq_len):
    b0 = 2 * (seq_len - 1)
    b1 = b0 + 2 * (seq_len - 2)
    b2 = b1 + 2 * (seq_len - 3)
    return b0, b1, b2, b2 + seq_len


@functools.lru_cache(maxsize=None)
def _build_attr_call(seq_len):
    b0, b1, b2, num_edges = _bounds(seq_len)

    epw = _round_up(-(-num_edges // NUM_WORKERS), LANES)
    last_full = (num_edges - (NUM_WORKERS - 1) * epw) // 8 * 8
    assert 0 < last_full <= epw

    mesh = plsc.VectorSubcoreMesh(core_axis_name="c", subcore_axis_name="s")

    @functools.partial(
        pl.kernel,
        mesh=mesh,
        out_type=jax.ShapeDtypeStruct((num_edges, EDGE_DIM), jnp.float32),
        scratch_types=[
            pltpu.VMEM((5, EDGE_DIM), jnp.float32),
            pltpu.VMEM((epw, EDGE_DIM), jnp.float32),
            pltpu.SemaphoreType.DMA,
        ],
    )
    def sc_kernel(emb_hbm, attr_hbm, emb_v, rows_v, sem):
        wid = lax.axis_index("s") * 2 + lax.axis_index("c")
        edge_base = wid * epw

        pltpu.sync_copy(emb_hbm, emb_v)

        def type_of(c):
            return jnp.where(
                c < b0, 0, jnp.where(c < b1, 1, jnp.where(c < b2, 2, 0))
            )

        def group_body(g, carry):
            cbase = edge_base + g * LANES
            t_first = type_of(cbase)
            t_last = type_of(cbase + LANES - 1)

            @pl.when(t_first == t_last)
            def _():
                vs = [
                    emb_v[t_first, pl.ds(i * LANES, LANES)]
                    for i in range(VPR)
                ]
                for r in range(LANES):
                    for i in range(VPR):
                        rows_v[g * LANES + r, pl.ds(i * LANES, LANES)] = vs[i]

            @pl.when(t_first != t_last)
            def _():
                for r in range(LANES):
                    t_r = type_of(cbase + r)
                    for i in range(VPR):
                        rows_v[g * LANES + r, pl.ds(i * LANES, LANES)] = (
                            emb_v[t_r, pl.ds(i * LANES, LANES)]
                        )

            return carry

        half = epw // 2
        lax.fori_loop(0, epw // LANES // 2, group_body, 0)
        first = pltpu.async_copy(
            rows_v.at[pl.ds(0, half)],
            attr_hbm.at[pl.ds(edge_base, half)],
            sem,
        )
        lax.fori_loop(epw // LANES // 2, epw // LANES, group_body, 0)
        first.wait()

        @pl.when(wid < NUM_WORKERS - 1)
        def _():
            pltpu.sync_copy(
                rows_v.at[pl.ds(half, epw - half)],
                attr_hbm.at[pl.ds(edge_base + half, epw - half)],
            )

        @pl.when(wid == NUM_WORKERS - 1)
        def _():
            pltpu.sync_copy(
                rows_v.at[pl.ds(half, last_full - half)],
                attr_hbm.at[pl.ds(edge_base + half, last_full - half)],
            )

    return sc_kernel


@functools.lru_cache(maxsize=None)
def _build_index_call(seq_len):
    b0, b1, b2, num_edges = _bounds(seq_len)

    epw = _round_up(-(-num_edges // NUM_WORKERS), LANES)
    last_full = (num_edges - (NUM_WORKERS - 1) * epw) // 8 * 8
    tail_start = (NUM_WORKERS - 1) * epw + last_full
    assert tail_start % 8 == 0 and 0 < num_edges - tail_start < 8
    src_block = tail_start // 8 - 2
    assert src_block * 8 >= b2

    def tc_kernel(attr_in_ref, attr_out_ref, ei_ref):
        r = lax.broadcasted_iota(jnp.int32, (2, num_edges), 0)
        c = lax.broadcasted_iota(jnp.int32, (2, num_edges), 1)
        in0 = c < b0
        in1 = c < b1
        in2 = c < b2
        s = jnp.where(in0, 0, jnp.where(in1, b0, jnp.where(in2, b1, b2)))
        w = jnp.where(in0, 1, jnp.where(in1, 2, jnp.where(in2, 3, 0)))
        local = c - s
        k = local >> 1
        p = local & 1
        ei_ref[...] = jnp.where(in2, k + (p ^ r) * w, local)
        attr_out_ref[...] = attr_in_ref[...]

    return pl.pallas_call(
        tc_kernel,
        grid=(1,),
        in_specs=[
            pl.BlockSpec((8, EDGE_DIM), lambda i: (src_block, 0)),
        ],
        out_specs=[
            pl.BlockSpec((8, EDGE_DIM), lambda i: (tail_start // 8, 0)),
            pl.BlockSpec((2, num_edges), lambda i: (0, 0)),
        ],
        out_shape=[
            jax.ShapeDtypeStruct((num_edges, EDGE_DIM), jnp.float32),
            jax.ShapeDtypeStruct((2, num_edges), jnp.int32),
        ],
        input_output_aliases={0: 0},
    )


def kernel(token_ids, edge_emb):
    seq_len = token_ids.shape[1]
    attr_sc = _build_attr_call(seq_len)(edge_emb)
    edge_attr, edge_index = _build_index_call(seq_len)(attr_sc)
    return (edge_index, edge_attr)

# --- scband reference (transcript-rebuilt; emitter-appended) ---
"""Pipeline reference for scband-token-graph-builder-5549097746992 (READ-ONLY COPY).

The authoritative reference and input builder live on the scoring server;
editing this copy changes nothing except your own understanding.
"""

import jax, jax.numpy as jnp
import numpy as np

WINDOW_SIZES = [1, 2, 3]
NUM_EDGE_TYPES = len(WINDOW_SIZES) + 2
EDGE_DIM = 64


def _build_edges(seq_len):
    # Faithful reproduction of the torch loop order:
    # for each window: interleaved ([i, i+w], [i+w, i]) pairs; then self-loops of type 0.
    edges = []
    types = []
    for t, w in enumerate(WINDOW_SIZES):
        n = seq_len - w
        i = np.arange(n, dtype=np.int64)
        inter = np.empty((2 * n, 2), dtype=np.int64)
        inter[0::2, 0] = i
        inter[0::2, 1] = i + w
        inter[1::2, 0] = i + w
        inter[1::2, 1] = i
        edges.append(inter)
        types.append(np.full(2 * n, t, dtype=np.int64))
    i = np.arange(seq_len, dtype=np.int64)
    edges.append(np.stack([i, i], axis=1))
    types.append(np.zeros(seq_len, dtype=np.int64))
    edge_index = np.concatenate(edges, axis=0).T  # [2, num_edges]
    edge_types = np.concatenate(types, axis=0)    # [num_edges]
    return jnp.asarray(edge_index), jnp.asarray(edge_types)


def setup_inputs(seed: int = 0) -> dict:
    key = jax.random.key(seed)
    k1, k2 = jax.random.split(key)
    token_ids = jax.random.randint(k1, (4, 2048), 0, 32000)
    edge_emb = jax.random.normal(k2, (NUM_EDGE_TYPES, EDGE_DIM), dtype=jnp.float32) * 0.02
    return {"token_ids": token_ids, "edge_emb": edge_emb}


def reference(token_ids, edge_emb):
    seq_len = token_ids.shape[1]
    edge_index, edge_types = _build_edges(seq_len)
    edge_attr = jnp.take(edge_emb, edge_types, axis=0)  # embedding lookup
    return (edge_index, edge_attr)

if __name__ == "__main__":
    import jax
    _d = setup_inputs()
    print(jax.jit(kernel)(*tuple(_d.values())))

</pallas_src>

<mosaic_0001>
#map = affine_map<(d0, d1) -> (0, 0)>
module attributes {stable_mosaic.version = 14 : i64} {
  func.func @sc_kernel(%arg0: i32, %arg1: i32, %arg2: memref<5x64xf32, #tpu.memory_space<hbm>>, %arg3: memref<14324x64xf32, #tpu.memory_space<hbm>>, %arg4: memref<5x64xf32, #tpu.memory_space<vmem>>, %arg5: memref<448x64xf32, #tpu.memory_space<vmem>>, %arg6: memref<!tpu.dma_semaphore, #tpu.memory_space<semaphore_mem>>) attributes {dimension_semantics = [#tpu.dimension_semantics<core_parallel>, #tpu.dimension_semantics<subcore_parallel>], iteration_bounds = array<i64: 2, 16>, scalar_prefetch = 0 : i64, scratch_operands = 3 : i64, tpu.core_type = #tpu.core_type<sc_vector_subcore>, window_params = [{transform_indices = #map}, {transform_indices = #map}]} {
    %mul3A = arith.constant 2 : i32
    %mul3A_0 = arith.muli %arg1, %mul3A : i32
    %add3A = arith.addi %mul3A_0, %arg0 : i32
    %mul3A_1 = arith.constant 448 : i32
    %mul3A_2 = arith.muli %add3A, %mul3A_1 : i32
    "tpu.region"() ({
      %run_scoped3A = tpu.sem_alloc : memref<!tpu.dma_semaphore, #tpu.memory_space<semaphore_mem>>
      tpu.enqueue_dma source(%arg2 : memref<5x64xf32, #tpu.memory_space<hbm>>) target(%arg4 : memref<5x64xf32, #tpu.memory_space<vmem>>) target_semaphore(%run_scoped3A : memref<!tpu.dma_semaphore, #tpu.memory_space<semaphore_mem>>)
      tpu.wait_dma2 semaphore(%run_scoped3A : memref<!tpu.dma_semaphore, #tpu.memory_space<semaphore_mem>>) src(%arg2 : memref<5x64xf32, #tpu.memory_space<hbm>>) dst(%arg4 : memref<5x64xf32, #tpu.memory_space<vmem>>)
      tpu.yield
    }) : () -> ()
    %scan3A = arith.constant 0 : i32
    %scan3A_3 = arith.constant 0 : i32
    %scan3A_4 = arith.constant 14 : i32
    %scan3A_5 = arith.addi %scan3A_3, %scan3A_4 : i32
    %scan3A_6 = arith.constant 1 : i32
    scf.for %scan3A_38 = %scan3A_3 to %scan3A_5 step %scan3A_6  : i32 {
      %mul3A_39 = arith.constant 16 : i32
      %mul3A_40 = arith.muli %scan3A_38, %mul3A_39 : i32
      %add3A_41 = arith.addi %mul3A_2, %mul3A_40 : i32
      %lt3A_42 = arith.constant 4094 : i32
      %lt3A_43 = arith.cmpi slt, %add3A_41, %lt3A_42 : i32
      %lt3A_44 = arith.constant 8186 : i32
      %lt3A_45 = arith.cmpi slt, %add3A_41, %lt3A_44 : i32
      %lt3A_46 = arith.constant 12276 : i32
      %lt3A_47 = arith.cmpi slt, %add3A_41, %lt3A_46 : i32
      %jit3A = arith.constant 2 : i32
      %jit3A_48 = arith.constant 0 : i32
      %select_n3A = arith.select %lt3A_47, %jit3A, %jit3A_48 : i32
      %jit3A_49 = arith.constant 1 : i32
      %select_n3A_50 = arith.select %lt3A_45, %jit3A_49, %select_n3A : i32
      %jit3A_51 = arith.constant 0 : i32
      %select_n3A_52 = arith.select %lt3A_43, %jit3A_51, %select_n3A_50 : i32
      %add3A_53 = arith.constant 16 : i32
      %add3A_54 = arith.addi %add3A_41, %add3A_53 : i32
      %sub3A = arith.constant 1 : i32
      %sub3A_55 = arith.subi %add3A_54, %sub3A : i32
      %lt3A_56 = arith.constant 4094 : i32
      %lt3A_57 = arith.cmpi slt, %sub3A_55, %lt3A_56 : i32
      %lt3A_58 = arith.constant 8186 : i32
      %lt3A_59 = arith.cmpi slt, %sub3A_55, %lt3A_58 : i32
      %lt3A_60 = arith.constant 12276 : i32
      %lt3A_61 = arith.cmpi slt, %sub3A_55, %lt3A_60 : i32
      %jit3A_62 = arith.constant 2 : i32
      %jit3A_63 = arith.constant 0 : i32
      %select_n3A_64 = arith.select %lt3A_61, %jit3A_62, %jit3A_63 : i32
      %jit3A_65 = arith.constant 1 : i32
      %select_n3A_66 = arith.select %lt3A_59, %jit3A_65, %select_n3A_64 : i32
      %jit3A_67 = arith.constant 0 : i32
      %select_n3A_68 = arith.select %lt3A_57, %jit3A_67, %select_n3A_66 : i32
      %eq3A_69 = arith.cmpi eq, %select_n3A_52, %select_n3A_68 : i32
      %convert_element_type3A_70 = arith.extui %eq3A_69 : i1 to i32
      %cond3A_71 = arith.constant 0 : i32
      %cond3A_72 = arith.cmpi ne, %convert_element_type3A_70, %cond3A_71 : i32
      scf.if %cond3A_72 {
        %get3A = arith.index_cast %select_n3A_52 : i32 to index
        %get3A_76 = arith.constant 0 : index
        %get3A_77 = tpu.vector_load %arg4[%get3A, %get3A_76] {strides = array<i32>} : memref<5x64xf32, #tpu.memory_space<vmem>>, vector<1x16xf32>,
        %get3A_78 = vector.shape_cast %get3A_77 : vector<1x16xf32> to vector<16xf32>
        %get3A_79 = arith.index_cast %select_n3A_52 : i32 to index
        %get3A_80 = arith.constant 16 : index
        %get3A_81 = tpu.vector_load %arg4[%get3A_79, %get3A_80] {strides = array<i32>} : memref<5x64xf32, #tpu.memory_space<vmem>>, vector<1x16xf32>,
        %get3A_82 = vector.shape_cast %get3A_81 : vector<1x16xf32> to vector<16xf32>
        %get3A_83 = arith.index_cast %select_n3A_52 : i32 to index
        %get3A_84 = arith.constant 32 : index
        %get3A_85 = tpu.vector_load %arg4[%get3A_83, %get3A_84] {strides = array<i32>} : memref<5x64xf32, #tpu.memory_space<vmem>>, vector<1x16xf32>,
        %get3A_86 = vector.shape_cast %get3A_85 : vector<1x16xf32> to vector<16xf32>
        %get3A_87 = arith.index_cast %select_n3A_52 : i32 to index
        %get3A_88 = arith.constant 48 : index
        %get3A_89 = tpu.vector_load %arg4[%get3A_87, %get3A_88] {strides = array<i32>} : memref<5x64xf32, #tpu.memory_space<vmem>>, vector<1x16xf32>,
        %get3A_90 = vector.shape_cast %get3A_89 : vector<1x16xf32> to vector<16xf32>
        %mul3A_91 = arith.constant 16 : i32
        %mul3A_92 = arith.muli %scan3A_38, %mul3A_91 : i32
        %add3A_93 = arith.constant 0 : i32
        %add3A_94 = arith.addi %mul3A_92, %add3A_93 : i32
        %swap3A = arith.index_cast %add3A_94 : i32 to index
        %swap3A_95 = arith.constant 0 : index
        %swap3A_96 = tpu.vector_load %arg5[%swap3A, %swap3A_95] {strides = array<i32>} : memref<448x64xf32, #tpu.memory_space<vmem>>, vector<1x16xf32>,
        %swap3A_97 = vector.shape_cast %swap3A_96 : vector<1x16xf32> to vector<16xf32>
        %swap3A_98 = vector.shape_cast %get3A_78 : vector<16xf32> to vector<1x16xf32>
        tpu.vector_store %arg5[%swap3A, %swap3A_95], %swap3A_98 {strides = array<i32>} : memref<448x64xf32, #tpu.memory_space<vmem>>, vector<1x16xf32>,
        %mul3A_99 = arith.constant 16 : i32
        %mul3A_100 = arith.muli %scan3A_38, %mul3A_99 : i32
        %add3A_101 = arith.constant 0 : i32
        %add3A_102 = arith.addi %mul3A_100, %add3A_101 : i32
        %swap3A_103 = arith.index_cast %add3A_102 : i32 to index
        %swap3A_104 = arith.constant 16 : index
        %swap3A_105 = tpu.vector_load %arg5[%swap3A_103, %swap3A_104] {strides = array<i32>} : memref<448x64xf32, #tpu.memory_space<vmem>>, vector<1x16xf32>,
        %swap3A_106 = vector.shape_cast %swap3A_105 : vector<1x16xf32> to vector<16xf32>
        %swap3A_107 = vector.shape_cast %get3A_82 : vector<16xf32> to vector<1x16xf32>
        tpu.vector_store %arg5[%swap3A_103, %swap3A_104], %swap3A_107 {strides = array<i32>} : memref<448x64xf32, #tpu.memory_space<vmem>>, vector<1x16xf32>,
        %mul3A_108 = arith.constant 16 : i32
        %mul3A_109 = arith.muli %scan3A_38, %mul3A_108 : i32
        %add3A_110 = arith.constant 0 : i32
        %add3A_111 = arith.addi %mul3A_109, %add3A_110 : i32
        %swap3A_112 = arith.index_cast %add3A_111 : i32 to index
        %swap3A_113 = arith.constant 32 : index
        %swap3A_114 = tpu.vector_load %arg5[%swap3A_112, %swap3A_113] {strides = array<i32>} : memref<448x64xf32, #tpu.memory_space<vmem>>, vector<1x16xf32>,
        %swap3A_115 = vector.shape_cast %swap3A_114 : vector<1x16xf32> to vector<16xf32>
        %swap3A_116 = vector.shape_cast %get3A_86 : vector<16xf32> to vector<1x16xf32>
        tpu.vector_store %arg5[%swap3A_112, %swap3A_113], %swap3A_116 {strides = array<i32>} : memref<448x64xf32, #tpu.memory_space<vmem>>, vector<1x16xf32>,
        %mul3A_117 = arith.constant 16 : i32
        %mul3A_118 = arith.muli %scan3A_38, %mul3A_117 : i32
        %add3A_119 = arith.constant 0 : i32
        %add3A_120 = arith.addi %mul3A_118, %add3A_119 : i32
        %swap3A_121 = arith.index_cast %add3A_120 : i32 to index
        %swap3A_122 = arith.constant 48 : index
        %swap3A_123 = tpu.vector_load %arg5[%swap3A_121, %swap3A_122] {strides = array<i32>} : memref<448x64xf32, #tpu.memory_space<vmem>>, vector<1x16xf32>,
        %swap3A_124 = vector.shape_cast %swap3A_123 : vector<1x16xf32> to vector<16xf32>
        %swap3A_125 = vector.shape_cast %get3A_90 : vector<16xf32> to vector<1x16xf32>
        tpu.vector_store %arg5[%swap3A_121, %swap3A_122], %swap3A_125 {strides = array<i32>} : memref<448x64xf32, #tpu.memory_space<vmem>>, vector<1x16xf32>,
        %mul3A_126 = arith.constant 16 : i32
        %mul3A_127 = arith.muli %scan3A_38, %mul3A_126 : i32
        %add3A_128 = arith.constant 1 : i32
        %add3A_129 = arith.addi %mul3A_127, %add3A_128 : i32
        %swap3A_130 = arith.index_cast %add3A_129 : i32 to index
        %swap3A_131 = arith.constant 0 : index
        %swap3A_132 = tpu.vector_load %arg5[%swap3A_130, %swap3A_131] {strides = array<i32>} : memref<448x64xf32, #tpu.memory_space<vmem>>, vector<1x16xf32>,
        %swap3A_133 = vector.shape_cast %swap3A_132 : vector<1x16xf32> to vector<16xf32>
        %swap3A_134 = vector.shape_cast %get3A_78 : vector<16xf32> to vector<1x16xf32>
        tpu.vector_store %arg5[%swap3A_130, %swap3A_131], %swap3A_134 {strides = array<i32>} : memref<448x64xf32, #tpu.memory_space<vmem>>, vector<1x16xf32>,
        %mul3A_135 = arith.constant 16 : i32
        %mul3A_136 = arith.muli %scan3A_38, %mul3A_135 : i32
        %add3A_137 = arith.constant 1 : i32
        %add3A_138 = arith.addi %mul3A_136, %add3A_137 : i32
        %swap3A_139 = arith.index_cast %add3A_138 : i32 to index
        %swap3A_140 = arith.constant 16 : index
        %swap3A_141 = tpu.vector_load %arg5[%swap3A_139, %swap3A_140] {strides = array<i32>} : memref<448x64xf32, #tpu.memory_space<vmem>>, vector<1x16xf32>,
        %swap3A_142 = vector.shape_cast %swap3A_141 : vector<1x16xf32> to vector<16xf32>
        %swap3A_143 = vector.shape_cast %get3A_82 : vector<16xf32> to vector<1x16xf32>
        tpu.vector_store %arg5[%swap3A_139, %swap3A_140], %swap3A_143 {strides = array<i32>} : memref<448x64xf32, #tpu.memory_space<vmem>>, vector<1x16xf32>,
        %mul3A_144 = arith.constant 16 : i32
        %mul3A_145 = arith.muli %scan3A_38, %mul3A_144 : i32
        %add3A_146 = arith.constant 1 : i32
        %add3A_147 = arith.addi %mul3A_145, %add3A_146 : i32
        %swap3A_148 = arith.index_cast %add3A_147 : i32 to index
        %swap3A_149 = arith.constant 32 : index
        %swap3A_150 = tpu.vector_load %arg5[%swap3A_148, %swap3A_149] {strides = array<i32>} : memref<448x64xf32, #tpu.memory_space<vmem>>, vector<1x16xf32>,
        %swap3A_151 = vector.shape_cast %swap3A_150 : vector<1x16xf32> to vector<16xf32>
        %swap3A_152 = vector.shape_cast %get3A_86 : vector<16xf32> to vector<1x16xf32>
        tpu.vector_store %arg5[%swap3A_148, %swap3A_149], %swap3A_152 {strides = array<i32>} : memref<448x64xf32, #tpu.memory_space<vmem>>, vector<1x16xf32>,
        %mul3A_153 = arith.constant 16 : i32
        %mul3A_154 = arith.muli %scan3A_38, %mul3A_153 : i32
        %add3A_155 = arith.constant 1 : i32
        %add3A_156 = arith.addi %mul3A_154, %add3A_155 : i32
        %swap3A_157 = arith.index_cast %add3A_156 : i32 to index
        %swap3A_158 = arith.constant 48 : index
        %swap3A_159 = tpu.vector_load %arg5[%swap3A_157, %swap3A_158] {strides = array<i32>} : memref<448x64xf32, #tpu.memory_space<vmem>>, vector<1x16xf32>,
        %swap3A_160 = vector.shape_cast %swap3A_159 : vector<1x16xf32> to vector<16xf32>
        %swap3A_161 = vector.shape_cast %get3A_90 : vector<16xf32> to vector<1x16xf32>
        tpu.vector_store %arg5[%swap3A_157, %swap3A_158], %swap3A_161 {strides = array<i32>} : memref<448x64xf32, #tpu.memory_space<vmem>>, vector<1x16xf32>,
        %mul3A_162 = arith.constant 16 : i32
        %mul3A_163 = arith.muli %scan3A_38, %mul3A_162 : i32
        %add3A_164 = arith.constant 2 : i32
        %add3A_165 = arith.addi %mul3A_163, %add3A_164 : i32
        %swap3A_166 = arith.index_cast %add3A_165 : i32 to index
        %swap3A_167 = arith.constant 0 : index
        %swap3A_168 = tpu.vector_load %arg5[%swap3A_166, %swap3A_167] {strides = array<i32>} : memref<448x64xf32, #tpu.memory_space<vmem>>, vector<1x16xf32>,
        %swap3A_169 = vector.shape_cast %swap3A_168 : vector<1x16xf32> to vector<16xf32>
        %swap3A_170 = vector.shape_cast %get3A_78 : vector<16xf32> to vector<1x16xf32>
        tpu.vector_store %arg5[%swap3A_166, %swap3A_167], %swap3A_170 {strides = array<i32>} : memref<448x64xf32, #tpu.memory_space<vmem>>, vector<1x16xf32>,
        %mul3A_171 = arith.constant 16 : i32
        %mul3A_172 = arith.muli %scan3A_38, %mul3A_171 : i32
        %add3A_173 = arith.constant 2 : i32
        %add3A_174 = arith.addi %mul3A_172, %add3A_173 : i32
        %swap3A_175 = arith.index_cast %add3A_174 : i32 to index
        %swap3A_176 = arith.constant 16 : index
        %swap3A_177 = tpu.vector_load %arg5[%swap3A_175, %swap3A_176] {strides = array<i32>} : memref<448x64xf32, #tpu.memory_space<vmem>>, vector<1x16xf32>,
        %swap3A_178 = vector.shape_cast %swap3A_177 : vector<1x16xf32> to vector<16xf32>
        %swap3A_179 = vector.shape_cast %get3A_82 : vector<16xf32> to vector<1x16xf32>
        tpu.vector_store %arg5[%swap3A_175, %swap3A_176], %swap3A_179 {strides = array<i32>} : memref<448x64xf32, #tpu.memory_space<vmem>>, vector<1x16xf32>,
        %mul3A_180 = arith.constant 16 : i32
        %mul3A_181 = arith.muli %scan3A_38, %mul3A_180 : i32
        %add3A_182 = arith.constant 2 : i32
        %add3A_183 = arith.addi %mul3A_181, %add3A_182 : i32
        %swap3A_184 = arith.index_cast %add3A_183 : i32 to index
        %swap3A_185 = arith.constant 32 : index
        %swap3A_186 = tpu.vector_load %arg5[%swap3A_184, %swap3A_185] {strides = array<i32>} : memref<448x64xf32, #tpu.memory_space<vmem>>, vector<1x16xf32>,
        %swap3A_187 = vector.shape_cast %swap3A_186 : vector<1x16xf32> to vector<16xf32>
        %swap3A_188 = vector.shape_cast %get3A_86 : vector<16xf32> to vector<1x16xf32>
        tpu.vector_store %arg5[%swap3A_184, %swap3A_185], %swap3A_188 {strides = array<i32>} : memref<448x64xf32, #tpu.memory_space<vmem>>, vector<1x16xf32>,
        %mul3A_189 = arith.constant 16 : i32
        %mul3A_190 = arith.muli %scan3A_38, %mul3A_189 : i32
        %add3A_191 = arith.constant 2 : i32
        %add3A_192 = arith.addi %mul3A_190, %add3A_191 : i32
        %swap3A_193 = arith.index_cast %add3A_192 : i32 to index
        %swap3A_194 = arith.constant 48 : index
        %swap3A_195 = tpu.vector_load %arg5[%swap3A_193, %swap3A_194] {strides = array<i32>} : memref<448x64xf32, #tpu.memory_space<vmem>>, vector<1x16xf32>,
        %swap3A_196 = vector.shape_cast %swap3A_195 : vector<1x16xf32> to vector<16xf32>
        %swap3A_197 = vector.shape_cast %get3A_90 : vector<16xf32> to vector<1x16xf32>
        tpu.vector_store %arg5[%swap3A_193, %swap3A_194], %swap3A_197 {strides = array<i32>} : memref<448x64xf32, #tpu.memory_space<vmem>>, vector<1x16xf32>,
        %mul3A_198 = arith.constant 16 : i32
        %mul3A_199 = arith.muli %scan3A_38, %mul3A_198 : i32
        %add3A_200 = arith.constant 3 : i32
        %add3A_201 = arith.addi %mul3A_199, %add3A_200 : i32
        %swap3A_202 = arith.index_cast %add3A_201 : i32 to index
        %swap3A_203 = arith.constant 0 : index
        %swap3A_204 = tpu.vector_load %arg5[%swap3A_202, %swap3A_203] {strides = array<i32>} : memref<448x64xf32, #tpu.memory_space<vmem>>, vector<1x16xf32>,
        %swap3A_205 = vector.shape_cast %swap3A_204 : vector<1x16xf32> to vector<16xf32>
        %swap3A_206 = vector.shape_cast %get3A_78 : vector<16xf32> to vector<1x16xf32>
        tpu.vector_store %arg5[%swap3A_202, %swap3A_203], %swap3A_206 {strides = array<i32>} : memref<448x64xf32, #tpu.memory_space<vmem>>, vector<1x16xf32>,
        %mul3A_207 = arith.constant 16 : i32
        %mul3A_208 = arith.muli %scan3A_38, %mul3A_207 : i32
        %add3A_209 = arith.constant 3 : i32
        %add3A_210 = arith.addi %mul3A_208, %add3A_209 : i32
        %swap3A_211 = arith.index_cast %add3A_210 : i32 to index
        %swap3A_212 = arith.constant 16 : index
        %swap3A_213 = tpu.vector_load %arg5[%swap3A_211, %swap3A_212] {strides = array<i32>} : memref<448x64xf32, #tpu.memory_space<vmem>>, vector<1x16xf32>,
        %swap3A_214 = vector.shape_cast %swap3A_213 : vector<1x16xf32> to vector<16xf32>
        %swap3A_215 = vector.shape_cast %get3A_82 : vector<16xf32> to vector<1x16xf32>
        tpu.vector_store %arg5[%swap3A_211, %swap3A_212], %swap3A_215 {strides = array<i32>} : memref<448x64xf32, #tpu.memory_space<vmem>>, vector<1x16xf32>,
        %mul3A_216 = arith.constant 16 : i32
        %mul3A_217 = arith.muli %scan3A_38, %mul3A_216 : i32
        %add3A_218 = arith.constant 3 : i32
        %add3A_219 = arith.addi %mul3A_217, %add3A_218 : i32
        %swap3A_220 = arith.index_cast %add3A_219 : i32 to index
        %swap3A_221 = arith.constant 32 : index
        %swap3A_222 = tpu.vector_load %arg5[%swap3A_220, %swap3A_221] {strides = array<i32>} : memref<448x64xf32, #tpu.memory_space<vmem>>, vector<1x16xf32>,
        %swap3A_223 = vector.shape_cast %swap3A_222 : vector<1x16xf32> to vector<16xf32>
        %swap3A_224 = vector.shape_cast %get3A_86 : vector<16xf32> to vector<1x16xf32>
        tpu.vector_store %arg5[%swap3A_220, %swap3A_221], %swap3A_224 {strides = array<i32>} : memref<448x64xf32, #tpu.memory_space<vmem>>, vector<1x16xf32>,
        %mul3A_225 = arith.constant 16 : i32
        %mul3A_226 = arith.muli %scan3A_38, %mul3A_225 : i32
        %add3A_227 = arith.constant 3 : i32
        %add3A_228 = arith.addi %mul3A_226, %add3A_227 : i32
        %swap3A_229 = arith.index_cast %add3A_228 : i32 to index
        %swap3A_230 = arith.constant 48 : index
        %swap3A_231 = tpu.vector_load %arg5[%swap3A_229, %swap3A_230] {strides = array<i32>} : memref<448x64xf32, #tpu.memory_space<vmem>>, vector<1x16xf32>,
        %swap3A_232 = vector.shape_cast %swap3A_231 : vector<1x16xf32> to vector<16xf32>
        %swap3A_233 = vector.shape_cast %get3A_90 : vector<16xf32> to vector<1x16xf32>
        tpu.vector_store %arg5[%swap3A_229, %swap3A_230], %swap3A_233 {strides = array<i32>} : memref<448x64xf32, #tpu.memory_space<vmem>>, vector<1x16xf32>,
        %mul3A_234 = arith.constant 16 : i32
        %mul3A_235 = arith.muli %scan3A_38, %mul3A_234 : i32
        %add3A_236 = arith.constant 4 : i32
        %add3A_237 = arith.addi %mul3A_235, %add3A_236 : i32
        %swap3A_238 = arith.index_cast %add3A_237 : i32 to index
        %swap3A_239 = arith.constant 0 : index
        %swap3A_240 = tpu.vector_load %arg5[%swap3A_238, %swap3A_239] {strides = array<i32>} : memref<448x64xf32, #tpu.memory_space<vmem>>, vector<1x16xf32>,
        %swap3A_241 = vector.shape_cast %swap3A_240 : vector<1x16xf32> to vector<16xf32>
        %swap3A_242 = vector.shape_cast %get3A_78 : vector<16xf32> to vector<1x16xf32>
        tpu.vector_store %arg5[%swap3A_238, %swap3A_239], %swap3A_242 {strides = array<i32>} : memref<448x64xf32, #tpu.memory_space<vmem>>, vector<1x16xf32>,
        %mul3A_243 = arith.constant 16 : i32
        %mul3A_244 = arith.muli %scan3A_38, %mul3A_243 : i32
        %add3A_245 = arith.constant 4 : i32
        %add3A_246 = arith.addi %mul3A_244, %add3A_245 : i32
        %swap3A_247 = arith.index_cast %add3A_246 : i32 to index
        %swap3A_248 = arith.constant 16 : index
        %swap3A_249 = tpu.vector_load %arg5[%swap3A_247, %swap3A_248] {strides = array<i32>} : memref<448x64xf32, #tpu.memory_space<vmem>>, vector<1x16xf32>,
        %swap3A_250 = vector.shape_cast %swap3A_249 : vector<1x16xf32> to vector<16xf32>
        %swap3A_251 = vector.shape_cast %get3A_82 : vector<16xf32> to vector<1x16xf32>
        tpu.vector_store %arg5[%swap3A_247, %swap3A_248], %swap3A_251 {strides = array<i32>} : memref<448x64xf32, #tpu.memory_space<vmem>>, vector<1x16xf32>,
        %mul3A_252 = arith.constant 16 : i32
        %mul3A_253 = arith.muli %scan3A_38, %mul3A_252 : i32
        %add3A_254 = arith.constant 4 : i32
        %add3A_255 = arith.addi %mul3A_253, %add3A_254 : i32
        %swap3A_256 = arith.index_cast %add3A_255 : i32 to index
        %swap3A_257 = arith.constant 32 : index
        %swap3A_258 = tpu.vector_load %arg5[%swap3A_256, %swap3A_257] {strides = array<i32>} : memref<448x64xf32, #tpu.memory_space<vmem>>, vector<1x16xf32>,
        %swap3A_259 = vector.shape_cast %swap3A_258 : vector<1x16xf32> to vector<16xf32>
        %swap3A_260 = vector.shape_cast %get3A_86 : vector<16xf32> to vector<1x16xf32>
        tpu.vector_store %arg5[%swap3A_256, %swap3A_257], %swap3A_260 {strides = array<i32>} : memref<448x64xf32, #tpu.memory_space<vmem>>, vector<1x16xf32>,
        %mul3A_261 = arith.constant 16 : i32
        %mul3A_262 = arith.muli %scan3A_38, %mul3A_261 : i32
        %add3A_263 = arith.constant 4 : i32
        %add3A_264 = arith.addi %mul3A_262, %add3A_263 : i32
        %swap3A_265 = arith.index_cast %add3A_264 : i32 to index
        %swap3A_266 = arith.constant 48 : index
        %swap3A_267 = tpu.vector_load %arg5[%swap3A_265, %swap3A_266] {strides = array<i32>} : memref<448x64xf32, #tpu.memory_space<vmem>>, vector<1x16xf32>,
        %swap3A_268 = vector.shape_cast %swap3A_267 : vector<1x16xf32> to vector<16xf32>
        %swap3A_269 = vector.shape_cast %get3A_90 : vector<16xf32> to vector<1x16xf32>
        tpu.vector_store %arg5[%swap3A_265, %swap3A_266], %swap3A_269 {strides = array<i32>} : memref<448x64xf32, #tpu.memory_space<vmem>>, vector<1x16xf32>,
        %mul3A_270 = arith.constant 16 : i32
        %mul3A_271 = arith.muli %scan3A_38, %mul3A_270 : i32
        %add3A_272 = arith.constant 5 : i32
        %add3A_273 = arith.addi %mul3A_271, %add3A_272 : i32
        %swap3A_274 = arith.index_cast %add3A_273 : i32 to index
        %swap3A_275 = arith.constant 0 : index
        %swap3A_276 = tpu.vector_load %arg5[%swap3A_274, %swap3A_275] {strides = array<i32>} : memref<448x64xf32, #tpu.memory_space<vmem>>, vector<1x16xf32>,
        %swap3A_277 = vector.shape_cast %swap3A_276 : vector<1x16xf32> to vector<16xf32>
        %swap3A_278 = vector.shape_cast %get3A_78 : vector<16xf32> to vector<1x16xf32>
        tpu.vector_store %arg5[%swap3A_274, %swap3A_275], %swap3A_278 {strides = array<i32>} : memref<448x64xf32, #tpu.memory_space<vmem>>, vector<1x16xf32>,
        %mul3A_279 = arith.constant 16 : i32
        %mul3A_280 = arith.muli %scan3A_38, %mul3A_279 : i32
        %add3A_281 = arith.constant 5 : i32
        %add3A_282 = arith.addi %mul3A_280, %add3A_281 : i32
        %swap3A_283 = arith.index_cast %add3A_282 : i32 to index
        %swap3A_284 = arith.constant 16 : index
        %swap3A_285 = tpu.vector_load %arg5[%swap3A_283, %swap3A_284] {strides = array<i32>} : memref<448x64xf32, #tpu.memory_space<vmem>>, vector<1x16xf32>,
        %swap3A_286 = vector.shape_cast %swap3A_285 : vector<1x16xf32> to vector<16xf32>
        %swap3A_287 = vector.shape_cast %get3A_82 : vector<16xf32> to vector<1x16xf32>
        tpu.vector_store %arg5[%swap3A_283, %swap3A_284], %swap3A_287 {strides = array<i32>} : memref<448x64xf32, #tpu.memory_space<vmem>>, vector<1x16xf32>,
        %mul3A_288 = arith.constant 16 : i32
        %mul3A_289 = arith.muli %scan3A_38, %mul3A_288 : i32
        %add3A_290 = arith.constant 5 : i32
        %add3A_291 = arith.addi %mul3A_289, %add3A_290 : i32
        %swap3A_292 = arith.index_cast %add3A_291 : i32 to index
        %swap3A_293 = arith.constant 32 : index
        %swap3A_294 = tpu.vector_load %arg5[%swap3A_292, %swap3A_293] {strides = array<i32>} : memref<448x64xf32, #tpu.memory_space<vmem>>, vector<1x16xf32>,
        %swap3A_295 = vector.shape_cast %swap3A_294 : vector<1x16xf32> to vector<16xf32>
        %swap3A_296 = vector.shape_cast %get3A_86 : vector<16xf32> to vector<1x16xf32>
        tpu.vector_store %arg5[%swap3A_292, %swap3A_293], %swap3A_296 {strides = array<i32>} : memref<448x64xf32, #tpu.memory_space<vmem>>, vector<1x16xf32>,
        %mul3A_297 = arith.constant 16 : i32
        %mul3A_298 = arith.muli %scan3A_38, %mul3A_297 : i32
        %add3A_299 = arith.constant 5 : i32
        %add3A_300 = arith.addi %mul3A_298, %add3A_299 : i32
        %swap3A_301 = arith.index_cast %add3A_300 : i32 to index
        %swap3A_302 = arith.constant 48 : index
        %swap3A_303 = tpu.vector_load %arg5[%swap3A_301, %swap3A_302] {strides = array<i32>} : memref<448x64xf32, #tpu.memory_space<vmem>>, vector<1x16xf32>,
        %swap3A_304 = vector.shape_cast %swap3A_303 : vector<1x16xf32> to vector<16xf32>
        %swap3A_305 = vector.shape_cast %get3A_90 : vector<16xf32> to vector<1x16xf32>
        tpu.vector_store %arg5[%swap3A_301, %swap3A_302], %swap3A_305 {strides = array<i32>} : memref<448x64xf32, #tpu.memory_space<vmem>>, vector<1x16xf32>,
        %mul3A_306 = arith.constant 16 : i32
        %mul3A_307 = arith.muli %scan3A_38, %mul3A_306 : i32
        %add3A_308 = arith.constant 6 : i32
        %add3A_309 = arith.addi %mul3A_307, %add3A_308 : i32
        %swap3A_310 = arith.index_cast %add3A_309 : i32 to index
        %swap3A_311 = arith.constant 0 : index
        %swap3A_312 = tpu.vector_load %arg5[%swap3A_310, %swap3A_311] {strides = array<i32>} : memref<448x64xf32, #tpu.memory_space<vmem>>, vector<1x16xf32>,
        %swap3A_313 = vector.shape_cast %swap3A_312 : vector<1x16xf32> to vector<16xf32>
        %swap3A_314 = vector.shape_cast %get3A_78 : vector<16xf32> to vector<1x16xf32>
        tpu.vector_store %arg5[%swap3A_310, %swap3A_311], %swap3A_314 {strides = array<i32>} : memref<448x64xf32, #tpu.memory_space<vmem>>, vector<1x16xf32>,
        %mul3A_315 = arith.constant 16 : i32
        %mul3A_316 = arith.muli %scan3A_38, %mul3A_315 : i32
        %add3A_317 = arith.constant 6 : i32
        %add3A_318 = arith.addi %mul3A_316, %add3A_317 : i32
        %swap3A_319 = arith.index_cast %add3A_318 : i32 to index
        %swap3A_320 = arith.constant 16 : index
        %swap3A_321 = tpu.vector_load %arg5[%swap3A_319, %swap3A_320] {strides = array<i32>} : memref<448x64xf32, #tpu.memory_space<vmem>>, vector<1x16xf32>,
        %swap3A_322 = vector.shape_cast %swap3A_321 : vector<1x16xf32> to vector<16xf32>
        %swap3A_323 = vector.shape_cast %get3A_82 : vector<16xf32> to vector<1x16xf32>
        tpu.vector_store %arg5[%swap3A_319, %swap3A_320], %swap3A_323 {strides = array<i32>} : memref<448x64xf32, #tpu.memory_space<vmem>>, vector<1x16xf32>,
        %mul3A_324 = arith.constant 16 : i32
        %mul3A_325 = arith.muli %scan3A_38, %mul3A_324 : i32
        %add3A_326 = arith.constant 6 : i32
        %add3A_327 = arith.addi %mul3A_325, %add3A_326 : i32
        %swap3A_328 = arith.index_cast %add3A_327 : i32 to index
        %swap3A_329 = arith.constant 32 : index
        %swap3A_330 = tpu.vector_load %arg5[%swap3A_328, %swap3A_329] {strides = array<i32>} : memref<448x64xf32, #tpu.memory_space<vmem>>, vector<1x16xf32>,
        %swap3A_331 = vector.shape_cast %swap3A_330 : vector<1x16xf32> to vector<16xf32>
        %swap3A_332 = vector.shape_cast %get3A_86 : vector<16xf32> to vector<1x16xf32>
        tpu.vector_store %arg5[%swap3A_328, %swap3A_329], %swap3A_332 {strides = array<i32>} : memref<448x64xf32, #tpu.memory_space<vmem>>, vector<1x16xf32>,
        %mul3A_333 = arith.constant 16 : i32
        %mul3A_334 = arith.muli %scan3A_38, %mul3A_333 : i32
        %add3A_335 = arith.constant 6 : i32
        %add3A_336 = arith.addi %mul3A_334, %add3A_335 : i32
        %swap3A_337 = arith.index_cast %add3A_336 : i32 to index
        %swap3A_338 = arith.constant 48 : index
        %swap3A_339 = tpu.vector_load %arg5[%swap3A_337, %swap3A_338] {strides = array<i32>} : memref<448x64xf32, #tpu.memory_space<vmem>>, vector<1x16xf32>,
        %swap3A_340 = vector.shape_cast %swap3A_339 : vector<1x16xf32> to vector<16xf32>
        %swap3A_341 = vector.shape_cast %get3A_90 : vector<16xf32> to vector<1x16xf32>
        tpu.vector_store %arg5[%swap3A_337, %swap3A_338], %swap3A_341 {strides = array<i32>} : memref<448x64xf32, #tpu.memory_space<vmem>>, vector<1x16xf32>,
        %mul3A_342 = arith.constant 16 : i32
        %mul3A_343 = arith.muli %scan3A_38, %mul3A_342 : i32
        %add3A_344 = arith.constant 7 : i32
        %add3A_345 = arith.addi %mul3A_343, %add3A_344 : i32
        %swap3A_346 = arith.index_cast %add3A_345 : i32 to index
        %swap3A_347 = arith.constant 0 : index
        %swap3A_348 = tpu.vector_load %arg5[%swap3A_346, %swap3A_347] {strides = array<i32>} : memref<448x64xf32, #tpu.memory_space<vmem>>, vector<1x16xf32>,
        %swap3A_349 = vector.shape_cast %swap3A_348 : vector<1x16xf32> to vector<16xf32>
        %swap3A_350 = vector.shape_cast %get3A_78 : vector<16xf32> to vector<1x16xf32>
        tpu.vector_store %arg5[%swap3A_346, %swap3A_347], %swap3A_350 {strides = array<i32>} : memref<448x64xf32, #tpu.memory_space<vmem>>, vector<1x16xf32>,
        %mul3A_351 = arith.constant 16 : i32
        %mul3A_352 = arith.muli %scan3A_38, %mul3A_351 : i32
        %add3A_353 = arith.constant 7 : i32
        %add3A_354 = arith.addi %mul3A_352, %add3A_353 : i32
        %swap3A_355 = arith.index_cast %add3A_354 : i32 to index
        %swap3A_356 = arith.constant 16 : index
        %swap3A_357 = tpu.vector_load %arg5[%swap3A_355, %swap3A_356] {strides = array<i32>} : memref<448x64xf32, #tpu.memory_space<vmem>>, vector<1x16xf32>,
        %swap3A_358 = vector.shape_cast %swap3A_357 : vector<1x16xf32> to vector<16xf32>
        %swap3A_359 = vector.shape_cast %get3A_82 : vector<16xf32> to vector<1x16xf32>
        tpu.vector_store %arg5[%swap3A_355, %swap3A_356], %swap3A_359 {strides = array<i32>} : memref<448x64xf32, #tpu.memory_space<vmem>>, vector<1x16xf32>,
        %mul3A_360 = arith.constant 16 : i32
        %mul3A_361 = arith.muli %scan3A_38, %mul3A_360 : i32
        %add3A_362 = arith.constant 7 : i32
        %add3A_363 = arith.addi %mul3A_361, %add3A_362 : i32
        %swap3A_364 = arith.index_cast %add3A_363 : i32 to index
        %swap3A_365 = arith.constant 32 : index
        %swap3A_366 = tpu.vector_load %arg5[%swap3A_364, %swap3A_365] {strides = array<i32>} : memref<448x64xf32, #tpu.memory_space<vmem>>, vector<1x16xf32>,
        %swap3A_367 = vector.shape_cast %swap3A_366 : vector<1x16xf32> to vector<16xf32>
        %swap3A_368 = vector.shape_cast %get3A_86 : vector<16xf32> to vector<1x16xf32>
        tpu.vector_store %arg5[%swap3A_364, %swap3A_365], %swap3A_368 {strides = array<i32>} : memref<448x64xf32, #tpu.memory_space<vmem>>, vector<1x16xf32>,
        %mul3A_369 = arith.constant 16 : i32
        %mul3A_370 = arith.muli %scan3A_38, %mul3A_369 : i32
        %add3A_371 = arith.constant 7 : i32
        %add3A_372 = arith.addi %mul3A_370, %add3A_371 : i32
        %swap3A_373 = arith.index_cast %add3A_372 : i32 to index
        %swap3A_374 = arith.constant 48 : index
        %swap3A_375 = tpu.vector_load %arg5[%swap3A_373, %swap3A_374] {strides = array<i32>} : memref<448x64xf32, #tpu.memory_space<vmem>>, vector<1x16xf32>,
        %swap3A_376 = vector.shape_cast %swap3A_375 : vector<1x16xf32> to vector<16xf32>
        %swap3A_377 = vector.shape_cast %get3A_90 : vector<16xf32> to vector<1x16xf32>
        tpu.vector_store %arg5[%swap3A_373, %swap3A_374], %swap3A_377 {strides = array<i32>} : memref<448x64xf32, #tpu.memory_space<vmem>>, vector<1x16xf32>,
        %mul3A_378 = arith.constant 16 : i32
        %mul3A_379 = arith.muli %scan3A_38, %mul3A_378 : i32
        %add3A_380 = arith.constant 8 : i32
        %add3A_381 = arith.addi %mul3A_379, %add3A_380 : i32
        %swap3A_382 = arith.index_cast %add3A_381 : i32 to index
        %swap3A_383 = arith.constant 0 : index
        %swap3A_384 = tpu.vector_load %arg5[%swap3A_382, %swap3A_383] {strides = array<i32>} : memref<448x64xf32, #tpu.memory_space<vmem>>, vector<1x16xf32>,
        %swap3A_385 = vector.shape_cast %swap3A_384 : vector<1x16xf32> to vector<16xf32>
        %swap3A_386 = vector.shape_cast %get3A_78 : vector<16xf32> to vector<1x16xf32>
        tpu.vector_store %arg5[%swap3A_382, %swap3A_383], %swap3A_386 {strides = array<i32>} : memref<448x64xf32, #tpu.memory_space<vmem>>, vector<1x16xf32>,
        %mul3A_387 = arith.constant 16 : i32
        %mul3A_388 = arith.muli %scan3A_38, %mul3A_387 : i32
        %add3A_389 = arith.constant 8 : i32
        %add3A_390 = arith.addi %mul3A_388, %add3A_389 : i32
        %swap3A_391 = arith.index_cast %add3A_390 : i32 to index
        %swap3A_392 = arith.constant 16 : index
        %swap3A_393 = tpu.vector_load %arg5[%swap3A_391, %swap3A_392] {strides = array<i32>} : memref<448x64xf32, #tpu.memory_space<vmem>>, vector<1x16xf32>,
        %swap3A_394 = vector.shape_cast %swap3A_393 : vector<1x16xf32> to vector<16xf32>
        %swap3A_395 = vector.shape_cast %get3A_82 : vector<16xf32> to vector<1x16xf32>
        tpu.vector_store %arg5[%swap3A_391, %swap3A_392], %swap3A_395 {strides = array<i32>} : memref<448x64xf32, #tpu.memory_space<vmem>>, vector<1x16xf32>,
        %mul3A_396 = arith.constant 16 : i32
        %mul3A_397 = arith.muli %scan3A_38, %mul3A_396 : i32
        %add3A_398 = arith.constant 8 : i32
        %add3A_399 = arith.addi %mul3A_397, %add3A_398 : i32
        %swap3A_400 = arith.index_cast %add3A_399 : i32 to index
        %swap3A_401 = arith.constant 32 : index
        %swap3A_402 = tpu.vector_load %arg5[%swap3A_400, %swap3A_401] {strides = array<i32>} : memref<448x64xf32, #tpu.memory_space<vmem>>, vector<1x16xf32>,
        %swap3A_403 = vector.shape_cast %swap3A_402 : vector<1x16xf32> to vector<16xf32>
        %swap3A_404 = vector.shape_cast %get3A_86 : vector<16xf32> to vector<1x16xf32>
        tpu.vector_store %arg5[%swap3A_400, %swap3A_401], %swap3A_404 {strides = array<i32>} : memref<448x64xf32, #tpu.memory_space<vmem>>, vector<1x16xf32>,
        %mul3A_405 = arith.constant 16 : i32
        %mul3A_406 = arith.muli %scan3A_38, %mul3A_405 : i32
        %add3A_407 = arith.constant 8 : i32
        %add3A_408 = arith.addi %mul3A_406, %add3A_407 : i32
        %swap3A_409 = arith.index_cast %add3A_408 : i32 to index
        %swap3A_410 = arith.constant 48 : index
        %swap3A_411 = tpu.vector_load %arg5[%swap3A_409, %swap3A_410] {strides = array<i32>} : memref<448x64xf32, #tpu.memory_space<vmem>>, vector<1x16xf32>,
        %swap3A_412 = vector.shape_cast %swap3A_411 : vector<1x16xf32> to vector<16xf32>
        %swap3A_413 = vector.shape_cast %get3A_90 : vector<16xf32> to vector<1x16xf32>
        tpu.vector_store %arg5[%swap3A_409, %swap3A_410], %swap3A_413 {strides = array<i32>} : memref<448x64xf32, #tpu.memory_space<vmem>>, vector<1x16xf32>,
        %mul3A_414 = arith.constant 16 : i32
        %mul3A_415 = arith.muli %scan3A_38, %mul3A_414 : i32
        %add3A_416 = arith.constant 9 : i32
        %add3A_417 = arith.addi %mul3A_415, %add3A_416 : i32
        %swap3A_418 = arith.index_cast %add3A_417 : i32 to index
        %swap3A_419 = arith.constant 0 : index
        %swap3A_420 = tpu.vector_load %arg5[%swap3A_418, %swap3A_419] {strides = array<i32>} : memref<448x64xf32, #tpu.memory_space<vmem>>, vector<1x16xf32>,
        %swap3A_421 = vector.shape_cast %swap3A_420 : vector<1x16xf32> to vector<16xf32>
        %swap3A_422 = vector.shape_cast %get3A_78 : vector<16xf32> to vector<1x16xf32>
        tpu.vector_store %arg5[%swap3A_418, %swap3A_419], %swap3A_422 {strides = array<i32>} : memref<448x64xf32, #tpu.memory_space<vmem>>, vector<1x16xf32>,
        %mul3A_423 = arith.constant 16 : i32
        %mul3A_424 = arith.muli %scan3A_38, %mul3A_423 : i32
        %add3A_425 = arith.constant 9 : i32
        %add3A_426 = arith.addi %mul3A_424, %add3A_425 : i32
        %swap3A_427 = arith.index_cast %add3A_426 : i32 to index
        %swap3A_428 = arith.constant 16 : index
        %swap3A_429 = tpu.vector_load %arg5[%swap3A_427, %swap3A_428] {strides = array<i32>} : memref<448x64xf32, #tpu.memory_space<vmem>>, vector<1x16xf32>,
        %swap3A_430 = vector.shape_cast %swap3A_429 : vector<1x16xf32> to vector<16xf32>
        %swap3A_431 = vector.shape_cast %get3A_82 : vector<16xf32> to vector<1x16xf32>
        tpu.vector_store %arg5[%swap3A_427, %swap3A_428], %swap3A_431 {strides = array<i32>} : memref<448x64xf32, #tpu.memory_space<vmem>>, vector<1x16xf32>,
        %mul3A_432 = arith.constant 16 : i32
        %mul3A_433 = arith.muli %scan3A_38, %mul3A_432 : i32
        %add3A_434 = arith.constant 9 : i32
        %add3A_435 = arith.addi %mul3A_433, %add3A_434 : i32
        %swap3A_436 = arith.index_cast %add3A_435 : i32 to index
        %swap3A_437 = arith.constant 32 : index
        %swap3A_438 = tpu.vector_load %arg5[%swap3A_436, %swap3A_437] {strides = array<i32>} : memref<448x64xf32, #tpu.memory_space<vmem>>, vector<1x16xf32>,
        %swap3A_439 = vector.shape_cast %swap3A_438 : vector<1x16xf32> to vector<16xf32>
        %swap3A_440 = vector.shape_cast %get3A_86 : vector<16xf32> to vector<1x16xf32>
        tpu.vector_store %arg5[%swap3A_436, %swap3A_437], %swap3A_440 {strides = array<i32>} : memref<448x64xf32, #tpu.memory_space<vmem>>, vector<1x16xf32>,
        %mul3A_441 = arith.constant 16 : i32
        %mul3A_442 = arith.muli %scan3A_38, %mul3A_441 : i32
        %add3A_443 = arith.constant 9 : i32
        %add3A_444 = arith.addi %mul3A_442, %add3A_443 : i32
        %swap3A_445 = arith.index_cast %add3A_444 : i32 to index
        %swap3A_446 = arith.constant 48 : index
        %swap3A_447 = tpu.vector_load %arg5[%swap3A_445, %swap3A_446] {strides = array<i32>} : memref<448x64xf32, #tpu.memory_space<vmem>>, vector<1x16xf32>,
        %swap3A_448 = vector.shape_cast %swap3A_447 : vector<1x16xf32> to vector<16xf32>
        %swap3A_449 = vector.shape_cast %get3A_90 : vector<16xf32> to vector<1x16xf32>
        tpu.vector_store %arg5[%swap3A_445, %swap3A_446], %swap3A_449 {strides = array<i32>} : memref<448x64xf32, #tpu.memory_space<vmem>>, vector<1x16xf32>,
        %mul3A_450 = arith.constant 16 : i32
        %mul3A_451 = arith.muli %scan3A_38, %mul3A_450 : i32
        %add3A_452 = arith.constant 10 : i32
        %add3A_453 = arith.addi %mul3A_451, %add3A_452 : i32
        %swap3A_454 = arith.index_cast %add3A_453 : i32 to index
        %swap3A_455 = arith.constant 0 : index
        %swap3A_456 = tpu.vector_load %arg5[%swap3A_454, %swap3A_455] {strides = array<i32>} : memref<448x64xf32, #tpu.memory_space<vmem>>, vector<1x16xf32>,
        %swap3A_457 = vector.shape_cast %swap3A_456 : vector<1x16xf32> to vector<16xf32>
        %swap3A_458 = vector.shape_cast %get3A_78 : vector<16xf32> to vector<1x16xf32>
        tpu.vector_store %arg5[%swap3A_454, %swap3A_455], %swap3A_458 {strides = array<i32>} : memref<448x64xf32, #tpu.memory_space<vmem>>, vector<1x16xf32>,
        %mul3A_459 = arith.constant 16 : i32
        %mul3A_460 = arith.muli %scan3A_38, %mul3A_459 : i32
        %add3A_461 = arith.constant 10 : i32
        %add3A_462 = arith.addi %mul3A_460, %add3A_461 : i32
        %swap3A_463 = arith.index_cast %add3A_462 : i32 to index
        %swap3A_464 = arith.constant 16 : index
        %swap3A_465 = tpu.vector_load %arg5[%swap3A_463, %swap3A_464] {strides = array<i32>} : memref<448x64xf32, #tpu.memory_space<vmem>>, vector<1x16xf32>,
        %swap3A_466 = vector.shape_cast %swap3A_465 : vector<1x16xf32> to vector<16xf32>
        %swap3A_467 = vector.shape_cast %get3A_82 : vector<16xf32> to vector<1x16xf32>
        tpu.vector_store %arg5[%swap3A_463, %swap3A_464], %swap3A_467 {strides = array<i32>} : memref<448x64xf32, #tpu.memory_space<vmem>>, vector<1x16xf32>,
        %mul3A_468 = arith.constant 16 : i32
        %mul3A_469 = arith.muli %scan3A_38, %mul3A_468 : i32
        %add3A_470 = arith.constant 10 : i32
        %add3A_471 = arith.addi %mul3A_469, %add3A_470 : i32
        %swap3A_472 = arith.index_cast %add3A_471 : i32 to index
        %swap3A_473 = arith.constant 32 : index
        %swap3A_474 = tpu.vector_load %arg5[%swap3A_472, %swap3A_473] {strides = array<i32>} : memref<448x64xf32, #tpu.memory_space<vmem>>, vector<1x16xf32>,
        %swap3A_475 = vector.shape_cast %swap3A_474 : vector<1x16xf32> to vector<16xf32>
        %swap3A_476 = vector.shape_cast %get3A_86 : vector<16xf32> to vector<1x16xf32>
        tpu.vector_store %arg5[%swap3A_472, %swap3A_473], %swap3A_476 {strides = array<i32>} : memref<448x64xf32, #tpu.memory_space<vmem>>, vector<1x16xf32>,
        %mul3A_477 = arith.constant 16 : i32
        %mul3A_478 = arith.muli %scan3A_38, %mul3A_477 : i32
        %add3A_479 = arith.constant 10 : i32
        %add3A_480 = arith.addi %mul3A_478, %add3A_479 : i32
        %swap3A_481 = arith.index_cast %add3A_480 : i32 to index
        %swap3A_482 = arith.constant 48 : index
        %swap3A_483 = tpu.vector_load %arg5[%swap3A_481, %swap3A_482] {strides = array<i32>} : memref<448x64xf32, #tpu.memory_space<vmem>>, vector<1x16xf32>,
        %swap3A_484 = vector.shape_cast %swap3A_483 : vector<1x16xf32> to vector<16xf32>
        %swap3A_485 = vector.shape_cast %get3A_90 : vector<16xf32> to vector<1x16xf32>
        tpu.vector_store %arg5[%swap3A_481, %swap3A_482], %swap3A_485 {strides = array<i32>} : memref<448x64xf32, #tpu.memory_space<vmem>>, vector<1x16xf32>,
        %mul3A_486 = arith.constant 16 : i32
        %mul3A_487 = arith.muli %scan3A_38, %mul3A_486 : i32
        %add3A_488 = arith.constant 11 : i32
        %add3A_489 = arith.addi %mul3A_487, %add3A_488 : i32
        %swap3A_490 = arith.index_cast %add3A_489 : i32 to index
        %swap3A_491 = arith.constant 0 : index
        %swap3A_492 = tpu.vector_load %arg5[%swap3A_490, %swap3A_491] {strides = array<i32>} : memref<448x64xf32, #tpu.memory_space<vmem>>, vector<1x16xf32>,
        %swap3A_493 = vector.shape_cast %swap3A_492 : vector<1x16xf32> to vector<16xf32>
        %swap3A_494 = vector.shape_cast %get3A_78 : vector<16xf32> to vector<1x16xf32>
        tpu.vector_store %arg5[%swap3A_490, %swap3A_491], %swap3A_494 {strides = array<i32>} : memref<448x64xf32, #tpu.memory_space<vmem>>, vector<1x16xf32>,
        %mul3A_495 = arith.constant 16 : i32
        %mul3A_496 = arith.muli %scan3A_38, %mul3A_495 : i32
        %add3A_497 = arith.constant 11 : i32
        %add3A_498 = arith.addi %mul3A_496, %add3A_497 : i32
        %swap3A_499 = arith.index_cast %add3A_498 : i32 to index
        %swap3A_500 = arith.constant 16 : index
        %swap3A_501 = tpu.vector_load %arg5[%swap3A_499, %swap3A_500] {strides = array<i32>} : memref<448x64xf32, #tpu.memory_space<vmem>>, vector<1x16xf32>,
        %swap3A_502 = vector.shape_cast %swap3A_501 : vector<1x16xf32> to vector<16xf32>
        %swap3A_503 = vector.shape_cast %get3A_82 : vector<16xf32> to vector<1x16xf32>
        tpu.vector_store %arg5[%swap3A_499, %swap3A_500], %swap3A_503 {strides = array<i32>} : memref<448x64xf32, #tpu.memory_space<vmem>>, vector<1x16xf32>,
        %mul3A_504 = arith.constant 16 : i32
        %mul3A_505 = arith.muli %scan3A_38, %mul3A_504 : i32
        %add3A_506 = arith.constant 11 : i32
        %add3A_507 = arith.addi %mul3A_505, %add3A_506 : i32
        %swap3A_508 = arith.index_cast %add3A_507 : i32 to index
        %swap3A_509 = arith.constant 32 : index
        %swap3A_510 = tpu.vector_load %arg5[%swap3A_508, %swap3A_509] {strides = array<i32>} : memref<448x64xf32, #tpu.memory_space<vmem>>, vector<1x16xf32>,
        %swap3A_511 = vector.shape_cast %swap3A_510 : vector<1x16xf32> to vector<16xf32>
        %swap3A_512 = vector.shape_cast %get3A_86 : vector<16xf32> to vector<1x16xf32>
        tpu.vector_store %arg5[%swap3A_508, %swap3A_509], %swap3A_512 {strides = array<i32>} : memref<448x64xf32, #tpu.memory_space<vmem>>, vector<1x16xf32>,
        %mul3A_513 = arith.constant 16 : i32
        %mul3A_514 = arith.muli %scan3A_38, %mul3A_513 : i32
        %add3A_515 = arith.constant 11 : i32
        %add3A_516 = arith.addi %mul3A_514, %add3A_515 : i32
        %swap3A_517 = arith.index_cast %add3A_516 : i32 to index
        %swap3A_518 = arith.constant 48 : index
        %swap3A_519 = tpu.vector_load %arg5[%swap3A_517, %swap3A_518] {strides = array<i32>} : memref<448x64xf32, #tpu.memory_space<vmem>>, vector<1x16xf32>,
        %swap3A_520 = vector.shape_cast %swap3A_519 : vector<1x16xf32> to vector<16xf32>
        %swap3A_521 = vector.shape_cast %get3A_90 : vector<16xf32> to vector<1x16xf32>
        tpu.vector_store %arg5[%swap3A_517, %swap3A_518], %swap3A_521 {strides = array<i32>} : memref<448x64xf32, #tpu.memory_space<vmem>>, vector<1x16xf32>,
        %mul3A_522 = arith.constant 16 : i32
        %mul3A_523 = arith.muli %scan3A_38, %mul3A_522 : i32
        %add3A_524 = arith.constant 12 : i32
        %add3A_525 = arith.addi %mul3A_523, %add3A_524 : i32
        %swap3A_526 = arith.index_cast %add3A_525 : i32 to index
        %swap3A_527 = arith.constant 0 : index
        %swap3A_528 = tpu.vector_load %arg5[%swap3A_526, %swap3A_527] {strides = array<i32>} : memref<448x64xf32, #tpu.memory_space<vmem>>, vector<1x16xf32>,
        %swap3A_529 = vector.shape_cast %swap3A_528 : vector<1x16xf32> to vector<16xf32>
        %swap3A_530 = vector.shape_cast %get3A_78 : vector<16xf32> to vector<1x16xf32>
        tpu.vector_store %arg5[%swap3A_526, %swap3A_527], %swap3A_530 {strides = array<i32>} : memref<448x64xf32, #tpu.memory_space<vmem>>, vector<1x16xf32>,
        %mul3A_531 = arith.constant 16 : i32
        %mul3A_532 = arith.muli %scan3A_38, %mul3A_531 : i32
        %add3A_533 = arith.constant 12 : i32
        %add3A_534 = arith.addi %mul3A_532, %add3A_533 : i32
        %swap3A_535 = arith.index_cast %add3A_534 : i32 to index
        %swap3A_536 = arith.constant 16 : index
        %swap3A_537 = tpu.vector_load %arg5[%swap3A_535, %swap3A_536] {strides = array<i32>} : memref<448x64xf32, #tpu.memory_space<vmem>>, vector<1x16xf32>,
        %swap3A_538 = vector.shape_cast %swap3A_537 : vector<1x16xf32> to vector<16xf32>
        %swap3A_539 = vector.shape_cast %get3A_82 : vector<16xf32> to vector<1x16xf32>
        tpu.vector_store %arg5[%swap3A_535, %swap3A_536], %swap3A_539 {strides = array<i32>} : memref<448x64xf32, #tpu.memory_space<vmem>>, vector<1x16xf32>,
        %mul3A_540 = arith.constant 16 : i32
        %mul3A_541 = arith.muli %scan3A_38, %mul3A_540 : i32
        %add3A_542 = arith.constant 12 : i32
        %add3A_543 = arith.addi %mul3A_541, %add3A_542 : i32
        %swap3A_544 = arith.index_cast %add3A_543 : i32 to index
        %swap3A_545 = arith.constant 32 : index
        %swap3A_546 = tpu.vector_load %arg5[%swap3A_544, %swap3A_545] {strides = array<i32>} : memref<448x64xf32, #tpu.memory_space<vmem>>, vector<1x16xf32>,
        %swap3A_547 = vector.shape_cast %swap3A_546 : vector<1x16xf32> to vector<16xf32>
        %swap3A_548 = vector.shape_cast %get3A_86 : vector<16xf32> to vector<1x16xf32>
        tpu.vector_store %arg5[%swap3A_544, %swap3A_545], %swap3A_548 {strides = array<i32>} : memref<448x64xf32, #tpu.memory_space<vmem>>, vector<1x16xf32>,
        %mul3A_549 = arith.constant 16 : i32
        %mul3A_550 = arith.muli %scan3A_38, %mul3A_549 : i32
        %add3A_551 = arith.constant 12 : i32
        %add3A_552 = arith.addi %mul3A_550, %add3A_551 : i32
        %swap3A_553 = arith.index_cast %add3A_552 : i32 to index
        %swap3A_554 = arith.constant 48 : index
        %swap3A_555 = tpu.vector_load %arg5[%swap3A_553, %swap3A_554] {strides = array<i32>} : memref<448x64xf32, #tpu.memory_space<vmem>>, vector<1x16xf32>,
        %swap3A_556 = vector.shape_cast %swap3A_555 : vector<1x16xf32> to vector<16xf32>
        %swap3A_557 = vector.shape_cast %get3A_90 : vector<16xf32> to vector<1x16xf32>
        tpu.vector_store %arg5[%swap3A_553, %swap3A_554], %swap3A_557 {strides = array<i32>} : memref<448x64xf32, #tpu.memory_space<vmem>>, vector<1x16xf32>,
        %mul3A_558 = arith.constant 16 : i32
        %mul3A_559 = arith.muli %scan3A_38, %mul3A_558 : i32
        %add3A_560 = arith.constant 13 : i32
        %add3A_561 = arith.addi %mul3A_559, %add3A_560 : i32
        %swap3A_562 = arith.index_cast %add3A_561 : i32 to index
        %swap3A_563 = arith.constant 0 : index
        %swap3A_564 = tpu.vector_load %arg5[%swap3A_562, %swap3A_563] {strides = array<i32>} : memref<448x64xf32, #tpu.memory_space<vmem>>, vector<1x16xf32>,
        %swap3A_565 = vector.shape_cast %swap3A_564 : vector<1x16xf32> to vector<16xf32>
        %swap3A_566 = vector.shape_cast %get3A_78 : vector<16xf32> to vector<1x16xf32>
        tpu.vector_store %arg5[%swap3A_562, %swap3A_563], %swap3A_566 {strides = array<i32>} : memref<448x64xf32, #tpu.memory_space<vmem>>, vector<1x16xf32>,
        %mul3A_567 = arith.constant 16 : i32
        %mul3A_568 = arith.muli %scan3A_38, %mul3A_567 : i32
        %add3A_569 = arith.constant 13 : i32
        %add3A_570 = arith.addi %mul3A_568, %add3A_569 : i32
        %swap3A_571 = arith.index_cast %add3A_570 : i32 to index
        %swap3A_572 = arith.constant 16 : index
        %swap3A_573 = tpu.vector_load %arg5[%swap3A_571, %swap3A_572] {strides = array<i32>} : memref<448x64xf32, #tpu.memory_space<vmem>>, vector<1x16xf32>,
        %swap3A_574 = vector.shape_cast %swap3A_573 : vector<1x16xf32> to vector<16xf32>
        %swap3A_575 = vector.shape_cast %get3A_82 : vector<16xf32> to vector<1x16xf32>
        tpu.vector_store %arg5[%swap3A_571, %swap3A_572], %swap3A_575 {strides = array<i32>} : memref<448x64xf32, #tpu.memory_space<vmem>>, vector<1x16xf32>,
        %mul3A_576 = arith.constant 16 : i32
        %mul3A_577 = arith.muli %scan3A_38, %mul3A_576 : i32
        %add3A_578 = arith.constant 13 : i32
        %add3A_579 = arith.addi %mul3A_577, %add3A_578 : i32
        %swap3A_580 = arith.index_cast %add3A_579 : i32 to index
        %swap3A_581 = arith.constant 32 : index
        %swap3A_582 = tpu.vector_load %arg5[%swap3A_580, %swap3A_581] {strides = array<i32>} : memref<448x64xf32, #tpu.memory_space<vmem>>, vector<1x16xf32>,
        %swap3A_583 = vector.shape_cast %swap3A_582 : vector<1x16xf32> to vector<16xf32>
        %swap3A_584 = vector.shape_cast %get3A_86 : vector<16xf32> to vector<1x16xf32>
        tpu.vector_store %arg5[%swap3A_580, %swap3A_581], %swap3A_584 {strides = array<i32>} : memref<448x64xf32, #tpu.memory_space<vmem>>, vector<1x16xf32>,
        %mul3A_585 = arith.constant 16 : i32
        %mul3A_586 = arith.muli %scan3A_38, %mul3A_585 : i32
        %add3A_587 = arith.constant 13 : i32
        %add3A_588 = arith.addi %mul3A_586, %add3A_587 : i32
        %swap3A_589 = arith.index_cast %add3A_588 : i32 to index
        %swap3A_590 = arith.constant 48 : index
        %swap3A_591 = tpu.vector_load %arg5[%swap3A_589, %swap3A_590] {strides = array<i32>} : memref<448x64xf32, #tpu.memory_space<vmem>>, vector<1x16xf32>,
        %swap3A_592 = vector.shape_cast %swap3A_591 : vector<1x16xf32> to vector<16xf32>
        %swap3A_593 = vector.shape_cast %get3A_90 : vector<16xf32> to vector<1x16xf32>
        tpu.vector_store %arg5[%swap3A_589, %swap3A_590], %swap3A_593 {strides = array<i32>} : memref<448x64xf32, #tpu.memory_space<vmem>>, vector<1x16xf32>,
        %mul3A_594 = arith.constant 16 : i32
        %mul3A_595 = arith.muli %scan3A_38, %mul3A_594 : i32
        %add3A_596 = arith.constant 14 : i32
        %add3A_597 = arith.addi %mul3A_595, %add3A_596 : i32
        %swap3A_598 = arith.index_cast %add3A_597 : i32 to index
        %swap3A_599 = arith.constant 0 : index
        %swap3A_600 = tpu.vector_load %arg5[%swap3A_598, %swap3A_599] {strides = array<i32>} : memref<448x64xf32, #tpu.memory_space<vmem>>, vector<1x16xf32>,
        %swap3A_601 = vector.shape_cast %swap3A_600 : vector<1x16xf32> to vector<16xf32>
        %swap3A_602 = vector.shape_cast %get3A_78 : vector<16xf32> to vector<1x16xf32>
        tpu.vector_store %arg5[%swap3A_598, %swap3A_599], %swap3A_602 {strides = array<i32>} : memref<448x64xf32, #tpu.memory_space<vmem>>, vector<1x16xf32>,
        %mul3A_603 = arith.constant 16 : i32
        %mul3A_604 = arith.muli %scan3A_38, %mul3A_603 : i32
        %add3A_605 = arith.constant 14 : i32
        %add3A_606 = arith.addi %mul3A_604, %add3A_605 : i32
        %swap3A_607 = arith.index_cast %add3A_606 : i32 to index
        %swap3A_608 = arith.constant 16 : index
        %swap3A_609 = tpu.vector_load %arg5[%swap3A_607, %swap3A_608] {strides = array<i32>} : memref<448x64xf32, #tpu.memory_space<vmem>>, vector<1x16xf32>,
        %swap3A_610 = vector.shape_cast %swap3A_609 : vector<1x16xf32> to vector<16xf32>
        %swap3A_611 = vector.shape_cast %get3A_82 : vector<16xf32> to vector<1x16xf32>
        tpu.vector_store %arg5[%swap3A_607, %swap3A_608], %swap3A_611 {strides = array<i32>} : memref<448x64xf32, #tpu.memory_space<vmem>>, vector<1x16xf32>,
        %mul3A_612 = arith.constant 16 : i32
        %mul3A_613 = arith.muli %scan3A_38, %mul3A_612 : i32
        %add3A_614 = arith.constant 14 : i32
        %add3A_615 = arith.addi %mul3A_613, %add3A_614 : i32
        %swap3A_616 = arith.index_cast %add3A_615 : i32 to index
        %swap3A_617 = arith.constant 32 : index
        %swap3A_618 = tpu.vector_load %arg5[%swap3A_616, %swap3A_617] {strides = array<i32>} : memref<448x64xf32, #tpu.memory_space<vmem>>, vector<1x16xf32>,
        %swap3A_619 = vector.shape_cast %swap3A_618 : vector<1x16xf32> to vector<16xf32>
        %swap3A_620 = vector.shape_cast %get3A_86 : vector<16xf32> to vector<1x16xf32>
        tpu.vector_store %arg5[%swap3A_616, %swap3A_617], %swap3A_620 {strides = array<i32>} : memref<448x64xf32, #tpu.memory_space<vmem>>, vector<1x16xf32>,
        %mul3A_621 = arith.constant 16 : i32
        %mul3A_622 = arith.muli %scan3A_38, %mul3A_621 : i32
        %add3A_623 = arith.constant 14 : i32
        %add3A_624 = arith.addi %mul3A_622, %add3A_623 : i32
        %swap3A_625 = arith.index_cast %add3A_624 : i32 to index
        %swap3A_626 = arith.constant 48 : index
        %swap3A_627 = tpu.vector_load %arg5[%swap3A_625, %swap3A_626] {strides = array<i32>} : memref<448x64xf32, #tpu.memory_space<vmem>>, vector<1x16xf32>,
        %swap3A_628 = vector.shape_cast %swap3A_627 : vector<1x16xf32> to vector<16xf32>
        %swap3A_629 = vector.shape_cast %get3A_90 : vector<16xf32> to vector<1x16xf32>
        tpu.vector_store %arg5[%swap3A_625, %swap3A_626], %swap3A_629 {strides = array<i32>} : memref<448x64xf32, #tpu.memory_space<vmem>>, vector<1x16xf32>,
        %mul3A_630 = arith.constant 16 : i32
        %mul3A_631 = arith.muli %scan3A_38, %mul3A_630 : i32
        %add3A_632 = arith.constant 15 : i32
        %add3A_633 = arith.addi %mul3A_631, %add3A_632 : i32
        %swap3A_634 = arith.index_cast %add3A_633 : i32 to index
        %swap3A_635 = arith.constant 0 : index
        %swap3A_636 = tpu.vector_load %arg5[%swap3A_634, %swap3A_635] {strides = array<i32>} : memref<448x64xf32, #tpu.memory_space<vmem>>, vector<1x16xf32>,
        %swap3A_637 = vector.shape_cast %swap3A_636 : vector<1x16xf32> to vector<16xf32>
        %swap3A_638 = vector.shape_cast %get3A_78 : vector<16xf32> to vector<1x16xf32>
        tpu.vector_store %arg5[%swap3A_634, %swap3A_635], %swap3A_638 {strides = array<i32>} : memref<448x64xf32, #tpu.memory_space<vmem>>, vector<1x16xf32>,
        %mul3A_639 = arith.constant 16 : i32
        %mul3A_640 = arith.muli %scan3A_38, %mul3A_639 : i32
        %add3A_641 = arith.constant 15 : i32
        %add3A_642 = arith.addi %mul3A_640, %add3A_641 : i32
        %swap3A_643 = arith.index_cast %add3A_642 : i32 to index
        %swap3A_644 = arith.constant 16 : index
        %swap3A_645 = tpu.vector_load %arg5[%swap3A_643, %swap3A_644] {strides = array<i32>} : memref<448x64xf32, #tpu.memory_space<vmem>>, vector<1x16xf32>,
        %swap3A_646 = vector.shape_cast %swap3A_645 : vector<1x16xf32> to vector<16xf32>
        %swap3A_647 = vector.shape_cast %get3A_82 : vector<16xf32> to vector<1x16xf32>
        tpu.vector_store %arg5[%swap3A_643, %swap3A_644], %swap3A_647 {strides = array<i32>} : memref<448x64xf32, #tpu.memory_space<vmem>>, vector<1x16xf32>,
        %mul3A_648 = arith.constant 16 : i32
        %mul3A_649 = arith.muli %scan3A_38, %mul3A_648 : i32
        %add3A_650 = arith.constant 15 : i32
        %add3A_651 = arith.addi %mul3A_649, %add3A_650 : i32
        %swap3A_652 = arith.index_cast %add3A_651 : i32 to index
        %swap3A_653 = arith.constant 32 : index
        %swap3A_654 = tpu.vector_load %arg5[%swap3A_652, %swap3A_653] {strides = array<i32>} : memref<448x64xf32, #tpu.memory_space<vmem>>, vector<1x16xf32>,
        %swap3A_655 = vector.shape_cast %swap3A_654 : vector<1x16xf32> to vector<16xf32>
        %swap3A_656 = vector.shape_cast %get3A_86 : vector<16xf32> to vector<1x16xf32>
        tpu.vector_store %arg5[%swap3A_652, %swap3A_653], %swap3A_656 {strides = array<i32>} : memref<448x64xf32, #tpu.memory_space<vmem>>, vector<1x16xf32>,
        %mul3A_657 = arith.constant 16 : i32
        %mul3A_658 = arith.muli %scan3A_38, %mul3A_657 : i32
        %add3A_659 = arith.constant 15 : i32
        %add3A_660 = arith.addi %mul3A_658, %add3A_659 : i32
        %swap3A_661 = arith.index_cast %add3A_660 : i32 to index
        %swap3A_662 = arith.constant 48 : index
        %swap3A_663 = tpu.vector_load %arg5[%swap3A_661, %swap3A_662] {strides = array<i32>} : memref<448x64xf32, #tpu.memory_space<vmem>>, vector<1x16xf32>,
        %swap3A_664 = vector.shape_cast %swap3A_663 : vector<1x16xf32> to vector<16xf32>
        %swap3A_665 = vector.shape_cast %get3A_90 : vector<16xf32> to vector<1x16xf32>
        tpu.vector_store %arg5[%swap3A_661, %swap3A_662], %swap3A_665 {strides = array<i32>} : memref<448x64xf32, #tpu.memory_space<vmem>>, vector<1x16xf32>,
      } else {
      }
      %ne3A = arith.cmpi ne, %select_n3A_52, %select_n3A_68 : i32
      %convert_element_type3A_73 = arith.extui %ne3A : i1 to i32
      %cond3A_74 = arith.constant 0 : i32
      %cond3A_75 = arith.cmpi ne, %convert_element_type3A_73, %cond3A_74 : i32
      scf.if %cond3A_75 {
        %add3A_76 = arith.constant 0 : i32
        %add3A_77 = arith.addi %add3A_41, %add3A_76 : i32
        %lt3A_78 = arith.constant 4094 : i32
        %lt3A_79 = arith.cmpi slt, %add3A_77, %lt3A_78 : i32
        %lt3A_80 = arith.constant 8186 : i32
        %lt3A_81 = arith.cmpi slt, %add3A_77, %lt3A_80 : i32
        %lt3A_82 = arith.constant 12276 : i32
        %lt3A_83 = arith.cmpi slt, %add3A_77, %lt3A_82 : i32
        %jit3A_84 = arith.constant 2 : i32
        %jit3A_85 = arith.constant 0 : i32
        %select_n3A_86 = arith.select %lt3A_83, %jit3A_84, %jit3A_85 : i32
        %jit3A_87 = arith.constant 1 : i32
        %select_n3A_88 = arith.select %lt3A_81, %jit3A_87, %select_n3A_86 : i32
        %jit3A_89 = arith.constant 0 : i32
        %select_n3A_90 = arith.select %lt3A_79, %jit3A_89, %select_n3A_88 : i32
        %get3A = arith.index_cast %select_n3A_90 : i32 to index
        %get3A_91 = arith.constant 0 : index
        %get3A_92 = tpu.vector_load %arg4[%get3A, %get3A_91] {strides = array<i32>} : memref<5x64xf32, #tpu.memory_space<vmem>>, vector<1x16xf32>,
        %get3A_93 = vector.shape_cast %get3A_92 : vector<1x16xf32> to vector<16xf32>
        %mul3A_94 = arith.constant 16 : i32
        %mul3A_95 = arith.muli %scan3A_38, %mul3A_94 : i32
        %add3A_96 = arith.constant 0 : i32
        %add3A_97 = arith.addi %mul3A_95, %add3A_96 : i32
        %swap3A = arith.index_cast %add3A_97 : i32 to index
        %swap3A_98 = arith.constant 0 : index
        %swap3A_99 = tpu.vector_load %arg5[%swap3A, %swap3A_98] {strides = array<i32>} : memref<448x64xf32, #tpu.memory_space<vmem>>, vector<1x16xf32>,
        %swap3A_100 = vector.shape_cast %swap3A_99 : vector<1x16xf32> to vector<16xf32>
        %swap3A_101 = vector.shape_cast %get3A_93 : vector<16xf32> to vector<1x16xf32>
        tpu.vector_store %arg5[%swap3A, %swap3A_98], %swap3A_101 {strides = array<i32>} : memref<448x64xf32, #tpu.memory_space<vmem>>, vector<1x16xf32>,
        %get3A_102 = arith.index_cast %select_n3A_90 : i32 to index
        %get3A_103 = arith.constant 16 : index
        %get3A_104 = tpu.vector_load %arg4[%get3A_102, %get3A_103] {strides = array<i32>} : memref<5x64xf32, #tpu.memory_space<vmem>>, vector<1x16xf32>,
        %get3A_105 = vector.shape_cast %get3A_104 : vector<1x16xf32> to vector<16xf32>
        %mul3A_106 = arith.constant 16 : i32
        %mul3A_107 = arith.muli %scan3A_38, %mul3A_106 : i32
        %add3A_108 = arith.constant 0 : i32
        %add3A_109 = arith.addi %mul3A_107, %add3A_108 : i32
        %swap3A_110 = arith.index_cast %add3A_109 : i32 to index
        %swap3A_111 = arith.constant 16 : index
        %swap3A_112 = tpu.vector_load %arg5[%swap3A_110, %swap3A_111] {strides = array<i32>} : memref<448x64xf32, #tpu.memory_space<vmem>>, vector<1x16xf32>,
        %swap3A_113 = vector.shape_cast %swap3A_112 : vector<1x16xf32> to vector<16xf32>
        %swap3A_114 = vector.shape_cast %get3A_105 : vector<16xf32> to vector<1x16xf32>
        tpu.vector_store %arg5[%swap3A_110, %swap3A_111], %swap3A_114 {strides = array<i32>} : memref<448x64xf32, #tpu.memory_space<vmem>>, vector<1x16xf32>,
        %get3A_115 = arith.index_cast %select_n3A_90 : i32 to index
        %get3A_116 = arith.constant 32 : index
        %get3A_117 = tpu.vector_load %arg4[%get3A_115, %get3A_116] {strides = array<i32>} : memref<5x64xf32, #tpu.memory_space<vmem>>, vector<1x16xf32>,
        %get3A_118 = vector.shape_cast %get3A_117 : vector<1x16xf32> to vector<16xf32>
        %mul3A_119 = arith.constant 16 : i32
        %mul3A_120 = arith.muli %scan3A_38, %mul3A_119 : i32
        %add3A_121 = arith.constant 0 : i32
        %add3A_122 = arith.addi %mul3A_120, %add3A_121 : i32
        %swap3A_123 = arith.index_cast %add3A_122 : i32 to index
        %swap3A_124 = arith.constant 32 : index
        %swap3A_125 = tpu.vector_load %arg5[%swap3A_123, %swap3A_124] {strides = array<i32>} : memref<448x64xf32, #tpu.memory_space<vmem>>, vector<1x16xf32>,
        %swap3A_126 = vector.shape_cast %swap3A_125 : vector<1x16xf32> to vector<16xf32>
        %swap3A_127 = vector.shape_cast %get3A_118 : vector<16xf32> to vector<1x16xf32>
        tpu.vector_store %arg5[%swap3A_123, %swap3A_124], %swap3A_127 {strides = array<i32>} : memref<448x64xf32, #tpu.memory_space<vmem>>, vector<1x16xf32>,
        %get3A_128 = arith.index_cast %select_n3A_90 : i32 to index
        %get3A_129 = arith.constant 48 : index
        %get3A_130 = tpu.vector_load %arg4[%get3A_128, %get3A_129] {strides = array<i32>} : memref<5x64xf32, #tpu.memory_space<vmem>>, vector<1x16xf32>,
        %get3A_131 = vector.shape_cast %get3A_130 : vector<1x16xf32> to vector<16xf32>
        %mul3A_132 = arith.constant 16 : i32
        %mul3A_133 = arith.muli %scan3A_38, %mul3A_132 : i32
        %add3A_134 = arith.constant 0 : i32
        %add3A_135 = arith.addi %mul3A_133, %add3A_134 : i32
        %swap3A_136 = arith.index_cast %add3A_135 : i32 to index
        %swap3A_137 = arith.constant 48 : index
        %swap3A_138 = tpu.vector_load %arg5[%swap3A_136, %swap3A_137] {strides = array<i32>} : memref<448x64xf32, #tpu.memory_space<vmem>>, vector<1x16xf32>,
        %swap3A_139 = vector.shape_cast %swap3A_138 : vector<1x16xf32> to vector<16xf32>
        %swap3A_140 = vector.shape_cast %get3A_131 : vector<16xf32> to vector<1x16xf32>
        tpu.vector_store %arg5[%swap3A_136, %swap3A_137], %swap3A_140 {strides = array<i32>} : memref<448x64xf32, #tpu.memory_space<vmem>>, vector<1x16xf32>,
        %add3A_141 = arith.constant 1 : i32
        %add3A_142 = arith.addi %add3A_41, %add3A_141 : i32
        %lt3A_143 = arith.constant 4094 : i32
        %lt3A_144 = arith.cmpi slt, %add3A_142, %lt3A_143 : i32
        %lt3A_145 = arith.constant 8186 : i32
        %lt3A_146 = arith.cmpi slt, %add3A_142, %lt3A_145 : i32
        %lt3A_147 = arith.constant 12276 : i32
        %lt3A_148 = arith.cmpi slt, %add3A_142, %lt3A_147 : i32
        %jit3A_149 = arith.constant 2 : i32
        %jit3A_150 = arith.constant 0 : i32
        %select_n3A_151 = arith.select %lt3A_148, %jit3A_149, %jit3A_150 : i32
        %jit3A_152 = arith.constant 1 : i32
        %select_n3A_153 = arith.select %lt3A_146, %jit3A_152, %select_n3A_151 : i32
        %jit3A_154 = arith.constant 0 : i32
        %select_n3A_155 = arith.select %lt3A_144, %jit3A_154, %select_n3A_153 : i32
        %get3A_156 = arith.index_cast %select_n3A_155 : i32 to index
        %get3A_157 = arith.constant 0 : index
        %get3A_158 = tpu.vector_load %arg4[%get3A_156, %get3A_157] {strides = array<i32>} : memref<5x64xf32, #tpu.memory_space<vmem>>, vector<1x16xf32>,
        %get3A_159 = vector.shape_cast %get3A_158 : vector<1x16xf32> to vector<16xf32>
        %mul3A_160 = arith.constant 16 : i32
        %mul3A_161 = arith.muli %scan3A_38, %mul3A_160 : i32
        %add3A_162 = arith.constant 1 : i32
        %add3A_163 = arith.addi %mul3A_161, %add3A_162 : i32
        %swap3A_164 = arith.index_cast %add3A_163 : i32 to index
        %swap3A_165 = arith.constant 0 : index
        %swap3A_166 = tpu.vector_load %arg5[%swap3A_164, %swap3A_165] {strides = array<i32>} : memref<448x64xf32, #tpu.memory_space<vmem>>, vector<1x16xf32>,
        %swap3A_167 = vector.shape_cast %swap3A_166 : vector<1x16xf32> to vector<16xf32>
        %swap3A_168 = vector.shape_cast %get3A_159 : vector<16xf32> to vector<1x16xf32>
        tpu.vector_store %arg5[%swap3A_164, %swap3A_165], %swap3A_168 {strides = array<i32>} : memref<448x64xf32, #tpu.memory_space<vmem>>, vector<1x16xf32>,
        %get3A_169 = arith.index_cast %select_n3A_155 : i32 to index
        %get3A_170 = arith.constant 16 : index
        %get3A_171 = tpu.vector_load %arg4[%get3A_169, %get3A_170] {strides = array<i32>} : memref<5x64xf32, #tpu.memory_space<vmem>>, vector<1x16xf32>,
        %get3A_172 = vector.shape_cast %get3A_171 : vector<1x16xf32> to vector<16xf32>
        %mul3A_173 = arith.constant 16 : i32
        %mul3A_174 = arith.muli %scan3A_38, %mul3A_173 : i32
        %add3A_175 = arith.constant 1 : i32
        %add3A_176 = arith.addi %mul3A_174, %add3A_175 : i32
        %swap3A_177 = arith.index_cast %add3A_176 : i32 to index
        %swap3A_178 = arith.constant 16 : index
        %swap3A_179 = tpu.vector_load %arg5[%swap3A_177, %swap3A_178] {strides = array<i32>} : memref<448x64xf32, #tpu.memory_space<vmem>>, vector<1x16xf32>,
        %swap3A_180 = vector.shape_cast %swap3A_179 : vector<1x16xf32> to vector<16xf32>
        %swap3A_181 = vector.shape_cast %get3A_172 : vector<16xf32> to vector<1x16xf32>
        tpu.vector_store %arg5[%swap3A_177, %swap3A_178], %swap3A_181 {strides = array<i32>} : memref<448x64xf32, #tpu.memory_space<vmem>>, vector<1x16xf32>,
        %get3A_182 = arith.index_cast %select_n3A_155 : i32 to index
        %get3A_183 = arith.constant 32 : index
        %get3A_184 = tpu.vector_load %arg4[%get3A_182, %get3A_183] {strides = array<i32>} : memref<5x64xf32, #tpu.memory_space<vmem>>, vector<1x16xf32>,
        %get3A_185 = vector.shape_cast %get3A_184 : vector<1x16xf32> to vector<16xf32>
        %mul3A_186 = arith.constant 16 : i32
        %mul3A_187 = arith.muli %scan3A_38, %mul3A_186 : i32
        %add3A_188 = arith.constant 1 : i32
        %add3A_189 = arith.addi %mul3A_187, %add3A_188 : i32
        %swap3A_190 = arith.index_cast %add3A_189 : i32 to index
        %swap3A_191 = arith.constant 32 : index
        %swap3A_192 = tpu.vector_load %arg5[%swap3A_190, %swap3A_191] {strides = array<i32>} : memref<448x64xf32, #tpu.memory_space<vmem>>, vector<1x16xf32>,
        %swap3A_193 = vector.shape_cast %swap3A_192 : vector<1x16xf32> to vector<16xf32>
        %swap3A_194 = vector.shape_cast %get3A_185 : vector<16xf32> to vector<1x16xf32>
        tpu.vector_store %arg5[%swap3A_190, %swap3A_191], %swap3A_194 {strides = array<i32>} : memref<448x64xf32, #tpu.memory_space<vmem>>, vector<1x16xf32>,
        %get3A_195 = arith.index_cast %select_n3A_155 : i32 to index
        %get3A_196 = arith.constant 48 : index
        %get3A_197 = tpu.vector_load %arg4[%get3A_195, %get3A_196] {strides = array<i32>} : memref<5x64xf32, #tpu.memory_space<vmem>>, vector<1x16xf32>,
        %get3A_198 = vector.shape_cast %get3A_197 : vector<1x16xf32> to vector<16xf32>
        %mul3A_199 = arith.constant 16 : i32
        %mul3A_200 = arith.muli %scan3A_38, %mul3A_199 : i32
        %add3A_201 = arith.constant 1 : i32
        %add3A_202 = arith.addi %mul3A_200, %add3A_201 : i32
        %swap3A_203 = arith.index_cast %add3A_202 : i32 to index
        %swap3A_204 = arith.constant 48 : index
        %swap3A_205 = tpu.vector_load %arg5[%swap3A_203, %swap3A_204] {strides = array<i32>} : memref<448x64xf32, #tpu.memory_space<vmem>>, vector<1x16xf32>,
        %swap3A_206 = vector.shape_cast %swap3A_205 : vector<1x16xf32> to vector<16xf32>
        %swap3A_207 = vector.shape_cast %get3A_198 : vector<16xf32> to vector<1x16xf32>
        tpu.vector_store %arg5[%swap3A_203, %swap3A_204], %swap3A_207 {strides = array<i32>} : memref<448x64xf32, #tpu.memory_space<vmem>>, vector<1x16xf32>,
        %add3A_208 = arith.constant 2 : i32
        %add3A_209 = arith.addi %add3A_41, %add3A_208 : i32
        %lt3A_210 = arith.constant 4094 : i32
        %lt3A_211 = arith.cmpi slt, %add3A_209, %lt3A_210 : i32
        %lt3A_212 = arith.constant 8186 : i32
        %lt3A_213 = arith.cmpi slt, %add3A_209, %lt3A_212 : i32
        %lt3A_214 = arith.constant 12276 : i32
        %lt3A_215 = arith.cmpi slt, %add3A_209, %lt3A_214 : i32
        %jit3A_216 = arith.constant 2 : i32
        %jit3A_217 = arith.constant 0 : i32
        %select_n3A_218 = arith.select %lt3A_215, %jit3A_216, %jit3A_217 : i32
        %jit3A_219 = arith.constant 1 : i32
        %select_n3A_220 = arith.select %lt3A_213, %jit3A_219, %select_n3A_218 : i32
        %jit3A_221 = arith.constant 0 : i32
        %select_n3A_222 = arith.select %lt3A_211, %jit3A_221, %select_n3A_220 : i32
        %get3A_223 = arith.index_cast %select_n3A_222 : i32 to index
        %get3A_224 = arith.constant 0 : index
        %get3A_225 = tpu.vector_load %arg4[%get3A_223, %get3A_224] {strides = array<i32>} : memref<5x64xf32, #tpu.memory_space<vmem>>, vector<1x16xf32>,
        %get3A_226 = vector.shape_cast %get3A_225 : vector<1x16xf32> to vector<16xf32>
        %mul3A_227 = arith.constant 16 : i32
        %mul3A_228 = arith.muli %scan3A_38, %mul3A_227 : i32
        %add3A_229 = arith.constant 2 : i32
        %add3A_230 = arith.addi %mul3A_228, %add3A_229 : i32
        %swap3A_231 = arith.index_cast %add3A_230 : i32 to index
        %swap3A_232 = arith.constant 0 : index
        %swap3A_233 = tpu.vector_load %arg5[%swap3A_231, %swap3A_232] {strides = array<i32>} : memref<448x64xf32, #tpu.memory_space<vmem>>, vector<1x16xf32>,
        %swap3A_234 = vector.shape_cast %swap3A_233 : vector<1x16xf32> to vector<16xf32>
        %swap3A_235 = vector.shape_cast %get3A_226 : vector<16xf32> to vector<1x16xf32>
        tpu.vector_store %arg5[%swap3A_231, %swap3A_232], %swap3A_235 {strides = array<i32>} : memref<448x64xf32, #tpu.memory_space<vmem>>, vector<1x16xf32>,
        %get3A_236 = arith.index_cast %select_n3A_222 : i32 to index
        %get3A_237 = arith.constant 16 : index
        %get3A_238 = tpu.vector_load %arg4[%get3A_236, %get3A_237] {strides = array<i32>} : memref<5x64xf32, #tpu.memory_space<vmem>>, vector<1x16xf32>,
        %get3A_239 = vector.shape_cast %get3A_238 : vector<1x16xf32> to vector<16xf32>
        %mul3A_240 = arith.constant 16 : i32
        %mul3A_241 = arith.muli %scan3A_38, %mul3A_240 : i32
        %add3A_242 = arith.constant 2 : i32
        %add3A_243 = arith.addi %mul3A_241, %add3A_242 : i32
        %swap3A_244 = arith.index_cast %add3A_243 : i32 to index
        %swap3A_245 = arith.constant 16 : index
        %swap3A_246 = tpu.vector_load %arg5[%swap3A_244, %swap3A_245] {strides = array<i32>} : memref<448x64xf32, #tpu.memory_space<vmem>>, vector<1x16xf32>,
        %swap3A_247 = vector.shape_cast %swap3A_246 : vector<1x16xf32> to vector<16xf32>
        %swap3A_248 = vector.shape_cast %get3A_239 : vector<16xf32> to vector<1x16xf32>
        tpu.vector_store %arg5[%swap3A_244, %swap3A_245], %swap3A_248 {strides = array<i32>} : memref<448x64xf32, #tpu.memory_space<vmem>>, vector<1x16xf32>,
        %get3A_249 = arith.index_cast %select_n3A_222 : i32 to index
        %get3A_250 = arith.constant 32 : index
        %get3A_251 = tpu.vector_load %arg4[%get3A_249, %get3A_250] {strides = array<i32>} : memref<5x64xf32, #tpu.memory_space<vmem>>, vector<1x16xf32>,
        %get3A_252 = vector.shape_cast %get3A_251 : vector<1x16xf32> to vector<16xf32>
        %mul3A_253 = arith.constant 16 : i32
        %mul3A_254 = arith.muli %scan3A_38, %mul3A_253 : i32
        %add3A_255 = arith.constant 2 : i32
        %add3A_256 = arith.addi %mul3A_254, %add3A_255 : i32
        %swap3A_257 = arith.index_cast %add3A_256 : i32 to index
        %swap3A_258 = arith.constant 32 : index
        %swap3A_259 = tpu.vector_load %arg5[%swap3A_257, %swap3A_258] {strides = array<i32>} : memref<448x64xf32, #tpu.memory_space<vmem>>, vector<1x16xf32>,
        %swap3A_260 = vector.shape_cast %swap3A_259 : vector<1x16xf32> to vector<16xf32>
        %swap3A_261 = vector.shape_cast %get3A_252 : vector<16xf32> to vector<1x16xf32>
        tpu.vector_store %arg5[%swap3A_257, %swap3A_258], %swap3A_261 {strides = array<i32>} : memref<448x64xf32, #tpu.memory_space<vmem>>, vector<1x16xf32>,
        %get3A_262 = arith.index_cast %select_n3A_222 : i32 to index
        %get3A_263 = arith.constant 48 : index
        %get3A_264 = tpu.vector_load %arg4[%get3A_262, %get3A_263] {strides = array<i32>} : memref<5x64xf32, #tpu.memory_space<vmem>>, vector<1x16xf32>,
        %get3A_265 = vector.shape_cast %get3A_264 : vector<1x16xf32> to vector<16xf32>
        %mul3A_266 = arith.constant 16 : i32
        %mul3A_267 = arith.muli %scan3A_38, %mul3A_266 : i32
        %add3A_268 = arith.constant 2 : i32
        %add3A_269 = arith.addi %mul3A_267, %add3A_268 : i32
        %swap3A_270 = arith.index_cast %add3A_269 : i32 to index
        %swap3A_271 = arith.constant 48 : index
        %swap3A_272 = tpu.vector_load %arg5[%swap3A_270, %swap3A_271] {strides = array<i32>} : memref<448x64xf32, #tpu.memory_space<vmem>>, vector<1x16xf32>,
        %swap3A_273 = vector.shape_cast %swap3A_272 : vector<1x16xf32> to vector<16xf32>
        %swap3A_274 = vector.shape_cast %get3A_265 : vector<16xf32> to vector<1x16xf32>
        tpu.vector_store %arg5[%swap3A_270, %swap3A_271], %swap3A_274 {strides = array<i32>} : memref<448x64xf32, #tpu.memory_space<vmem>>, vector<1x16xf32>,
        %add3A_275 = arith.constant 3 : i32
        %add3A_276 = arith.addi %add3A_41, %add3A_275 : i32
        %lt3A_277 = arith.constant 4094 : i32
        %lt3A_278 = arith.cmpi slt, %add3A_276, %lt3A_277 : i32
        %lt3A_279 = arith.constant 8186 : i32
        %lt3A_280 = arith.cmpi slt, %add3A_276, %lt3A_279 : i32
        %lt3A_281 = arith.constant 12276 : i32
        %lt3A_282 = arith.cmpi slt, %add3A_276, %lt3A_281 : i32
        %jit3A_283 = arith.constant 2 : i32
        %jit3A_284 = arith.constant 0 : i32
        %select_n3A_285 = arith.select %lt3A_282, %jit3A_283, %jit3A_284 : i32
        %jit3A_286 = arith.constant 1 : i32
        %select_n3A_287 = arith.select %lt3A_280, %jit3A_286, %select_n3A_285 : i32
        %jit3A_288 = arith.constant 0 : i32
        %select_n3A_289 = arith.select %lt3A_278, %jit3A_288, %select_n3A_287 : i32
        %get3A_290 = arith.index_cast %select_n3A_289 : i32 to index
        %get3A_291 = arith.constant 0 : index
        %get3A_292 = tpu.vector_load %arg4[%get3A_290, %get3A_291] {strides = array<i32>} : memref<5x64xf32, #tpu.memory_space<vmem>>, vector<1x16xf32>,
        %get3A_293 = vector.shape_cast %get3A_292 : vector<1x16xf32> to vector<16xf32>
        %mul3A_294 = arith.constant 16 : i32
        %mul3A_295 = arith.muli %scan3A_38, %mul3A_294 : i32
        %add3A_296 = arith.constant 3 : i32
        %add3A_297 = arith.addi %mul3A_295, %add3A_296 : i32
        %swap3A_298 = arith.index_cast %add3A_297 : i32 to index
        %swap3A_299 = arith.constant 0 : index
        %swap3A_300 = tpu.vector_load %arg5[%swap3A_298, %swap3A_299] {strides = array<i32>} : memref<448x64xf32, #tpu.memory_space<vmem>>, vector<1x16xf32>,
        %swap3A_301 = vector.shape_cast %swap3A_300 : vector<1x16xf32> to vector<16xf32>
        %swap3A_302 = vector.shape_cast %get3A_293 : vector<16xf32> to vector<1x16xf32>
        tpu.vector_store %arg5[%swap3A_298, %swap3A_299], %swap3A_302 {strides = array<i32>} : memref<448x64xf32, #tpu.memory_space<vmem>>, vector<1x16xf32>,
        %get3A_303 = arith.index_cast %select_n3A_289 : i32 to index
        %get3A_304 = arith.constant 16 : index
        %get3A_305 = tpu.vector_load %arg4[%get3A_303, %get3A_304] {strides = array<i32>} : memref<5x64xf32, #tpu.memory_space<vmem>>, vector<1x16xf32>,
        %get3A_306 = vector.shape_cast %get3A_305 : vector<1x16xf32> to vector<16xf32>
        %mul3A_307 = arith.constant 16 : i32
        %mul3A_308 = arith.muli %scan3A_38, %mul3A_307 : i32
        %add3A_309 = arith.constant 3 : i32
        %add3A_310 = arith.addi %mul3A_308, %add3A_309 : i32
        %swap3A_311 = arith.index_cast %add3A_310 : i32 to index
        %swap3A_312 = arith.constant 16 : index
        %swap3A_313 = tpu.vector_load %arg5[%swap3A_311, %swap3A_312] {strides = array<i32>} : memref<448x64xf32, #tpu.memory_space<vmem>>, vector<1x16xf32>,
        %swap3A_314 = vector.shape_cast %swap3A_313 : vector<1x16xf32> to vector<16xf32>
        %swap3A_315 = vector.shape_cast %get3A_306 : vector<16xf32> to vector<1x16xf32>
        tpu.vector_store %arg5[%swap3A_311, %swap3A_312], %swap3A_315 {strides = array<i32>} : memref<448x64xf32, #tpu.memory_space<vmem>>, vector<1x16xf32>,
        %get3A_316 = arith.index_cast %select_n3A_289 : i32 to index
        %get3A_317 = arith.constant 32 : index
        %get3A_318 = tpu.vector_load %arg4[%get3A_316, %get3A_317] {strides = array<i32>} : memref<5x64xf32, #tpu.memory_space<vmem>>, vector<1x16xf32>,
        %get3A_319 = vector.shape_cast %get3A_318 : vector<1x16xf32> to vector<16xf32>
        %mul3A_320 = arith.constant 16 : i32
        %mul3A_321 = arith.muli %scan3A_38, %mul3A_320 : i32
        %add3A_322 = arith.constant 3 : i32
        %add3A_323 = arith.addi %mul3A_321, %add3A_322 : i32
        %swap3A_324 = arith.index_cast %add3A_323 : i32 to index
        %swap3A_325 = arith.constant 32 : index
        %swap3A_326 = tpu.vector_load %arg5[%swap3A_324, %swap3A_325] {strides = array<i32>} : memref<448x64xf32, #tpu.memory_space<vmem>>, vector<1x16xf32>,
        %swap3A_327 = vector.shape_cast %swap3A_326 : vector<1x16xf32> to vector<16xf32>
        %swap3A_328 = vector.shape_cast %get3A_319 : vector<16xf32> to vector<1x16xf32>
        tpu.vector_store %arg5[%swap3A_324, %swap3A_325], %swap3A_328 {strides = array<i32>} : memref<448x64xf32, #tpu.memory_space<vmem>>, vector<1x16xf32>,
        %get3A_329 = arith.index_cast %select_n3A_289 : i32 to index
        %get3A_330 = arith.constant 48 : index
        %get3A_331 = tpu.vector_load %arg4[%get3A_329, %get3A_330] {strides = array<i32>} : memref<5x64xf32, #tpu.memory_space<vmem>>, vector<1x16xf32>,
        %get3A_332 = vector.shape_cast %get3A_331 : vector<1x16xf32> to vector<16xf32>
        %mul3A_333 = arith.constant 16 : i32
        %mul3A_334 = arith.muli %scan3A_38, %mul3A_333 : i32
        %add3A_335 = arith.constant 3 : i32
        %add3A_336 = arith.addi %mul3A_334, %add3A_335 : i32
        %swap3A_337 = arith.index_cast %add3A_336 : i32 to index
        %swap3A_338 = arith.constant 48 : index
        %swap3A_339 = tpu.vector_load %arg5[%swap3A_337, %swap3A_338] {strides = array<i32>} : memref<448x64xf32, #tpu.memory_space<vmem>>, vector<1x16xf32>,
        %swap3A_340 = vector.shape_cast %swap3A_339 : vector<1x16xf32> to vector<16xf32>
        %swap3A_341 = vector.shape_cast %get3A_332 : vector<16xf32> to vector<1x16xf32>
        tpu.vector_store %arg5[%swap3A_337, %swap3A_338], %swap3A_341 {strides = array<i32>} : memref<448x64xf32, #tpu.memory_space<vmem>>, vector<1x16xf32>,
        %add3A_342 = arith.constant 4 : i32
        %add3A_343 = arith.addi %add3A_41, %add3A_342 : i32
        %lt3A_344 = arith.constant 4094 : i32
        %lt3A_345 = arith.cmpi slt, %add3A_343, %lt3A_344 : i32
        %lt3A_346 = arith.constant 8186 : i32
        %lt3A_347 = arith.cmpi slt, %add3A_343, %lt3A_346 : i32
        %lt3A_348 = arith.constant 12276 : i32
        %lt3A_349 = arith.cmpi slt, %add3A_343, %lt3A_348 : i32
        %jit3A_350 = arith.constant 2 : i32
        %jit3A_351 = arith.constant 0 : i32
        %select_n3A_352 = arith.select %lt3A_349, %jit3A_350, %jit3A_351 : i32
        %jit3A_353 = arith.constant 1 : i32
        %select_n3A_354 = arith.select %lt3A_347, %jit3A_353, %select_n3A_352 : i32
        %jit3A_355 = arith.constant 0 : i32
        %select_n3A_356 = arith.select %lt3A_345, %jit3A_355, %select_n3A_354 : i32
        %get3A_357 = arith.index_cast %select_n3A_356 : i32 to index
        %get3A_358 = arith.constant 0 : index
        %get3A_359 = tpu.vector_load %arg4[%get3A_357, %get3A_358] {strides = array<i32>} : memref<5x64xf32, #tpu.memory_space<vmem>>, vector<1x16xf32>,
        %get3A_360 = vector.shape_cast %get3A_359 : vector<1x16xf32> to vector<16xf32>
        %mul3A_361 = arith.constant 16 : i32
        %mul3A_362 = arith.muli %scan3A_38, %mul3A_361 : i32
        %add3A_363 = arith.constant 4 : i32
        %add3A_364 = arith.addi %mul3A_362, %add3A_363 : i32
        %swap3A_365 = arith.index_cast %add3A_364 : i32 to index
        %swap3A_366 = arith.constant 0 : index
        %swap3A_367 = tpu.vector_load %arg5[%swap3A_365, %swap3A_366] {strides = array<i32>} : memref<448x64xf32, #tpu.memory_space<vmem>>, vector<1x16xf32>,
        %swap3A_368 = vector.shape_cast %swap3A_367 : vector<1x16xf32> to vector<16xf32>
        %swap3A_369 = vector.shape_cast %get3A_360 : vector<16xf32> to vector<1x16xf32>
        tpu.vector_store %arg5[%swap3A_365, %swap3A_366], %swap3A_369 {strides = array<i32>} : memref<448x64xf32, #tpu.memory_space<vmem>>, vector<1x16xf32>,
        %get3A_370 = arith.index_cast %select_n3A_356 : i32 to index
        %get3A_371 = arith.constant 16 : index
        %get3A_372 = tpu.vector_load %arg4[%get3A_370, %get3A_371] {strides = array<i32>} : memref<5x64xf32, #tpu.memory_space<vmem>>, vector<1x16xf32>,
        %get3A_373 = vector.shape_cast %get3A_372 : vector<1x16xf32> to vector<16xf32>
        %mul3A_374 = arith.constant 16 : i32
        %mul3A_375 = arith.muli %scan3A_38, %mul3A_374 : i32
        %add3A_376 = arith.constant 4 : i32
        %add3A_377 = arith.addi %mul3A_375, %add3A_376 : i32
        %swap3A_378 = arith.index_cast %add3A_377 : i32 to index
        %swap3A_379 = arith.constant 16 : index
        %swap3A_380 = tpu.vector_load %arg5[%swap3A_378, %swap3A_379] {strides = array<i32>} : memref<448x64xf32, #tpu.memory_space<vmem>>, vector<1x16xf32>,
        %swap3A_381 = vector.shape_cast %swap3A_380 : vector<1x16xf32> to vector<16xf32>
        %swap3A_382 = vector.shape_cast %get3A_373 : vector<16xf32> to vector<1x16xf32>
        tpu.vector_store %arg5[%swap3A_378, %swap3A_379], %swap3A_382 {strides = array<i32>} : memref<448x64xf32, #tpu.memory_space<vmem>>, vector<1x16xf32>,
        %get3A_383 = arith.index_cast %select_n3A_356 : i32 to index
        %get3A_384 = arith.constant 32 : index
        %get3A_385 = tpu.vector_load %arg4[%get3A_383, %get3A_384] {strides = array<i32>} : memref<5x64xf32, #tpu.memory_space<vmem>>, vector<1x16xf32>,
        %get3A_386 = vector.shape_cast %get3A_385 : vector<1x16xf32> to vector<16xf32>
        %mul3A_387 = arith.constant 16 : i32
        %mul3A_388 = arith.muli %scan3A_38, %mul3A_387 : i32
        %add3A_389 = arith.constant 4 : i32
        %add3A_390 = arith.addi %mul3A_388, %add3A_389 : i32
        %swap3A_391 = arith.index_cast %add3A_390 : i32 to index
        %swap3A_392 = arith.constant 32 : index
        %swap3A_393 = tpu.vector_load %arg5[%swap3A_391, %swap3A_392] {strides = array<i32>} : memref<448x64xf32, #tpu.memory_space<vmem>>, vector<1x16xf32>,
        %swap3A_394 = vector.shape_cast %swap3A_393 : vector<1x16xf32> to vector<16xf32>
        %swap3A_395 = vector.shape_cast %get3A_386 : vector<16xf32> to vector<1x16xf32>
        tpu.vector_store %arg5[%swap3A_391, %swap3A_392], %swap3A_395 {strides = array<i32>} : memref<448x64xf32, #tpu.memory_space<vmem>>, vector<1x16xf32>,
        %get3A_396 = arith.index_cast %select_n3A_356 : i32 to index
        %get3A_397 = arith.constant 48 : index
        %get3A_398 = tpu.vector_load %arg4[%get3A_396, %get3A_397] {strides = array<i32>} : memref<5x64xf32, #tpu.memory_space<vmem>>, vector<1x16xf32>,
        %get3A_399 = vector.shape_cast %get3A_398 : vector<1x16xf32> to vector<16xf32>
        %mul3A_400 = arith.constant 16 : i32
        %mul3A_401 = arith.muli %scan3A_38, %mul3A_400 : i32
        %add3A_402 = arith.constant 4 : i32
        %add3A_403 = arith.addi %mul3A_401, %add3A_402 : i32
        %swap3A_404 = arith.index_cast %add3A_403 : i32 to index
        %swap3A_405 = arith.constant 48 : index
        %swap3A_406 = tpu.vector_load %arg5[%swap3A_404, %swap3A_405] {strides = array<i32>} : memref<448x64xf32, #tpu.memory_space<vmem>>, vector<1x16xf32>,
        %swap3A_407 = vector.shape_cast %swap3A_406 : vector<1x16xf32> to vector<16xf32>
        %swap3A_408 = vector.shape_cast %get3A_399 : vector<16xf32> to vector<1x16xf32>
        tpu.vector_store %arg5[%swap3A_404, %swap3A_405], %swap3A_408 {strides = array<i32>} : memref<448x64xf32, #tpu.memory_space<vmem>>, vector<1x16xf32>,
        %add3A_409 = arith.constant 5 : i32
        %add3A_410 = arith.addi %add3A_41, %add3A_409 : i32
        %lt3A_411 = arith.constant 4094 : i32
        %lt3A_412 = arith.cmpi slt, %add3A_410, %lt3A_411 : i32
        %lt3A_413 = arith.constant 8186 : i32
        %lt3A_414 = arith.cmpi slt, %add3A_410, %lt3A_413 : i32
        %lt3A_415 = arith.constant 12276 : i32
        %lt3A_416 = arith.cmpi slt, %add3A_410, %lt3A_415 : i32
        %jit3A_417 = arith.constant 2 : i32
        %jit3A_418 = arith.constant 0 : i32
        %select_n3A_419 = arith.select %lt3A_416, %jit3A_417, %jit3A_418 : i32
        %jit3A_420 = arith.constant 1 : i32
        %select_n3A_421 = arith.select %lt3A_414, %jit3A_420, %select_n3A_419 : i32
        %jit3A_422 = arith.constant 0 : i32
        %select_n3A_423 = arith.select %lt3A_412, %jit3A_422, %select_n3A_421 : i32
        %get3A_424 = arith.index_cast %select_n3A_423 : i32 to index
        %get3A_425 = arith.constant 0 : index
        %get3A_426 = tpu.vector_load %arg4[%get3A_424, %get3A_425] {strides = array<i32>} : memref<5x64xf32, #tpu.memory_space<vmem>>, vector<1x16xf32>,
        %get3A_427 = vector.shape_cast %get3A_426 : vector<1x16xf32> to vector<16xf32>
        %mul3A_428 = arith.constant 16 : i32
        %mul3A_429 = arith.muli %scan3A_38, %mul3A_428 : i32
        %add3A_430 = arith.constant 5 : i32
        %add3A_431 = arith.addi %mul3A_429, %add3A_430 : i32
        %swap3A_432 = arith.index_cast %add3A_431 : i32 to index
        %swap3A_433 = arith.constant 0 : index
        %swap3A_434 = tpu.vector_load %arg5[%swap3A_432, %swap3A_433] {strides = array<i32>} : memref<448x64xf32, #tpu.memory_space<vmem>>, vector<1x16xf32>,
        %swap3A_435 = vector.shape_cast %swap3A_434 : vector<1x16xf32> to vector<16xf32>
        %swap3A_436 = vector.shape_cast %get3A_427 : vector<16xf32> to vector<1x16xf32>
        tpu.vector_store %arg5[%swap3A_432, %swap3A_433], %swap3A_436 {strides = array<i32>} : memref<448x64xf32, #tpu.memory_space<vmem>>, vector<1x16xf32>,
        %get3A_437 = arith.index_cast %select_n3A_423 : i32 to index
        %get3A_438 = arith.constant 16 : index
        %get3A_439 = tpu.vector_load %arg4[%get3A_437, %get3A_438] {strides = array<i32>} : memref<5x64xf32, #tpu.memory_space<vmem>>, vector<1x16xf32>,
        %get3A_440 = vector.shape_cast %get3A_439 : vector<1x16xf32> to vector<16xf32>
        %mul3A_441 = arith.constant 16 : i32
        %mul3A_442 = arith.muli %scan3A_38, %mul3A_441 : i32
        %add3A_443 = arith.constant 5 : i32
        %add3A_444 = arith.addi %mul3A_442, %add3A_443 : i32
        %swap3A_445 = arith.index_cast %add3A_444 : i32 to index
        %swap3A_446 = arith.constant 16 : index
        %swap3A_447 = tpu.vector_load %arg5[%swap3A_445, %swap3A_446] {strides = array<i32>} : memref<448x64xf32, #tpu.memory_space<vmem>>, vector<1x16xf32>,
        %swap3A_448 = vector.shape_cast %swap3A_447 : vector<1x16xf32> to vector<16xf32>
        %swap3A_449 = vector.shape_cast %get3A_440 : vector<16xf32> to vector<1x16xf32>
        tpu.vector_store %arg5[%swap3A_445, %swap3A_446], %swap3A_449 {strides = array<i32>} : memref<448x64xf32, #tpu.memory_space<vmem>>, vector<1x16xf32>,
        %get3A_450 = arith.index_cast %select_n3A_423 : i32 to index
        %get3A_451 = arith.constant 32 : index
        %get3A_452 = tpu.vector_load %arg4[%get3A_450, %get3A_451] {strides = array<i32>} : memref<5x64xf32, #tpu.memory_space<vmem>>, vector<1x16xf32>,
        %get3A_453 = vector.shape_cast %get3A_452 : vector<1x16xf32> to vector<16xf32>
        %mul3A_454 = arith.constant 16 : i32
        %mul3A_455 = arith.muli %scan3A_38, %mul3A_454 : i32
        %add3A_456 = arith.constant 5 : i32
        %add3A_457 = arith.addi %mul3A_455, %add3A_456 : i32
        %swap3A_458 = arith.index_cast %add3A_457 : i32 to index
        %swap3A_459 = arith.constant 32 : index
        %swap3A_460 = tpu.vector_load %arg5[%swap3A_458, %swap3A_459] {strides = array<i32>} : memref<448x64xf32, #tpu.memory_space<vmem>>, vector<1x16xf32>,
        %swap3A_461 = vector.shape_cast %swap3A_460 : vector<1x16xf32> to vector<16xf32>
        %swap3A_462 = vector.shape_cast %get3A_453 : vector<16xf32> to vector<1x16xf32>
        tpu.vector_store %arg5[%swap3A_458, %swap3A_459], %swap3A_462 {strides = array<i32>} : memref<448x64xf32, #tpu.memory_space<vmem>>, vector<1x16xf32>,
        %get3A_463 = arith.index_cast %select_n3A_423 : i32 to index
        %get3A_464 = arith.constant 48 : index
        %get3A_465 = tpu.vector_load %arg4[%get3A_463, %get3A_464] {strides = array<i32>} : memref<5x64xf32, #tpu.memory_space<vmem>>, vector<1x16xf32>,
        %get3A_466 = vector.shape_cast %get3A_465 : vector<1x16xf32> to vector<16xf32>
        %mul3A_467 = arith.constant 16 : i32
        %mul3A_468 = arith.muli %scan3A_38, %mul3A_467 : i32
        %add3A_469 = arith.constant 5 : i32
        %add3A_470 = arith.addi %mul3A_468, %add3A_469 : i32
        %swap3A_471 = arith.index_cast %add3A_470 : i32 to index
        %swap3A_472 = arith.constant 48 : index
        %swap3A_473 = tpu.vector_load %arg5[%swap3A_471, %swap3A_472] {strides = array<i32>} : memref<448x64xf32, #tpu.memory_space<vmem>>, vector<1x16xf32>,
        %swap3A_474 = vector.shape_cast %swap3A_473 : vector<1x16xf32> to vector<16xf32>
        %swap3A_475 = vector.shape_cast %get3A_466 : vector<16xf32> to vector<1x16xf32>
        tpu.vector_store %arg5[%swap3A_471, %swap3A_472], %swap3A_475 {strides = array<i32>} : memref<448x64xf32, #tpu.memory_space<vmem>>, vector<1x16xf32>,
        %add3A_476 = arith.constant 6 : i32
        %add3A_477 = arith.addi %add3A_41, %add3A_476 : i32
        %lt3A_478 = arith.constant 4094 : i32
        %lt3A_479 = arith.cmpi slt, %add3A_477, %lt3A_478 : i32
        %lt3A_480 = arith.constant 8186 : i32
        %lt3A_481 = arith.cmpi slt, %add3A_477, %lt3A_480 : i32
        %lt3A_482 = arith.constant 12276 : i32
        %lt3A_483 = arith.cmpi slt, %add3A_477, %lt3A_482 : i32
        %jit3A_484 = arith.constant 2 : i32
        %jit3A_485 = arith.constant 0 : i32
        %select_n3A_486 = arith.select %lt3A_483, %jit3A_484, %jit3A_485 : i32
        %jit3A_487 = arith.constant 1 : i32
        %select_n3A_488 = arith.select %lt3A_481, %jit3A_487, %select_n3A_486 : i32
        %jit3A_489 = arith.constant 0 : i32
        %select_n3A_490 = arith.select %lt3A_479, %jit3A_489, %select_n3A_488 : i32
        %get3A_491 = arith.index_cast %select_n3A_490 : i32 to index
        %get3A_492 = arith.constant 0 : index
        %get3A_493 = tpu.vector_load %arg4[%get3A_491, %get3A_492] {strides = array<i32>} : memref<5x64xf32, #tpu.memory_space<vmem>>, vector<1x16xf32>,
        %get3A_494 = vector.shape_cast %get3A_493 : vector<1x16xf32> to vector<16xf32>
        %mul3A_495 = arith.constant 16 : i32
        %mul3A_496 = arith.muli %scan3A_38, %mul3A_495 : i32
        %add3A_497 = arith.constant 6 : i32
        %add3A_498 = arith.addi %mul3A_496, %add3A_497 : i32
        %swap3A_499 = arith.index_cast %add3A_498 : i32 to index
        %swap3A_500 = arith.constant 0 : index
        %swap3A_501 = tpu.vector_load %arg5[%swap3A_499, %swap3A_500] {strides = array<i32>} : memref<448x64xf32, #tpu.memory_space<vmem>>, vector<1x16xf32>,
        %swap3A_502 = vector.shape_cast %swap3A_501 : vector<1x16xf32> to vector<16xf32>
        %swap3A_503 = vector.shape_cast %get3A_494 : vector<16xf32> to vector<1x16xf32>
        tpu.vector_store %arg5[%swap3A_499, %swap3A_500], %swap3A_503 {strides = array<i32>} : memref<448x64xf32, #tpu.memory_space<vmem>>, vector<1x16xf32>,
        %get3A_504 = arith.index_cast %select_n3A_490 : i32 to index
        %get3A_505 = arith.constant 16 : index
        %get3A_506 = tpu.vector_load %arg4[%get3A_504, %get3A_505] {strides = array<i32>} : memref<5x64xf32, #tpu.memory_space<vmem>>, vector<1x16xf32>,
        %get3A_507 = vector.shape_cast %get3A_506 : vector<1x16xf32> to vector<16xf32>
        %mul3A_508 = arith.constant 16 : i32
        %mul3A_509 = arith.muli %scan3A_38, %mul3A_508 : i32
        %add3A_510 = arith.constant 6 : i32
        %add3A_511 = arith.addi %mul3A_509, %add3A_510 : i32
        %swap3A_512 = arith.index_cast %add3A_511 : i32 to index
        %swap3A_513 = arith.constant 16 : index
        %swap3A_514 = tpu.vector_load %arg5[%swap3A_512, %swap3A_513] {strides = array<i32>} : memref<448x64xf32, #tpu.memory_space<vmem>>, vector<1x16xf32>,
        %swap3A_515 = vector.shape_cast %swap3A_514 : vector<1x16xf32> to vector<16xf32>
        %swap3A_516 = vector.shape_cast %get3A_507 : vector<16xf32> to vector<1x16xf32>
        tpu.vector_store %arg5[%swap3A_512, %swap3A_513], %swap3A_516 {strides = array<i32>} : memref<448x64xf32, #tpu.memory_space<vmem>>, vector<1x16xf32>,
        %get3A_517 = arith.index_cast %select_n3A_490 : i32 to index
        %get3A_518 = arith.constant 32 : index
        %get3A_519 = tpu.vector_load %arg4[%get3A_517, %get3A_518] {strides = array<i32>} : memref<5x64xf32, #tpu.memory_space<vmem>>, vector<1x16xf32>,
        %get3A_520 = vector.shape_cast %get3A_519 : vector<1x16xf32> to vector<16xf32>
        %mul3A_521 = arith.constant 16 : i32
        %mul3A_522 = arith.muli %scan3A_38, %mul3A_521 : i32
        %add3A_523 = arith.constant 6 : i32
        %add3A_524 = arith.addi %mul3A_522, %add3A_523 : i32
        %swap3A_525 = arith.index_cast %add3A_524 : i32 to index
        %swap3A_526 = arith.constant 32 : index
        %swap3A_527 = tpu.vector_load %arg5[%swap3A_525, %swap3A_526] {strides = array<i32>} : memref<448x64xf32, #tpu.memory_space<vmem>>, vector<1x16xf32>,
        %swap3A_528 = vector.shape_cast %swap3A_527 : vector<1x16xf32> to vector<16xf32>
        %swap3A_529 = vector.shape_cast %get3A_520 : vector<16xf32> to vector<1x16xf32>
        tpu.vector_store %arg5[%swap3A_525, %swap3A_526], %swap3A_529 {strides = array<i32>} : memref<448x64xf32, #tpu.memory_space<vmem>>, vector<1x16xf32>,
        %get3A_530 = arith.index_cast %select_n3A_490 : i32 to index
        %get3A_531 = arith.constant 48 : index
        %get3A_532 = tpu.vector_load %arg4[%get3A_530, %get3A_531] {strides = array<i32>} : memref<5x64xf32, #tpu.memory_space<vmem>>, vector<1x16xf32>,
        %get3A_533 = vector.shape_cast %get3A_532 : vector<1x16xf32> to vector<16xf32>
        %mul3A_534 = arith.constant 16 : i32
        %mul3A_535 = arith.muli %scan3A_38, %mul3A_534 : i32
        %add3A_536 = arith.constant 6 : i32
        %add3A_537 = arith.addi %mul3A_535, %add3A_536 : i32
        %swap3A_538 = arith.index_cast %add3A_537 : i32 to index
        %swap3A_539 = arith.constant 48 : index
        %swap3A_540 = tpu.vector_load %arg5[%swap3A_538, %swap3A_539] {strides = array<i32>} : memref<448x64xf32, #tpu.memory_space<vmem>>, vector<1x16xf32>,
        %swap3A_541 = vector.shape_cast %swap3A_540 : vector<1x16xf32> to vector<16xf32>
        %swap3A_542 = vector.shape_cast %get3A_533 : vector<16xf32> to vector<1x16xf32>
        tpu.vector_store %arg5[%swap3A_538, %swap3A_539], %swap3A_542 {strides = array<i32>} : memref<448x64xf32, #tpu.memory_space<vmem>>, vector<1x16xf32>,
        %add3A_543 = arith.constant 7 : i32
        %add3A_544 = arith.addi %add3A_41, %add3A_543 : i32
        %lt3A_545 = arith.constant 4094 : i32
        %lt3A_546 = arith.cmpi slt, %add3A_544, %lt3A_545 : i32
        %lt3A_547 = arith.constant 8186 : i32
        %lt3A_548 = arith.cmpi slt, %add3A_544, %lt3A_547 : i32
        %lt3A_549 = arith.constant 12276 : i32
        %lt3A_550 = arith.cmpi slt, %add3A_544, %lt3A_549 : i32
        %jit3A_551 = arith.constant 2 : i32
        %jit3A_552 = arith.constant 0 : i32
        %select_n3A_553 = arith.select %lt3A_550, %jit3A_551, %jit3A_552 : i32
        %jit3A_554 = arith.constant 1 : i32
        %select_n3A_555 = arith.select %lt3A_548, %jit3A_554, %select_n3A_553 : i32
        %jit3A_556 = arith.constant 0 : i32
        %select_n3A_557 = arith.select %lt3A_546, %jit3A_556, %select_n3A_555 : i32
        %get3A_558 = arith.index_cast %select_n3A_557 : i32 to index
        %get3A_559 = arith.constant 0 : index
        %get3A_560 = tpu.vector_load %arg4[%get3A_558, %get3A_559] {strides = array<i32>} : memref<5x64xf32, #tpu.memory_space<vmem>>, vector<1x16xf32>,
        %get3A_561 = vector.shape_cast %get3A_560 : vector<1x16xf32> to vector<16xf32>
        %mul3A_562 = arith.constant 16 : i32
        %mul3A_563 = arith.muli %scan3A_38, %mul3A_562 : i32
        %add3A_564 = arith.constant 7 : i32
        %add3A_565 = arith.addi %mul3A_563, %add3A_564 : i32
        %swap3A_566 = arith.index_cast %add3A_565 : i32 to index
        %swap3A_567 = arith.constant 0 : index
        %swap3A_568 = tpu.vector_load %arg5[%swap3A_566, %swap3A_567] {strides = array<i32>} : memref<448x64xf32, #tpu.memory_space<vmem>>, vector<1x16xf32>,
        %swap3A_569 = vector.shape_cast %swap3A_568 : vector<1x16xf32> to vector<16xf32>
        %swap3A_570 = vector.shape_cast %get3A_561 : vector<16xf32> to vector<1x16xf32>
        tpu.vector_store %arg5[%swap3A_566, %swap3A_567], %swap3A_570 {strides = array<i32>} : memref<448x64xf32, #tpu.memory_space<vmem>>, vector<1x16xf32>,
        %get3A_571 = arith.index_cast %select_n3A_557 : i32 to index
        %get3A_572 = arith.constant 16 : index
        %get3A_573 = tpu.vector_load %arg4[%get3A_571, %get3A_572] {strides = array<i32>} : memref<5x64xf32, #tpu.memory_space<vmem>>, vector<1x16xf32>,
        %get3A_574 = vector.shape_cast %get3A_573 : vector<1x16xf32> to vector<16xf32>
        %mul3A_575 = arith.constant 16 : i32
        %mul3A_576 = arith.muli %scan3A_38, %mul3A_575 : i32
        %add3A_577 = arith.constant 7 : i32
        %add3A_578 = arith.addi %mul3A_576, %add3A_577 : i32
        %swap3A_579 = arith.index_cast %add3A_578 : i32 to index
        %swap3A_580 = arith.constant 16 : index
        %swap3A_581 = tpu.vector_load %arg5[%swap3A_579, %swap3A_580] {strides = array<i32>} : memref<448x64xf32, #tpu.memory_space<vmem>>, vector<1x16xf32>,
        %swap3A_582 = vector.shape_cast %swap3A_581 : vector<1x16xf32> to vector<16xf32>
        %swap3A_583 = vector.shape_cast %get3A_574 : vector<16xf32> to vector<1x16xf32>
        tpu.vector_store %arg5[%swap3A_579, %swap3A_580], %swap3A_583 {strides = array<i32>} : memref<448x64xf32, #tpu.memory_space<vmem>>, vector<1x16xf32>,
        %get3A_584 = arith.index_cast %select_n3A_557 : i32 to index
        %get3A_585 = arith.constant 32 : index
        %get3A_586 = tpu.vector_load %arg4[%get3A_584, %get3A_585] {strides = array<i32>} : memref<5x64xf32, #tpu.memory_space<vmem>>, vector<1x16xf32>,
        %get3A_587 = vector.shape_cast %get3A_586 : vector<1x16xf32> to vector<16xf32>
        %mul3A_588 = arith.constant 16 : i32
        %mul3A_589 = arith.muli %scan3A_38, %mul3A_588 : i32
        %add3A_590 = arith.constant 7 : i32
        %add3A_591 = arith.addi %mul3A_589, %add3A_590 : i32
        %swap3A_592 = arith.index_cast %add3A_591 : i32 to index
        %swap3A_593 = arith.constant 32 : index
        %swap3A_594 = tpu.vector_load %arg5[%swap3A_592, %swap3A_593] {strides = array<i32>} : memref<448x64xf32, #tpu.memory_space<vmem>>, vector<1x16xf32>,
        %swap3A_595 = vector.shape_cast %swap3A_594 : vector<1x16xf32> to vector<16xf32>
        %swap3A_596 = vector.shape_cast %get3A_587 : vector<16xf32> to vector<1x16xf32>
        tpu.vector_store %arg5[%swap3A_592, %swap3A_593], %swap3A_596 {strides = array<i32>} : memref<448x64xf32, #tpu.memory_space<vmem>>, vector<1x16xf32>,
        %get3A_597 = arith.index_cast %select_n3A_557 : i32 to index
        %get3A_598 = arith.constant 48 : index
        %get3A_599 = tpu.vector_load %arg4[%get3A_597, %get3A_598] {strides = array<i32>} : memref<5x64xf32, #tpu.memory_space<vmem>>, vector<1x16xf32>,
        %get3A_600 = vector.shape_cast %get3A_599 : vector<1x16xf32> to vector<16xf32>
        %mul3A_601 = arith.constant 16 : i32
        %mul3A_602 = arith.muli %scan3A_38, %mul3A_601 : i32
        %add3A_603 = arith.constant 7 : i32
        %add3A_604 = arith.addi %mul3A_602, %add3A_603 : i32
        %swap3A_605 = arith.index_cast %add3A_604 : i32 to index
        %swap3A_606 = arith.constant 48 : index
        %swap3A_607 = tpu.vector_load %arg5[%swap3A_605, %swap3A_606] {strides = array<i32>} : memref<448x64xf32, #tpu.memory_space<vmem>>, vector<1x16xf32>,
        %swap3A_608 = vector.shape_cast %swap3A_607 : vector<1x16xf32> to vector<16xf32>
        %swap3A_609 = vector.shape_cast %get3A_600 : vector<16xf32> to vector<1x16xf32>
        tpu.vector_store %arg5[%swap3A_605, %swap3A_606], %swap3A_609 {strides = array<i32>} : memref<448x64xf32, #tpu.memory_space<vmem>>, vector<1x16xf32>,
        %add3A_610 = arith.constant 8 : i32
        %add3A_611 = arith.addi %add3A_41, %add3A_610 : i32
        %lt3A_612 = arith.constant 4094 : i32
        %lt3A_613 = arith.cmpi slt, %add3A_611, %lt3A_612 : i32
        %lt3A_614 = arith.constant 8186 : i32
        %lt3A_615 = arith.cmpi slt, %add3A_611, %lt3A_614 : i32
        %lt3A_616 = arith.constant 12276 : i32
        %lt3A_617 = arith.cmpi slt, %add3A_611, %lt3A_616 : i32
        %jit3A_618 = arith.constant 2 : i32
        %jit3A_619 = arith.constant 0 : i32
        %select_n3A_620 = arith.select %lt3A_617, %jit3A_618, %jit3A_619 : i32
        %jit3A_621 = arith.constant 1 : i32
        %select_n3A_622 = arith.select %lt3A_615, %jit3A_621, %select_n3A_620 : i32
        %jit3A_623 = arith.constant 0 : i32
        %select_n3A_624 = arith.select %lt3A_613, %jit3A_623, %select_n3A_622 : i32
        %get3A_625 = arith.index_cast %select_n3A_624 : i32 to index
        %get3A_626 = arith.constant 0 : index
        %get3A_627 = tpu.vector_load %arg4[%get3A_625, %get3A_626] {strides = array<i32>} : memref<5x64xf32, #tpu.memory_space<vmem>>, vector<1x16xf32>,
        %get3A_628 = vector.shape_cast %get3A_627 : vector<1x16xf32> to vector<16xf32>
        %mul3A_629 = arith.constant 16 : i32
        %mul3A_630 = arith.muli %scan3A_38, %mul3A_629 : i32
        %add3A_631 = arith.constant 8 : i32
        %add3A_632 = arith.addi %mul3A_630, %add3A_631 : i32
        %swap3A_633 = arith.index_cast %add3A_632 : i32 to index
        %swap3A_634 = arith.constant 0 : index
        %swap3A_635 = tpu.vector_load %arg5[%swap3A_633, %swap3A_634] {strides = array<i32>} : memref<448x64xf32, #tpu.memory_space<vmem>>, vector<1x16xf32>,
        %swap3A_636 = vector.shape_cast %swap3A_635 : vector<1x16xf32> to vector<16xf32>
        %swap3A_637 = vector.shape_cast %get3A_628 : vector<16xf32> to vector<1x16xf32>
        tpu.vector_store %arg5[%swap3A_633, %swap3A_634], %swap3A_637 {strides = array<i32>} : memref<448x64xf32, #tpu.memory_space<vmem>>, vector<1x16xf32>,
        %get3A_638 = arith.index_cast %select_n3A_624 : i32 to index
        %get3A_639 = arith.constant 16 : index
        %get3A_640 = tpu.vector_load %arg4[%get3A_638, %get3A_639] {strides = array<i32>} : memref<5x64xf32, #tpu.memory_space<vmem>>, vector<1x16xf32>,
        %get3A_641 = vector.shape_cast %get3A_640 : vector<1x16xf32> to vector<16xf32>
        %mul3A_642 = arith.constant 16 : i32
        %mul3A_643 = arith.muli %scan3A_38, %mul3A_642 : i32
        %add3A_644 = arith.constant 8 : i32
        %add3A_645 = arith.addi %mul3A_643, %add3A_644 : i32
        %swap3A_646 = arith.index_cast %add3A_645 : i32 to index
        %swap3A_647 = arith.constant 16 : index
        %swap3A_648 = tpu.vector_load %arg5[%swap3A_646, %swap3A_647] {strides = array<i32>} : memref<448x64xf32, #tpu.memory_space<vmem>>, vector<1x16xf32>,
        %swap3A_649 = vector.shape_cast %swap3A_648 : vector<1x16xf32> to vector<16xf32>
        %swap3A_650 = vector.shape_cast %get3A_641 : vector<16xf32> to vector<1x16xf32>
        tpu.vector_store %arg5[%swap3A_646, %swap3A_647], %swap3A_650 {strides = array<i32>} : memref<448x64xf32, #tpu.memory_space<vmem>>, vector<1x16xf32>,
        %get3A_651 = arith.index_cast %select_n3A_624 : i32 to index
        %get3A_652 = arith.constant 32 : index
        %get3A_653 = tpu.vector_load %arg4[%get3A_651, %get3A_652] {strides = array<i32>} : memref<5x64xf32, #tpu.memory_space<vmem>>, vector<1x16xf32>,
        %get3A_654 = vector.shape_cast %get3A_653 : vector<1x16xf32> to vector<16xf32>
        %mul3A_655 = arith.constant 16 : i32
        %mul3A_656 = arith.muli %scan3A_38, %mul3A_655 : i32
        %add3A_657 = arith.constant 8 : i32
        %add3A_658 = arith.addi %mul3A_656, %add3A_657 : i32
        %swap3A_659 = arith.index_cast %add3A_658 : i32 to index
        %swap3A_660 = arith.constant 32 : index
        %swap3A_661 = tpu.vector_load %arg5[%swap3A_659, %swap3A_660] {strides = array<i32>} : memref<448x64xf32, #tpu.memory_space<vmem>>, vector<1x16xf32>,
        %swap3A_662 = vector.shape_cast %swap3A_661 : vector<1x16xf32> to vector<16xf32>
        %swap3A_663 = vector.shape_cast %get3A_654 : vector<16xf32> to vector<1x16xf32>
        tpu.vector_store %arg5[%swap3A_659, %swap3A_660], %swap3A_663 {strides = array<i32>} : memref<448x64xf32, #tpu.memory_space<vmem>>, vector<1x16xf32>,
        %get3A_664 = arith.index_cast %select_n3A_624 : i32 to index
        %get3A_665 = arith.constant 48 : index
        %get3A_666 = tpu.vector_load %arg4[%get3A_664, %get3A_665] {strides = array<i32>} : memref<5x64xf32, #tpu.memory_space<vmem>>, vector<1x16xf32>,
        %get3A_667 = vector.shape_cast %get3A_666 : vector<1x16xf32> to vector<16xf32>
        %mul3A_668 = arith.constant 16 : i32
        %mul3A_669 = arith.muli %scan3A_38, %mul3A_668 : i32
        %add3A_670 = arith.constant 8 : i32
        %add3A_671 = arith.addi %mul3A_669, %add3A_670 : i32
        %swap3A_672 = arith.index_cast %add3A_671 : i32 to index
        %swap3A_673 = arith.constant 48 : index
        %swap3A_674 = tpu.vector_load %arg5[%swap3A_672, %swap3A_673] {strides = array<i32>} : memref<448x64xf32, #tpu.memory_space<vmem>>, vector<1x16xf32>,
        %swap3A_675 = vector.shape_cast %swap3A_674 : vector<1x16xf32> to vector<16xf32>
        %swap3A_676 = vector.shape_cast %get3A_667 : vector<16xf32> to vector<1x16xf32>
        tpu.vector_store %arg5[%swap3A_672, %swap3A_673], %swap3A_676 {strides = array<i32>} : memref<448x64xf32, #tpu.memory_space<vmem>>, vector<1x16xf32>,
        %add3A_677 = arith.constant 9 : i32
        %add3A_678 = arith.addi %add3A_41, %add3A_677 : i32
        %lt3A_679 = arith.constant 4094 : i32
        %lt3A_680 = arith.cmpi slt, %add3A_678, %lt3A_679 : i32
        %lt3A_681 = arith.constant 8186 : i32
        %lt3A_682 = arith.cmpi slt, %add3A_678, %lt3A_681 : i32
        %lt3A_683 = arith.constant 12276 : i32
        %lt3A_684 = arith.cmpi slt, %add3A_678, %lt3A_683 : i32
        %jit3A_685 = arith.constant 2 : i32
        %jit3A_686 = arith.constant 0 : i32
        %select_n3A_687 = arith.select %lt3A_684, %jit3A_685, %jit3A_686 : i32
        %jit3A_688 = arith.constant 1 : i32
        %select_n3A_689 = arith.select %lt3A_682, %jit3A_688, %select_n3A_687 : i32
        %jit3A_690 = arith.constant 0 : i32
        %select_n3A_691 = arith.select %lt3A_680, %jit3A_690, %select_n3A_689 : i32
        %get3A_692 = arith.index_cast %select_n3A_691 : i32 to index
        %get3A_693 = arith.constant 0 : index
        %get3A_694 = tpu.vector_load %arg4[%get3A_692, %get3A_693] {strides = array<i32>} : memref<5x64xf32, #tpu.memory_space<vmem>>, vector<1x16xf32>,
        %get3A_695 = vector.shape_cast %get3A_694 : vector<1x16xf32> to vector<16xf32>
        %mul3A_696 = arith.constant 16 : i32
        %mul3A_697 = arith.muli %scan3A_38, %mul3A_696 : i32
        %add3A_698 = arith.constant 9 : i32
        %add3A_699 = arith.addi %mul3A_697, %add3A_698 : i32
        %swap3A_700 = arith.index_cast %add3A_699 : i32 to index
        %swap3A_701 = arith.constant 0 : index
        %swap3A_702 = tpu.vector_load %arg5[%swap3A_700, %swap3A_701] {strides = array<i32>} : memref<448x64xf32, #tpu.memory_space<vmem>>, vector<1x16xf32>,
        %swap3A_703 = vector.shape_cast %swap3A_702 : vector<1x16xf32> to vector<16xf32>
        %swap3A_704 = vector.shape_cast %get3A_695 : vector<16xf32> to vector<1x16xf32>
        tpu.vector_store %arg5[%swap3A_700, %swap3A_701], %swap3A_704 {strides = array<i32>} : memref<448x64xf32, #tpu.memory_space<vmem>>, vector<1x16xf32>,
        %get3A_705 = arith.index_cast %select_n3A_691 : i32 to index
        %get3A_706 = arith.constant 16 : index
        %get3A_707 = tpu.vector_load %arg4[%get3A_705, %get3A_706] {strides = array<i32>} : memref<5x64xf32, #tpu.memory_space<vmem>>, vector<1x16xf32>,
        %get3A_708 = vector.shape_cast %get3A_707 : vector<1x16xf32> to vector<16xf32>
        %mul3A_709 = arith.constant 16 : i32
        %mul3A_710 = arith.muli %scan3A_38, %mul3A_709 : i32
        %add3A_711 = arith.constant 9 : i32
        %add3A_712 = arith.addi %mul3A_710, %add3A_711 : i32
        %swap3A_713 = arith.index_cast %add3A_712 : i32 to index
        %swap3A_714 = arith.constant 16 : index
        %swap3A_715 = tpu.vector_load %arg5[%swap3A_713, %swap3A_714] {strides = array<i32>} : memref<448x64xf32, #tpu.memory_space<vmem>>, vector<1x16xf32>,
        %swap3A_716 = vector.shape_cast %swap3A_715 : vector<1x16xf32> to vector<16xf32>
        %swap3A_717 = vector.shape_cast %get3A_708 : vector<16xf32> to vector<1x16xf32>
        tpu.vector_store %arg5[%swap3A_713, %swap3A_714], %swap3A_717 {strides = array<i32>} : memref<448x64xf32, #tpu.memory_space<vmem>>, vector<1x16xf32>,
        %get3A_718 = arith.index_cast %select_n3A_691 : i32 to index
        %get3A_719 = arith.constant 32 : index
        %get3A_720 = tpu.vector_load %arg4[%get3A_718, %get3A_719] {strides = array<i32>} : memref<5x64xf32, #tpu.memory_space<vmem>>, vector<1x16xf32>,
        %get3A_721 = vector.shape_cast %get3A_720 : vector<1x16xf32> to vector<16xf32>
        %mul3A_722 = arith.constant 16 : i32
        %mul3A_723 = arith.muli %scan3A_38, %mul3A_722 : i32
        %add3A_724 = arith.constant 9 : i32
        %add3A_725 = arith.addi %mul3A_723, %add3A_724 : i32
        %swap3A_726 = arith.index_cast %add3A_725 : i32 to index
        %swap3A_727 = arith.constant 32 : index
        %swap3A_728 = tpu.vector_load %arg5[%swap3A_726, %swap3A_727] {strides = array<i32>} : memref<448x64xf32, #tpu.memory_space<vmem>>, vector<1x16xf32>,
        %swap3A_729 = vector.shape_cast %swap3A_728 : vector<1x16xf32> to vector<16xf32>
        %swap3A_730 = vector.shape_cast %get3A_721 : vector<16xf32> to vector<1x16xf32>
        tpu.vector_store %arg5[%swap3A_726, %swap3A_727], %swap3A_730 {strides = array<i32>} : memref<448x64xf32, #tpu.memory_space<vmem>>, vector<1x16xf32>,
        %get3A_731 = arith.index_cast %select_n3A_691 : i32 to index
        %get3A_732 = arith.constant 48 : index
        %get3A_733 = tpu.vector_load %arg4[%get3A_731, %get3A_732] {strides = array<i32>} : memref<5x64xf32, #tpu.memory_space<vmem>>, vector<1x16xf32>,
        %get3A_734 = vector.shape_cast %get3A_733 : vector<1x16xf32> to vector<16xf32>
        %mul3A_735 = arith.constant 16 : i32
        %mul3A_736 = arith.muli %scan3A_38, %mul3A_735 : i32
        %add3A_737 = arith.constant 9 : i32
        %add3A_738 = arith.addi %mul3A_736, %add3A_737 : i32
        %swap3A_739 = arith.index_cast %add3A_738 : i32 to index
        %swap3A_740 = arith.constant 48 : index
        %swap3A_741 = tpu.vector_load %arg5[%swap3A_739, %swap3A_740] {strides = array<i32>} : memref<448x64xf32, #tpu.memory_space<vmem>>, vector<1x16xf32>,
        %swap3A_742 = vector.shape_cast %swap3A_741 : vector<1x16xf32> to vector<16xf32>
        %swap3A_743 = vector.shape_cast %get3A_734 : vector<16xf32> to vector<1x16xf32>
        tpu.vector_store %arg5[%swap3A_739, %swap3A_740], %swap3A_743 {strides = array<i32>} : memref<448x64xf32, #tpu.memory_space<vmem>>, vector<1x16xf32>,
        %add3A_744 = arith.constant 10 : i32
        %add3A_745 = arith.addi %add3A_41, %add3A_744 : i32
        %lt3A_746 = arith.constant 4094 : i32
        %lt3A_747 = arith.cmpi slt, %add3A_745, %lt3A_746 : i32
        %lt3A_748 = arith.constant 8186 : i32
        %lt3A_749 = arith.cmpi slt, %add3A_745, %lt3A_748 : i32
        %lt3A_750 = arith.constant 12276 : i32
        %lt3A_751 = arith.cmpi slt, %add3A_745, %lt3A_750 : i32
        %jit3A_752 = arith.constant 2 : i32
        %jit3A_753 = arith.constant 0 : i32
        %select_n3A_754 = arith.select %lt3A_751, %jit3A_752, %jit3A_753 : i32
        %jit3A_755 = arith.constant 1 : i32
        %select_n3A_756 = arith.select %lt3A_749, %jit3A_755, %select_n3A_754 : i32
        %jit3A_757 = arith.constant 0 : i32
        %select_n3A_758 = arith.select %lt3A_747, %jit3A_757, %select_n3A_756 : i32
        %get3A_759 = arith.index_cast %select_n3A_758 : i32 to index
        %get3A_760 = arith.constant 0 : index
        %get3A_761 = tpu.vector_load %arg4[%get3A_759, %get3A_760] {strides = array<i32>} : memref<5x64xf32, #tpu.memory_space<vmem>>, vector<1x16xf32>,
        %get3A_762 = vector.shape_cast %get3A_761 : vector<1x16xf32> to vector<16xf32>
        %mul3A_763 = arith.constant 16 : i32
        %mul3A_764 = arith.muli %scan3A_38, %mul3A_763 : i32
        %add3A_765 = arith.constant 10 : i32
        %add3A_766 = arith.addi %mul3A_764, %add3A_765 : i32
        %swap3A_767 = arith.index_cast %add3A_766 : i32 to index
        %swap3A_768 = arith.constant 0 : index
        %swap3A_769 = tpu.vector_load %arg5[%swap3A_767, %swap3A_768] {strides = array<i32>} : memref<448x64xf32, #tpu.memory_space<vmem>>, vector<1x16xf32>,
        %swap3A_770 = vector.shape_cast %swap3A_769 : vector<1x16xf32> to vector<16xf32>
        %swap3A_771 = vector.shape_cast %get3A_762 : vector<16xf32> to vector<1x16xf32>
        tpu.vector_store %arg5[%swap3A_767, %swap3A_768], %swap3A_771 {strides = array<i32>} : memref<448x64xf32, #tpu.memory_space<vmem>>, vector<1x16xf32>,
        %get3A_772 = arith.index_cast %select_n3A_758 : i32 to index
        %get3A_773 = arith.constant 16 : index
        %get3A_774 = tpu.vector_load %arg4[%get3A_772, %get3A_773] {strides = array<i32>} : memref<5x64xf32, #tpu.memory_space<vmem>>, vector<1x16xf32>,
        %get3A_775 = vector.shape_cast %get3A_774 : vector<1x16xf32> to vector<16xf32>
        %mul3A_776 = arith.constant 16 : i32
        %mul3A_777 = arith.muli %scan3A_38, %mul3A_776 : i32
        %add3A_778 = arith.constant 10 : i32
        %add3A_779 = arith.addi %mul3A_777, %add3A_778 : i32
        %swap3A_780 = arith.index_cast %add3A_779 : i32 to index
        %swap3A_781 = arith.constant 16 : index
        %swap3A_782 = tpu.vector_load %arg5[%swap3A_780, %swap3A_781] {strides = array<i32>} : memref<448x64xf32, #tpu.memory_space<vmem>>, vector<1x16xf32>,
        %swap3A_783 = vector.shape_cast %swap3A_782 : vector<1x16xf32> to vector<16xf32>
        %swap3A_784 = vector.shape_cast %get3A_775 : vector<16xf32> to vector<1x16xf32>
        tpu.vector_store %arg5[%swap3A_780, %swap3A_781], %swap3A_784 {strides = array<i32>} : memref<448x64xf32, #tpu.memory_space<vmem>>, vector<1x16xf32>,
        %get3A_785 = arith.index_cast %select_n3A_758 : i32 to index
        %get3A_786 = arith.constant 32 : index
        %get3A_787 = tpu.vector_load %arg4[%get3A_785, %get3A_786] {strides = array<i32>} : memref<5x64xf32, #tpu.memory_space<vmem>>, vector<1x16xf32>,
        %get3A_788 = vector.shape_cast %get3A_787 : vector<1x16xf32> to vector<16xf32>
        %mul3A_789 = arith.constant 16 : i32
        %mul3A_790 = arith.muli %scan3A_38, %mul3A_789 : i32
        %add3A_791 = arith.constant 10 : i32
        %add3A_792 = arith.addi %mul3A_790, %add3A_791 : i32
        %swap3A_793 = arith.index_cast %add3A_792 : i32 to index
        %swap3A_794 = arith.constant 32 : index
        %swap3A_795 = tpu.vector_load %arg5[%swap3A_793, %swap3A_794] {strides = array<i32>} : memref<448x64xf32, #tpu.memory_space<vmem>>, vector<1x16xf32>,
        %swap3A_796 = vector.shape_cast %swap3A_795 : vector<1x16xf32> to vector<16xf32>
        %swap3A_797 = vector.shape_cast %get3A_788 : vector<16xf32> to vector<1x16xf32>
        tpu.vector_store %arg5[%swap3A_793, %swap3A_794], %swap3A_797 {strides = array<i32>} : memref<448x64xf32, #tpu.memory_space<vmem>>, vector<1x16xf32>,
        %get3A_798 = arith.index_cast %select_n3A_758 : i32 to index
        %get3A_799 = arith.constant 48 : index
        %get3A_800 = tpu.vector_load %arg4[%get3A_798, %get3A_799] {strides = array<i32>} : memref<5x64xf32, #tpu.memory_space<vmem>>, vector<1x16xf32>,
        %get3A_801 = vector.shape_cast %get3A_800 : vector<1x16xf32> to vector<16xf32>
        %mul3A_802 = arith.constant 16 : i32
        %mul3A_803 = arith.muli %scan3A_38, %mul3A_802 : i32
        %add3A_804 = arith.constant 10 : i32
        %add3A_805 = arith.addi %mul3A_803, %add3A_804 : i32
        %swap3A_806 = arith.index_cast %add3A_805 : i32 to index
        %swap3A_807 = arith.constant 48 : index
        %swap3A_808 = tpu.vector_load %arg5[%swap3A_806, %swap3A_807] {strides = array<i32>} : memref<448x64xf32, #tpu.memory_space<vmem>>, vector<1x16xf32>,
        %swap3A_809 = vector.shape_cast %swap3A_808 : vector<1x16xf32> to vector<16xf32>
        %swap3A_810 = vector.shape_cast %get3A_801 : vector<16xf32> to vector<1x16xf32>
        tpu.vector_store %arg5[%swap3A_806, %swap3A_807], %swap3A_810 {strides = array<i32>} : memref<448x64xf32, #tpu.memory_space<vmem>>, vector<1x16xf32>,
        %add3A_811 = arith.constant 11 : i32
        %add3A_812 = arith.addi %add3A_41, %add3A_811 : i32
        %lt3A_813 = arith.constant 4094 : i32
        %lt3A_814 = arith.cmpi slt, %add3A_812, %lt3A_813 : i32
        %lt3A_815 = arith.constant 8186 : i32
        %lt3A_816 = arith.cmpi slt, %add3A_812, %lt3A_815 : i32
        %lt3A_817 = arith.constant 12276 : i32
        %lt3A_818 = arith.cmpi slt, %add3A_812, %lt3A_817 : i32
        %jit3A_819 = arith.constant 2 : i32
        %jit3A_820 = arith.constant 0 : i32
        %select_n3A_821 = arith.select %lt3A_818, %jit3A_819, %jit3A_820 : i32
        %jit3A_822 = arith.constant 1 : i32
        %select_n3A_823 = arith.select %lt3A_816, %jit3A_822, %select_n3A_821 : i32
        %jit3A_824 = arith.constant 0 : i32
        %select_n3A_825 = arith.select %lt3A_814, %jit3A_824, %select_n3A_823 : i32
        %get3A_826 = arith.index_cast %select_n3A_825 : i32 to index
        %get3A_827 = arith.constant 0 : index
        %get3A_828 = tpu.vector_load %arg4[%get3A_826, %get3A_827] {strides = array<i32>} : memref<5x64xf32, #tpu.memory_space<vmem>>, vector<1x16xf32>,
        %get3A_829 = vector.shape_cast %get3A_828 : vector<1x16xf32> to vector<16xf32>
        %mul3A_830 = arith.constant 16 : i32
        %mul3A_831 = arith.muli %scan3A_38, %mul3A_830 : i32
        %add3A_832 = arith.constant 11 : i32
        %add3A_833 = arith.addi %mul3A_831, %add3A_832 : i32
        %swap3A_834 = arith.index_cast %add3A_833 : i32 to index
        %swap3A_835 = arith.constant 0 : index
        %swap3A_836 = tpu.vector_load %arg5[%swap3A_834, %swap3A_835] {strides = array<i32>} : memref<448x64xf32, #tpu.memory_space<vmem>>, vector<1x16xf32>,
        %swap3A_837 = vector.shape_cast %swap3A_836 : vector<1x16xf32> to vector<16xf32>
        %swap3A_838 = vector.shape_cast %get3A_829 : vector<16xf32> to vector<1x16xf32>
        tpu.vector_store %arg5[%swap3A_834, %swap3A_835], %swap3A_838 {strides = array<i32>} : memref<448x64xf32, #tpu.memory_space<vmem>>, vector<1x16xf32>,
        %get3A_839 = arith.index_cast %select_n3A_825 : i32 to index
        %get3A_840 = arith.constant 16 : index
        %get3A_841 = tpu.vector_load %arg4[%get3A_839, %get3A_840] {strides = array<i32>} : memref<5x64xf32, #tpu.memory_space<vmem>>, vector<1x16xf32>,
        %get3A_842 = vector.shape_cast %get3A_841 : vector<1x16xf32> to vector<16xf32>
        %mul3A_843 = arith.constant 16 : i32
        %mul3A_844 = arith.muli %scan3A_38, %mul3A_843 : i32
        %add3A_845 = arith.constant 11 : i32
        %add3A_846 = arith.addi %mul3A_844, %add3A_845 : i32
        %swap3A_847 = arith.index_cast %add3A_846 : i32 to index
        %swap3A_848 = arith.constant 16 : index
        %swap3A_849 = tpu.vector_load %arg5[%swap3A_847, %swap3A_848] {strides = array<i32>} : memref<448x64xf32, #tpu.memory_space<vmem>>, vector<1x16xf32>,
        %swap3A_850 = vector.shape_cast %swap3A_849 : vector<1x16xf32> to vector<16xf32>
        %swap3A_851 = vector.shape_cast %get3A_842 : vector<16xf32> to vector<1x16xf32>
        tpu.vector_store %arg5[%swap3A_847, %swap3A_848], %swap3A_851 {strides = array<i32>} : memref<448x64xf32, #tpu.memory_space<vmem>>, vector<1x16xf32>,
        %get3A_852 = arith.index_cast %select_n3A_825 : i32 to index
        %get3A_853 = arith.constant 32 : index
        %get3A_854 = tpu.vector_load %arg4[%get3A_852, %get3A_853] {strides = array<i32>} : memref<5x64xf32, #tpu.memory_space<vmem>>, vector<1x16xf32>,
        %get3A_855 = vector.shape_cast %get3A_854 : vector<1x16xf32> to vector<16xf32>
        %mul3A_856 = arith.constant 16 : i32
        %mul3A_857 = arith.muli %scan3A_38, %mul3A_856 : i32
        %add3A_858 = arith.constant 11 : i32
        %add3A_859 = arith.addi %mul3A_857, %add3A_858 : i32
        %swap3A_860 = arith.index_cast %add3A_859 : i32 to index
        %swap3A_861 = arith.constant 32 : index
        %swap3A_862 = tpu.vector_load %arg5[%swap3A_860, %swap3A_861] {strides = array<i32>} : memref<448x64xf32, #tpu.memory_space<vmem>>, vector<1x16xf32>,
        %swap3A_863 = vector.shape_cast %swap3A_862 : vector<1x16xf32> to vector<16xf32>
        %swap3A_864 = vector.shape_cast %get3A_855 : vector<16xf32> to vector<1x16xf32>
        tpu.vector_store %arg5[%swap3A_860, %swap3A_861], %swap3A_864 {strides = array<i32>} : memref<448x64xf32, #tpu.memory_space<vmem>>, vector<1x16xf32>,
        %get3A_865 = arith.index_cast %select_n3A_825 : i32 to index
        %get3A_866 = arith.constant 48 : index
        %get3A_867 = tpu.vector_load %arg4[%get3A_865, %get3A_866] {strides = array<i32>} : memref<5x64xf32, #tpu.memory_space<vmem>>, vector<1x16xf32>,
        %get3A_868 = vector.shape_cast %get3A_867 : vector<1x16xf32> to vector<16xf32>
        %mul3A_869 = arith.constant 16 : i32
        %mul3A_870 = arith.muli %scan3A_38, %mul3A_869 : i32
        %add3A_871 = arith.constant 11 : i32
        %add3A_872 = arith.addi %mul3A_870, %add3A_871 : i32
        %swap3A_873 = arith.index_cast %add3A_872 : i32 to index
        %swap3A_874 = arith.constant 48 : index
        %swap3A_875 = tpu.vector_load %arg5[%swap3A_873, %swap3A_874] {strides = array<i32>} : memref<448x64xf32, #tpu.memory_space<vmem>>, vector<1x16xf32>,
        %swap3A_876 = vector.shape_cast %swap3A_875 : vector<1x16xf32> to vector<16xf32>
        %swap3A_877 = vector.shape_cast %get3A_868 : vector<16xf32> to vector<1x16xf32>
        tpu.vector_store %arg5[%swap3A_873, %swap3A_874], %swap3A_877 {strides = array<i32>} : memref<448x64xf32, #tpu.memory_space<vmem>>, vector<1x16xf32>,
        %add3A_878 = arith.constant 12 : i32
        %add3A_879 = arith.addi %add3A_41, %add3A_878 : i32
        %lt3A_880 = arith.constant 4094 : i32
        %lt3A_881 = arith.cmpi slt, %add3A_879, %lt3A_880 : i32
        %lt3A_882 = arith.constant 8186 : i32
        %lt3A_883 = arith.cmpi slt, %add3A_879, %lt3A_882 : i32
        %lt3A_884 = arith.constant 12276 : i32
        %lt3A_885 = arith.cmpi slt, %add3A_879, %lt3A_884 : i32
        %jit3A_886 = arith.constant 2 : i32
        %jit3A_887 = arith.constant 0 : i32
        %select_n3A_888 = arith.select %lt3A_885, %jit3A_886, %jit3A_887 : i32
        %jit3A_889 = arith.constant 1 : i32
        %select_n3A_890 = arith.select %lt3A_883, %jit3A_889, %select_n3A_888 : i32
        %jit3A_891 = arith.constant 0 : i32
        %select_n3A_892 = arith.select %lt3A_881, %jit3A_891, %select_n3A_890 : i32
        %get3A_893 = arith.index_cast %select_n3A_892 : i32 to index
        %get3A_894 = arith.constant 0 : index
        %get3A_895 = tpu.vector_load %arg4[%get3A_893, %get3A_894] {strides = array<i32>} : memref<5x64xf32, #tpu.memory_space<vmem>>, vector<1x16xf32>,
        %get3A_896 = vector.shape_cast %get3A_895 : vector<1x16xf32> to vector<16xf32>
        %mul3A_897 = arith.constant 16 : i32
        %mul3A_898 = arith.muli %scan3A_38, %mul3A_897 : i32
        %add3A_899 = arith.constant 12 : i32
        %add3A_900 = arith.addi %mul3A_898, %add3A_899 : i32
        %swap3A_901 = arith.index_cast %add3A_900 : i32 to index
        %swap3A_902 = arith.constant 0 : index
        %swap3A_903 = tpu.vector_load %arg5[%swap3A_901, %swap3A_902] {strides = array<i32>} : memref<448x64xf32, #tpu.memory_space<vmem>>, vector<1x16xf32>,
        %swap3A_904 = vector.shape_cast %swap3A_903 : vector<1x16xf32> to vector<16xf32>
        %swap3A_905 = vector.shape_cast %get3A_896 : vector<16xf32> to vector<1x16xf32>
        tpu.vector_store %arg5[%swap3A_901, %swap3A_902], %swap3A_905 {strides = array<i32>} : memref<448x64xf32, #tpu.memory_space<vmem>>, vector<1x16xf32>,
        %get3A_906 = arith.index_cast %select_n3A_892 : i32 to index
        %get3A_907 = arith.constant 16 : index
        %get3A_908 = tpu.vector_load %arg4[%get3A_906, %get3A_907] {strides = array<i32>} : memref<5x64xf32, #tpu.memory_space<vmem>>, vector<1x16xf32>,
        %get3A_909 = vector.shape_cast %get3A_908 : vector<1x16xf32> to vector<16xf32>
        %mul3A_910 = arith.constant 16 : i32
        %mul3A_911 = arith.muli %scan3A_38, %mul3A_910 : i32
        %add3A_912 = arith.constant 12 : i32
        %add3A_913 = arith.addi %mul3A_911, %add3A_912 : i32
        %swap3A_914 = arith.index_cast %add3A_913 : i32 to index
        %swap3A_915 = arith.constant 16 : index
        %swap3A_916 = tpu.vector_load %arg5[%swap3A_914, %swap3A_915] {strides = array<i32>} : memref<448x64xf32, #tpu.memory_space<vmem>>, vector<1x16xf32>,
        %swap3A_917 = vector.shape_cast %swap3A_916 : vector<1x16xf32> to vector<16xf32>
        %swap3A_918 = vector.shape_cast %get3A_909 : vector<16xf32> to vector<1x16xf32>
        tpu.vector_store %arg5[%swap3A_914, %swap3A_915], %swap3A_918 {strides = array<i32>} : memref<448x64xf32, #tpu.memory_space<vmem>>, vector<1x16xf32>,
        %get3A_919 = arith.index_cast %select_n3A_892 : i32 to index
        %get3A_920 = arith.constant 32 : index
        %get3A_921 = tpu.vector_load %arg4[%get3A_919, %get3A_920] {strides = array<i32>} : memref<5x64xf32, #tpu.memory_space<vmem>>, vector<1x16xf32>,
        %get3A_922 = vector.shape_cast %get3A_921 : vector<1x16xf32> to vector<16xf32>
        %mul3A_923 = arith.constant 16 : i32
        %mul3A_924 = arith.muli %scan3A_38, %mul3A_923 : i32
        %add3A_925 = arith.constant 12 : i32
        %add3A_926 = arith.addi %mul3A_924, %add3A_925 : i32
        %swap3A_927 = arith.index_cast %add3A_926 : i32 to index
        %swap3A_928 = arith.constant 32 : index
        %swap3A_929 = tpu.vector_load %arg5[%swap3A_927, %swap3A_928] {strides = array<i32>} : memref<448x64xf32, #tpu.memory_space<vmem>>, vector<1x16xf32>,
        %swap3A_930 = vector.shape_cast %swap3A_929 : vector<1x16xf32> to vector<16xf32>
        %swap3A_931 = vector.shape_cast %get3A_922 : vector<16xf32> to vector<1x16xf32>
        tpu.vector_store %arg5[%swap3A_927, %swap3A_928], %swap3A_931 {strides = array<i32>} : memref<448x64xf32, #tpu.memory_space<vmem>>, vector<1x16xf32>,
        %get3A_932 = arith.index_cast %select_n3A_892 : i32 to index
        %get3A_933 = arith.constant 48 : index
        %get3A_934 = tpu.vector_load %arg4[%get3A_932, %get3A_933] {strides = array<i32>} : memref<5x64xf32, #tpu.memory_space<vmem>>, vector<1x16xf32>,
        %get3A_935 = vector.shape_cast %get3A_934 : vector<1x16xf32> to vector<16xf32>
        %mul3A_936 = arith.constant 16 : i32
        %mul3A_937 = arith.muli %scan3A_38, %mul3A_936 : i32
        %add3A_938 = arith.constant 12 : i32
        %add3A_939 = arith.addi %mul3A_937, %add3A_938 : i32
        %swap3A_940 = arith.index_cast %add3A_939 : i32 to index
        %swap3A_941 = arith.constant 48 : index
        %swap3A_942 = tpu.vector_load %arg5[%swap3A_940, %swap3A_941] {strides = array<i32>} : memref<448x64xf32, #tpu.memory_space<vmem>>, vector<1x16xf32>,
        %swap3A_943 = vector.shape_cast %swap3A_942 : vector<1x16xf32> to vector<16xf32>
        %swap3A_944 = vector.shape_cast %get3A_935 : vector<16xf32> to vector<1x16xf32>
        tpu.vector_store %arg5[%swap3A_940, %swap3A_941], %swap3A_944 {strides = array<i32>} : memref<448x64xf32, #tpu.memory_space<vmem>>, vector<1x16xf32>,
        %add3A_945 = arith.constant 13 : i32
        %add3A_946 = arith.addi %add3A_41, %add3A_945 : i32
        %lt3A_947 = arith.constant 4094 : i32
        %lt3A_948 = arith.cmpi slt, %add3A_946, %lt3A_947 : i32
        %lt3A_949 = arith.constant 8186 : i32
        %lt3A_950 = arith.cmpi slt, %add3A_946, %lt3A_949 : i32
        %lt3A_951 = arith.constant 12276 : i32
        %lt3A_952 = arith.cmpi slt, %add3A_946, %lt3A_951 : i32
        %jit3A_953 = arith.constant 2 : i32
        %jit3A_954 = arith.constant 0 : i32
        %select_n3A_955 = arith.select %lt3A_952, %jit3A_953, %jit3A_954 : i32
        %jit3A_956 = arith.constant 1 : i32
        %select_n3A_957 = arith.select %lt3A_950, %jit3A_956, %select_n3A_955 : i32
        %jit3A_958 = arith.constant 0 : i32
        %select_n3A_959 = arith.select %lt3A_948, %jit3A_958, %select_n3A_957 : i32
        %get3A_960 = arith.index_cast %select_n3A_959 : i32 to index
        %get3A_961 = arith.constant 0 : index
        %get3A_962 = tpu.vector_load %arg4[%get3A_960, %get3A_961] {strides = array<i32>} : memref<5x64xf32, #tpu.memory_space<vmem>>, vector<1x16xf32>,
        %get3A_963 = vector.shape_cast %get3A_962 : vector<1x16xf32> to vector<16xf32>
        %mul3A_964 = arith.constant 16 : i32
        %mul3A_965 = arith.muli %scan3A_38, %mul3A_964 : i32
        %add3A_966 = arith.constant 13 : i32
        %add3A_967 = arith.addi %mul3A_965, %add3A_966 : i32
        %swap3A_968 = arith.index_cast %add3A_967 : i32 to index
        %swap3A_969 = arith.constant 0 : index
        %swap3A_970 = tpu.vector_load %arg5[%swap3A_968, %swap3A_969] {strides = array<i32>} : memref<448x64xf32, #tpu.memory_space<vmem>>, vector<1x16xf32>,
        %swap3A_971 = vector.shape_cast %swap3A_970 : vector<1x16xf32> to vector<16xf32>
        %swap3A_972 = vector.shape_cast %get3A_963 : vector<16xf32> to vector<1x16xf32>
        tpu.vector_store %arg5[%swap3A_968, %swap3A_969], %swap3A_972 {strides = array<i32>} : memref<448x64xf32, #tpu.memory_space<vmem>>, vector<1x16xf32>,
        %get3A_973 = arith.index_cast %select_n3A_959 : i32 to index
        %get3A_974 = arith.constant 16 : index
        %get3A_975 = tpu.vector_load %arg4[%get3A_973, %get3A_974] {strides = array<i32>} : memref<5x64xf32, #tpu.memory_space<vmem>>, vector<1x16xf32>,
        %get3A_976 = vector.shape_cast %get3A_975 : vector<1x16xf32> to vector<16xf32>
        %mul3A_977 = arith.constant 16 : i32
        %mul3A_978 = arith.muli %scan3A_38, %mul3A_977 : i32
        %add3A_979 = arith.constant 13 : i32
        %add3A_980 = arith.addi %mul3A_978, %add3A_979 : i32
        %swap3A_981 = arith.index_cast %add3A_980 : i32 to index
        %swap3A_982 = arith.constant 16 : index
        %swap3A_983 = tpu.vector_load %arg5[%swap3A_981, %swap3A_982] {strides = array<i32>} : memref<448x64xf32, #tpu.memory_space<vmem>>, vector<1x16xf32>,
        %swap3A_984 = vector.shape_cast %swap3A_983 : vector<1x16xf32> to vector<16xf32>
        %swap3A_985 = vector.shape_cast %get3A_976 : vector<16xf32> to vector<1x16xf32>
        tpu.vector_store %arg5[%swap3A_981, %swap3A_982], %swap3A_985 {strides = array<i32>} : memref<448x64xf32, #tpu.memory_space<vmem>>, vector<1x16xf32>,
        %get3A_986 = arith.index_cast %select_n3A_959 : i32 to index
        %get3A_987 = arith.constant 32 : index
        %get3A_988 = tpu.vector_load %arg4[%get3A_986, %get3A_987] {strides = array<i32>} : memref<5x64xf32, #tpu.memory_space<vmem>>, vector<1x16xf32>,
        %get3A_989 = vector.shape_cast %get3A_988 : vector<1x16xf32> to vector<16xf32>
        %mul3A_990 = arith.constant 16 : i32
        %mul3A_991 = arith.muli %scan3A_38, %mul3A_990 : i32
        %add3A_992 = arith.constant 13 : i32
        %add3A_993 = arith.addi %mul3A_991, %add3A_992 : i32
        %swap3A_994 = arith.index_cast %add3A_993 : i32 to index
        %swap3A_995 = arith.constant 32 : index
        %swap3A_996 = tpu.vector_load %arg5[%swap3A_994, %swap3A_995] {strides = array<i32>} : memref<448x64xf32, #tpu.memory_space<vmem>>, vector<1x16xf32>,
        %swap3A_997 = vector.shape_cast %swap3A_996 : vector<1x16xf32> to vector<16xf32>
        %swap3A_998 = vector.shape_cast %get3A_989 : vector<16xf32> to vector<1x16xf32>
        tpu.vector_store %arg5[%swap3A_994, %swap3A_995], %swap3A_998 {strides = array<i32>} : memref<448x64xf32, #tpu.memory_space<vmem>>, vector<1x16xf32>,
        %get3A_999 = arith.index_cast %select_n3A_959 : i32 to index
        %get3A_1000 = arith.constant 48 : index
        %get3A_1001 = tpu.vector_load %arg4[%get3A_999, %get3A_1000] {strides = array<i32>} : memref<5x64xf32, #tpu.memory_space<vmem>>, vector<1x16xf32>,
        %get3A_1002 = vector.shape_cast %get3A_1001 : vector<1x16xf32> to vector<16xf32>
        %mul3A_1003 = arith.constant 16 : i32
        %mul3A_1004 = arith.muli %scan3A_38, %mul3A_1003 : i32
        %add3A_1005 = arith.constant 13 : i32
        %add3A_1006 = arith.addi %mul3A_1004, %add3A_1005 : i32
        %swap3A_1007 = arith.index_cast %add3A_1006 : i32 to index
        %swap3A_1008 = arith.constant 48 : index
        %swap3A_1009 = tpu.vector_load %arg5[%swap3A_1007, %swap3A_1008] {strides = array<i32>} : memref<448x64xf32, #tpu.memory_space<vmem>>, vector<1x16xf32>,
        %swap3A_1010 = vector.shape_cast %swap3A_1009 : vector<1x16xf32> to vector<16xf32>
        %swap3A_1011 = vector.shape_cast %get3A_1002 : vector<16xf32> to vector<1x16xf32>
        tpu.vector_store %arg5[%swap3A_1007, %swap3A_1008], %swap3A_1011 {strides = array<i32>} : memref<448x64xf32, #tpu.memory_space<vmem>>, vector<1x16xf32>,
        %add3A_1012 = arith.constant 14 : i32
        %add3A_1013 = arith.addi %add3A_41, %add3A_1012 : i32
        %lt3A_1014 = arith.constant 4094 : i32
        %lt3A_1015 = arith.cmpi slt, %add3A_1013, %lt3A_1014 : i32
        %lt3A_1016 = arith.constant 8186 : i32
        %lt3A_1017 = arith.cmpi slt, %add3A_1013, %lt3A_1016 : i32
        %lt3A_1018 = arith.constant 12276 : i32
        %lt3A_1019 = arith.cmpi slt, %add3A_1013, %lt3A_1018 : i32
        %jit3A_1020 = arith.constant 2 : i32
        %jit3A_1021 = arith.constant 0 : i32
        %select_n3A_1022 = arith.select %lt3A_1019, %jit3A_1020, %jit3A_1021 : i32
        %jit3A_1023 = arith.constant 1 : i32
        %select_n3A_1024 = arith.select %lt3A_1017, %jit3A_1023, %select_n3A_1022 : i32
        %jit3A_1025 = arith.constant 0 : i32
        %select_n3A_1026 = arith.select %lt3A_1015, %jit3A_1025, %select_n3A_1024 : i32
        %get3A_1027 = arith.index_cast %select_n3A_1026 : i32 to index
        %get3A_1028 = arith.constant 0 : index
        %get3A_1029 = tpu.vector_load %arg4[%get3A_1027, %get3A_1028] {strides = array<i32>} : memref<5x64xf32, #tpu.memory_space<vmem>>, vector<1x16xf32>,
        %get3A_1030 = vector.shape_cast %get3A_1029 : vector<1x16xf32> to vector<16xf32>
        %mul3A_1031 = arith.constant 16 : i32
        %mul3A_1032 = arith.muli %scan3A_38, %mul3A_1031 : i32
        %add3A_1033 = arith.constant 14 : i32
        %add3A_1034 = arith.addi %mul3A_1032, %add3A_1033 : i32
        %swap3A_1035 = arith.index_cast %add3A_1034 : i32 to index
        %swap3A_1036 = arith.constant 0 : index
        %swap3A_1037 = tpu.vector_load %arg5[%swap3A_1035, %swap3A_1036] {strides = array<i32>} : memref<448x64xf32, #tpu.memory_space<vmem>>, vector<1x16xf32>,
        %swap3A_1038 = vector.shape_cast %swap3A_1037 : vector<1x16xf32> to vector<16xf32>
        %swap3A_1039 = vector.shape_cast %get3A_1030 : vector<16xf32> to vector<1x16xf32>
        tpu.vector_store %arg5[%swap3A_1035, %swap3A_1036], %swap3A_1039 {strides = array<i32>} : memref<448x64xf32, #tpu.memory_space<vmem>>, vector<1x16xf32>,
        %get3A_1040 = arith.index_cast %select_n3A_1026 : i32 to index
        %get3A_1041 = arith.constant 16 : index
        %get3A_1042 = tpu.vector_load %arg4[%get3A_1040, %get3A_1041] {strides = array<i32>} : memref<5x64xf32, #tpu.memory_space<vmem>>, vector<1x16xf32>,
        %get3A_1043 = vector.shape_cast %get3A_1042 : vector<1x16xf32> to vector<16xf32>
        %mul3A_1044 = arith.constant 16 : i32
        %mul3A_1045 = arith.muli %scan3A_38, %mul3A_1044 : i32
        %add3A_1046 = arith.constant 14 : i32
        %add3A_1047 = arith.addi %mul3A_1045, %add3A_1046 : i32
        %swap3A_1048 = arith.index_cast %add3A_1047 : i32 to index
        %swap3A_1049 = arith.constant 16 : index
        %swap3A_1050 = tpu.vector_load %arg5[%swap3A_1048, %swap3A_1049] {strides = array<i32>} : memref<448x64xf32, #tpu.memory_space<vmem>>, vector<1x16xf32>,
        %swap3A_1051 = vector.shape_cast %swap3A_1050 : vector<1x16xf32> to vector<16xf32>
        %swap3A_1052 = vector.shape_cast %get3A_1043 : vector<16xf32> to vector<1x16xf32>
        tpu.vector_store %arg5[%swap3A_1048, %swap3A_1049], %swap3A_1052 {strides = array<i32>} : memref<448x64xf32, #tpu.memory_space<vmem>>, vector<1x16xf32>,
        %get3A_1053 = arith.index_cast %select_n3A_1026 : i32 to index
        %get3A_1054 = arith.constant 32 : index
        %get3A_1055 = tpu.vector_load %arg4[%get3A_1053, %get3A_1054] {strides = array<i32>} : memref<5x64xf32, #tpu.memory_space<vmem>>, vector<1x16xf32>,
        %get3A_1056 = vector.shape_cast %get3A_1055 : vector<1x16xf32> to vector<16xf32>
        %mul3A_1057 = arith.constant 16 : i32
        %mul3A_1058 = arith.muli %scan3A_38, %mul3A_1057 : i32
        %add3A_1059 = arith.constant 14 : i32
        %add3A_1060 = arith.addi %mul3A_1058, %add3A_1059 : i32
        %swap3A_1061 = arith.index_cast %add3A_1060 : i32 to index
        %swap3A_1062 = arith.constant 32 : index
        %swap3A_1063 = tpu.vector_load %arg5[%swap3A_1061, %swap3A_1062] {strides = array<i32>} : memref<448x64xf32, #tpu.memory_space<vmem>>, vector<1x16xf32>,
        %swap3A_1064 = vector.shape_cast %swap3A_1063 : vector<1x16xf32> to vector<16xf32>
        %swap3A_1065 = vector.shape_cast %get3A_1056 : vector<16xf32> to vector<1x16xf32>
        tpu.vector_store %arg5[%swap3A_1061, %swap3A_1062], %swap3A_1065 {strides = array<i32>} : memref<448x64xf32, #tpu.memory_space<vmem>>, vector<1x16xf32>,
        %get3A_1066 = arith.index_cast %select_n3A_1026 : i32 to index
        %get3A_1067 = arith.constant 48 : index
        %get3A_1068 = tpu.vector_load %arg4[%get3A_1066, %get3A_1067] {strides = array<i32>} : memref<5x64xf32, #tpu.memory_space<vmem>>, vector<1x16xf32>,
        %get3A_1069 = vector.shape_cast %get3A_1068 : vector<1x16xf32> to vector<16xf32>
        %mul3A_1070 = arith.constant 16 : i32
        %mul3A_1071 = arith.muli %scan3A_38, %mul3A_1070 : i32
        %add3A_1072 = arith.constant 14 : i32
        %add3A_1073 = arith.addi %mul3A_1071, %add3A_1072 : i32
        %swap3A_1074 = arith.index_cast %add3A_1073 : i32 to index
        %swap3A_1075 = arith.constant 48 : index
        %swap3A_1076 = tpu.vector_load %arg5[%swap3A_1074, %swap3A_1075] {strides = array<i32>} : memref<448x64xf32, #tpu.memory_space<vmem>>, vector<1x16xf32>,
        %swap3A_1077 = vector.shape_cast %swap3A_1076 : vector<1x16xf32> to vector<16xf32>
        %swap3A_1078 = vector.shape_cast %get3A_1069 : vector<16xf32> to vector<1x16xf32>
        tpu.vector_store %arg5[%swap3A_1074, %swap3A_1075], %swap3A_1078 {strides = array<i32>} : memref<448x64xf32, #tpu.memory_space<vmem>>, vector<1x16xf32>,
        %add3A_1079 = arith.constant 15 : i32
        %add3A_1080 = arith.addi %add3A_41, %add3A_1079 : i32
        %lt3A_1081 = arith.constant 4094 : i32
        %lt3A_1082 = arith.cmpi slt, %add3A_1080, %lt3A_1081 : i32
        %lt3A_1083 = arith.constant 8186 : i32
        %lt3A_1084 = arith.cmpi slt, %add3A_1080, %lt3A_1083 : i32
        %lt3A_1085 = arith.constant 12276 : i32
        %lt3A_1086 = arith.cmpi slt, %add3A_1080, %lt3A_1085 : i32
        %jit3A_1087 = arith.constant 2 : i32
        %jit3A_1088 = arith.constant 0 : i32
        %select_n3A_1089 = arith.select %lt3A_1086, %jit3A_1087, %jit3A_1088 : i32
        %jit3A_1090 = arith.constant 1 : i32
        %select_n3A_1091 = arith.select %lt3A_1084, %jit3A_1090, %select_n3A_1089 : i32
        %jit3A_1092 = arith.constant 0 : i32
        %select_n3A_1093 = arith.select %lt3A_1082, %jit3A_1092, %select_n3A_1091 : i32
        %get3A_1094 = arith.index_cast %select_n3A_1093 : i32 to index
        %get3A_1095 = arith.constant 0 : index
        %get3A_1096 = tpu.vector_load %arg4[%get3A_1094, %get3A_1095] {strides = array<i32>} : memref<5x64xf32, #tpu.memory_space<vmem>>, vector<1x16xf32>,
        %get3A_1097 = vector.shape_cast %get3A_1096 : vector<1x16xf32> to vector<16xf32>
        %mul3A_1098 = arith.constant 16 : i32
        %mul3A_1099 = arith.muli %scan3A_38, %mul3A_1098 : i32
        %add3A_1100 = arith.constant 15 : i32
        %add3A_1101 = arith.addi %mul3A_1099, %add3A_1100 : i32
        %swap3A_1102 = arith.index_cast %add3A_1101 : i32 to index
        %swap3A_1103 = arith.constant 0 : index
        %swap3A_1104 = tpu.vector_load %arg5[%swap3A_1102, %swap3A_1103] {strides = array<i32>} : memref<448x64xf32, #tpu.memory_space<vmem>>, vector<1x16xf32>,
        %swap3A_1105 = vector.shape_cast %swap3A_1104 : vector<1x16xf32> to vector<16xf32>
        %swap3A_1106 = vector.shape_cast %get3A_1097 : vector<16xf32> to vector<1x16xf32>
        tpu.vector_store %arg5[%swap3A_1102, %swap3A_1103], %swap3A_1106 {strides = array<i32>} : memref<448x64xf32, #tpu.memory_space<vmem>>, vector<1x16xf32>,
        %get3A_1107 = arith.index_cast %select_n3A_1093 : i32 to index
        %get3A_1108 = arith.constant 16 : index
        %get3A_1109 = tpu.vector_load %arg4[%get3A_1107, %get3A_1108] {strides = array<i32>} : memref<5x64xf32, #tpu.memory_space<vmem>>, vector<1x16xf32>,
        %get3A_1110 = vector.shape_cast %get3A_1109 : vector<1x16xf32> to vector<16xf32>
        %mul3A_1111 = arith.constant 16 : i32
        %mul3A_1112 = arith.muli %scan3A_38, %mul3A_1111 : i32
        %add3A_1113 = arith.constant 15 : i32
        %add3A_1114 = arith.addi %mul3A_1112, %add3A_1113 : i32
        %swap3A_1115 = arith.index_cast %add3A_1114 : i32 to index
        %swap3A_1116 = arith.constant 16 : index
        %swap3A_1117 = tpu.vector_load %arg5[%swap3A_1115, %swap3A_1116] {strides = array<i32>} : memref<448x64xf32, #tpu.memory_space<vmem>>, vector<1x16xf32>,
        %swap3A_1118 = vector.shape_cast %swap3A_1117 : vector<1x16xf32> to vector<16xf32>
        %swap3A_1119 = vector.shape_cast %get3A_1110 : vector<16xf32> to vector<1x16xf32>
        tpu.vector_store %arg5[%swap3A_1115, %swap3A_1116], %swap3A_1119 {strides = array<i32>} : memref<448x64xf32, #tpu.memory_space<vmem>>, vector<1x16xf32>,
        %get3A_1120 = arith.index_cast %select_n3A_1093 : i32 to index
        %get3A_1121 = arith.constant 32 : index
        %get3A_1122 = tpu.vector_load %arg4[%get3A_1120, %get3A_1121] {strides = array<i32>} : memref<5x64xf32, #tpu.memory_space<vmem>>, vector<1x16xf32>,
        %get3A_1123 = vector.shape_cast %get3A_1122 : vector<1x16xf32> to vector<16xf32>
        %mul3A_1124 = arith.constant 16 : i32
        %mul3A_1125 = arith.muli %scan3A_38, %mul3A_1124 : i32
        %add3A_1126 = arith.constant 15 : i32
        %add3A_1127 = arith.addi %mul3A_1125, %add3A_1126 : i32
        %swap3A_1128 = arith.index_cast %add3A_1127 : i32 to index
        %swap3A_1129 = arith.constant 32 : index
        %swap3A_1130 = tpu.vector_load %arg5[%swap3A_1128, %swap3A_1129] {strides = array<i32>} : memref<448x64xf32, #tpu.memory_space<vmem>>, vector<1x16xf32>,
        %swap3A_1131 = vector.shape_cast %swap3A_1130 : vector<1x16xf32> to vector<16xf32>
        %swap3A_1132 = vector.shape_cast %get3A_1123 : vector<16xf32> to vector<1x16xf32>
        tpu.vector_store %arg5[%swap3A_1128, %swap3A_1129], %swap3A_1132 {strides = array<i32>} : memref<448x64xf32, #tpu.memory_space<vmem>>, vector<1x16xf32>,
        %get3A_1133 = arith.index_cast %select_n3A_1093 : i32 to index
        %get3A_1134 = arith.constant 48 : index
        %get3A_1135 = tpu.vector_load %arg4[%get3A_1133, %get3A_1134] {strides = array<i32>} : memref<5x64xf32, #tpu.memory_space<vmem>>, vector<1x16xf32>,
        %get3A_1136 = vector.shape_cast %get3A_1135 : vector<1x16xf32> to vector<16xf32>
        %mul3A_1137 = arith.constant 16 : i32
        %mul3A_1138 = arith.muli %scan3A_38, %mul3A_1137 : i32
        %add3A_1139 = arith.constant 15 : i32
        %add3A_1140 = arith.addi %mul3A_1138, %add3A_1139 : i32
        %swap3A_1141 = arith.index_cast %add3A_1140 : i32 to index
        %swap3A_1142 = arith.constant 48 : index
        %swap3A_1143 = tpu.vector_load %arg5[%swap3A_1141, %swap3A_1142] {strides = array<i32>} : memref<448x64xf32, #tpu.memory_space<vmem>>, vector<1x16xf32>,
        %swap3A_1144 = vector.shape_cast %swap3A_1143 : vector<1x16xf32> to vector<16xf32>
        %swap3A_1145 = vector.shape_cast %get3A_1136 : vector<16xf32> to vector<1x16xf32>
        tpu.vector_store %arg5[%swap3A_1141, %swap3A_1142], %swap3A_1145 {strides = array<i32>} : memref<448x64xf32, #tpu.memory_space<vmem>>, vector<1x16xf32>,
      } else {
      }
    }
    %scan3A_7 = arith.constant 14 : i32
    %dma_start3A = arith.constant 0 : i32
    %dma_start3A_8 = arith.constant 0 : i32
    %dma_start3A_9 = tpu.memref_slice %arg5[%dma_start3A, %dma_start3A_8] : memref<448x64xf32, #tpu.memory_space<vmem>> -> memref<224x64xf32, #tpu.memory_space<vmem>>
    %dma_start3A_10 = arith.constant 0 : i32
    %dma_start3A_11 = tpu.memref_slice %arg3[%mul3A_2, %dma_start3A_10] : memref<14324x64xf32, #tpu.memory_space<hbm>> -> memref<224x64xf32, #tpu.memory_space<hbm>>
    %dma_start3A_12 = arith.constant 0 : i32
    %dma_start3A_13 = tpu.memref_slice %arg3[%mul3A_2, %dma_start3A_12] : memref<14324x64xf32, #tpu.memory_space<hbm>> -> memref<224x64xf32, #tpu.memory_space<hbm>>
    %dma_start3A_14 = arith.constant 0 : i32
    %dma_start3A_15 = arith.constant 0 : i32
    %dma_start3A_16 = tpu.memref_slice %arg5[%dma_start3A_14, %dma_start3A_15] : memref<448x64xf32, #tpu.memory_space<vmem>> -> memref<224x64xf32, #tpu.memory_space<vmem>>
    tpu.enqueue_dma source(%dma_start3A_16 : memref<224x64xf32, #tpu.memory_space<vmem>>) target(%dma_start3A_13 : memref<224x64xf32, #tpu.memory_space<hbm>>) target_semaphore(%arg6 : memref<!tpu.dma_semaphore, #tpu.memory_space<semaphore_mem>>)
    %scan3A_17 = arith.constant 0 : i32
    %scan3A_18 = arith.constant 14 : i32
    %scan3A_19 = arith.constant 14 : i32
    %scan3A_20 = arith.addi %scan3A_18, %scan3A_19 : i32
    %scan3A_21 = arith.constant 1 : i32
    scf.for %scan3A_38 = %scan3A_18 to %scan3A_20 step %scan3A_21  : i32 {
      %mul3A_39 = arith.constant 16 : i32
      %mul3A_40 = arith.muli %scan3A_38, %mul3A_39 : i32
      %add3A_41 = arith.addi %mul3A_2, %mul3A_40 : i32
      %lt3A_42 = arith.constant 4094 : i32
      %lt3A_43 = arith.cmpi slt, %add3A_41, %lt3A_42 : i32
      %lt3A_44 = arith.constant 8186 : i32
      %lt3A_45 = arith.cmpi slt, %add3A_41, %lt3A_44 : i32
      %lt3A_46 = arith.constant 12276 : i32
      %lt3A_47 = arith.cmpi slt, %add3A_41, %lt3A_46 : i32
      %jit3A = arith.constant 2 : i32
      %jit3A_48 = arith.constant 0 : i32
      %select_n3A = arith.select %lt3A_47, %jit3A, %jit3A_48 : i32
      %jit3A_49 = arith.constant 1 : i32
      %select_n3A_50 = arith.select %lt3A_45, %jit3A_49, %select_n3A : i32
      %jit3A_51 = arith.constant 0 : i32
      %select_n3A_52 = arith.select %lt3A_43, %jit3A_51, %select_n3A_50 : i32
      %add3A_53 = arith.constant 16 : i32
      %add3A_54 = arith.addi %add3A_41, %add3A_53 : i32
      %sub3A = arith.constant 1 : i32
      %sub3A_55 = arith.subi %add3A_54, %sub3A : i32
      %lt3A_56 = arith.constant 4094 : i32
      %lt3A_57 = arith.cmpi slt, %sub3A_55, %lt3A_56 : i32
      %lt3A_58 = arith.constant 8186 : i32
      %lt3A_59 = arith.cmpi slt, %sub3A_55, %lt3A_58 : i32
      %lt3A_60 = arith.constant 12276 : i32
      %lt3A_61 = arith.cmpi slt, %sub3A_55, %lt3A_60 : i32
      %jit3A_62 = arith.constant 2 : i32
      %jit3A_63 = arith.constant 0 : i32
      %select_n3A_64 = arith.select %lt3A_61, %jit3A_62, %jit3A_63 : i32
      %jit3A_65 = arith.constant 1 : i32
      %select_n3A_66 = arith.select %lt3A_59, %jit3A_65, %select_n3A_64 : i32
      %jit3A_67 = arith.constant 0 : i32
      %select_n3A_68 = arith.select %lt3A_57, %jit3A_67, %select_n3A_66 : i32
      %eq3A_69 = arith.cmpi eq, %select_n3A_52, %select_n3A_68 : i32
      %convert_element_type3A_70 = arith.extui %eq3A_69 : i1 to i32
      %cond3A_71 = arith.constant 0 : i32
      %cond3A_72 = arith.cmpi ne, %convert_element_type3A_70, %cond3A_71 : i32
      scf.if %cond3A_72 {
        %get3A = arith.index_cast %select_n3A_52 : i32 to index
        %get3A_76 = arith.constant 0 : index
        %get3A_77 = tpu.vector_load %arg4[%get3A, %get3A_76] {strides = array<i32>} : memref<5x64xf32, #tpu.memory_space<vmem>>, vector<1x16xf32>,
        %get3A_78 = vector.shape_cast %get3A_77 : vector<1x16xf32> to vector<16xf32>
        %get3A_79 = arith.index_cast %select_n3A_52 : i32 to index
        %get3A_80 = arith.constant 16 : index
        %get3A_81 = tpu.vector_load %arg4[%get3A_79, %get3A_80] {strides = array<i32>} : memref<5x64xf32, #tpu.memory_space<vmem>>, vector<1x16xf32>,
        %get3A_82 = vector.shape_cast %get3A_81 : vector<1x16xf32> to vector<16xf32>
        %get3A_83 = arith.index_cast %select_n3A_52 : i32 to index
        %get3A_84 = arith.constant 32 : index
        %get3A_85 = tpu.vector_load %arg4[%get3A_83, %get3A_84] {strides = array<i32>} : memref<5x64xf32, #tpu.memory_space<vmem>>, vector<1x16xf32>,
        %get3A_86 = vector.shape_cast %get3A_85 : vector<1x16xf32> to vector<16xf32>
        %get3A_87 = arith.index_cast %select_n3A_52 : i32 to index
        %get3A_88 = arith.constant 48 : index
        %get3A_89 = tpu.vector_load %arg4[%get3A_87, %get3A_88] {strides = array<i32>} : memref<5x64xf32, #tpu.memory_space<vmem>>, vector<1x16xf32>,
        %get3A_90 = vector.shape_cast %get3A_89 : vector<1x16xf32> to vector<16xf32>
        %mul3A_91 = arith.constant 16 : i32
        %mul3A_92 = arith.muli %scan3A_38, %mul3A_91 : i32
        %add3A_93 = arith.constant 0 : i32
        %add3A_94 = arith.addi %mul3A_92, %add3A_93 : i32
        %swap3A = arith.index_cast %add3A_94 : i32 to index
        %swap3A_95 = arith.constant 0 : index
        %swap3A_96 = tpu.vector_load %arg5[%swap3A, %swap3A_95] {strides = array<i32>} : memref<448x64xf32, #tpu.memory_space<vmem>>, vector<1x16xf32>,
        %swap3A_97 = vector.shape_cast %swap3A_96 : vector<1x16xf32> to vector<16xf32>
        %swap3A_98 = vector.shape_cast %get3A_78 : vector<16xf32> to vector<1x16xf32>
        tpu.vector_store %arg5[%swap3A, %swap3A_95], %swap3A_98 {strides = array<i32>} : memref<448x64xf32, #tpu.memory_space<vmem>>, vector<1x16xf32>,
        %mul3A_99 = arith.constant 16 : i32
        %mul3A_100 = arith.muli %scan3A_38, %mul3A_99 : i32
        %add3A_101 = arith.constant 0 : i32
        %add3A_102 = arith.addi %mul3A_100, %add3A_101 : i32
        %swap3A_103 = arith.index_cast %add3A_102 : i32 to index
        %swap3A_104 = arith.constant 16 : index
        %swap3A_105 = tpu.vector_load %arg5[%swap3A_103, %swap3A_104] {strides = array<i32>} : memref<448x64xf32, #tpu.memory_space<vmem>>, vector<1x16xf32>,
        %swap3A_106 = vector.shape_cast %swap3A_105 : vector<1x16xf32> to vector<16xf32>
        %swap3A_107 = vector.shape_cast %get3A_82 : vector<16xf32> to vector<1x16xf32>
        tpu.vector_store %arg5[%swap3A_103, %swap3A_104], %swap3A_107 {strides = array<i32>} : memref<448x64xf32, #tpu.memory_space<vmem>>, vector<1x16xf32>,
        %mul3A_108 = arith.constant 16 : i32
        %mul3A_109 = arith.muli %scan3A_38, %mul3A_108 : i32
        %add3A_110 = arith.constant 0 : i32
        %add3A_111 = arith.addi %mul3A_109, %add3A_110 : i32
        %swap3A_112 = arith.index_cast %add3A_111 : i32 to index
        %swap3A_113 = arith.constant 32 : index
        %swap3A_114 = tpu.vector_load %arg5[%swap3A_112, %swap3A_113] {strides = array<i32>} : memref<448x64xf32, #tpu.memory_space<vmem>>, vector<1x16xf32>,
        %swap3A_115 = vector.shape_cast %swap3A_114 : vector<1x16xf32> to vector<16xf32>
        %swap3A_116 = vector.shape_cast %get3A_86 : vector<16xf32> to vector<1x16xf32>
        tpu.vector_store %arg5[%swap3A_112, %swap3A_113], %swap3A_116 {strides = array<i32>} : memref<448x64xf32, #tpu.memory_space<vmem>>, vector<1x16xf32>,
        %mul3A_117 = arith.constant 16 : i32
        %mul3A_118 = arith.muli %scan3A_38, %mul3A_117 : i32
        %add3A_119 = arith.constant 0 : i32
        %add3A_120 = arith.addi %mul3A_118, %add3A_119 : i32
        %swap3A_121 = arith.index_cast %add3A_120 : i32 to index
        %swap3A_122 = arith.constant 48 : index
        %swap3A_123 = tpu.vector_load %arg5[%swap3A_121, %swap3A_122] {strides = array<i32>} : memref<448x64xf32, #tpu.memory_space<vmem>>, vector<1x16xf32>,
        %swap3A_124 = vector.shape_cast %swap3A_123 : vector<1x16xf32> to vector<16xf32>
        %swap3A_125 = vector.shape_cast %get3A_90 : vector<16xf32> to vector<1x16xf32>
        tpu.vector_store %arg5[%swap3A_121, %swap3A_122], %swap3A_125 {strides = array<i32>} : memref<448x64xf32, #tpu.memory_space<vmem>>, vector<1x16xf32>,
        %mul3A_126 = arith.constant 16 : i32
        %mul3A_127 = arith.muli %scan3A_38, %mul3A_126 : i32
        %add3A_128 = arith.constant 1 : i32
        %add3A_129 = arith.addi %mul3A_127, %add3A_128 : i32
        %swap3A_130 = arith.index_cast %add3A_129 : i32 to index
        %swap3A_131 = arith.constant 0 : index
        %swap3A_132 = tpu.vector_load %arg5[%swap3A_130, %swap3A_131] {strides = array<i32>} : memref<448x64xf32, #tpu.memory_space<vmem>>, vector<1x16xf32>,
        %swap3A_133 = vector.shape_cast %swap3A_132 : vector<1x16xf32> to vector<16xf32>
        %swap3A_134 = vector.shape_cast %get3A_78 : vector<16xf32> to vector<1x16xf32>
        tpu.vector_store %arg5[%swap3A_130, %swap3A_131], %swap3A_134 {strides = array<i32>} : memref<448x64xf32, #tpu.memory_space<vmem>>, vector<1x16xf32>,
        %mul3A_135 = arith.constant 16 : i32
        %mul3A_136 = arith.muli %scan3A_38, %mul3A_135 : i32
        %add3A_137 = arith.constant 1 : i32
        %add3A_138 = arith.addi %mul3A_136, %add3A_137 : i32
        %swap3A_139 = arith.index_cast %add3A_138 : i32 to index
        %swap3A_140 = arith.constant 16 : index
        %swap3A_141 = tpu.vector_load %arg5[%swap3A_139, %swap3A_140] {strides = array<i32>} : memref<448x64xf32, #tpu.memory_space<vmem>>, vector<1x16xf32>,
        %swap3A_142 = vector.shape_cast %swap3A_141 : vector<1x16xf32> to vector<16xf32>
        %swap3A_143 = vector.shape_cast %get3A_82 : vector<16xf32> to vector<1x16xf32>
        tpu.vector_store %arg5[%swap3A_139, %swap3A_140], %swap3A_143 {strides = array<i32>} : memref<448x64xf32, #tpu.memory_space<vmem>>, vector<1x16xf32>,
        %mul3A_144 = arith.constant 16 : i32
        %mul3A_145 = arith.muli %scan3A_38, %mul3A_144 : i32
        %add3A_146 = arith.constant 1 : i32
        %add3A_147 = arith.addi %mul3A_145, %add3A_146 : i32
        %swap3A_148 = arith.index_cast %add3A_147 : i32 to index
        %swap3A_149 = arith.constant 32 : index
        %swap3A_150 = tpu.vector_load %arg5[%swap3A_148, %swap3A_149] {strides = array<i32>} : memref<448x64xf32, #tpu.memory_space<vmem>>, vector<1x16xf32>,
        %swap3A_151 = vector.shape_cast %swap3A_150 : vector<1x16xf32> to vector<16xf32>
        %swap3A_152 = vector.shape_cast %get3A_86 : vector<16xf32> to vector<1x16xf32>
        tpu.vector_store %arg5[%swap3A_148, %swap3A_149], %swap3A_152 {strides = array<i32>} : memref<448x64xf32, #tpu.memory_space<vmem>>, vector<1x16xf32>,
        %mul3A_153 = arith.constant 16 : i32
        %mul3A_154 = arith.muli %scan3A_38, %mul3A_153 : i32
        %add3A_155 = arith.constant 1 : i32
        %add3A_156 = arith.addi %mul3A_154, %add3A_155 : i32
        %swap3A_157 = arith.index_cast %add3A_156 : i32 to index
        %swap3A_158 = arith.constant 48 : index
        %swap3A_159 = tpu.vector_load %arg5[%swap3A_157, %swap3A_158] {strides = array<i32>} : memref<448x64xf32, #tpu.memory_space<vmem>>, vector<1x16xf32>,
        %swap3A_160 = vector.shape_cast %swap3A_159 : vector<1x16xf32> to vector<16xf32>
        %swap3A_161 = vector.shape_cast %get3A_90 : vector<16xf32> to vector<1x16xf32>
        tpu.vector_store %arg5[%swap3A_157, %swap3A_158], %swap3A_161 {strides = array<i32>} : memref<448x64xf32, #tpu.memory_space<vmem>>, vector<1x16xf32>,
        %mul3A_162 = arith.constant 16 : i32
        %mul3A_163 = arith.muli %scan3A_38, %mul3A_162 : i32
        %add3A_164 = arith.constant 2 : i32
        %add3A_165 = arith.addi %mul3A_163, %add3A_164 : i32
        %swap3A_166 = arith.index_cast %add3A_165 : i32 to index
        %swap3A_167 = arith.constant 0 : index
        %swap3A_168 = tpu.vector_load %arg5[%swap3A_166, %swap3A_167] {strides = array<i32>} : memref<448x64xf32, #tpu.memory_space<vmem>>, vector<1x16xf32>,
        %swap3A_169 = vector.shape_cast %swap3A_168 : vector<1x16xf32> to vector<16xf32>
        %swap3A_170 = vector.shape_cast %get3A_78 : vector<16xf32> to vector<1x16xf32>
        tpu.vector_store %arg5[%swap3A_166, %swap3A_167], %swap3A_170 {strides = array<i32>} : memref<448x64xf32, #tpu.memory_space<vmem>>, vector<1x16xf32>,
        %mul3A_171 = arith.constant 16 : i32
        %mul3A_172 = arith.muli %scan3A_38, %mul3A_171 : i32
        %add3A_173 = arith.constant 2 : i32
        %add3A_174 = arith.addi %mul3A_172, %add3A_173 : i32
        %swap3A_175 = arith.index_cast %add3A_174 : i32 to index
        %swap3A_176 = arith.constant 16 : index
        %swap3A_177 = tpu.vector_load %arg5[%swap3A_175, %swap3A_176] {strides = array<i32>} : memref<448x64xf32, #tpu.memory_space<vmem>>, vector<1x16xf32>,
        %swap3A_178 = vector.shape_cast %swap3A_177 : vector<1x16xf32> to vector<16xf32>
        %swap3A_179 = vector.shape_cast %get3A_82 : vector<16xf32> to vector<1x16xf32>
        tpu.vector_store %arg5[%swap3A_175, %swap3A_176], %swap3A_179 {strides = array<i32>} : memref<448x64xf32, #tpu.memory_space<vmem>>, vector<1x16xf32>,
        %mul3A_180 = arith.constant 16 : i32
        %mul3A_181 = arith.muli %scan3A_38, %mul3A_180 : i32
        %add3A_182 = arith.constant 2 : i32
        %add3A_183 = arith.addi %mul3A_181, %add3A_182 : i32
        %swap3A_184 = arith.index_cast %add3A_183 : i32 to index
        %swap3A_185 = arith.constant 32 : index
        %swap3A_186 = tpu.vector_load %arg5[%swap3A_184, %swap3A_185] {strides = array<i32>} : memref<448x64xf32, #tpu.memory_space<vmem>>, vector<1x16xf32>,
        %swap3A_187 = vector.shape_cast %swap3A_186 : vector<1x16xf32> to vector<16xf32>
        %swap3A_188 = vector.shape_cast %get3A_86 : vector<16xf32> to vector<1x16xf32>
        tpu.vector_store %arg5[%swap3A_184, %swap3A_185], %swap3A_188 {strides = array<i32>} : memref<448x64xf32, #tpu.memory_space<vmem>>, vector<1x16xf32>,
        %mul3A_189 = arith.constant 16 : i32
        %mul3A_190 = arith.muli %scan3A_38, %mul3A_189 : i32
        %add3A_191 = arith.constant 2 : i32
        %add3A_192 = arith.addi %mul3A_190, %add3A_191 : i32
        %swap3A_193 = arith.index_cast %add3A_192 : i32 to index
        %swap3A_194 = arith.constant 48 : index
        %swap3A_195 = tpu.vector_load %arg5[%swap3A_193, %swap3A_194] {strides = array<i32>} : memref<448x64xf32, #tpu.memory_space<vmem>>, vector<1x16xf32>,
        %swap3A_196 = vector.shape_cast %swap3A_195 : vector<1x16xf32> to vector<16xf32>
        %swap3A_197 = vector.shape_cast %get3A_90 : vector<16xf32> to vector<1x16xf32>
        tpu.vector_store %arg5[%swap3A_193, %swap3A_194], %swap3A_197 {strides = array<i32>} : memref<448x64xf32, #tpu.memory_space<vmem>>, vector<1x16xf32>,
        %mul3A_198 = arith.constant 16 : i32
        %mul3A_199 = arith.muli %scan3A_38, %mul3A_198 : i32
        %add3A_200 = arith.constant 3 : i32
        %add3A_201 = arith.addi %mul3A_199, %add3A_200 : i32
        %swap3A_202 = arith.index_cast %add3A_201 : i32 to index
        %swap3A_203 = arith.constant 0 : index
        %swap3A_204 = tpu.vector_load %arg5[%swap3A_202, %swap3A_203] {strides = array<i32>} : memref<448x64xf32, #tpu.memory_space<vmem>>, vector<1x16xf32>,
        %swap3A_205 = vector.shape_cast %swap3A_204 : vector<1x16xf32> to vector<16xf32>
        %swap3A_206 = vector.shape_cast %get3A_78 : vector<16xf32> to vector<1x16xf32>
        tpu.vector_store %arg5[%swap3A_202, %swap3A_203], %swap3A_206 {strides = array<i32>} : memref<448x64xf32, #tpu.memory_space<vmem>>, vector<1x16xf32>,
        %mul3A_207 = arith.constant 16 : i32
        %mul3A_208 = arith.muli %scan3A_38, %mul3A_207 : i32
        %add3A_209 = arith.constant 3 : i32
        %add3A_210 = arith.addi %mul3A_208, %add3A_209 : i32
        %swap3A_211 = arith.index_cast %add3A_210 : i32 to index
        %swap3A_212 = arith.constant 16 : index
        %swap3A_213 = tpu.vector_load %arg5[%swap3A_211, %swap3A_212] {strides = array<i32>} : memref<448x64xf32, #tpu.memory_space<vmem>>, vector<1x16xf32>,
        %swap3A_214 = vector.shape_cast %swap3A_213 : vector<1x16xf32> to vector<16xf32>
        %swap3A_215 = vector.shape_cast %get3A_82 : vector<16xf32> to vector<1x16xf32>
        tpu.vector_store %arg5[%swap3A_211, %swap3A_212], %swap3A_215 {strides = array<i32>} : memref<448x64xf32, #tpu.memory_space<vmem>>, vector<1x16xf32>,
        %mul3A_216 = arith.constant 16 : i32
        %mul3A_217 = arith.muli %scan3A_38, %mul3A_216 : i32
        %add3A_218 = arith.constant 3 : i32
        %add3A_219 = arith.addi %mul3A_217, %add3A_218 : i32
        %swap3A_220 = arith.index_cast %add3A_219 : i32 to index
        %swap3A_221 = arith.constant 32 : index
        %swap3A_222 = tpu.vector_load %arg5[%swap3A_220, %swap3A_221] {strides = array<i32>} : memref<448x64xf32, #tpu.memory_space<vmem>>, vector<1x16xf32>,
        %swap3A_223 = vector.shape_cast %swap3A_222 : vector<1x16xf32> to vector<16xf32>
        %swap3A_224 = vector.shape_cast %get3A_86 : vector<16xf32> to vector<1x16xf32>
        tpu.vector_store %arg5[%swap3A_220, %swap3A_221], %swap3A_224 {strides = array<i32>} : memref<448x64xf32, #tpu.memory_space<vmem>>, vector<1x16xf32>,
        %mul3A_225 = arith.constant 16 : i32
        %mul3A_226 = arith.muli %scan3A_38, %mul3A_225 : i32
        %add3A_227 = arith.constant 3 : i32
        %add3A_228 = arith.addi %mul3A_226, %add3A_227 : i32
        %swap3A_229 = arith.index_cast %add3A_228 : i32 to index
        %swap3A_230 = arith.constant 48 : index
        %swap3A_231 = tpu.vector_load %arg5[%swap3A_229, %swap3A_230] {strides = array<i32>} : memref<448x64xf32, #tpu.memory_space<vmem>>, vector<1x16xf32>,
        %swap3A_232 = vector.shape_cast %swap3A_231 : vector<1x16xf32> to vector<16xf32>
        %swap3A_233 = vector.shape_cast %get3A_90 : vector<16xf32> to vector<1x16xf32>
        tpu.vector_store %arg5[%swap3A_229, %swap3A_230], %swap3A_233 {strides = array<i32>} : memref<448x64xf32, #tpu.memory_space<vmem>>, vector<1x16xf32>,
        %mul3A_234 = arith.constant 16 : i32
        %mul3A_235 = arith.muli %scan3A_38, %mul3A_234 : i32
        %add3A_236 = arith.constant 4 : i32
        %add3A_237 = arith.addi %mul3A_235, %add3A_236 : i32
        %swap3A_238 = arith.index_cast %add3A_237 : i32 to index
        %swap3A_239 = arith.constant 0 : index
        %swap3A_240 = tpu.vector_load %arg5[%swap3A_238, %swap3A_239] {strides = array<i32>} : memref<448x64xf32, #tpu.memory_space<vmem>>, vector<1x16xf32>,
        %swap3A_241 = vector.shape_cast %swap3A_240 : vector<1x16xf32> to vector<16xf32>
        %swap3A_242 = vector.shape_cast %get3A_78 : vector<16xf32> to vector<1x16xf32>
        tpu.vector_store %arg5[%swap3A_238, %swap3A_239], %swap3A_242 {strides = array<i32>} : memref<448x64xf32, #tpu.memory_space<vmem>>, vector<1x16xf32>,
        %mul3A_243 = arith.constant 16 : i32
        %mul3A_244 = arith.muli %scan3A_38, %mul3A_243 : i32
        %add3A_245 = arith.constant 4 : i32
        %add3A_246 = arith.addi %mul3A_244, %add3A_245 : i32
        %swap3A_247 = arith.index_cast %add3A_246 : i32 to index
        %swap3A_248 = arith.constant 16 : index
        %swap3A_249 = tpu.vector_load %arg5[%swap3A_247, %swap3A_248] {strides = array<i32>} : memref<448x64xf32, #tpu.memory_space<vmem>>, vector<1x16xf32>,
        %swap3A_250 = vector.shape_cast %swap3A_249 : vector<1x16xf32> to vector<16xf32>
        %swap3A_251 = vector.shape_cast %get3A_82 : vector<16xf32> to vector<1x16xf32>
        tpu.vector_store %arg5[%swap3A_247, %swap3A_248], %swap3A_251 {strides = array<i32>} : memref<448x64xf32, #tpu.memory_space<vmem>>, vector<1x16xf32>,
        %mul3A_252 = arith.constant 16 : i32
        %mul3A_253 = arith.muli %scan3A_38, %mul3A_252 : i32
        %add3A_254 = arith.constant 4 : i32
        %add3A_255 = arith.addi %mul3A_253, %add3A_254 : i32
        %swap3A_256 = arith.index_cast %add3A_255 : i32 to index
        %swap3A_257 = arith.constant 32 : index
        %swap3A_258 = tpu.vector_load %arg5[%swap3A_256, %swap3A_257] {strides = array<i32>} : memref<448x64xf32, #tpu.memory_space<vmem>>, vector<1x16xf32>,
        %swap3A_259 = vector.shape_cast %swap3A_258 : vector<1x16xf32> to vector<16xf32>
        %swap3A_260 = vector.shape_cast %get3A_86 : vector<16xf32> to vector<1x16xf32>
        tpu.vector_store %arg5[%swap3A_256, %swap3A_257], %swap3A_260 {strides = array<i32>} : memref<448x64xf32, #tpu.memory_space<vmem>>, vector<1x16xf32>,
        %mul3A_261 = arith.constant 16 : i32
        %mul3A_262 = arith.muli %scan3A_38, %mul3A_261 : i32
        %add3A_263 = arith.constant 4 : i32
        %add3A_264 = arith.addi %mul3A_262, %add3A_263 : i32
        %swap3A_265 = arith.index_cast %add3A_264 : i32 to index
        %swap3A_266 = arith.constant 48 : index
        %swap3A_267 = tpu.vector_load %arg5[%swap3A_265, %swap3A_266] {strides = array<i32>} : memref<448x64xf32, #tpu.memory_space<vmem>>, vector<1x16xf32>,
        %swap3A_268 = vector.shape_cast %swap3A_267 : vector<1x16xf32> to vector<16xf32>
        %swap3A_269 = vector.shape_cast %get3A_90 : vector<16xf32> to vector<1x16xf32>
        tpu.vector_store %arg5[%swap3A_265, %swap3A_266], %swap3A_269 {strides = array<i32>} : memref<448x64xf32, #tpu.memory_space<vmem>>, vector<1x16xf32>,
        %mul3A_270 = arith.constant 16 : i32
        %mul3A_271 = arith.muli %scan3A_38, %mul3A_270 : i32
        %add3A_272 = arith.constant 5 : i32
        %add3A_273 = arith.addi %mul3A_271, %add3A_272 : i32
        %swap3A_274 = arith.index_cast %add3A_273 : i32 to index
        %swap3A_275 = arith.constant 0 : index
        %swap3A_276 = tpu.vector_load %arg5[%swap3A_274, %swap3A_275] {strides = array<i32>} : memref<448x64xf32, #tpu.memory_space<vmem>>, vector<1x16xf32>,
        %swap3A_277 = vector.shape_cast %swap3A_276 : vector<1x16xf32> to vector<16xf32>
        %swap3A_278 = vector.shape_cast %get3A_78 : vector<16xf32> to vector<1x16xf32>
        tpu.vector_store %arg5[%swap3A_274, %swap3A_275], %swap3A_278 {strides = array<i32>} : memref<448x64xf32, #tpu.memory_space<vmem>>, vector<1x16xf32>,
        %mul3A_279 = arith.constant 16 : i32
        %mul3A_280 = arith.muli %scan3A_38, %mul3A_279 : i32
        %add3A_281 = arith.constant 5 : i32
        %add3A_282 = arith.addi %mul3A_280, %add3A_281 : i32
        %swap3A_283 = arith.index_cast %add3A_282 : i32 to index
        %swap3A_284 = arith.constant 16 : index
        %swap3A_285 = tpu.vector_load %arg5[%swap3A_283, %swap3A_284] {strides = array<i32>} : memref<448x64xf32, #tpu.memory_space<vmem>>, vector<1x16xf32>,
        %swap3A_286 = vector.shape_cast %swap3A_285 : vector<1x16xf32> to vector<16xf32>
        %swap3A_287 = vector.shape_cast %get3A_82 : vector<16xf32> to vector<1x16xf32>
        tpu.vector_store %arg5[%swap3A_283, %swap3A_284], %swap3A_287 {strides = array<i32>} : memref<448x64xf32, #tpu.memory_space<vmem>>, vector<1x16xf32>,
        %mul3A_288 = arith.constant 16 : i32
        %mul3A_289 = arith.muli %scan3A_38, %mul3A_288 : i32
        %add3A_290 = arith.constant 5 : i32
        %add3A_291 = arith.addi %mul3A_289, %add3A_290 : i32
        %swap3A_292 = arith.index_cast %add3A_291 : i32 to index
        %swap3A_293 = arith.constant 32 : index
        %swap3A_294 = tpu.vector_load %arg5[%swap3A_292, %swap3A_293] {strides = array<i32>} : memref<448x64xf32, #tpu.memory_space<vmem>>, vector<1x16xf32>,
        %swap3A_295 = vector.shape_cast %swap3A_294 : vector<1x16xf32> to vector<16xf32>
        %swap3A_296 = vector.shape_cast %get3A_86 : vector<16xf32> to vector<1x16xf32>
        tpu.vector_store %arg5[%swap3A_292, %swap3A_293], %swap3A_296 {strides = array<i32>} : memref<448x64xf32, #tpu.memory_space<vmem>>, vector<1x16xf32>,
        %mul3A_297 = arith.constant 16 : i32
        %mul3A_298 = arith.muli %scan3A_38, %mul3A_297 : i32
        %add3A_299 = arith.constant 5 : i32
        %add3A_300 = arith.addi %mul3A_298, %add3A_299 : i32
        %swap3A_301 = arith.index_cast %add3A_300 : i32 to index
        %swap3A_302 = arith.constant 48 : index
        %swap3A_303 = tpu.vector_load %arg5[%swap3A_301, %swap3A_302] {strides = array<i32>} : memref<448x64xf32, #tpu.memory_space<vmem>>, vector<1x16xf32>,
        %swap3A_304 = vector.shape_cast %swap3A_303 : vector<1x16xf32> to vector<16xf32>
        %swap3A_305 = vector.shape_cast %get3A_90 : vector<16xf32> to vector<1x16xf32>
        tpu.vector_store %arg5[%swap3A_301, %swap3A_302], %swap3A_305 {strides = array<i32>} : memref<448x64xf32, #tpu.memory_space<vmem>>, vector<1x16xf32>,
        %mul3A_306 = arith.constant 16 : i32
        %mul3A_307 = arith.muli %scan3A_38, %mul3A_306 : i32
        %add3A_308 = arith.constant 6 : i32
        %add3A_309 = arith.addi %mul3A_307, %add3A_308 : i32
        %swap3A_310 = arith.index_cast %add3A_309 : i32 to index
        %swap3A_311 = arith.constant 0 : index
        %swap3A_312 = tpu.vector_load %arg5[%swap3A_310, %swap3A_311] {strides = array<i32>} : memref<448x64xf32, #tpu.memory_space<vmem>>, vector<1x16xf32>,
        %swap3A_313 = vector.shape_cast %swap3A_312 : vector<1x16xf32> to vector<16xf32>
        %swap3A_314 = vector.shape_cast %get3A_78 : vector<16xf32> to vector<1x16xf32>
        tpu.vector_store %arg5[%swap3A_310, %swap3A_311], %swap3A_314 {strides = array<i32>} : memref<448x64xf32, #tpu.memory_space<vmem>>, vector<1x16xf32>,
        %mul3A_315 = arith.constant 16 : i32
        %mul3A_316 = arith.muli %scan3A_38, %mul3A_315 : i32
        %add3A_317 = arith.constant 6 : i32
        %add3A_318 = arith.addi %mul3A_316, %add3A_317 : i32
        %swap3A_319 = arith.index_cast %add3A_318 : i32 to index
        %swap3A_320 = arith.constant 16 : index
        %swap3A_321 = tpu.vector_load %arg5[%swap3A_319, %swap3A_320] {strides = array<i32>} : memref<448x64xf32, #tpu.memory_space<vmem>>, vector<1x16xf32>,
        %swap3A_322 = vector.shape_cast %swap3A_321 : vector<1x16xf32> to vector<16xf32>
        %swap3A_323 = vector.shape_cast %get3A_82 : vector<16xf32> to vector<1x16xf32>
        tpu.vector_store %arg5[%swap3A_319, %swap3A_320], %swap3A_323 {strides = array<i32>} : memref<448x64xf32, #tpu.memory_space<vmem>>, vector<1x16xf32>,
        %mul3A_324 = arith.constant 16 : i32
        %mul3A_325 = arith.muli %scan3A_38, %mul3A_324 : i32
        %add3A_326 = arith.constant 6 : i32
        %add3A_327 = arith.addi %mul3A_325, %add3A_326 : i32
        %swap3A_328 = arith.index_cast %add3A_327 : i32 to index
        %swap3A_329 = arith.constant 32 : index
        %swap3A_330 = tpu.vector_load %arg5[%swap3A_328, %swap3A_329] {strides = array<i32>} : memref<448x64xf32, #tpu.memory_space<vmem>>, vector<1x16xf32>,
        %swap3A_331 = vector.shape_cast %swap3A_330 : vector<1x16xf32> to vector<16xf32>
        %swap3A_332 = vector.shape_cast %get3A_86 : vector<16xf32> to vector<1x16xf32>
        tpu.vector_store %arg5[%swap3A_328, %swap3A_329], %swap3A_332 {strides = array<i32>} : memref<448x64xf32, #tpu.memory_space<vmem>>, vector<1x16xf32>,
        %mul3A_333 = arith.constant 16 : i32
        %mul3A_334 = arith.muli %scan3A_38, %mul3A_333 : i32
        %add3A_335 = arith.constant 6 : i32
        %add3A_336 = arith.addi %mul3A_334, %add3A_335 : i32
        %swap3A_337 = arith.index_cast %add3A_336 : i32 to index
        %swap3A_338 = arith.constant 48 : index
        %swap3A_339 = tpu.vector_load %arg5[%swap3A_337, %swap3A_338] {strides = array<i32>} : memref<448x64xf32, #tpu.memory_space<vmem>>, vector<1x16xf32>,
        %swap3A_340 = vector.shape_cast %swap3A_339 : vector<1x16xf32> to vector<16xf32>
        %swap3A_341 = vector.shape_cast %get3A_90 : vector<16xf32> to vector<1x16xf32>
        tpu.vector_store %arg5[%swap3A_337, %swap3A_338], %swap3A_341 {strides = array<i32>} : memref<448x64xf32, #tpu.memory_space<vmem>>, vector<1x16xf32>,
        %mul3A_342 = arith.constant 16 : i32
        %mul3A_343 = arith.muli %scan3A_38, %mul3A_342 : i32
        %add3A_344 = arith.constant 7 : i32
        %add3A_345 = arith.addi %mul3A_343, %add3A_344 : i32
        %swap3A_346 = arith.index_cast %add3A_345 : i32 to index
        %swap3A_347 = arith.constant 0 : index
        %swap3A_348 = tpu.vector_load %arg5[%swap3A_346, %swap3A_347] {strides = array<i32>} : memref<448x64xf32, #tpu.memory_space<vmem>>, vector<1x16xf32>,
        %swap3A_349 = vector.shape_cast %swap3A_348 : vector<1x16xf32> to vector<16xf32>
        %swap3A_350 = vector.shape_cast %get3A_78 : vector<16xf32> to vector<1x16xf32>
        tpu.vector_store %arg5[%swap3A_346, %swap3A_347], %swap3A_350 {strides = array<i32>} : memref<448x64xf32, #tpu.memory_space<vmem>>, vector<1x16xf32>,
        %mul3A_351 = arith.constant 16 : i32
        %mul3A_352 = arith.muli %scan3A_38, %mul3A_351 : i32
        %add3A_353 = arith.constant 7 : i32
        %add3A_354 = arith.addi %mul3A_352, %add3A_353 : i32
        %swap3A_355 = arith.index_cast %add3A_354 : i32 to index
        %swap3A_356 = arith.constant 16 : index
        %swap3A_357 = tpu.vector_load %arg5[%swap3A_355, %swap3A_356] {strides = array<i32>} : memref<448x64xf32, #tpu.memory_space<vmem>>, vector<1x16xf32>,
        %swap3A_358 = vector.shape_cast %swap3A_357 : vector<1x16xf32> to vector<16xf32>
        %swap3A_359 = vector.shape_cast %get3A_82 : vector<16xf32> to vector<1x16xf32>
        tpu.vector_store %arg5[%swap3A_355, %swap3A_356], %swap3A_359 {strides = array<i32>} : memref<448x64xf32, #tpu.memory_space<vmem>>, vector<1x16xf32>,
        %mul3A_360 = arith.constant 16 : i32
        %mul3A_361 = arith.muli %scan3A_38, %mul3A_360 : i32
        %add3A_362 = arith.constant 7 : i32
        %add3A_363 = arith.addi %mul3A_361, %add3A_362 : i32
        %swap3A_364 = arith.index_cast %add3A_363 : i32 to index
        %swap3A_365 = arith.constant 32 : index
        %swap3A_366 = tpu.vector_load %arg5[%swap3A_364, %swap3A_365] {strides = array<i32>} : memref<448x64xf32, #tpu.memory_space<vmem>>, vector<1x16xf32>,
        %swap3A_367 = vector.shape_cast %swap3A_366 : vector<1x16xf32> to vector<16xf32>
        %swap3A_368 = vector.shape_cast %get3A_86 : vector<16xf32> to vector<1x16xf32>
        tpu.vector_store %arg5[%swap3A_364, %swap3A_365], %swap3A_368 {strides = array<i32>} : memref<448x64xf32, #tpu.memory_space<vmem>>, vector<1x16xf32>,
        %mul3A_369 = arith.constant 16 : i32
        %mul3A_370 = arith.muli %scan3A_38, %mul3A_369 : i32
        %add3A_371 = arith.constant 7 : i32
        %add3A_372 = arith.addi %mul3A_370, %add3A_371 : i32
        %swap3A_373 = arith.index_cast %add3A_372 : i32 to index
        %swap3A_374 = arith.constant 48 : index
        %swap3A_375 = tpu.vector_load %arg5[%swap3A_373, %swap3A_374] {strides = array<i32>} : memref<448x64xf32, #tpu.memory_space<vmem>>, vector<1x16xf32>,
        %swap3A_376 = vector.shape_cast %swap3A_375 : vector<1x16xf32> to vector<16xf32>
        %swap3A_377 = vector.shape_cast %get3A_90 : vector<16xf32> to vector<1x16xf32>
        tpu.vector_store %arg5[%swap3A_373, %swap3A_374], %swap3A_377 {strides = array<i32>} : memref<448x64xf32, #tpu.memory_space<vmem>>, vector<1x16xf32>,
        %mul3A_378 = arith.constant 16 : i32
        %mul3A_379 = arith.muli %scan3A_38, %mul3A_378 : i32
        %add3A_380 = arith.constant 8 : i32
        %add3A_381 = arith.addi %mul3A_379, %add3A_380 : i32
        %swap3A_382 = arith.index_cast %add3A_381 : i32 to index
        %swap3A_383 = arith.constant 0 : index
        %swap3A_384 = tpu.vector_load %arg5[%swap3A_382, %swap3A_383] {strides = array<i32>} : memref<448x64xf32, #tpu.memory_space<vmem>>, vector<1x16xf32>,
        %swap3A_385 = vector.shape_cast %swap3A_384 : vector<1x16xf32> to vector<16xf32>
        %swap3A_386 = vector.shape_cast %get3A_78 : vector<16xf32> to vector<1x16xf32>
        tpu.vector_store %arg5[%swap3A_382, %swap3A_383], %swap3A_386 {strides = array<i32>} : memref<448x64xf32, #tpu.memory_space<vmem>>, vector<1x16xf32>,
        %mul3A_387 = arith.constant 16 : i32
        %mul3A_388 = arith.muli %scan3A_38, %mul3A_387 : i32
        %add3A_389 = arith.constant 8 : i32
        %add3A_390 = arith.addi %mul3A_388, %add3A_389 : i32
        %swap3A_391 = arith.index_cast %add3A_390 : i32 to index
        %swap3A_392 = arith.constant 16 : index
        %swap3A_393 = tpu.vector_load %arg5[%swap3A_391, %swap3A_392] {strides = array<i32>} : memref<448x64xf32, #tpu.memory_space<vmem>>, vector<1x16xf32>,
        %swap3A_394 = vector.shape_cast %swap3A_393 : vector<1x16xf32> to vector<16xf32>
        %swap3A_395 = vector.shape_cast %get3A_82 : vector<16xf32> to vector<1x16xf32>
        tpu.vector_store %arg5[%swap3A_391, %swap3A_392], %swap3A_395 {strides = array<i32>} : memref<448x64xf32, #tpu.memory_space<vmem>>, vector<1x16xf32>,
        %mul3A_396 = arith.constant 16 : i32
        %mul3A_397 = arith.muli %scan3A_38, %mul3A_396 : i32
        %add3A_398 = arith.constant 8 : i32
        %add3A_399 = arith.addi %mul3A_397, %add3A_398 : i32
        %swap3A_400 = arith.index_cast %add3A_399 : i32 to index
        %swap3A_401 = arith.constant 32 : index
        %swap3A_402 = tpu.vector_load %arg5[%swap3A_400, %swap3A_401] {strides = array<i32>} : memref<448x64xf32, #tpu.memory_space<vmem>>, vector<1x16xf32>,
        %swap3A_403 = vector.shape_cast %swap3A_402 : vector<1x16xf32> to vector<16xf32>
        %swap3A_404 = vector.shape_cast %get3A_86 : vector<16xf32> to vector<1x16xf32>
        tpu.vector_store %arg5[%swap3A_400, %swap3A_401], %swap3A_404 {strides = array<i32>} : memref<448x64xf32, #tpu.memory_space<vmem>>, vector<1x16xf32>,
        %mul3A_405 = arith.constant 16 : i32
        %mul3A_406 = arith.muli %scan3A_38, %mul3A_405 : i32
        %add3A_407 = arith.constant 8 : i32
        %add3A_408 = arith.addi %mul3A_406, %add3A_407 : i32
        %swap3A_409 = arith.index_cast %add3A_408 : i32 to index
        %swap3A_410 = arith.constant 48 : index
        %swap3A_411 = tpu.vector_load %arg5[%swap3A_409, %swap3A_410] {strides = array<i32>} : memref<448x64xf32, #tpu.memory_space<vmem>>, vector<1x16xf32>,
        %swap3A_412 = vector.shape_cast %swap3A_411 : vector<1x16xf32> to vector<16xf32>
        %swap3A_413 = vector.shape_cast %get3A_90 : vector<16xf32> to vector<1x16xf32>
        tpu.vector_store %arg5[%swap3A_409, %swap3A_410], %swap3A_413 {strides = array<i32>} : memref<448x64xf32, #tpu.memory_space<vmem>>, vector<1x16xf32>,
        %mul3A_414 = arith.constant 16 : i32
        %mul3A_415 = arith.muli %scan3A_38, %mul3A_414 : i32
        %add3A_416 = arith.constant 9 : i32
        %add3A_417 = arith.addi %mul3A_415, %add3A_416 : i32
        %swap3A_418 = arith.index_cast %add3A_417 : i32 to index
        %swap3A_419 = arith.constant 0 : index
        %swap3A_420 = tpu.vector_load %arg5[%swap3A_418, %swap3A_419] {strides = array<i32>} : memref<448x64xf32, #tpu.memory_space<vmem>>, vector<1x16xf32>,
        %swap3A_421 = vector.shape_cast %swap3A_420 : vector<1x16xf32> to vector<16xf32>
        %swap3A_422 = vector.shape_cast %get3A_78 : vector<16xf32> to vector<1x16xf32>
        tpu.vector_store %arg5[%swap3A_418, %swap3A_419], %swap3A_422 {strides = array<i32>} : memref<448x64xf32, #tpu.memory_space<vmem>>, vector<1x16xf32>,
        %mul3A_423 = arith.constant 16 : i32
        %mul3A_424 = arith.muli %scan3A_38, %mul3A_423 : i32
        %add3A_425 = arith.constant 9 : i32
        %add3A_426 = arith.addi %mul3A_424, %add3A_425 : i32
        %swap3A_427 = arith.index_cast %add3A_426 : i32 to index
        %swap3A_428 = arith.constant 16 : index
        %swap3A_429 = tpu.vector_load %arg5[%swap3A_427, %swap3A_428] {strides = array<i32>} : memref<448x64xf32, #tpu.memory_space<vmem>>, vector<1x16xf32>,
        %swap3A_430 = vector.shape_cast %swap3A_429 : vector<1x16xf32> to vector<16xf32>
        %swap3A_431 = vector.shape_cast %get3A_82 : vector<16xf32> to vector<1x16xf32>
        tpu.vector_store %arg5[%swap3A_427, %swap3A_428], %swap3A_431 {strides = array<i32>} : memref<448x64xf32, #tpu.memory_space<vmem>>, vector<1x16xf32>,
        %mul3A_432 = arith.constant 16 : i32
        %mul3A_433 = arith.muli %scan3A_38, %mul3A_432 : i32
        %add3A_434 = arith.constant 9 : i32
        %add3A_435 = arith.addi %mul3A_433, %add3A_434 : i32
        %swap3A_436 = arith.index_cast %add3A_435 : i32 to index
        %swap3A_437 = arith.constant 32 : index
        %swap3A_438 = tpu.vector_load %arg5[%swap3A_436, %swap3A_437] {strides = array<i32>} : memref<448x64xf32, #tpu.memory_space<vmem>>, vector<1x16xf32>,
        %swap3A_439 = vector.shape_cast %swap3A_438 : vector<1x16xf32> to vector<16xf32>
        %swap3A_440 = vector.shape_cast %get3A_86 : vector<16xf32> to vector<1x16xf32>
        tpu.vector_store %arg5[%swap3A_436, %swap3A_437], %swap3A_440 {strides = array<i32>} : memref<448x64xf32, #tpu.memory_space<vmem>>, vector<1x16xf32>,
        %mul3A_441 = arith.constant 16 : i32
        %mul3A_442 = arith.muli %scan3A_38, %mul3A_441 : i32
        %add3A_443 = arith.constant 9 : i32
        %add3A_444 = arith.addi %mul3A_442, %add3A_443 : i32
        %swap3A_445 = arith.index_cast %add3A_444 : i32 to index
        %swap3A_446 = arith.constant 48 : index
        %swap3A_447 = tpu.vector_load %arg5[%swap3A_445, %swap3A_446] {strides = array<i32>} : memref<448x64xf32, #tpu.memory_space<vmem>>, vector<1x16xf32>,
        %swap3A_448 = vector.shape_cast %swap3A_447 : vector<1x16xf32> to vector<16xf32>
        %swap3A_449 = vector.shape_cast %get3A_90 : vector<16xf32> to vector<1x16xf32>
        tpu.vector_store %arg5[%swap3A_445, %swap3A_446], %swap3A_449 {strides = array<i32>} : memref<448x64xf32, #tpu.memory_space<vmem>>, vector<1x16xf32>,
        %mul3A_450 = arith.constant 16 : i32
        %mul3A_451 = arith.muli %scan3A_38, %mul3A_450 : i32
        %add3A_452 = arith.constant 10 : i32
        %add3A_453 = arith.addi %mul3A_451, %add3A_452 : i32
        %swap3A_454 = arith.index_cast %add3A_453 : i32 to index
        %swap3A_455 = arith.constant 0 : index
        %swap3A_456 = tpu.vector_load %arg5[%swap3A_454, %swap3A_455] {strides = array<i32>} : memref<448x64xf32, #tpu.memory_space<vmem>>, vector<1x16xf32>,
        %swap3A_457 = vector.shape_cast %swap3A_456 : vector<1x16xf32> to vector<16xf32>
        %swap3A_458 = vector.shape_cast %get3A_78 : vector<16xf32> to vector<1x16xf32>
        tpu.vector_store %arg5[%swap3A_454, %swap3A_455], %swap3A_458 {strides = array<i32>} : memref<448x64xf32, #tpu.memory_space<vmem>>, vector<1x16xf32>,
        %mul3A_459 = arith.constant 16 : i32
        %mul3A_460 = arith.muli %scan3A_38, %mul3A_459 : i32
        %add3A_461 = arith.constant 10 : i32
        %add3A_462 = arith.addi %mul3A_460, %add3A_461 : i32
        %swap3A_463 = arith.index_cast %add3A_462 : i32 to index
        %swap3A_464 = arith.constant 16 : index
        %swap3A_465 = tpu.vector_load %arg5[%swap3A_463, %swap3A_464] {strides = array<i32>} : memref<448x64xf32, #tpu.memory_space<vmem>>, vector<1x16xf32>,
        %swap3A_466 = vector.shape_cast %swap3A_465 : vector<1x16xf32> to vector<16xf32>
        %swap3A_467 = vector.shape_cast %get3A_82 : vector<16xf32> to vector<1x16xf32>
        tpu.vector_store %arg5[%swap3A_463, %swap3A_464], %swap3A_467 {strides = array<i32>} : memref<448x64xf32, #tpu.memory_space<vmem>>, vector<1x16xf32>,
        %mul3A_468 = arith.constant 16 : i32
        %mul3A_469 = arith.muli %scan3A_38, %mul3A_468 : i32
        %add3A_470 = arith.constant 10 : i32
        %add3A_471 = arith.addi %mul3A_469, %add3A_470 : i32
        %swap3A_472 = arith.index_cast %add3A_471 : i32 to index
        %swap3A_473 = arith.constant 32 : index
        %swap3A_474 = tpu.vector_load %arg5[%swap3A_472, %swap3A_473] {strides = array<i32>} : memref<448x64xf32, #tpu.memory_space<vmem>>, vector<1x16xf32>,
        %swap3A_475 = vector.shape_cast %swap3A_474 : vector<1x16xf32> to vector<16xf32>
        %swap3A_476 = vector.shape_cast %get3A_86 : vector<16xf32> to vector<1x16xf32>
        tpu.vector_store %arg5[%swap3A_472, %swap3A_473], %swap3A_476 {strides = array<i32>} : memref<448x64xf32, #tpu.memory_space<vmem>>, vector<1x16xf32>,
        %mul3A_477 = arith.constant 16 : i32
        %mul3A_478 = arith.muli %scan3A_38, %mul3A_477 : i32
        %add3A_479 = arith.constant 10 : i32
        %add3A_480 = arith.addi %mul3A_478, %add3A_479 : i32
        %swap3A_481 = arith.index_cast %add3A_480 : i32 to index
        %swap3A_482 = arith.constant 48 : index
        %swap3A_483 = tpu.vector_load %arg5[%swap3A_481, %swap3A_482] {strides = array<i32>} : memref<448x64xf32, #tpu.memory_space<vmem>>, vector<1x16xf32>,
        %swap3A_484 = vector.shape_cast %swap3A_483 : vector<1x16xf32> to vector<16xf32>
        %swap3A_485 = vector.shape_cast %get3A_90 : vector<16xf32> to vector<1x16xf32>
        tpu.vector_store %arg5[%swap3A_481, %swap3A_482], %swap3A_485 {strides = array<i32>} : memref<448x64xf32, #tpu.memory_space<vmem>>, vector<1x16xf32>,
        %mul3A_486 = arith.constant 16 : i32
        %mul3A_487 = arith.muli %scan3A_38, %mul3A_486 : i32
        %add3A_488 = arith.constant 11 : i32
        %add3A_489 = arith.addi %mul3A_487, %add3A_488 : i32
        %swap3A_490 = arith.index_cast %add3A_489 : i32 to index
        %swap3A_491 = arith.constant 0 : index
        %swap3A_492 = tpu.vector_load %arg5[%swap3A_490, %swap3A_491] {strides = array<i32>} : memref<448x64xf32, #tpu.memory_space<vmem>>, vector<1x16xf32>,
        %swap3A_493 = vector.shape_cast %swap3A_492 : vector<1x16xf32> to vector<16xf32>
        %swap3A_494 = vector.shape_cast %get3A_78 : vector<16xf32> to vector<1x16xf32>
        tpu.vector_store %arg5[%swap3A_490, %swap3A_491], %swap3A_494 {strides = array<i32>} : memref<448x64xf32, #tpu.memory_space<vmem>>, vector<1x16xf32>,
        %mul3A_495 = arith.constant 16 : i32
        %mul3A_496 = arith.muli %scan3A_38, %mul3A_495 : i32
        %add3A_497 = arith.constant 11 : i32
        %add3A_498 = arith.addi %mul3A_496, %add3A_497 : i32
        %swap3A_499 = arith.index_cast %add3A_498 : i32 to index
        %swap3A_500 = arith.constant 16 : index
        %swap3A_501 = tpu.vector_load %arg5[%swap3A_499, %swap3A_500] {strides = array<i32>} : memref<448x64xf32, #tpu.memory_space<vmem>>, vector<1x16xf32>,
        %swap3A_502 = vector.shape_cast %swap3A_501 : vector<1x16xf32> to vector<16xf32>
        %swap3A_503 = vector.shape_cast %get3A_82 : vector<16xf32> to vector<1x16xf32>
        tpu.vector_store %arg5[%swap3A_499, %swap3A_500], %swap3A_503 {strides = array<i32>} : memref<448x64xf32, #tpu.memory_space<vmem>>, vector<1x16xf32>,
        %mul3A_504 = arith.constant 16 : i32
        %mul3A_505 = arith.muli %scan3A_38, %mul3A_504 : i32
        %add3A_506 = arith.constant 11 : i32
        %add3A_507 = arith.addi %mul3A_505, %add3A_506 : i32
        %swap3A_508 = arith.index_cast %add3A_507 : i32 to index
        %swap3A_509 = arith.constant 32 : index
        %swap3A_510 = tpu.vector_load %arg5[%swap3A_508, %swap3A_509] {strides = array<i32>} : memref<448x64xf32, #tpu.memory_space<vmem>>, vector<1x16xf32>,
        %swap3A_511 = vector.shape_cast %swap3A_510 : vector<1x16xf32> to vector<16xf32>
        %swap3A_512 = vector.shape_cast %get3A_86 : vector<16xf32> to vector<1x16xf32>
        tpu.vector_store %arg5[%swap3A_508, %swap3A_509], %swap3A_512 {strides = array<i32>} : memref<448x64xf32, #tpu.memory_space<vmem>>, vector<1x16xf32>,
        %mul3A_513 = arith.constant 16 : i32
        %mul3A_514 = arith.muli %scan3A_38, %mul3A_513 : i32
        %add3A_515 = arith.constant 11 : i32
        %add3A_516 = arith.addi %mul3A_514, %add3A_515 : i32
        %swap3A_517 = arith.index_cast %add3A_516 : i32 to index
        %swap3A_518 = arith.constant 48 : index
        %swap3A_519 = tpu.vector_load %arg5[%swap3A_517, %swap3A_518] {strides = array<i32>} : memref<448x64xf32, #tpu.memory_space<vmem>>, vector<1x16xf32>,
        %swap3A_520 = vector.shape_cast %swap3A_519 : vector<1x16xf32> to vector<16xf32>
        %swap3A_521 = vector.shape_cast %get3A_90 : vector<16xf32> to vector<1x16xf32>
        tpu.vector_store %arg5[%swap3A_517, %swap3A_518], %swap3A_521 {strides = array<i32>} : memref<448x64xf32, #tpu.memory_space<vmem>>, vector<1x16xf32>,
        %mul3A_522 = arith.constant 16 : i32
        %mul3A_523 = arith.muli %scan3A_38, %mul3A_522 : i32
        %add3A_524 = arith.constant 12 : i32
        %add3A_525 = arith.addi %mul3A_523, %add3A_524 : i32
        %swap3A_526 = arith.index_cast %add3A_525 : i32 to index
        %swap3A_527 = arith.constant 0 : index
        %swap3A_528 = tpu.vector_load %arg5[%swap3A_526, %swap3A_527] {strides = array<i32>} : memref<448x64xf32, #tpu.memory_space<vmem>>, vector<1x16xf32>,
        %swap3A_529 = vector.shape_cast %swap3A_528 : vector<1x16xf32> to vector<16xf32>
        %swap3A_530 = vector.shape_cast %get3A_78 : vector<16xf32> to vector<1x16xf32>
        tpu.vector_store %arg5[%swap3A_526, %swap3A_527], %swap3A_530 {strides = array<i32>} : memref<448x64xf32, #tpu.memory_space<vmem>>, vector<1x16xf32>,
        %mul3A_531 = arith.constant 16 : i32
        %mul3A_532 = arith.muli %scan3A_38, %mul3A_531 : i32
        %add3A_533 = arith.constant 12 : i32
        %add3A_534 = arith.addi %mul3A_532, %add3A_533 : i32
        %swap3A_535 = arith.index_cast %add3A_534 : i32 to index
        %swap3A_536 = arith.constant 16 : index
        %swap3A_537 = tpu.vector_load %arg5[%swap3A_535, %swap3A_536] {strides = array<i32>} : memref<448x64xf32, #tpu.memory_space<vmem>>, vector<1x16xf32>,
        %swap3A_538 = vector.shape_cast %swap3A_537 : vector<1x16xf32> to vector<16xf32>
        %swap3A_539 = vector.shape_cast %get3A_82 : vector<16xf32> to vector<1x16xf32>
        tpu.vector_store %arg5[%swap3A_535, %swap3A_536], %swap3A_539 {strides = array<i32>} : memref<448x64xf32, #tpu.memory_space<vmem>>, vector<1x16xf32>,
        %mul3A_540 = arith.constant 16 : i32
        %mul3A_541 = arith.muli %scan3A_38, %mul3A_540 : i32
        %add3A_542 = arith.constant 12 : i32
        %add3A_543 = arith.addi %mul3A_541, %add3A_542 : i32
        %swap3A_544 = arith.index_cast %add3A_543 : i32 to index
        %swap3A_545 = arith.constant 32 : index
        %swap3A_546 = tpu.vector_load %arg5[%swap3A_544, %swap3A_545] {strides = array<i32>} : memref<448x64xf32, #tpu.memory_space<vmem>>, vector<1x16xf32>,
        %swap3A_547 = vector.shape_cast %swap3A_546 : vector<1x16xf32> to vector<16xf32>
        %swap3A_548 = vector.shape_cast %get3A_86 : vector<16xf32> to vector<1x16xf32>
        tpu.vector_store %arg5[%swap3A_544, %swap3A_545], %swap3A_548 {strides = array<i32>} : memref<448x64xf32, #tpu.memory_space<vmem>>, vector<1x16xf32>,
        %mul3A_549 = arith.constant 16 : i32
        %mul3A_550 = arith.muli %scan3A_38, %mul3A_549 : i32
        %add3A_551 = arith.constant 12 : i32
        %add3A_552 = arith.addi %mul3A_550, %add3A_551 : i32
        %swap3A_553 = arith.index_cast %add3A_552 : i32 to index
        %swap3A_554 = arith.constant 48 : index
        %swap3A_555 = tpu.vector_load %arg5[%swap3A_553, %swap3A_554] {strides = array<i32>} : memref<448x64xf32, #tpu.memory_space<vmem>>, vector<1x16xf32>,
        %swap3A_556 = vector.shape_cast %swap3A_555 : vector<1x16xf32> to vector<16xf32>
        %swap3A_557 = vector.shape_cast %get3A_90 : vector<16xf32> to vector<1x16xf32>
        tpu.vector_store %arg5[%swap3A_553, %swap3A_554], %swap3A_557 {strides = array<i32>} : memref<448x64xf32, #tpu.memory_space<vmem>>, vector<1x16xf32>,
        %mul3A_558 = arith.constant 16 : i32
        %mul3A_559 = arith.muli %scan3A_38, %mul3A_558 : i32
        %add3A_560 = arith.constant 13 : i32
        %add3A_561 = arith.addi %mul3A_559, %add3A_560 : i32
        %swap3A_562 = arith.index_cast %add3A_561 : i32 to index
        %swap3A_563 = arith.constant 0 : index
        %swap3A_564 = tpu.vector_load %arg5[%swap3A_562, %swap3A_563] {strides = array<i32>} : memref<448x64xf32, #tpu.memory_space<vmem>>, vector<1x16xf32>,
        %swap3A_565 = vector.shape_cast %swap3A_564 : vector<1x16xf32> to vector<16xf32>
        %swap3A_566 = vector.shape_cast %get3A_78 : vector<16xf32> to vector<1x16xf32>
        tpu.vector_store %arg5[%swap3A_562, %swap3A_563], %swap3A_566 {strides = array<i32>} : memref<448x64xf32, #tpu.memory_space<vmem>>, vector<1x16xf32>,
        %mul3A_567 = arith.constant 16 : i32
        %mul3A_568 = arith.muli %scan3A_38, %mul3A_567 : i32
        %add3A_569 = arith.constant 13 : i32
        %add3A_570 = arith.addi %mul3A_568, %add3A_569 : i32
        %swap3A_571 = arith.index_cast %add3A_570 : i32 to index
        %swap3A_572 = arith.constant 16 : index
        %swap3A_573 = tpu.vector_load %arg5[%swap3A_571, %swap3A_572] {strides = array<i32>} : memref<448x64xf32, #tpu.memory_space<vmem>>, vector<1x16xf32>,
        %swap3A_574 = vector.shape_cast %swap3A_573 : vector<1x16xf32> to vector<16xf32>
        %swap3A_575 = vector.shape_cast %get3A_82 : vector<16xf32> to vector<1x16xf32>
        tpu.vector_store %arg5[%swap3A_571, %swap3A_572], %swap3A_575 {strides = array<i32>} : memref<448x64xf32, #tpu.memory_space<vmem>>, vector<1x16xf32>,
        %mul3A_576 = arith.constant 16 : i32
        %mul3A_577 = arith.muli %scan3A_38, %mul3A_576 : i32
        %add3A_578 = arith.constant 13 : i32
        %add3A_579 = arith.addi %mul3A_577, %add3A_578 : i32
        %swap3A_580 = arith.index_cast %add3A_579 : i32 to index
        %swap3A_581 = arith.constant 32 : index
        %swap3A_582 = tpu.vector_load %arg5[%swap3A_580, %swap3A_581] {strides = array<i32>} : memref<448x64xf32, #tpu.memory_space<vmem>>, vector<1x16xf32>,
        %swap3A_583 = vector.shape_cast %swap3A_582 : vector<1x16xf32> to vector<16xf32>
        %swap3A_584 = vector.shape_cast %get3A_86 : vector<16xf32> to vector<1x16xf32>
        tpu.vector_store %arg5[%swap3A_580, %swap3A_581], %swap3A_584 {strides = array<i32>} : memref<448x64xf32, #tpu.memory_space<vmem>>, vector<1x16xf32>,
        %mul3A_585 = arith.constant 16 : i32
        %mul3A_586 = arith.muli %scan3A_38, %mul3A_585 : i32
        %add3A_587 = arith.constant 13 : i32
        %add3A_588 = arith.addi %mul3A_586, %add3A_587 : i32
        %swap3A_589 = arith.index_cast %add3A_588 : i32 to index
        %swap3A_590 = arith.constant 48 : index
        %swap3A_591 = tpu.vector_load %arg5[%swap3A_589, %swap3A_590] {strides = array<i32>} : memref<448x64xf32, #tpu.memory_space<vmem>>, vector<1x16xf32>,
        %swap3A_592 = vector.shape_cast %swap3A_591 : vector<1x16xf32> to vector<16xf32>
        %swap3A_593 = vector.shape_cast %get3A_90 : vector<16xf32> to vector<1x16xf32>
        tpu.vector_store %arg5[%swap3A_589, %swap3A_590], %swap3A_593 {strides = array<i32>} : memref<448x64xf32, #tpu.memory_space<vmem>>, vector<1x16xf32>,
        %mul3A_594 = arith.constant 16 : i32
        %mul3A_595 = arith.muli %scan3A_38, %mul3A_594 : i32
        %add3A_596 = arith.constant 14 : i32
        %add3A_597 = arith.addi %mul3A_595, %add3A_596 : i32
        %swap3A_598 = arith.index_cast %add3A_597 : i32 to index
        %swap3A_599 = arith.constant 0 : index
        %swap3A_600 = tpu.vector_load %arg5[%swap3A_598, %swap3A_599] {strides = array<i32>} : memref<448x64xf32, #tpu.memory_space<vmem>>, vector<1x16xf32>,
        %swap3A_601 = vector.shape_cast %swap3A_600 : vector<1x16xf32> to vector<16xf32>
        %swap3A_602 = vector.shape_cast %get3A_78 : vector<16xf32> to vector<1x16xf32>
        tpu.vector_store %arg5[%swap3A_598, %swap3A_599], %swap3A_602 {strides = array<i32>} : memref<448x64xf32, #tpu.memory_space<vmem>>, vector<1x16xf32>,
        %mul3A_603 = arith.constant 16 : i32
        %mul3A_604 = arith.muli %scan3A_38, %mul3A_603 : i32
        %add3A_605 = arith.constant 14 : i32
        %add3A_606 = arith.addi %mul3A_604, %add3A_605 : i32
        %swap3A_607 = arith.index_cast %add3A_606 : i32 to index
        %swap3A_608 = arith.constant 16 : index
        %swap3A_609 = tpu.vector_load %arg5[%swap3A_607, %swap3A_608] {strides = array<i32>} : memref<448x64xf32, #tpu.memory_space<vmem>>, vector<1x16xf32>,
        %swap3A_610 = vector.shape_cast %swap3A_609 : vector<1x16xf32> to vector<16xf32>
        %swap3A_611 = vector.shape_cast %get3A_82 : vector<16xf32> to vector<1x16xf32>
        tpu.vector_store %arg5[%swap3A_607, %swap3A_608], %swap3A_611 {strides = array<i32>} : memref<448x64xf32, #tpu.memory_space<vmem>>, vector<1x16xf32>,
        %mul3A_612 = arith.constant 16 : i32
        %mul3A_613 = arith.muli %scan3A_38, %mul3A_612 : i32
        %add3A_614 = arith.constant 14 : i32
        %add3A_615 = arith.addi %mul3A_613, %add3A_614 : i32
        %swap3A_616 = arith.index_cast %add3A_615 : i32 to index
        %swap3A_617 = arith.constant 32 : index
        %swap3A_618 = tpu.vector_load %arg5[%swap3A_616, %swap3A_617] {strides = array<i32>} : memref<448x64xf32, #tpu.memory_space<vmem>>, vector<1x16xf32>,
        %swap3A_619 = vector.shape_cast %swap3A_618 : vector<1x16xf32> to vector<16xf32>
        %swap3A_620 = vector.shape_cast %get3A_86 : vector<16xf32> to vector<1x16xf32>
        tpu.vector_store %arg5[%swap3A_616, %swap3A_617], %swap3A_620 {strides = array<i32>} : memref<448x64xf32, #tpu.memory_space<vmem>>, vector<1x16xf32>,
        %mul3A_621 = arith.constant 16 : i32
        %mul3A_622 = arith.muli %scan3A_38, %mul3A_621 : i32
        %add3A_623 = arith.constant 14 : i32
        %add3A_624 = arith.addi %mul3A_622, %add3A_623 : i32
        %swap3A_625 = arith.index_cast %add3A_624 : i32 to index
        %swap3A_626 = arith.constant 48 : index
        %swap3A_627 = tpu.vector_load %arg5[%swap3A_625, %swap3A_626] {strides = array<i32>} : memref<448x64xf32, #tpu.memory_space<vmem>>, vector<1x16xf32>,
        %swap3A_628 = vector.shape_cast %swap3A_627 : vector<1x16xf32> to vector<16xf32>
        %swap3A_629 = vector.shape_cast %get3A_90 : vector<16xf32> to vector<1x16xf32>
        tpu.vector_store %arg5[%swap3A_625, %swap3A_626], %swap3A_629 {strides = array<i32>} : memref<448x64xf32, #tpu.memory_space<vmem>>, vector<1x16xf32>,
        %mul3A_630 = arith.constant 16 : i32
        %mul3A_631 = arith.muli %scan3A_38, %mul3A_630 : i32
        %add3A_632 = arith.constant 15 : i32
        %add3A_633 = arith.addi %mul3A_631, %add3A_632 : i32
        %swap3A_634 = arith.index_cast %add3A_633 : i32 to index
        %swap3A_635 = arith.constant 0 : index
        %swap3A_636 = tpu.vector_load %arg5[%swap3A_634, %swap3A_635] {strides = array<i32>} : memref<448x64xf32, #tpu.memory_space<vmem>>, vector<1x16xf32>,
        %swap3A_637 = vector.shape_cast %swap3A_636 : vector<1x16xf32> to vector<16xf32>
        %swap3A_638 = vector.shape_cast %get3A_78 : vector<16xf32> to vector<1x16xf32>
        tpu.vector_store %arg5[%swap3A_634, %swap3A_635], %swap3A_638 {strides = array<i32>} : memref<448x64xf32, #tpu.memory_space<vmem>>, vector<1x16xf32>,
        %mul3A_639 = arith.constant 16 : i32
        %mul3A_640 = arith.muli %scan3A_38, %mul3A_639 : i32
        %add3A_641 = arith.constant 15 : i32
        %add3A_642 = arith.addi %mul3A_640, %add3A_641 : i32
        %swap3A_643 = arith.index_cast %add3A_642 : i32 to index
        %swap3A_644 = arith.constant 16 : index
        %swap3A_645 = tpu.vector_load %arg5[%swap3A_643, %swap3A_644] {strides = array<i32>} : memref<448x64xf32, #tpu.memory_space<vmem>>, vector<1x16xf32>,
        %swap3A_646 = vector.shape_cast %swap3A_645 : vector<1x16xf32> to vector<16xf32>
        %swap3A_647 = vector.shape_cast %get3A_82 : vector<16xf32> to vector<1x16xf32>
        tpu.vector_store %arg5[%swap3A_643, %swap3A_644], %swap3A_647 {strides = array<i32>} : memref<448x64xf32, #tpu.memory_space<vmem>>, vector<1x16xf32>,
        %mul3A_648 = arith.constant 16 : i32
        %mul3A_649 = arith.muli %scan3A_38, %mul3A_648 : i32
        %add3A_650 = arith.constant 15 : i32
        %add3A_651 = arith.addi %mul3A_649, %add3A_650 : i32
        %swap3A_652 = arith.index_cast %add3A_651 : i32 to index
        %swap3A_653 = arith.constant 32 : index
        %swap3A_654 = tpu.vector_load %arg5[%swap3A_652, %swap3A_653] {strides = array<i32>} : memref<448x64xf32, #tpu.memory_space<vmem>>, vector<1x16xf32>,
        %swap3A_655 = vector.shape_cast %swap3A_654 : vector<1x16xf32> to vector<16xf32>
        %swap3A_656 = vector.shape_cast %get3A_86 : vector<16xf32> to vector<1x16xf32>
        tpu.vector_store %arg5[%swap3A_652, %swap3A_653], %swap3A_656 {strides = array<i32>} : memref<448x64xf32, #tpu.memory_space<vmem>>, vector<1x16xf32>,
        %mul3A_657 = arith.constant 16 : i32
        %mul3A_658 = arith.muli %scan3A_38, %mul3A_657 : i32
        %add3A_659 = arith.constant 15 : i32
        %add3A_660 = arith.addi %mul3A_658, %add3A_659 : i32
        %swap3A_661 = arith.index_cast %add3A_660 : i32 to index
        %swap3A_662 = arith.constant 48 : index
        %swap3A_663 = tpu.vector_load %arg5[%swap3A_661, %swap3A_662] {strides = array<i32>} : memref<448x64xf32, #tpu.memory_space<vmem>>, vector<1x16xf32>,
        %swap3A_664 = vector.shape_cast %swap3A_663 : vector<1x16xf32> to vector<16xf32>
        %swap3A_665 = vector.shape_cast %get3A_90 : vector<16xf32> to vector<1x16xf32>
        tpu.vector_store %arg5[%swap3A_661, %swap3A_662], %swap3A_665 {strides = array<i32>} : memref<448x64xf32, #tpu.memory_space<vmem>>, vector<1x16xf32>,
      } else {
      }
      %ne3A = arith.cmpi ne, %select_n3A_52, %select_n3A_68 : i32
      %convert_element_type3A_73 = arith.extui %ne3A : i1 to i32
      %cond3A_74 = arith.constant 0 : i32
      %cond3A_75 = arith.cmpi ne, %convert_element_type3A_73, %cond3A_74 : i32
      scf.if %cond3A_75 {
        %add3A_76 = arith.constant 0 : i32
        %add3A_77 = arith.addi %add3A_41, %add3A_76 : i32
        %lt3A_78 = arith.constant 4094 : i32
        %lt3A_79 = arith.cmpi slt, %add3A_77, %lt3A_78 : i32
        %lt3A_80 = arith.constant 8186 : i32
        %lt3A_81 = arith.cmpi slt, %add3A_77, %lt3A_80 : i32
        %lt3A_82 = arith.constant 12276 : i32
        %lt3A_83 = arith.cmpi slt, %add3A_77, %lt3A_82 : i32
        %jit3A_84 = arith.constant 2 : i32
        %jit3A_85 = arith.constant 0 : i32
        %select_n3A_86 = arith.select %lt3A_83, %jit3A_84, %jit3A_85 : i32
        %jit3A_87 = arith.constant 1 : i32
        %select_n3A_88 = arith.select %lt3A_81, %jit3A_87, %select_n3A_86 : i32
        %jit3A_89 = arith.constant 0 : i32
        %select_n3A_90 = arith.select %lt3A_79, %jit3A_89, %select_n3A_88 : i32
        %get3A = arith.index_cast %select_n3A_90 : i32 to index
        %get3A_91 = arith.constant 0 : index
        %get3A_92 = tpu.vector_load %arg4[%get3A, %get3A_91] {strides = array<i32>} : memref<5x64xf32, #tpu.memory_space<vmem>>, vector<1x16xf32>,
        %get3A_93 = vector.shape_cast %get3A_92 : vector<1x16xf32> to vector<16xf32>
        %mul3A_94 = arith.constant 16 : i32
        %mul3A_95 = arith.muli %scan3A_38, %mul3A_94 : i32
        %add3A_96 = arith.constant 0 : i32
        %add3A_97 = arith.addi %mul3A_95, %add3A_96 : i32
        %swap3A = arith.index_cast %add3A_97 : i32 to index
        %swap3A_98 = arith.constant 0 : index
        %swap3A_99 = tpu.vector_load %arg5[%swap3A, %swap3A_98] {strides = array<i32>} : memref<448x64xf32, #tpu.memory_space<vmem>>, vector<1x16xf32>,
        %swap3A_100 = vector.shape_cast %swap3A_99 : vector<1x16xf32> to vector<16xf32>
        %swap3A_101 = vector.shape_cast %get3A_93 : vector<16xf32> to vector<1x16xf32>
        tpu.vector_store %arg5[%swap3A, %swap3A_98], %swap3A_101 {strides = array<i32>} : memref<448x64xf32, #tpu.memory_space<vmem>>, vector<1x16xf32>,
        %get3A_102 = arith.index_cast %select_n3A_90 : i32 to index
        %get3A_103 = arith.constant 16 : index
        %get3A_104 = tpu.vector_load %arg4[%get3A_102, %get3A_103] {strides = array<i32>} : memref<5x64xf32, #tpu.memory_space<vmem>>, vector<1x16xf32>,
        %get3A_105 = vector.shape_cast %get3A_104 : vector<1x16xf32> to vector<16xf32>
        %mul3A_106 = arith.constant 16 : i32
        %mul3A_107 = arith.muli %scan3A_38, %mul3A_106 : i32
        %add3A_108 = arith.constant 0 : i32
        %add3A_109 = arith.addi %mul3A_107, %add3A_108 : i32
        %swap3A_110 = arith.index_cast %add3A_109 : i32 to index
        %swap3A_111 = arith.constant 16 : index
        %swap3A_112 = tpu.vector_load %arg5[%swap3A_110, %swap3A_111] {strides = array<i32>} : memref<448x64xf32, #tpu.memory_space<vmem>>, vector<1x16xf32>,
        %swap3A_113 = vector.shape_cast %swap3A_112 : vector<1x16xf32> to vector<16xf32>
        %swap3A_114 = vector.shape_cast %get3A_105 : vector<16xf32> to vector<1x16xf32>
        tpu.vector_store %arg5[%swap3A_110, %swap3A_111], %swap3A_114 {strides = array<i32>} : memref<448x64xf32, #tpu.memory_space<vmem>>, vector<1x16xf32>,
        %get3A_115 = arith.index_cast %select_n3A_90 : i32 to index
        %get3A_116 = arith.constant 32 : index
        %get3A_117 = tpu.vector_load %arg4[%get3A_115, %get3A_116] {strides = array<i32>} : memref<5x64xf32, #tpu.memory_space<vmem>>, vector<1x16xf32>,
        %get3A_118 = vector.shape_cast %get3A_117 : vector<1x16xf32> to vector<16xf32>
        %mul3A_119 = arith.constant 16 : i32
        %mul3A_120 = arith.muli %scan3A_38, %mul3A_119 : i32
        %add3A_121 = arith.constant 0 : i32
        %add3A_122 = arith.addi %mul3A_120, %add3A_121 : i32
        %swap3A_123 = arith.index_cast %add3A_122 : i32 to index
        %swap3A_124 = arith.constant 32 : index
        %swap3A_125 = tpu.vector_load %arg5[%swap3A_123, %swap3A_124] {strides = array<i32>} : memref<448x64xf32, #tpu.memory_space<vmem>>, vector<1x16xf32>,
        %swap3A_126 = vector.shape_cast %swap3A_125 : vector<1x16xf32> to vector<16xf32>
        %swap3A_127 = vector.shape_cast %get3A_118 : vector<16xf32> to vector<1x16xf32>
        tpu.vector_store %arg5[%swap3A_123, %swap3A_124], %swap3A_127 {strides = array<i32>} : memref<448x64xf32, #tpu.memory_space<vmem>>, vector<1x16xf32>,
        %get3A_128 = arith.index_cast %select_n3A_90 : i32 to index
        %get3A_129 = arith.constant 48 : index
        %get3A_130 = tpu.vector_load %arg4[%get3A_128, %get3A_129] {strides = array<i32>} : memref<5x64xf32, #tpu.memory_space<vmem>>, vector<1x16xf32>,
        %get3A_131 = vector.shape_cast %get3A_130 : vector<1x16xf32> to vector<16xf32>
        %mul3A_132 = arith.constant 16 : i32
        %mul3A_133 = arith.muli %scan3A_38, %mul3A_132 : i32
        %add3A_134 = arith.constant 0 : i32
        %add3A_135 = arith.addi %mul3A_133, %add3A_134 : i32
        %swap3A_136 = arith.index_cast %add3A_135 : i32 to index
        %swap3A_137 = arith.constant 48 : index
        %swap3A_138 = tpu.vector_load %arg5[%swap3A_136, %swap3A_137] {strides = array<i32>} : memref<448x64xf32, #tpu.memory_space<vmem>>, vector<1x16xf32>,
        %swap3A_139 = vector.shape_cast %swap3A_138 : vector<1x16xf32> to vector<16xf32>
        %swap3A_140 = vector.shape_cast %get3A_131 : vector<16xf32> to vector<1x16xf32>
        tpu.vector_store %arg5[%swap3A_136, %swap3A_137], %swap3A_140 {strides = array<i32>} : memref<448x64xf32, #tpu.memory_space<vmem>>, vector<1x16xf32>,
        %add3A_141 = arith.constant 1 : i32
        %add3A_142 = arith.addi %add3A_41, %add3A_141 : i32
        %lt3A_143 = arith.constant 4094 : i32
        %lt3A_144 = arith.cmpi slt, %add3A_142, %lt3A_143 : i32
        %lt3A_145 = arith.constant 8186 : i32
        %lt3A_146 = arith.cmpi slt, %add3A_142, %lt3A_145 : i32
        %lt3A_147 = arith.constant 12276 : i32
        %lt3A_148 = arith.cmpi slt, %add3A_142, %lt3A_147 : i32
        %jit3A_149 = arith.constant 2 : i32
        %jit3A_150 = arith.constant 0 : i32
        %select_n3A_151 = arith.select %lt3A_148, %jit3A_149, %jit3A_150 : i32
        %jit3A_152 = arith.constant 1 : i32
        %select_n3A_153 = arith.select %lt3A_146, %jit3A_152, %select_n3A_151 : i32
        %jit3A_154 = arith.constant 0 : i32
        %select_n3A_155 = arith.select %lt3A_144, %jit3A_154, %select_n3A_153 : i32
        %get3A_156 = arith.index_cast %select_n3A_155 : i32 to index
        %get3A_157 = arith.constant 0 : index
        %get3A_158 = tpu.vector_load %arg4[%get3A_156, %get3A_157] {strides = array<i32>} : memref<5x64xf32, #tpu.memory_space<vmem>>, vector<1x16xf32>,
        %get3A_159 = vector.shape_cast %get3A_158 : vector<1x16xf32> to vector<16xf32>
        %mul3A_160 = arith.constant 16 : i32
        %mul3A_161 = arith.muli %scan3A_38, %mul3A_160 : i32
        %add3A_162 = arith.constant 1 : i32
        %add3A_163 = arith.addi %mul3A_161, %add3A_162 : i32
        %swap3A_164 = arith.index_cast %add3A_163 : i32 to index
        %swap3A_165 = arith.constant 0 : index
        %swap3A_166 = tpu.vector_load %arg5[%swap3A_164, %swap3A_165] {strides = array<i32>} : memref<448x64xf32, #tpu.memory_space<vmem>>, vector<1x16xf32>,
        %swap3A_167 = vector.shape_cast %swap3A_166 : vector<1x16xf32> to vector<16xf32>
        %swap3A_168 = vector.shape_cast %get3A_159 : vector<16xf32> to vector<1x16xf32>
        tpu.vector_store %arg5[%swap3A_164, %swap3A_165], %swap3A_168 {strides = array<i32>} : memref<448x64xf32, #tpu.memory_space<vmem>>, vector<1x16xf32>,
        %get3A_169 = arith.index_cast %select_n3A_155 : i32 to index
        %get3A_170 = arith.constant 16 : index
        %get3A_171 = tpu.vector_load %arg4[%get3A_169, %get3A_170] {strides = array<i32>} : memref<5x64xf32, #tpu.memory_space<vmem>>, vector<1x16xf32>,
        %get3A_172 = vector.shape_cast %get3A_171 : vector<1x16xf32> to vector<16xf32>
        %mul3A_173 = arith.constant 16 : i32
        %mul3A_174 = arith.muli %scan3A_38, %mul3A_173 : i32
        %add3A_175 = arith.constant 1 : i32
        %add3A_176 = arith.addi %mul3A_174, %add3A_175 : i32
        %swap3A_177 = arith.index_cast %add3A_176 : i32 to index
        %swap3A_178 = arith.constant 16 : index
        %swap3A_179 = tpu.vector_load %arg5[%swap3A_177, %swap3A_178] {strides = array<i32>} : memref<448x64xf32, #tpu.memory_space<vmem>>, vector<1x16xf32>,
        %swap3A_180 = vector.shape_cast %swap3A_179 : vector<1x16xf32> to vector<16xf32>
        %swap3A_181 = vector.shape_cast %get3A_172 : vector<16xf32> to vector<1x16xf32>
        tpu.vector_store %arg5[%swap3A_177, %swap3A_178], %swap3A_181 {strides = array<i32>} : memref<448x64xf32, #tpu.memory_space<vmem>>, vector<1x16xf32>,
        %get3A_182 = arith.index_cast %select_n3A_155 : i32 to index
        %get3A_183 = arith.constant 32 : index
        %get3A_184 = tpu.vector_load %arg4[%get3A_182, %get3A_183] {strides = array<i32>} : memref<5x64xf32, #tpu.memory_space<vmem>>, vector<1x16xf32>,
        %get3A_185 = vector.shape_cast %get3A_184 : vector<1x16xf32> to vector<16xf32>
        %mul3A_186 = arith.constant 16 : i32
        %mul3A_187 = arith.muli %scan3A_38, %mul3A_186 : i32
        %add3A_188 = arith.constant 1 : i32
        %add3A_189 = arith.addi %mul3A_187, %add3A_188 : i32
        %swap3A_190 = arith.index_cast %add3A_189 : i32 to index
        %swap3A_191 = arith.constant 32 : index
        %swap3A_192 = tpu.vector_load %arg5[%swap3A_190, %swap3A_191] {strides = array<i32>} : memref<448x64xf32, #tpu.memory_space<vmem>>, vector<1x16xf32>,
        %swap3A_193 = vector.shape_cast %swap3A_192 : vector<1x16xf32> to vector<16xf32>
        %swap3A_194 = vector.shape_cast %get3A_185 : vector<16xf32> to vector<1x16xf32>
        tpu.vector_store %arg5[%swap3A_190, %swap3A_191], %swap3A_194 {strides = array<i32>} : memref<448x64xf32, #tpu.memory_space<vmem>>, vector<1x16xf32>,
        %get3A_195 = arith.index_cast %select_n3A_155 : i32 to index
        %get3A_196 = arith.constant 48 : index
        %get3A_197 = tpu.vector_load %arg4[%get3A_195, %get3A_196] {strides = array<i32>} : memref<5x64xf32, #tpu.memory_space<vmem>>, vector<1x16xf32>,
        %get3A_198 = vector.shape_cast %get3A_197 : vector<1x16xf32> to vector<16xf32>
        %mul3A_199 = arith.constant 16 : i32
        %mul3A_200 = arith.muli %scan3A_38, %mul3A_199 : i32
        %add3A_201 = arith.constant 1 : i32
        %add3A_202 = arith.addi %mul3A_200, %add3A_201 : i32
        %swap3A_203 = arith.index_cast %add3A_202 : i32 to index
        %swap3A_204 = arith.constant 48 : index
        %swap3A_205 = tpu.vector_load %arg5[%swap3A_203, %swap3A_204] {strides = array<i32>} : memref<448x64xf32, #tpu.memory_space<vmem>>, vector<1x16xf32>,
        %swap3A_206 = vector.shape_cast %swap3A_205 : vector<1x16xf32> to vector<16xf32>
        %swap3A_207 = vector.shape_cast %get3A_198 : vector<16xf32> to vector<1x16xf32>
        tpu.vector_store %arg5[%swap3A_203, %swap3A_204], %swap3A_207 {strides = array<i32>} : memref<448x64xf32, #tpu.memory_space<vmem>>, vector<1x16xf32>,
        %add3A_208 = arith.constant 2 : i32
        %add3A_209 = arith.addi %add3A_41, %add3A_208 : i32
        %lt3A_210 = arith.constant 4094 : i32
        %lt3A_211 = arith.cmpi slt, %add3A_209, %lt3A_210 : i32
        %lt3A_212 = arith.constant 8186 : i32
        %lt3A_213 = arith.cmpi slt, %add3A_209, %lt3A_212 : i32
        %lt3A_214 = arith.constant 12276 : i32
        %lt3A_215 = arith.cmpi slt, %add3A_209, %lt3A_214 : i32
        %jit3A_216 = arith.constant 2 : i32
        %jit3A_217 = arith.constant 0 : i32
        %select_n3A_218 = arith.select %lt3A_215, %jit3A_216, %jit3A_217 : i32
        %jit3A_219 = arith.constant 1 : i32
        %select_n3A_220 = arith.select %lt3A_213, %jit3A_219, %select_n3A_218 : i32
        %jit3A_221 = arith.constant 0 : i32
        %select_n3A_222 = arith.select %lt3A_211, %jit3A_221, %select_n3A_220 : i32
        %get3A_223 = arith.index_cast %select_n3A_222 : i32 to index
        %get3A_224 = arith.constant 0 : index
        %get3A_225 = tpu.vector_load %arg4[%get3A_223, %get3A_224] {strides = array<i32>} : memref<5x64xf32, #tpu.memory_space<vmem>>, vector<1x16xf32>,
        %get3A_226 = vector.shape_cast %get3A_225 : vector<1x16xf32> to vector<16xf32>
        %mul3A_227 = arith.constant 16 : i32
        %mul3A_228 = arith.muli %scan3A_38, %mul3A_227 : i32
        %add3A_229 = arith.constant 2 : i32
        %add3A_230 = arith.addi %mul3A_228, %add3A_229 : i32
        %swap3A_231 = arith.index_cast %add3A_230 : i32 to index
        %swap3A_232 = arith.constant 0 : index
        %swap3A_233 = tpu.vector_load %arg5[%swap3A_231, %swap3A_232] {strides = array<i32>} : memref<448x64xf32, #tpu.memory_space<vmem>>, vector<1x16xf32>,
        %swap3A_234 = vector.shape_cast %swap3A_233 : vector<1x16xf32> to vector<16xf32>
        %swap3A_235 = vector.shape_cast %get3A_226 : vector<16xf32> to vector<1x16xf32>
        tpu.vector_store %arg5[%swap3A_231, %swap3A_232], %swap3A_235 {strides = array<i32>} : memref<448x64xf32, #tpu.memory_space<vmem>>, vector<1x16xf32>,
        %get3A_236 = arith.index_cast %select_n3A_222 : i32 to index
        %get3A_237 = arith.constant 16 : index
        %get3A_238 = tpu.vector_load %arg4[%get3A_236, %get3A_237] {strides = array<i32>} : memref<5x64xf32, #tpu.memory_space<vmem>>, vector<1x16xf32>,
        %get3A_239 = vector.shape_cast %get3A_238 : vector<1x16xf32> to vector<16xf32>
        %mul3A_240 = arith.constant 16 : i32
        %mul3A_241 = arith.muli %scan3A_38, %mul3A_240 : i32
        %add3A_242 = arith.constant 2 : i32
        %add3A_243 = arith.addi %mul3A_241, %add3A_242 : i32
        %swap3A_244 = arith.index_cast %add3A_243 : i32 to index
        %swap3A_245 = arith.constant 16 : index
        %swap3A_246 = tpu.vector_load %arg5[%swap3A_244, %swap3A_245] {strides = array<i32>} : memref<448x64xf32, #tpu.memory_space<vmem>>, vector<1x16xf32>,
        %swap3A_247 = vector.shape_cast %swap3A_246 : vector<1x16xf32> to vector<16xf32>
        %swap3A_248 = vector.shape_cast %get3A_239 : vector<16xf32> to vector<1x16xf32>
        tpu.vector_store %arg5[%swap3A_244, %swap3A_245], %swap3A_248 {strides = array<i32>} : memref<448x64xf32, #tpu.memory_space<vmem>>, vector<1x16xf32>,
        %get3A_249 = arith.index_cast %select_n3A_222 : i32 to index
        %get3A_250 = arith.constant 32 : index
        %get3A_251 = tpu.vector_load %arg4[%get3A_249, %get3A_250] {strides = array<i32>} : memref<5x64xf32, #tpu.memory_space<vmem>>, vector<1x16xf32>,
        %get3A_252 = vector.shape_cast %get3A_251 : vector<1x16xf32> to vector<16xf32>
        %mul3A_253 = arith.constant 16 : i32
        %mul3A_254 = arith.muli %scan3A_38, %mul3A_253 : i32
        %add3A_255 = arith.constant 2 : i32
        %add3A_256 = arith.addi %mul3A_254, %add3A_255 : i32
        %swap3A_257 = arith.index_cast %add3A_256 : i32 to index
        %swap3A_258 = arith.constant 32 : index
        %swap3A_259 = tpu.vector_load %arg5[%swap3A_257, %swap3A_258] {strides = array<i32>} : memref<448x64xf32, #tpu.memory_space<vmem>>, vector<1x16xf32>,
        %swap3A_260 = vector.shape_cast %swap3A_259 : vector<1x16xf32> to vector<16xf32>
        %swap3A_261 = vector.shape_cast %get3A_252 : vector<16xf32> to vector<1x16xf32>
        tpu.vector_store %arg5[%swap3A_257, %swap3A_258], %swap3A_261 {strides = array<i32>} : memref<448x64xf32, #tpu.memory_space<vmem>>, vector<1x16xf32>,
        %get3A_262 = arith.index_cast %select_n3A_222 : i32 to index
        %get3A_263 = arith.constant 48 : index
        %get3A_264 = tpu.vector_load %arg4[%get3A_262, %get3A_263] {strides = array<i32>} : memref<5x64xf32, #tpu.memory_space<vmem>>, vector<1x16xf32>,
        %get3A_265 = vector.shape_cast %get3A_264 : vector<1x16xf32> to vector<16xf32>
        %mul3A_266 = arith.constant 16 : i32
        %mul3A_267 = arith.muli %scan3A_38, %mul3A_266 : i32
        %add3A_268 = arith.constant 2 : i32
        %add3A_269 = arith.addi %mul3A_267, %add3A_268 : i32
        %swap3A_270 = arith.index_cast %add3A_269 : i32 to index
        %swap3A_271 = arith.constant 48 : index
        %swap3A_272 = tpu.vector_load %arg5[%swap3A_270, %swap3A_271] {strides = array<i32>} : memref<448x64xf32, #tpu.memory_space<vmem>>, vector<1x16xf32>,
        %swap3A_273 = vector.shape_cast %swap3A_272 : vector<1x16xf32> to vector<16xf32>
        %swap3A_274 = vector.shape_cast %get3A_265 : vector<16xf32> to vector<1x16xf32>
        tpu.vector_store %arg5[%swap3A_270, %swap3A_271], %swap3A_274 {strides = array<i32>} : memref<448x64xf32, #tpu.memory_space<vmem>>, vector<1x16xf32>,
        %add3A_275 = arith.constant 3 : i32
        %add3A_276 = arith.addi %add3A_41, %add3A_275 : i32
        %lt3A_277 = arith.constant 4094 : i32
        %lt3A_278 = arith.cmpi slt, %add3A_276, %lt3A_277 : i32
        %lt3A_279 = arith.constant 8186 : i32
        %lt3A_280 = arith.cmpi slt, %add3A_276, %lt3A_279 : i32
        %lt3A_281 = arith.constant 12276 : i32
        %lt3A_282 = arith.cmpi slt, %add3A_276, %lt3A_281 : i32
        %jit3A_283 = arith.constant 2 : i32
        %jit3A_284 = arith.constant 0 : i32
        %select_n3A_285 = arith.select %lt3A_282, %jit3A_283, %jit3A_284 : i32
        %jit3A_286 = arith.constant 1 : i32
        %select_n3A_287 = arith.select %lt3A_280, %jit3A_286, %select_n3A_285 : i32
        %jit3A_288 = arith.constant 0 : i32
        %select_n3A_289 = arith.select %lt3A_278, %jit3A_288, %select_n3A_287 : i32
        %get3A_290 = arith.index_cast %select_n3A_289 : i32 to index
        %get3A_291 = arith.constant 0 : index
        %get3A_292 = tpu.vector_load %arg4[%get3A_290, %get3A_291] {strides = array<i32>} : memref<5x64xf32, #tpu.memory_space<vmem>>, vector<1x16xf32>,
        %get3A_293 = vector.shape_cast %get3A_292 : vector<1x16xf32> to vector<16xf32>
        %mul3A_294 = arith.constant 16 : i32
        %mul3A_295 = arith.muli %scan3A_38, %mul3A_294 : i32
        %add3A_296 = arith.constant 3 : i32
        %add3A_297 = arith.addi %mul3A_295, %add3A_296 : i32
        %swap3A_298 = arith.index_cast %add3A_297 : i32 to index
        %swap3A_299 = arith.constant 0 : index
        %swap3A_300 = tpu.vector_load %arg5[%swap3A_298, %swap3A_299] {strides = array<i32>} : memref<448x64xf32, #tpu.memory_space<vmem>>, vector<1x16xf32>,
        %swap3A_301 = vector.shape_cast %swap3A_300 : vector<1x16xf32> to vector<16xf32>
        %swap3A_302 = vector.shape_cast %get3A_293 : vector<16xf32> to vector<1x16xf32>
        tpu.vector_store %arg5[%swap3A_298, %swap3A_299], %swap3A_302 {strides = array<i32>} : memref<448x64xf32, #tpu.memory_space<vmem>>, vector<1x16xf32>,
        %get3A_303 = arith.index_cast %select_n3A_289 : i32 to index
        %get3A_304 = arith.constant 16 : index
        %get3A_305 = tpu.vector_load %arg4[%get3A_303, %get3A_304] {strides = array<i32>} : memref<5x64xf32, #tpu.memory_space<vmem>>, vector<1x16xf32>,
        %get3A_306 = vector.shape_cast %get3A_305 : vector<1x16xf32> to vector<16xf32>
        %mul3A_307 = arith.constant 16 : i32
        %mul3A_308 = arith.muli %scan3A_38, %mul3A_307 : i32
        %add3A_309 = arith.constant 3 : i32
        %add3A_310 = arith.addi %mul3A_308, %add3A_309 : i32
        %swap3A_311 = arith.index_cast %add3A_310 : i32 to index
        %swap3A_312 = arith.constant 16 : index
        %swap3A_313 = tpu.vector_load %arg5[%swap3A_311, %swap3A_312] {strides = array<i32>} : memref<448x64xf32, #tpu.memory_space<vmem>>, vector<1x16xf32>,
        %swap3A_314 = vector.shape_cast %swap3A_313 : vector<1x16xf32> to vector<16xf32>
        %swap3A_315 = vector.shape_cast %get3A_306 : vector<16xf32> to vector<1x16xf32>
        tpu.vector_store %arg5[%swap3A_311, %swap3A_312], %swap3A_315 {strides = array<i32>} : memref<448x64xf32, #tpu.memory_space<vmem>>, vector<1x16xf32>,
        %get3A_316 = arith.index_cast %select_n3A_289 : i32 to index
        %get3A_317 = arith.constant 32 : index
        %get3A_318 = tpu.vector_load %arg4[%get3A_316, %get3A_317] {strides = array<i32>} : memref<5x64xf32, #tpu.memory_space<vmem>>, vector<1x16xf32>,
        %get3A_319 = vector.shape_cast %get3A_318 : vector<1x16xf32> to vector<16xf32>
        %mul3A_320 = arith.constant 16 : i32
        %mul3A_321 = arith.muli %scan3A_38, %mul3A_320 : i32
        %add3A_322 = arith.constant 3 : i32
        %add3A_323 = arith.addi %mul3A_321, %add3A_322 : i32
        %swap3A_324 = arith.index_cast %add3A_323 : i32 to index
        %swap3A_325 = arith.constant 32 : index
        %swap3A_326 = tpu.vector_load %arg5[%swap3A_324, %swap3A_325] {strides = array<i32>} : memref<448x64xf32, #tpu.memory_space<vmem>>, vector<1x16xf32>,
        %swap3A_327 = vector.shape_cast %swap3A_326 : vector<1x16xf32> to vector<16xf32>
        %swap3A_328 = vector.shape_cast %get3A_319 : vector<16xf32> to vector<1x16xf32>
        tpu.vector_store %arg5[%swap3A_324, %swap3A_325], %swap3A_328 {strides = array<i32>} : memref<448x64xf32, #tpu.memory_space<vmem>>, vector<1x16xf32>,
        %get3A_329 = arith.index_cast %select_n3A_289 : i32 to index
        %get3A_330 = arith.constant 48 : index
        %get3A_331 = tpu.vector_load %arg4[%get3A_329, %get3A_330] {strides = array<i32>} : memref<5x64xf32, #tpu.memory_space<vmem>>, vector<1x16xf32>,
        %get3A_332 = vector.shape_cast %get3A_331 : vector<1x16xf32> to vector<16xf32>
        %mul3A_333 = arith.constant 16 : i32
        %mul3A_334 = arith.muli %scan3A_38, %mul3A_333 : i32
        %add3A_335 = arith.constant 3 : i32
        %add3A_336 = arith.addi %mul3A_334, %add3A_335 : i32
        %swap3A_337 = arith.index_cast %add3A_336 : i32 to index
        %swap3A_338 = arith.constant 48 : index
        %swap3A_339 = tpu.vector_load %arg5[%swap3A_337, %swap3A_338] {strides = array<i32>} : memref<448x64xf32, #tpu.memory_space<vmem>>, vector<1x16xf32>,
        %swap3A_340 = vector.shape_cast %swap3A_339 : vector<1x16xf32> to vector<16xf32>
        %swap3A_341 = vector.shape_cast %get3A_332 : vector<16xf32> to vector<1x16xf32>
        tpu.vector_store %arg5[%swap3A_337, %swap3A_338], %swap3A_341 {strides = array<i32>} : memref<448x64xf32, #tpu.memory_space<vmem>>, vector<1x16xf32>,
        %add3A_342 = arith.constant 4 : i32
        %add3A_343 = arith.addi %add3A_41, %add3A_342 : i32
        %lt3A_344 = arith.constant 4094 : i32
        %lt3A_345 = arith.cmpi slt, %add3A_343, %lt3A_344 : i32
        %lt3A_346 = arith.constant 8186 : i32
        %lt3A_347 = arith.cmpi slt, %add3A_343, %lt3A_346 : i32
        %lt3A_348 = arith.constant 12276 : i32
        %lt3A_349 = arith.cmpi slt, %add3A_343, %lt3A_348 : i32
        %jit3A_350 = arith.constant 2 : i32
        %jit3A_351 = arith.constant 0 : i32
        %select_n3A_352 = arith.select %lt3A_349, %jit3A_350, %jit3A_351 : i32
        %jit3A_353 = arith.constant 1 : i32
        %select_n3A_354 = arith.select %lt3A_347, %jit3A_353, %select_n3A_352 : i32
        %jit3A_355 = arith.constant 0 : i32
        %select_n3A_356 = arith.select %lt3A_345, %jit3A_355, %select_n3A_354 : i32
        %get3A_357 = arith.index_cast %select_n3A_356 : i32 to index
        %get3A_358 = arith.constant 0 : index
        %get3A_359 = tpu.vector_load %arg4[%get3A_357, %get3A_358] {strides = array<i32>} : memref<5x64xf32, #tpu.memory_space<vmem>>, vector<1x16xf32>,
        %get3A_360 = vector.shape_cast %get3A_359 : vector<1x16xf32> to vector<16xf32>
        %mul3A_361 = arith.constant 16 : i32
        %mul3A_362 = arith.muli %scan3A_38, %mul3A_361 : i32
        %add3A_363 = arith.constant 4 : i32
        %add3A_364 = arith.addi %mul3A_362, %add3A_363 : i32
        %swap3A_365 = arith.index_cast %add3A_364 : i32 to index
        %swap3A_366 = arith.constant 0 : index
        %swap3A_367 = tpu.vector_load %arg5[%swap3A_365, %swap3A_366] {strides = array<i32>} : memref<448x64xf32, #tpu.memory_space<vmem>>, vector<1x16xf32>,
        %swap3A_368 = vector.shape_cast %swap3A_367 : vector<1x16xf32> to vector<16xf32>
        %swap3A_369 = vector.shape_cast %get3A_360 : vector<16xf32> to vector<1x16xf32>
        tpu.vector_store %arg5[%swap3A_365, %swap3A_366], %swap3A_369 {strides = array<i32>} : memref<448x64xf32, #tpu.memory_space<vmem>>, vector<1x16xf32>,
        %get3A_370 = arith.index_cast %select_n3A_356 : i32 to index
        %get3A_371 = arith.constant 16 : index
        %get3A_372 = tpu.vector_load %arg4[%get3A_370, %get3A_371] {strides = array<i32>} : memref<5x64xf32, #tpu.memory_space<vmem>>, vector<1x16xf32>,
        %get3A_373 = vector.shape_cast %get3A_372 : vector<1x16xf32> to vector<16xf32>
        %mul3A_374 = arith.constant 16 : i32
        %mul3A_375 = arith.muli %scan3A_38, %mul3A_374 : i32
        %add3A_376 = arith.constant 4 : i32
        %add3A_377 = arith.addi %mul3A_375, %add3A_376 : i32
        %swap3A_378 = arith.index_cast %add3A_377 : i32 to index
        %swap3A_379 = arith.constant 16 : index
        %swap3A_380 = tpu.vector_load %arg5[%swap3A_378, %swap3A_379] {strides = array<i32>} : memref<448x64xf32, #tpu.memory_space<vmem>>, vector<1x16xf32>,
        %swap3A_381 = vector.shape_cast %swap3A_380 : vector<1x16xf32> to vector<16xf32>
        %swap3A_382 = vector.shape_cast %get3A_373 : vector<16xf32> to vector<1x16xf32>
        tpu.vector_store %arg5[%swap3A_378, %swap3A_379], %swap3A_382 {strides = array<i32>} : memref<448x64xf32, #tpu.memory_space<vmem>>, vector<1x16xf32>,
        %get3A_383 = arith.index_cast %select_n3A_356 : i32 to index
        %get3A_384 = arith.constant 32 : index
        %get3A_385 = tpu.vector_load %arg4[%get3A_383, %get3A_384] {strides = array<i32>} : memref<5x64xf32, #tpu.memory_space<vmem>>, vector<1x16xf32>,
        %get3A_386 = vector.shape_cast %get3A_385 : vector<1x16xf32> to vector<16xf32>
        %mul3A_387 = arith.constant 16 : i32
        %mul3A_388 = arith.muli %scan3A_38, %mul3A_387 : i32
        %add3A_389 = arith.constant 4 : i32
        %add3A_390 = arith.addi %mul3A_388, %add3A_389 : i32
        %swap3A_391 = arith.index_cast %add3A_390 : i32 to index
        %swap3A_392 = arith.constant 32 : index
        %swap3A_393 = tpu.vector_load %arg5[%swap3A_391, %swap3A_392] {strides = array<i32>} : memref<448x64xf32, #tpu.memory_space<vmem>>, vector<1x16xf32>,
        %swap3A_394 = vector.shape_cast %swap3A_393 : vector<1x16xf32> to vector<16xf32>
        %swap3A_395 = vector.shape_cast %get3A_386 : vector<16xf32> to vector<1x16xf32>
        tpu.vector_store %arg5[%swap3A_391, %swap3A_392], %swap3A_395 {strides = array<i32>} : memref<448x64xf32, #tpu.memory_space<vmem>>, vector<1x16xf32>,
        %get3A_396 = arith.index_cast %select_n3A_356 : i32 to index
        %get3A_397 = arith.constant 48 : index
        %get3A_398 = tpu.vector_load %arg4[%get3A_396, %get3A_397] {strides = array<i32>} : memref<5x64xf32, #tpu.memory_space<vmem>>, vector<1x16xf32>,
        %get3A_399 = vector.shape_cast %get3A_398 : vector<1x16xf32> to vector<16xf32>
        %mul3A_400 = arith.constant 16 : i32
        %mul3A_401 = arith.muli %scan3A_38, %mul3A_400 : i32
        %add3A_402 = arith.constant 4 : i32
        %add3A_403 = arith.addi %mul3A_401, %add3A_402 : i32
        %swap3A_404 = arith.index_cast %add3A_403 : i32 to index
        %swap3A_405 = arith.constant 48 : index
        %swap3A_406 = tpu.vector_load %arg5[%swap3A_404, %swap3A_405] {strides = array<i32>} : memref<448x64xf32, #tpu.memory_space<vmem>>, vector<1x16xf32>,
        %swap3A_407 = vector.shape_cast %swap3A_406 : vector<1x16xf32> to vector<16xf32>
        %swap3A_408 = vector.shape_cast %get3A_399 : vector<16xf32> to vector<1x16xf32>
        tpu.vector_store %arg5[%swap3A_404, %swap3A_405], %swap3A_408 {strides = array<i32>} : memref<448x64xf32, #tpu.memory_space<vmem>>, vector<1x16xf32>,
        %add3A_409 = arith.constant 5 : i32
        %add3A_410 = arith.addi %add3A_41, %add3A_409 : i32
        %lt3A_411 = arith.constant 4094 : i32
        %lt3A_412 = arith.cmpi slt, %add3A_410, %lt3A_411 : i32
        %lt3A_413 = arith.constant 8186 : i32
        %lt3A_414 = arith.cmpi slt, %add3A_410, %lt3A_413 : i32
        %lt3A_415 = arith.constant 12276 : i32
        %lt3A_416 = arith.cmpi slt, %add3A_410, %lt3A_415 : i32
        %jit3A_417 = arith.constant 2 : i32
        %jit3A_418 = arith.constant 0 : i32
        %select_n3A_419 = arith.select %lt3A_416, %jit3A_417, %jit3A_418 : i32
        %jit3A_420 = arith.constant 1 : i32
        %select_n3A_421 = arith.select %lt3A_414, %jit3A_420, %select_n3A_419 : i32
        %jit3A_422 = arith.constant 0 : i32
        %select_n3A_423 = arith.select %lt3A_412, %jit3A_422, %select_n3A_421 : i32
        %get3A_424 = arith.index_cast %select_n3A_423 : i32 to index
        %get3A_425 = arith.constant 0 : index
        %get3A_426 = tpu.vector_load %arg4[%get3A_424, %get3A_425] {strides = array<i32>} : memref<5x64xf32, #tpu.memory_space<vmem>>, vector<1x16xf32>,
        %get3A_427 = vector.shape_cast %get3A_426 : vector<1x16xf32> to vector<16xf32>
        %mul3A_428 = arith.constant 16 : i32
        %mul3A_429 = arith.muli %scan3A_38, %mul3A_428 : i32
        %add3A_430 = arith.constant 5 : i32
        %add3A_431 = arith.addi %mul3A_429, %add3A_430 : i32
        %swap3A_432 = arith.index_cast %add3A_431 : i32 to index
        %swap3A_433 = arith.constant 0 : index
        %swap3A_434 = tpu.vector_load %arg5[%swap3A_432, %swap3A_433] {strides = array<i32>} : memref<448x64xf32, #tpu.memory_space<vmem>>, vector<1x16xf32>,
        %swap3A_435 = vector.shape_cast %swap3A_434 : vector<1x16xf32> to vector<16xf32>
        %swap3A_436 = vector.shape_cast %get3A_427 : vector<16xf32> to vector<1x16xf32>
        tpu.vector_store %arg5[%swap3A_432, %swap3A_433], %swap3A_436 {strides = array<i32>} : memref<448x64xf32, #tpu.memory_space<vmem>>, vector<1x16xf32>,
        %get3A_437 = arith.index_cast %select_n3A_423 : i32 to index
        %get3A_438 = arith.constant 16 : index
        %get3A_439 = tpu.vector_load %arg4[%get3A_437, %get3A_438] {strides = array<i32>} : memref<5x64xf32, #tpu.memory_space<vmem>>, vector<1x16xf32>,
        %get3A_440 = vector.shape_cast %get3A_439 : vector<1x16xf32> to vector<16xf32>
        %mul3A_441 = arith.constant 16 : i32
        %mul3A_442 = arith.muli %scan3A_38, %mul3A_441 : i32
        %add3A_443 = arith.constant 5 : i32
        %add3A_444 = arith.addi %mul3A_442, %add3A_443 : i32
        %swap3A_445 = arith.index_cast %add3A_444 : i32 to index
        %swap3A_446 = arith.constant 16 : index
        %swap3A_447 = tpu.vector_load %arg5[%swap3A_445, %swap3A_446] {strides = array<i32>} : memref<448x64xf32, #tpu.memory_space<vmem>>, vector<1x16xf32>,
        %swap3A_448 = vector.shape_cast %swap3A_447 : vector<1x16xf32> to vector<16xf32>
        %swap3A_449 = vector.shape_cast %get3A_440 : vector<16xf32> to vector<1x16xf32>
        tpu.vector_store %arg5[%swap3A_445, %swap3A_446], %swap3A_449 {strides = array<i32>} : memref<448x64xf32, #tpu.memory_space<vmem>>, vector<1x16xf32>,
        %get3A_450 = arith.index_cast %select_n3A_423 : i32 to index
        %get3A_451 = arith.constant 32 : index
        %get3A_452 = tpu.vector_load %arg4[%get3A_450, %get3A_451] {strides = array<i32>} : memref<5x64xf32, #tpu.memory_space<vmem>>, vector<1x16xf32>,
        %get3A_453 = vector.shape_cast %get3A_452 : vector<1x16xf32> to vector<16xf32>
        %mul3A_454 = arith.constant 16 : i32
        %mul3A_455 = arith.muli %scan3A_38, %mul3A_454 : i32
        %add3A_456 = arith.constant 5 : i32
        %add3A_457 = arith.addi %mul3A_455, %add3A_456 : i32
        %swap3A_458 = arith.index_cast %add3A_457 : i32 to index
        %swap3A_459 = arith.constant 32 : index
        %swap3A_460 = tpu.vector_load %arg5[%swap3A_458, %swap3A_459] {strides = array<i32>} : memref<448x64xf32, #tpu.memory_space<vmem>>, vector<1x16xf32>,
        %swap3A_461 = vector.shape_cast %swap3A_460 : vector<1x16xf32> to vector<16xf32>
        %swap3A_462 = vector.shape_cast %get3A_453 : vector<16xf32> to vector<1x16xf32>
        tpu.vector_store %arg5[%swap3A_458, %swap3A_459], %swap3A_462 {strides = array<i32>} : memref<448x64xf32, #tpu.memory_space<vmem>>, vector<1x16xf32>,
        %get3A_463 = arith.index_cast %select_n3A_423 : i32 to index
        %get3A_464 = arith.constant 48 : index
        %get3A_465 = tpu.vector_load %arg4[%get3A_463, %get3A_464] {strides = array<i32>} : memref<5x64xf32, #tpu.memory_space<vmem>>, vector<1x16xf32>,
        %get3A_466 = vector.shape_cast %get3A_465 : vector<1x16xf32> to vector<16xf32>
        %mul3A_467 = arith.constant 16 : i32
        %mul3A_468 = arith.muli %scan3A_38, %mul3A_467 : i32
        %add3A_469 = arith.constant 5 : i32
        %add3A_470 = arith.addi %mul3A_468, %add3A_469 : i32
        %swap3A_471 = arith.index_cast %add3A_470 : i32 to index
        %swap3A_472 = arith.constant 48 : index
        %swap3A_473 = tpu.vector_load %arg5[%swap3A_471, %swap3A_472] {strides = array<i32>} : memref<448x64xf32, #tpu.memory_space<vmem>>, vector<1x16xf32>,
        %swap3A_474 = vector.shape_cast %swap3A_473 : vector<1x16xf32> to vector<16xf32>
        %swap3A_475 = vector.shape_cast %get3A_466 : vector<16xf32> to vector<1x16xf32>
        tpu.vector_store %arg5[%swap3A_471, %swap3A_472], %swap3A_475 {strides = array<i32>} : memref<448x64xf32, #tpu.memory_space<vmem>>, vector<1x16xf32>,
        %add3A_476 = arith.constant 6 : i32
        %add3A_477 = arith.addi %add3A_41, %add3A_476 : i32
        %lt3A_478 = arith.constant 4094 : i32
        %lt3A_479 = arith.cmpi slt, %add3A_477, %lt3A_478 : i32
        %lt3A_480 = arith.constant 8186 : i32
        %lt3A_481 = arith.cmpi slt, %add3A_477, %lt3A_480 : i32
        %lt3A_482 = arith.constant 12276 : i32
        %lt3A_483 = arith.cmpi slt, %add3A_477, %lt3A_482 : i32
        %jit3A_484 = arith.constant 2 : i32
        %jit3A_485 = arith.constant 0 : i32
        %select_n3A_486 = arith.select %lt3A_483, %jit3A_484, %jit3A_485 : i32
        %jit3A_487 = arith.constant 1 : i32
        %select_n3A_488 = arith.select %lt3A_481, %jit3A_487, %select_n3A_486 : i32
        %jit3A_489 = arith.constant 0 : i32
        %select_n3A_490 = arith.select %lt3A_479, %jit3A_489, %select_n3A_488 : i32
        %get3A_491 = arith.index_cast %select_n3A_490 : i32 to index
        %get3A_492 = arith.constant 0 : index
        %get3A_493 = tpu.vector_load %arg4[%get3A_491, %get3A_492] {strides = array<i32>} : memref<5x64xf32, #tpu.memory_space<vmem>>, vector<1x16xf32>,
        %get3A_494 = vector.shape_cast %get3A_493 : vector<1x16xf32> to vector<16xf32>
        %mul3A_495 = arith.constant 16 : i32
        %mul3A_496 = arith.muli %scan3A_38, %mul3A_495 : i32
        %add3A_497 = arith.constant 6 : i32
        %add3A_498 = arith.addi %mul3A_496, %add3A_497 : i32
        %swap3A_499 = arith.index_cast %add3A_498 : i32 to index
        %swap3A_500 = arith.constant 0 : index
        %swap3A_501 = tpu.vector_load %arg5[%swap3A_499, %swap3A_500] {strides = array<i32>} : memref<448x64xf32, #tpu.memory_space<vmem>>, vector<1x16xf32>,
        %swap3A_502 = vector.shape_cast %swap3A_501 : vector<1x16xf32> to vector<16xf32>
        %swap3A_503 = vector.shape_cast %get3A_494 : vector<16xf32> to vector<1x16xf32>
        tpu.vector_store %arg5[%swap3A_499, %swap3A_500], %swap3A_503 {strides = array<i32>} : memref<448x64xf32, #tpu.memory_space<vmem>>, vector<1x16xf32>,
        %get3A_504 = arith.index_cast %select_n3A_490 : i32 to index
        %get3A_505 = arith.constant 16 : index
        %get3A_506 = tpu.vector_load %arg4[%get3A_504, %get3A_505] {strides = array<i32>} : memref<5x64xf32, #tpu.memory_space<vmem>>, vector<1x16xf32>,
        %get3A_507 = vector.shape_cast %get3A_506 : vector<1x16xf32> to vector<16xf32>
        %mul3A_508 = arith.constant 16 : i32
        %mul3A_509 = arith.muli %scan3A_38, %mul3A_508 : i32
        %add3A_510 = arith.constant 6 : i32
        %add3A_511 = arith.addi %mul3A_509, %add3A_510 : i32
        %swap3A_512 = arith.index_cast %add3A_511 : i32 to index
        %swap3A_513 = arith.constant 16 : index
        %swap3A_514 = tpu.vector_load %arg5[%swap3A_512, %swap3A_513] {strides = array<i32>} : memref<448x64xf32, #tpu.memory_space<vmem>>, vector<1x16xf32>,
        %swap3A_515 = vector.shape_cast %swap3A_514 : vector<1x16xf32> to vector<16xf32>
        %swap3A_516 = vector.shape_cast %get3A_507 : vector<16xf32> to vector<1x16xf32>
        tpu.vector_store %arg5[%swap3A_512, %swap3A_513], %swap3A_516 {strides = array<i32>} : memref<448x64xf32, #tpu.memory_space<vmem>>, vector<1x16xf32>,
        %get3A_517 = arith.index_cast %select_n3A_490 : i32 to index
        %get3A_518 = arith.constant 32 : index
        %get3A_519 = tpu.vector_load %arg4[%get3A_517, %get3A_518] {strides = array<i32>} : memref<5x64xf32, #tpu.memory_space<vmem>>, vector<1x16xf32>,
        %get3A_520 = vector.shape_cast %get3A_519 : vector<1x16xf32> to vector<16xf32>
        %mul3A_521 = arith.constant 16 : i32
        %mul3A_522 = arith.muli %scan3A_38, %mul3A_521 : i32
        %add3A_523 = arith.constant 6 : i32
        %add3A_524 = arith.addi %mul3A_522, %add3A_523 : i32
        %swap3A_525 = arith.index_cast %add3A_524 : i32 to index
        %swap3A_526 = arith.constant 32 : index
        %swap3A_527 = tpu.vector_load %arg5[%swap3A_525, %swap3A_526] {strides = array<i32>} : memref<448x64xf32, #tpu.memory_space<vmem>>, vector<1x16xf32>,
        %swap3A_528 = vector.shape_cast %swap3A_527 : vector<1x16xf32> to vector<16xf32>
        %swap3A_529 = vector.shape_cast %get3A_520 : vector<16xf32> to vector<1x16xf32>
        tpu.vector_store %arg5[%swap3A_525, %swap3A_526], %swap3A_529 {strides = array<i32>} : memref<448x64xf32, #tpu.memory_space<vmem>>, vector<1x16xf32>,
        %get3A_530 = arith.index_cast %select_n3A_490 : i32 to index
        %get3A_531 = arith.constant 48 : index
        %get3A_532 = tpu.vector_load %arg4[%get3A_530, %get3A_531] {strides = array<i32>} : memref<5x64xf32, #tpu.memory_space<vmem>>, vector<1x16xf32>,
        %get3A_533 = vector.shape_cast %get3A_532 : vector<1x16xf32> to vector<16xf32>
        %mul3A_534 = arith.constant 16 : i32
        %mul3A_535 = arith.muli %scan3A_38, %mul3A_534 : i32
        %add3A_536 = arith.constant 6 : i32
        %add3A_537 = arith.addi %mul3A_535, %add3A_536 : i32
        %swap3A_538 = arith.index_cast %add3A_537 : i32 to index
        %swap3A_539 = arith.constant 48 : index
        %swap3A_540 = tpu.vector_load %arg5[%swap3A_538, %swap3A_539] {strides = array<i32>} : memref<448x64xf32, #tpu.memory_space<vmem>>, vector<1x16xf32>,
        %swap3A_541 = vector.shape_cast %swap3A_540 : vector<1x16xf32> to vector<16xf32>
        %swap3A_542 = vector.shape_cast %get3A_533 : vector<16xf32> to vector<1x16xf32>
        tpu.vector_store %arg5[%swap3A_538, %swap3A_539], %swap3A_542 {strides = array<i32>} : memref<448x64xf32, #tpu.memory_space<vmem>>, vector<1x16xf32>,
        %add3A_543 = arith.constant 7 : i32
        %add3A_544 = arith.addi %add3A_41, %add3A_543 : i32
        %lt3A_545 = arith.constant 4094 : i32
        %lt3A_546 = arith.cmpi slt, %add3A_544, %lt3A_545 : i32
        %lt3A_547 = arith.constant 8186 : i32
        %lt3A_548 = arith.cmpi slt, %add3A_544, %lt3A_547 : i32
        %lt3A_549 = arith.constant 12276 : i32
        %lt3A_550 = arith.cmpi slt, %add3A_544, %lt3A_549 : i32
        %jit3A_551 = arith.constant 2 : i32
        %jit3A_552 = arith.constant 0 : i32
        %select_n3A_553 = arith.select %lt3A_550, %jit3A_551, %jit3A_552 : i32
        %jit3A_554 = arith.constant 1 : i32
        %select_n3A_555 = arith.select %lt3A_548, %jit3A_554, %select_n3A_553 : i32
        %jit3A_556 = arith.constant 0 : i32
        %select_n3A_557 = arith.select %lt3A_546, %jit3A_556, %select_n3A_555 : i32
        %get3A_558 = arith.index_cast %select_n3A_557 : i32 to index
        %get3A_559 = arith.constant 0 : index
        %get3A_560 = tpu.vector_load %arg4[%get3A_558, %get3A_559] {strides = array<i32>} : memref<5x64xf32, #tpu.memory_space<vmem>>, vector<1x16xf32>,
        %get3A_561 = vector.shape_cast %get3A_560 : vector<1x16xf32> to vector<16xf32>
        %mul3A_562 = arith.constant 16 : i32
        %mul3A_563 = arith.muli %scan3A_38, %mul3A_562 : i32
        %add3A_564 = arith.constant 7 : i32
        %add3A_565 = arith.addi %mul3A_563, %add3A_564 : i32
        %swap3A_566 = arith.index_cast %add3A_565 : i32 to index
        %swap3A_567 = arith.constant 0 : index
        %swap3A_568 = tpu.vector_load %arg5[%swap3A_566, %swap3A_567] {strides = array<i32>} : memref<448x64xf32, #tpu.memory_space<vmem>>, vector<1x16xf32>,
        %swap3A_569 = vector.shape_cast %swap3A_568 : vector<1x16xf32> to vector<16xf32>
        %swap3A_570 = vector.shape_cast %get3A_561 : vector<16xf32> to vector<1x16xf32>
        tpu.vector_store %arg5[%swap3A_566, %swap3A_567], %swap3A_570 {strides = array<i32>} : memref<448x64xf32, #tpu.memory_space<vmem>>, vector<1x16xf32>,
        %get3A_571 = arith.index_cast %select_n3A_557 : i32 to index
        %get3A_572 = arith.constant 16 : index
        %get3A_573 = tpu.vector_load %arg4[%get3A_571, %get3A_572] {strides = array<i32>} : memref<5x64xf32, #tpu.memory_space<vmem>>, vector<1x16xf32>,
        %get3A_574 = vector.shape_cast %get3A_573 : vector<1x16xf32> to vector<16xf32>
        %mul3A_575 = arith.constant 16 : i32
        %mul3A_576 = arith.muli %scan3A_38, %mul3A_575 : i32
        %add3A_577 = arith.constant 7 : i32
        %add3A_578 = arith.addi %mul3A_576, %add3A_577 : i32
        %swap3A_579 = arith.index_cast %add3A_578 : i32 to index
        %swap3A_580 = arith.constant 16 : index
        %swap3A_581 = tpu.vector_load %arg5[%swap3A_579, %swap3A_580] {strides = array<i32>} : memref<448x64xf32, #tpu.memory_space<vmem>>, vector<1x16xf32>,
        %swap3A_582 = vector.shape_cast %swap3A_581 : vector<1x16xf32> to vector<16xf32>
        %swap3A_583 = vector.shape_cast %get3A_574 : vector<16xf32> to vector<1x16xf32>
        tpu.vector_store %arg5[%swap3A_579, %swap3A_580], %swap3A_583 {strides = array<i32>} : memref<448x64xf32, #tpu.memory_space<vmem>>, vector<1x16xf32>,
        %get3A_584 = arith.index_cast %select_n3A_557 : i32 to index
        %get3A_585 = arith.constant 32 : index
        %get3A_586 = tpu.vector_load %arg4[%get3A_584, %get3A_585] {strides = array<i32>} : memref<5x64xf32, #tpu.memory_space<vmem>>, vector<1x16xf32>,
        %get3A_587 = vector.shape_cast %get3A_586 : vector<1x16xf32> to vector<16xf32>
        %mul3A_588 = arith.constant 16 : i32
        %mul3A_589 = arith.muli %scan3A_38, %mul3A_588 : i32
        %add3A_590 = arith.constant 7 : i32
        %add3A_591 = arith.addi %mul3A_589, %add3A_590 : i32
        %swap3A_592 = arith.index_cast %add3A_591 : i32 to index
        %swap3A_593 = arith.constant 32 : index
        %swap3A_594 = tpu.vector_load %arg5[%swap3A_592, %swap3A_593] {strides = array<i32>} : memref<448x64xf32, #tpu.memory_space<vmem>>, vector<1x16xf32>,
        %swap3A_595 = vector.shape_cast %swap3A_594 : vector<1x16xf32> to vector<16xf32>
        %swap3A_596 = vector.shape_cast %get3A_587 : vector<16xf32> to vector<1x16xf32>
        tpu.vector_store %arg5[%swap3A_592, %swap3A_593], %swap3A_596 {strides = array<i32>} : memref<448x64xf32, #tpu.memory_space<vmem>>, vector<1x16xf32>,
        %get3A_597 = arith.index_cast %select_n3A_557 : i32 to index
        %get3A_598 = arith.constant 48 : index
        %get3A_599 = tpu.vector_load %arg4[%get3A_597, %get3A_598] {strides = array<i32>} : memref<5x64xf32, #tpu.memory_space<vmem>>, vector<1x16xf32>,
        %get3A_600 = vector.shape_cast %get3A_599 : vector<1x16xf32> to vector<16xf32>
        %mul3A_601 = arith.constant 16 : i32
        %mul3A_602 = arith.muli %scan3A_38, %mul3A_601 : i32
        %add3A_603 = arith.constant 7 : i32
        %add3A_604 = arith.addi %mul3A_602, %add3A_603 : i32
        %swap3A_605 = arith.index_cast %add3A_604 : i32 to index
        %swap3A_606 = arith.constant 48 : index
        %swap3A_607 = tpu.vector_load %arg5[%swap3A_605, %swap3A_606] {strides = array<i32>} : memref<448x64xf32, #tpu.memory_space<vmem>>, vector<1x16xf32>,
        %swap3A_608 = vector.shape_cast %swap3A_607 : vector<1x16xf32> to vector<16xf32>
        %swap3A_609 = vector.shape_cast %get3A_600 : vector<16xf32> to vector<1x16xf32>
        tpu.vector_store %arg5[%swap3A_605, %swap3A_606], %swap3A_609 {strides = array<i32>} : memref<448x64xf32, #tpu.memory_space<vmem>>, vector<1x16xf32>,
        %add3A_610 = arith.constant 8 : i32
        %add3A_611 = arith.addi %add3A_41, %add3A_610 : i32
        %lt3A_612 = arith.constant 4094 : i32
        %lt3A_613 = arith.cmpi slt, %add3A_611, %lt3A_612 : i32
        %lt3A_614 = arith.constant 8186 : i32
        %lt3A_615 = arith.cmpi slt, %add3A_611, %lt3A_614 : i32
        %lt3A_616 = arith.constant 12276 : i32
        %lt3A_617 = arith.cmpi slt, %add3A_611, %lt3A_616 : i32
        %jit3A_618 = arith.constant 2 : i32
        %jit3A_619 = arith.constant 0 : i32
        %select_n3A_620 = arith.select %lt3A_617, %jit3A_618, %jit3A_619 : i32
        %jit3A_621 = arith.constant 1 : i32
        %select_n3A_622 = arith.select %lt3A_615, %jit3A_621, %select_n3A_620 : i32
        %jit3A_623 = arith.constant 0 : i32
        %select_n3A_624 = arith.select %lt3A_613, %jit3A_623, %select_n3A_622 : i32
        %get3A_625 = arith.index_cast %select_n3A_624 : i32 to index
        %get3A_626 = arith.constant 0 : index
        %get3A_627 = tpu.vector_load %arg4[%get3A_625, %get3A_626] {strides = array<i32>} : memref<5x64xf32, #tpu.memory_space<vmem>>, vector<1x16xf32>,
        %get3A_628 = vector.shape_cast %get3A_627 : vector<1x16xf32> to vector<16xf32>
        %mul3A_629 = arith.constant 16 : i32
        %mul3A_630 = arith.muli %scan3A_38, %mul3A_629 : i32
        %add3A_631 = arith.constant 8 : i32
        %add3A_632 = arith.addi %mul3A_630, %add3A_631 : i32
        %swap3A_633 = arith.index_cast %add3A_632 : i32 to index
        %swap3A_634 = arith.constant 0 : index
        %swap3A_635 = tpu.vector_load %arg5[%swap3A_633, %swap3A_634] {strides = array<i32>} : memref<448x64xf32, #tpu.memory_space<vmem>>, vector<1x16xf32>,
        %swap3A_636 = vector.shape_cast %swap3A_635 : vector<1x16xf32> to vector<16xf32>
        %swap3A_637 = vector.shape_cast %get3A_628 : vector<16xf32> to vector<1x16xf32>
        tpu.vector_store %arg5[%swap3A_633, %swap3A_634], %swap3A_637 {strides = array<i32>} : memref<448x64xf32, #tpu.memory_space<vmem>>, vector<1x16xf32>,
        %get3A_638 = arith.index_cast %select_n3A_624 : i32 to index
        %get3A_639 = arith.constant 16 : index
        %get3A_640 = tpu.vector_load %arg4[%get3A_638, %get3A_639] {strides = array<i32>} : memref<5x64xf32, #tpu.memory_space<vmem>>, vector<1x16xf32>,
        %get3A_641 = vector.shape_cast %get3A_640 : vector<1x16xf32> to vector<16xf32>
        %mul3A_642 = arith.constant 16 : i32
        %mul3A_643 = arith.muli %scan3A_38, %mul3A_642 : i32
        %add3A_644 = arith.constant 8 : i32
        %add3A_645 = arith.addi %mul3A_643, %add3A_644 : i32
        %swap3A_646 = arith.index_cast %add3A_645 : i32 to index
        %swap3A_647 = arith.constant 16 : index
        %swap3A_648 = tpu.vector_load %arg5[%swap3A_646, %swap3A_647] {strides = array<i32>} : memref<448x64xf32, #tpu.memory_space<vmem>>, vector<1x16xf32>,
        %swap3A_649 = vector.shape_cast %swap3A_648 : vector<1x16xf32> to vector<16xf32>
        %swap3A_650 = vector.shape_cast %get3A_641 : vector<16xf32> to vector<1x16xf32>
        tpu.vector_store %arg5[%swap3A_646, %swap3A_647], %swap3A_650 {strides = array<i32>} : memref<448x64xf32, #tpu.memory_space<vmem>>, vector<1x16xf32>,
        %get3A_651 = arith.index_cast %select_n3A_624 : i32 to index
        %get3A_652 = arith.constant 32 : index
        %get3A_653 = tpu.vector_load %arg4[%get3A_651, %get3A_652] {strides = array<i32>} : memref<5x64xf32, #tpu.memory_space<vmem>>, vector<1x16xf32>,
        %get3A_654 = vector.shape_cast %get3A_653 : vector<1x16xf32> to vector<16xf32>
        %mul3A_655 = arith.constant 16 : i32
        %mul3A_656 = arith.muli %scan3A_38, %mul3A_655 : i32
        %add3A_657 = arith.constant 8 : i32
        %add3A_658 = arith.addi %mul3A_656, %add3A_657 : i32
        %swap3A_659 = arith.index_cast %add3A_658 : i32 to index
        %swap3A_660 = arith.constant 32 : index
        %swap3A_661 = tpu.vector_load %arg5[%swap3A_659, %swap3A_660] {strides = array<i32>} : memref<448x64xf32, #tpu.memory_space<vmem>>, vector<1x16xf32>,
        %swap3A_662 = vector.shape_cast %swap3A_661 : vector<1x16xf32> to vector<16xf32>
        %swap3A_663 = vector.shape_cast %get3A_654 : vector<16xf32> to vector<1x16xf32>
        tpu.vector_store %arg5[%swap3A_659, %swap3A_660], %swap3A_663 {strides = array<i32>} : memref<448x64xf32, #tpu.memory_space<vmem>>, vector<1x16xf32>,
        %get3A_664 = arith.index_cast %select_n3A_624 : i32 to index
        %get3A_665 = arith.constant 48 : index
        %get3A_666 = tpu.vector_load %arg4[%get3A_664, %get3A_665] {strides = array<i32>} : memref<5x64xf32, #tpu.memory_space<vmem>>, vector<1x16xf32>,
        %get3A_667 = vector.shape_cast %get3A_666 : vector<1x16xf32> to vector<16xf32>
        %mul3A_668 = arith.constant 16 : i32
        %mul3A_669 = arith.muli %scan3A_38, %mul3A_668 : i32
        %add3A_670 = arith.constant 8 : i32
        %add3A_671 = arith.addi %mul3A_669, %add3A_670 : i32
        %swap3A_672 = arith.index_cast %add3A_671 : i32 to index
        %swap3A_673 = arith.constant 48 : index
        %swap3A_674 = tpu.vector_load %arg5[%swap3A_672, %swap3A_673] {strides = array<i32>} : memref<448x64xf32, #tpu.memory_space<vmem>>, vector<1x16xf32>,
        %swap3A_675 = vector.shape_cast %swap3A_674 : vector<1x16xf32> to vector<16xf32>
        %swap3A_676 = vector.shape_cast %get3A_667 : vector<16xf32> to vector<1x16xf32>
        tpu.vector_store %arg5[%swap3A_672, %swap3A_673], %swap3A_676 {strides = array<i32>} : memref<448x64xf32, #tpu.memory_space<vmem>>, vector<1x16xf32>,
        %add3A_677 = arith.constant 9 : i32
        %add3A_678 = arith.addi %add3A_41, %add3A_677 : i32
        %lt3A_679 = arith.constant 4094 : i32
        %lt3A_680 = arith.cmpi slt, %add3A_678, %lt3A_679 : i32
        %lt3A_681 = arith.constant 8186 : i32
        %lt3A_682 = arith.cmpi slt, %add3A_678, %lt3A_681 : i32
        %lt3A_683 = arith.constant 12276 : i32
        %lt3A_684 = arith.cmpi slt, %add3A_678, %lt3A_683 : i32
        %jit3A_685 = arith.constant 2 : i32
        %jit3A_686 = arith.constant 0 : i32
        %select_n3A_687 = arith.select %lt3A_684, %jit3A_685, %jit3A_686 : i32
        %jit3A_688 = arith.constant 1 : i32
        %select_n3A_689 = arith.select %lt3A_682, %jit3A_688, %select_n3A_687 : i32
        %jit3A_690 = arith.constant 0 : i32
        %select_n3A_691 = arith.select %lt3A_680, %jit3A_690, %select_n3A_689 : i32
        %get3A_692 = arith.index_cast %select_n3A_691 : i32 to index
        %get3A_693 = arith.constant 0 : index
        %get3A_694 = tpu.vector_load %arg4[%get3A_692, %get3A_693] {strides = array<i32>} : memref<5x64xf32, #tpu.memory_space<vmem>>, vector<1x16xf32>,
        %get3A_695 = vector.shape_cast %get3A_694 : vector<1x16xf32> to vector<16xf32>
        %mul3A_696 = arith.constant 16 : i32
        %mul3A_697 = arith.muli %scan3A_38, %mul3A_696 : i32
        %add3A_698 = arith.constant 9 : i32
        %add3A_699 = arith.addi %mul3A_697, %add3A_698 : i32
        %swap3A_700 = arith.index_cast %add3A_699 : i32 to index
        %swap3A_701 = arith.constant 0 : index
        %swap3A_702 = tpu.vector_load %arg5[%swap3A_700, %swap3A_701] {strides = array<i32>} : memref<448x64xf32, #tpu.memory_space<vmem>>, vector<1x16xf32>,
        %swap3A_703 = vector.shape_cast %swap3A_702 : vector<1x16xf32> to vector<16xf32>
        %swap3A_704 = vector.shape_cast %get3A_695 : vector<16xf32> to vector<1x16xf32>
        tpu.vector_store %arg5[%swap3A_700, %swap3A_701], %swap3A_704 {strides = array<i32>} : memref<448x64xf32, #tpu.memory_space<vmem>>, vector<1x16xf32>,
        %get3A_705 = arith.index_cast %select_n3A_691 : i32 to index
        %get3A_706 = arith.constant 16 : index
        %get3A_707 = tpu.vector_load %arg4[%get3A_705, %get3A_706] {strides = array<i32>} : memref<5x64xf32, #tpu.memory_space<vmem>>, vector<1x16xf32>,
        %get3A_708 = vector.shape_cast %get3A_707 : vector<1x16xf32> to vector<16xf32>
        %mul3A_709 = arith.constant 16 : i32
        %mul3A_710 = arith.muli %scan3A_38, %mul3A_709 : i32
        %add3A_711 = arith.constant 9 : i32
        %add3A_712 = arith.addi %mul3A_710, %add3A_711 : i32
        %swap3A_713 = arith.index_cast %add3A_712 : i32 to index
        %swap3A_714 = arith.constant 16 : index
        %swap3A_715 = tpu.vector_load %arg5[%swap3A_713, %swap3A_714] {strides = array<i32>} : memref<448x64xf32, #tpu.memory_space<vmem>>, vector<1x16xf32>,
        %swap3A_716 = vector.shape_cast %swap3A_715 : vector<1x16xf32> to vector<16xf32>
        %swap3A_717 = vector.shape_cast %get3A_708 : vector<16xf32> to vector<1x16xf32>
        tpu.vector_store %arg5[%swap3A_713, %swap3A_714], %swap3A_717 {strides = array<i32>} : memref<448x64xf32, #tpu.memory_space<vmem>>, vector<1x16xf32>,
        %get3A_718 = arith.index_cast %select_n3A_691 : i32 to index
        %get3A_719 = arith.constant 32 : index
        %get3A_720 = tpu.vector_load %arg4[%get3A_718, %get3A_719] {strides = array<i32>} : memref<5x64xf32, #tpu.memory_space<vmem>>, vector<1x16xf32>,
        %get3A_721 = vector.shape_cast %get3A_720 : vector<1x16xf32> to vector<16xf32>
        %mul3A_722 = arith.constant 16 : i32
        %mul3A_723 = arith.muli %scan3A_38, %mul3A_722 : i32
        %add3A_724 = arith.constant 9 : i32
        %add3A_725 = arith.addi %mul3A_723, %add3A_724 : i32
        %swap3A_726 = arith.index_cast %add3A_725 : i32 to index
        %swap3A_727 = arith.constant 32 : index
        %swap3A_728 = tpu.vector_load %arg5[%swap3A_726, %swap3A_727] {strides = array<i32>} : memref<448x64xf32, #tpu.memory_space<vmem>>, vector<1x16xf32>,
        %swap3A_729 = vector.shape_cast %swap3A_728 : vector<1x16xf32> to vector<16xf32>
        %swap3A_730 = vector.shape_cast %get3A_721 : vector<16xf32> to vector<1x16xf32>
        tpu.vector_store %arg5[%swap3A_726, %swap3A_727], %swap3A_730 {strides = array<i32>} : memref<448x64xf32, #tpu.memory_space<vmem>>, vector<1x16xf32>,
        %get3A_731 = arith.index_cast %select_n3A_691 : i32 to index
        %get3A_732 = arith.constant 48 : index
        %get3A_733 = tpu.vector_load %arg4[%get3A_731, %get3A_732] {strides = array<i32>} : memref<5x64xf32, #tpu.memory_space<vmem>>, vector<1x16xf32>,
        %get3A_734 = vector.shape_cast %get3A_733 : vector<1x16xf32> to vector<16xf32>
        %mul3A_735 = arith.constant 16 : i32
        %mul3A_736 = arith.muli %scan3A_38, %mul3A_735 : i32
        %add3A_737 = arith.constant 9 : i32
        %add3A_738 = arith.addi %mul3A_736, %add3A_737 : i32
        %swap3A_739 = arith.index_cast %add3A_738 : i32 to index
        %swap3A_740 = arith.constant 48 : index
        %swap3A_741 = tpu.vector_load %arg5[%swap3A_739, %swap3A_740] {strides = array<i32>} : memref<448x64xf32, #tpu.memory_space<vmem>>, vector<1x16xf32>,
        %swap3A_742 = vector.shape_cast %swap3A_741 : vector<1x16xf32> to vector<16xf32>
        %swap3A_743 = vector.shape_cast %get3A_734 : vector<16xf32> to vector<1x16xf32>
        tpu.vector_store %arg5[%swap3A_739, %swap3A_740], %swap3A_743 {strides = array<i32>} : memref<448x64xf32, #tpu.memory_space<vmem>>, vector<1x16xf32>,
        %add3A_744 = arith.constant 10 : i32
        %add3A_745 = arith.addi %add3A_41, %add3A_744 : i32
        %lt3A_746 = arith.constant 4094 : i32
        %lt3A_747 = arith.cmpi slt, %add3A_745, %lt3A_746 : i32
        %lt3A_748 = arith.constant 8186 : i32
        %lt3A_749 = arith.cmpi slt, %add3A_745, %lt3A_748 : i32
        %lt3A_750 = arith.constant 12276 : i32
        %lt3A_751 = arith.cmpi slt, %add3A_745, %lt3A_750 : i32
        %jit3A_752 = arith.constant 2 : i32
        %jit3A_753 = arith.constant 0 : i32
        %select_n3A_754 = arith.select %lt3A_751, %jit3A_752, %jit3A_753 : i32
        %jit3A_755 = arith.constant 1 : i32
        %select_n3A_756 = arith.select %lt3A_749, %jit3A_755, %select_n3A_754 : i32
        %jit3A_757 = arith.constant 0 : i32
        %select_n3A_758 = arith.select %lt3A_747, %jit3A_757, %select_n3A_756 : i32
        %get3A_759 = arith.index_cast %select_n3A_758 : i32 to index
        %get3A_760 = arith.constant 0 : index
        %get3A_761 = tpu.vector_load %arg4[%get3A_759, %get3A_760] {strides = array<i32>} : memref<5x64xf32, #tpu.memory_space<vmem>>, vector<1x16xf32>,
        %get3A_762 = vector.shape_cast %get3A_761 : vector<1x16xf32> to vector<16xf32>
        %mul3A_763 = arith.constant 16 : i32
        %mul3A_764 = arith.muli %scan3A_38, %mul3A_763 : i32
        %add3A_765 = arith.constant 10 : i32
        %add3A_766 = arith.addi %mul3A_764, %add3A_765 : i32
        %swap3A_767 = arith.index_cast %add3A_766 : i32 to index
        %swap3A_768 = arith.constant 0 : index
        %swap3A_769 = tpu.vector_load %arg5[%swap3A_767, %swap3A_768] {strides = array<i32>} : memref<448x64xf32, #tpu.memory_space<vmem>>, vector<1x16xf32>,
        %swap3A_770 = vector.shape_cast %swap3A_769 : vector<1x16xf32> to vector<16xf32>
        %swap3A_771 = vector.shape_cast %get3A_762 : vector<16xf32> to vector<1x16xf32>
        tpu.vector_store %arg5[%swap3A_767, %swap3A_768], %swap3A_771 {strides = array<i32>} : memref<448x64xf32, #tpu.memory_space<vmem>>, vector<1x16xf32>,
        %get3A_772 = arith.index_cast %select_n3A_758 : i32 to index
        %get3A_773 = arith.constant 16 : index
        %get3A_774 = tpu.vector_load %arg4[%get3A_772, %get3A_773] {strides = array<i32>} : memref<5x64xf32, #tpu.memory_space<vmem>>, vector<1x16xf32>,
        %get3A_775 = vector.shape_cast %get3A_774 : vector<1x16xf32> to vector<16xf32>
        %mul3A_776 = arith.constant 16 : i32
        %mul3A_777 = arith.muli %scan3A_38, %mul3A_776 : i32
        %add3A_778 = arith.constant 10 : i32
        %add3A_779 = arith.addi %mul3A_777, %add3A_778 : i32
        %swap3A_780 = arith.index_cast %add3A_779 : i32 to index
        %swap3A_781 = arith.constant 16 : index
        %swap3A_782 = tpu.vector_load %arg5[%swap3A_780, %swap3A_781] {strides = array<i32>} : memref<448x64xf32, #tpu.memory_space<vmem>>, vector<1x16xf32>,
        %swap3A_783 = vector.shape_cast %swap3A_782 : vector<1x16xf32> to vector<16xf32>
        %swap3A_784 = vector.shape_cast %get3A_775 : vector<16xf32> to vector<1x16xf32>
        tpu.vector_store %arg5[%swap3A_780, %swap3A_781], %swap3A_784 {strides = array<i32>} : memref<448x64xf32, #tpu.memory_space<vmem>>, vector<1x16xf32>,
        %get3A_785 = arith.index_cast %select_n3A_758 : i32 to index
        %get3A_786 = arith.constant 32 : index
        %get3A_787 = tpu.vector_load %arg4[%get3A_785, %get3A_786] {strides = array<i32>} : memref<5x64xf32, #tpu.memory_space<vmem>>, vector<1x16xf32>,
        %get3A_788 = vector.shape_cast %get3A_787 : vector<1x16xf32> to vector<16xf32>
        %mul3A_789 = arith.constant 16 : i32
        %mul3A_790 = arith.muli %scan3A_38, %mul3A_789 : i32
        %add3A_791 = arith.constant 10 : i32
        %add3A_792 = arith.addi %mul3A_790, %add3A_791 : i32
        %swap3A_793 = arith.index_cast %add3A_792 : i32 to index
        %swap3A_794 = arith.constant 32 : index
        %swap3A_795 = tpu.vector_load %arg5[%swap3A_793, %swap3A_794] {strides = array<i32>} : memref<448x64xf32, #tpu.memory_space<vmem>>, vector<1x16xf32>,
        %swap3A_796 = vector.shape_cast %swap3A_795 : vector<1x16xf32> to vector<16xf32>
        %swap3A_797 = vector.shape_cast %get3A_788 : vector<16xf32> to vector<1x16xf32>
        tpu.vector_store %arg5[%swap3A_793, %swap3A_794], %swap3A_797 {strides = array<i32>} : memref<448x64xf32, #tpu.memory_space<vmem>>, vector<1x16xf32>,
        %get3A_798 = arith.index_cast %select_n3A_758 : i32 to index
        %get3A_799 = arith.constant 48 : index
        %get3A_800 = tpu.vector_load %arg4[%get3A_798, %get3A_799] {strides = array<i32>} : memref<5x64xf32, #tpu.memory_space<vmem>>, vector<1x16xf32>,
        %get3A_801 = vector.shape_cast %get3A_800 : vector<1x16xf32> to vector<16xf32>
        %mul3A_802 = arith.constant 16 : i32
        %mul3A_803 = arith.muli %scan3A_38, %mul3A_802 : i32
        %add3A_804 = arith.constant 10 : i32
        %add3A_805 = arith.addi %mul3A_803, %add3A_804 : i32
        %swap3A_806 = arith.index_cast %add3A_805 : i32 to index
        %swap3A_807 = arith.constant 48 : index
        %swap3A_808 = tpu.vector_load %arg5[%swap3A_806, %swap3A_807] {strides = array<i32>} : memref<448x64xf32, #tpu.memory_space<vmem>>, vector<1x16xf32>,
        %swap3A_809 = vector.shape_cast %swap3A_808 : vector<1x16xf32> to vector<16xf32>
        %swap3A_810 = vector.shape_cast %get3A_801 : vector<16xf32> to vector<1x16xf32>
        tpu.vector_store %arg5[%swap3A_806, %swap3A_807], %swap3A_810 {strides = array<i32>} : memref<448x64xf32, #tpu.memory_space<vmem>>, vector<1x16xf32>,
        %add3A_811 = arith.constant 11 : i32
        %add3A_812 = arith.addi %add3A_41, %add3A_811 : i32
        %lt3A_813 = arith.constant 4094 : i32
        %lt3A_814 = arith.cmpi slt, %add3A_812, %lt3A_813 : i32
        %lt3A_815 = arith.constant 8186 : i32
        %lt3A_816 = arith.cmpi slt, %add3A_812, %lt3A_815 : i32
        %lt3A_817 = arith.constant 12276 : i32
        %lt3A_818 = arith.cmpi slt, %add3A_812, %lt3A_817 : i32
        %jit3A_819 = arith.constant 2 : i32
        %jit3A_820 = arith.constant 0 : i32
        %select_n3A_821 = arith.select %lt3A_818, %jit3A_819, %jit3A_820 : i32
        %jit3A_822 = arith.constant 1 : i32
        %select_n3A_823 = arith.select %lt3A_816, %jit3A_822, %select_n3A_821 : i32
        %jit3A_824 = arith.constant 0 : i32
        %select_n3A_825 = arith.select %lt3A_814, %jit3A_824, %select_n3A_823 : i32
        %get3A_826 = arith.index_cast %select_n3A_825 : i32 to index
        %get3A_827 = arith.constant 0 : index
        %get3A_828 = tpu.vector_load %arg4[%get3A_826, %get3A_827] {strides = array<i32>} : memref<5x64xf32, #tpu.memory_space<vmem>>, vector<1x16xf32>,
        %get3A_829 = vector.shape_cast %get3A_828 : vector<1x16xf32> to vector<16xf32>
        %mul3A_830 = arith.constant 16 : i32
        %mul3A_831 = arith.muli %scan3A_38, %mul3A_830 : i32
        %add3A_832 = arith.constant 11 : i32
        %add3A_833 = arith.addi %mul3A_831, %add3A_832 : i32
        %swap3A_834 = arith.index_cast %add3A_833 : i32 to index
        %swap3A_835 = arith.constant 0 : index
        %swap3A_836 = tpu.vector_load %arg5[%swap3A_834, %swap3A_835] {strides = array<i32>} : memref<448x64xf32, #tpu.memory_space<vmem>>, vector<1x16xf32>,
        %swap3A_837 = vector.shape_cast %swap3A_836 : vector<1x16xf32> to vector<16xf32>
        %swap3A_838 = vector.shape_cast %get3A_829 : vector<16xf32> to vector<1x16xf32>
        tpu.vector_store %arg5[%swap3A_834, %swap3A_835], %swap3A_838 {strides = array<i32>} : memref<448x64xf32, #tpu.memory_space<vmem>>, vector<1x16xf32>,
        %get3A_839 = arith.index_cast %select_n3A_825 : i32 to index
        %get3A_840 = arith.constant 16 : index
        %get3A_841 = tpu.vector_load %arg4[%get3A_839, %get3A_840] {strides = array<i32>} : memref<5x64xf32, #tpu.memory_space<vmem>>, vector<1x16xf32>,
        %get3A_842 = vector.shape_cast %get3A_841 : vector<1x16xf32> to vector<16xf32>
        %mul3A_843 = arith.constant 16 : i32
        %mul3A_844 = arith.muli %scan3A_38, %mul3A_843 : i32
        %add3A_845 = arith.constant 11 : i32
        %add3A_846 = arith.addi %mul3A_844, %add3A_845 : i32
        %swap3A_847 = arith.index_cast %add3A_846 : i32 to index
        %swap3A_848 = arith.constant 16 : index
        %swap3A_849 = tpu.vector_load %arg5[%swap3A_847, %swap3A_848] {strides = array<i32>} : memref<448x64xf32, #tpu.memory_space<vmem>>, vector<1x16xf32>,
        %swap3A_850 = vector.shape_cast %swap3A_849 : vector<1x16xf32> to vector<16xf32>
        %swap3A_851 = vector.shape_cast %get3A_842 : vector<16xf32> to vector<1x16xf32>
        tpu.vector_store %arg5[%swap3A_847, %swap3A_848], %swap3A_851 {strides = array<i32>} : memref<448x64xf32, #tpu.memory_space<vmem>>, vector<1x16xf32>,
        %get3A_852 = arith.index_cast %select_n3A_825 : i32 to index
        %get3A_853 = arith.constant 32 : index
        %get3A_854 = tpu.vector_load %arg4[%get3A_852, %get3A_853] {strides = array<i32>} : memref<5x64xf32, #tpu.memory_space<vmem>>, vector<1x16xf32>,
        %get3A_855 = vector.shape_cast %get3A_854 : vector<1x16xf32> to vector<16xf32>
        %mul3A_856 = arith.constant 16 : i32
        %mul3A_857 = arith.muli %scan3A_38, %mul3A_856 : i32
        %add3A_858 = arith.constant 11 : i32
        %add3A_859 = arith.addi %mul3A_857, %add3A_858 : i32
        %swap3A_860 = arith.index_cast %add3A_859 : i32 to index
        %swap3A_861 = arith.constant 32 : index
        %swap3A_862 = tpu.vector_load %arg5[%swap3A_860, %swap3A_861] {strides = array<i32>} : memref<448x64xf32, #tpu.memory_space<vmem>>, vector<1x16xf32>,
        %swap3A_863 = vector.shape_cast %swap3A_862 : vector<1x16xf32> to vector<16xf32>
        %swap3A_864 = vector.shape_cast %get3A_855 : vector<16xf32> to vector<1x16xf32>
        tpu.vector_store %arg5[%swap3A_860, %swap3A_861], %swap3A_864 {strides = array<i32>} : memref<448x64xf32, #tpu.memory_space<vmem>>, vector<1x16xf32>,
        %get3A_865 = arith.index_cast %select_n3A_825 : i32 to index
        %get3A_866 = arith.constant 48 : index
        %get3A_867 = tpu.vector_load %arg4[%get3A_865, %get3A_866] {strides = array<i32>} : memref<5x64xf32, #tpu.memory_space<vmem>>, vector<1x16xf32>,
        %get3A_868 = vector.shape_cast %get3A_867 : vector<1x16xf32> to vector<16xf32>
        %mul3A_869 = arith.constant 16 : i32
        %mul3A_870 = arith.muli %scan3A_38, %mul3A_869 : i32
        %add3A_871 = arith.constant 11 : i32
        %add3A_872 = arith.addi %mul3A_870, %add3A_871 : i32
        %swap3A_873 = arith.index_cast %add3A_872 : i32 to index
        %swap3A_874 = arith.constant 48 : index
        %swap3A_875 = tpu.vector_load %arg5[%swap3A_873, %swap3A_874] {strides = array<i32>} : memref<448x64xf32, #tpu.memory_space<vmem>>, vector<1x16xf32>,
        %swap3A_876 = vector.shape_cast %swap3A_875 : vector<1x16xf32> to vector<16xf32>
        %swap3A_877 = vector.shape_cast %get3A_868 : vector<16xf32> to vector<1x16xf32>
        tpu.vector_store %arg5[%swap3A_873, %swap3A_874], %swap3A_877 {strides = array<i32>} : memref<448x64xf32, #tpu.memory_space<vmem>>, vector<1x16xf32>,
        %add3A_878 = arith.constant 12 : i32
        %add3A_879 = arith.addi %add3A_41, %add3A_878 : i32
        %lt3A_880 = arith.constant 4094 : i32
        %lt3A_881 = arith.cmpi slt, %add3A_879, %lt3A_880 : i32
        %lt3A_882 = arith.constant 8186 : i32
        %lt3A_883 = arith.cmpi slt, %add3A_879, %lt3A_882 : i32
        %lt3A_884 = arith.constant 12276 : i32
        %lt3A_885 = arith.cmpi slt, %add3A_879, %lt3A_884 : i32
        %jit3A_886 = arith.constant 2 : i32
        %jit3A_887 = arith.constant 0 : i32
        %select_n3A_888 = arith.select %lt3A_885, %jit3A_886, %jit3A_887 : i32
        %jit3A_889 = arith.constant 1 : i32
        %select_n3A_890 = arith.select %lt3A_883, %jit3A_889, %select_n3A_888 : i32
        %jit3A_891 = arith.constant 0 : i32
        %select_n3A_892 = arith.select %lt3A_881, %jit3A_891, %select_n3A_890 : i32
        %get3A_893 = arith.index_cast %select_n3A_892 : i32 to index
        %get3A_894 = arith.constant 0 : index
        %get3A_895 = tpu.vector_load %arg4[%get3A_893, %get3A_894] {strides = array<i32>} : memref<5x64xf32, #tpu.memory_space<vmem>>, vector<1x16xf32>,
        %get3A_896 = vector.shape_cast %get3A_895 : vector<1x16xf32> to vector<16xf32>
        %mul3A_897 = arith.constant 16 : i32
        %mul3A_898 = arith.muli %scan3A_38, %mul3A_897 : i32
        %add3A_899 = arith.constant 12 : i32
        %add3A_900 = arith.addi %mul3A_898, %add3A_899 : i32
        %swap3A_901 = arith.index_cast %add3A_900 : i32 to index
        %swap3A_902 = arith.constant 0 : index
        %swap3A_903 = tpu.vector_load %arg5[%swap3A_901, %swap3A_902] {strides = array<i32>} : memref<448x64xf32, #tpu.memory_space<vmem>>, vector<1x16xf32>,
        %swap3A_904 = vector.shape_cast %swap3A_903 : vector<1x16xf32> to vector<16xf32>
        %swap3A_905 = vector.shape_cast %get3A_896 : vector<16xf32> to vector<1x16xf32>
        tpu.vector_store %arg5[%swap3A_901, %swap3A_902], %swap3A_905 {strides = array<i32>} : memref<448x64xf32, #tpu.memory_space<vmem>>, vector<1x16xf32>,
        %get3A_906 = arith.index_cast %select_n3A_892 : i32 to index
        %get3A_907 = arith.constant 16 : index
        %get3A_908 = tpu.vector_load %arg4[%get3A_906, %get3A_907] {strides = array<i32>} : memref<5x64xf32, #tpu.memory_space<vmem>>, vector<1x16xf32>,
        %get3A_909 = vector.shape_cast %get3A_908 : vector<1x16xf32> to vector<16xf32>
        %mul3A_910 = arith.constant 16 : i32
        %mul3A_911 = arith.muli %scan3A_38, %mul3A_910 : i32
        %add3A_912 = arith.constant 12 : i32
        %add3A_913 = arith.addi %mul3A_911, %add3A_912 : i32
        %swap3A_914 = arith.index_cast %add3A_913 : i32 to index
        %swap3A_915 = arith.constant 16 : index
        %swap3A_916 = tpu.vector_load %arg5[%swap3A_914, %swap3A_915] {strides = array<i32>} : memref<448x64xf32, #tpu.memory_space<vmem>>, vector<1x16xf32>,
        %swap3A_917 = vector.shape_cast %swap3A_916 : vector<1x16xf32> to vector<16xf32>
        %swap3A_918 = vector.shape_cast %get3A_909 : vector<16xf32> to vector<1x16xf32>
        tpu.vector_store %arg5[%swap3A_914, %swap3A_915], %swap3A_918 {strides = array<i32>} : memref<448x64xf32, #tpu.memory_space<vmem>>, vector<1x16xf32>,
        %get3A_919 = arith.index_cast %select_n3A_892 : i32 to index
        %get3A_920 = arith.constant 32 : index
        %get3A_921 = tpu.vector_load %arg4[%get3A_919, %get3A_920] {strides = array<i32>} : memref<5x64xf32, #tpu.memory_space<vmem>>, vector<1x16xf32>,
        %get3A_922 = vector.shape_cast %get3A_921 : vector<1x16xf32> to vector<16xf32>
        %mul3A_923 = arith.constant 16 : i32
        %mul3A_924 = arith.muli %scan3A_38, %mul3A_923 : i32
        %add3A_925 = arith.constant 12 : i32
        %add3A_926 = arith.addi %mul3A_924, %add3A_925 : i32
        %swap3A_927 = arith.index_cast %add3A_926 : i32 to index
        %swap3A_928 = arith.constant 32 : index
        %swap3A_929 = tpu.vector_load %arg5[%swap3A_927, %swap3A_928] {strides = array<i32>} : memref<448x64xf32, #tpu.memory_space<vmem>>, vector<1x16xf32>,
        %swap3A_930 = vector.shape_cast %swap3A_929 : vector<1x16xf32> to vector<16xf32>
        %swap3A_931 = vector.shape_cast %get3A_922 : vector<16xf32> to vector<1x16xf32>
        tpu.vector_store %arg5[%swap3A_927, %swap3A_928], %swap3A_931 {strides = array<i32>} : memref<448x64xf32, #tpu.memory_space<vmem>>, vector<1x16xf32>,
        %get3A_932 = arith.index_cast %select_n3A_892 : i32 to index
        %get3A_933 = arith.constant 48 : index
        %get3A_934 = tpu.vector_load %arg4[%get3A_932, %get3A_933] {strides = array<i32>} : memref<5x64xf32, #tpu.memory_space<vmem>>, vector<1x16xf32>,
        %get3A_935 = vector.shape_cast %get3A_934 : vector<1x16xf32> to vector<16xf32>
        %mul3A_936 = arith.constant 16 : i32
        %mul3A_937 = arith.muli %scan3A_38, %mul3A_936 : i32
        %add3A_938 = arith.constant 12 : i32
        %add3A_939 = arith.addi %mul3A_937, %add3A_938 : i32
        %swap3A_940 = arith.index_cast %add3A_939 : i32 to index
        %swap3A_941 = arith.constant 48 : index
        %swap3A_942 = tpu.vector_load %arg5[%swap3A_940, %swap3A_941] {strides = array<i32>} : memref<448x64xf32, #tpu.memory_space<vmem>>, vector<1x16xf32>,
        %swap3A_943 = vector.shape_cast %swap3A_942 : vector<1x16xf32> to vector<16xf32>
        %swap3A_944 = vector.shape_cast %get3A_935 : vector<16xf32> to vector<1x16xf32>
        tpu.vector_store %arg5[%swap3A_940, %swap3A_941], %swap3A_944 {strides = array<i32>} : memref<448x64xf32, #tpu.memory_space<vmem>>, vector<1x16xf32>,
        %add3A_945 = arith.constant 13 : i32
        %add3A_946 = arith.addi %add3A_41, %add3A_945 : i32
        %lt3A_947 = arith.constant 4094 : i32
        %lt3A_948 = arith.cmpi slt, %add3A_946, %lt3A_947 : i32
        %lt3A_949 = arith.constant 8186 : i32
        %lt3A_950 = arith.cmpi slt, %add3A_946, %lt3A_949 : i32
        %lt3A_951 = arith.constant 12276 : i32
        %lt3A_952 = arith.cmpi slt, %add3A_946, %lt3A_951 : i32
        %jit3A_953 = arith.constant 2 : i32
        %jit3A_954 = arith.constant 0 : i32
        %select_n3A_955 = arith.select %lt3A_952, %jit3A_953, %jit3A_954 : i32
        %jit3A_956 = arith.constant 1 : i32
        %select_n3A_957 = arith.select %lt3A_950, %jit3A_956, %select_n3A_955 : i32
        %jit3A_958 = arith.constant 0 : i32
        %select_n3A_959 = arith.select %lt3A_948, %jit3A_958, %select_n3A_957 : i32
        %get3A_960 = arith.index_cast %select_n3A_959 : i32 to index
        %get3A_961 = arith.constant 0 : index
        %get3A_962 = tpu.vector_load %arg4[%get3A_960, %get3A_961] {strides = array<i32>} : memref<5x64xf32, #tpu.memory_space<vmem>>, vector<1x16xf32>,
        %get3A_963 = vector.shape_cast %get3A_962 : vector<1x16xf32> to vector<16xf32>
        %mul3A_964 = arith.constant 16 : i32
        %mul3A_965 = arith.muli %scan3A_38, %mul3A_964 : i32
        %add3A_966 = arith.constant 13 : i32
        %add3A_967 = arith.addi %mul3A_965, %add3A_966 : i32
        %swap3A_968 = arith.index_cast %add3A_967 : i32 to index
        %swap3A_969 = arith.constant 0 : index
        %swap3A_970 = tpu.vector_load %arg5[%swap3A_968, %swap3A_969] {strides = array<i32>} : memref<448x64xf32, #tpu.memory_space<vmem>>, vector<1x16xf32>,
        %swap3A_971 = vector.shape_cast %swap3A_970 : vector<1x16xf32> to vector<16xf32>
        %swap3A_972 = vector.shape_cast %get3A_963 : vector<16xf32> to vector<1x16xf32>
        tpu.vector_store %arg5[%swap3A_968, %swap3A_969], %swap3A_972 {strides = array<i32>} : memref<448x64xf32, #tpu.memory_space<vmem>>, vector<1x16xf32>,
        %get3A_973 = arith.index_cast %select_n3A_959 : i32 to index
        %get3A_974 = arith.constant 16 : index
        %get3A_975 = tpu.vector_load %arg4[%get3A_973, %get3A_974] {strides = array<i32>} : memref<5x64xf32, #tpu.memory_space<vmem>>, vector<1x16xf32>,
        %get3A_976 = vector.shape_cast %get3A_975 : vector<1x16xf32> to vector<16xf32>
        %mul3A_977 = arith.constant 16 : i32
        %mul3A_978 = arith.muli %scan3A_38, %mul3A_977 : i32
        %add3A_979 = arith.constant 13 : i32
        %add3A_980 = arith.addi %mul3A_978, %add3A_979 : i32
        %swap3A_981 = arith.index_cast %add3A_980 : i32 to index
        %swap3A_982 = arith.constant 16 : index
        %swap3A_983 = tpu.vector_load %arg5[%swap3A_981, %swap3A_982] {strides = array<i32>} : memref<448x64xf32, #tpu.memory_space<vmem>>, vector<1x16xf32>,
        %swap3A_984 = vector.shape_cast %swap3A_983 : vector<1x16xf32> to vector<16xf32>
        %swap3A_985 = vector.shape_cast %get3A_976 : vector<16xf32> to vector<1x16xf32>
        tpu.vector_store %arg5[%swap3A_981, %swap3A_982], %swap3A_985 {strides = array<i32>} : memref<448x64xf32, #tpu.memory_space<vmem>>, vector<1x16xf32>,
        %get3A_986 = arith.index_cast %select_n3A_959 : i32 to index
        %get3A_987 = arith.constant 32 : index
        %get3A_988 = tpu.vector_load %arg4[%get3A_986, %get3A_987] {strides = array<i32>} : memref<5x64xf32, #tpu.memory_space<vmem>>, vector<1x16xf32>,
        %get3A_989 = vector.shape_cast %get3A_988 : vector<1x16xf32> to vector<16xf32>
        %mul3A_990 = arith.constant 16 : i32
        %mul3A_991 = arith.muli %scan3A_38, %mul3A_990 : i32
        %add3A_992 = arith.constant 13 : i32
        %add3A_993 = arith.addi %mul3A_991, %add3A_992 : i32
        %swap3A_994 = arith.index_cast %add3A_993 : i32 to index
        %swap3A_995 = arith.constant 32 : index
        %swap3A_996 = tpu.vector_load %arg5[%swap3A_994, %swap3A_995] {strides = array<i32>} : memref<448x64xf32, #tpu.memory_space<vmem>>, vector<1x16xf32>,
        %swap3A_997 = vector.shape_cast %swap3A_996 : vector<1x16xf32> to vector<16xf32>
        %swap3A_998 = vector.shape_cast %get3A_989 : vector<16xf32> to vector<1x16xf32>
        tpu.vector_store %arg5[%swap3A_994, %swap3A_995], %swap3A_998 {strides = array<i32>} : memref<448x64xf32, #tpu.memory_space<vmem>>, vector<1x16xf32>,
        %get3A_999 = arith.index_cast %select_n3A_959 : i32 to index
        %get3A_1000 = arith.constant 48 : index
        %get3A_1001 = tpu.vector_load %arg4[%get3A_999, %get3A_1000] {strides = array<i32>} : memref<5x64xf32, #tpu.memory_space<vmem>>, vector<1x16xf32>,
        %get3A_1002 = vector.shape_cast %get3A_1001 : vector<1x16xf32> to vector<16xf32>
        %mul3A_1003 = arith.constant 16 : i32
        %mul3A_1004 = arith.muli %scan3A_38, %mul3A_1003 : i32
        %add3A_1005 = arith.constant 13 : i32
        %add3A_1006 = arith.addi %mul3A_1004, %add3A_1005 : i32
        %swap3A_1007 = arith.index_cast %add3A_1006 : i32 to index
        %swap3A_1008 = arith.constant 48 : index
        %swap3A_1009 = tpu.vector_load %arg5[%swap3A_1007, %swap3A_1008] {strides = array<i32>} : memref<448x64xf32, #tpu.memory_space<vmem>>, vector<1x16xf32>,
        %swap3A_1010 = vector.shape_cast %swap3A_1009 : vector<1x16xf32> to vector<16xf32>
        %swap3A_1011 = vector.shape_cast %get3A_1002 : vector<16xf32> to vector<1x16xf32>
        tpu.vector_store %arg5[%swap3A_1007, %swap3A_1008], %swap3A_1011 {strides = array<i32>} : memref<448x64xf32, #tpu.memory_space<vmem>>, vector<1x16xf32>,
        %add3A_1012 = arith.constant 14 : i32
        %add3A_1013 = arith.addi %add3A_41, %add3A_1012 : i32
        %lt3A_1014 = arith.constant 4094 : i32
        %lt3A_1015 = arith.cmpi slt, %add3A_1013, %lt3A_1014 : i32
        %lt3A_1016 = arith.constant 8186 : i32
        %lt3A_1017 = arith.cmpi slt, %add3A_1013, %lt3A_1016 : i32
        %lt3A_1018 = arith.constant 12276 : i32
        %lt3A_1019 = arith.cmpi slt, %add3A_1013, %lt3A_1018 : i32
        %jit3A_1020 = arith.constant 2 : i32
        %jit3A_1021 = arith.constant 0 : i32
        %select_n3A_1022 = arith.select %lt3A_1019, %jit3A_1020, %jit3A_1021 : i32
        %jit3A_1023 = arith.constant 1 : i32
        %select_n3A_1024 = arith.select %lt3A_1017, %jit3A_1023, %select_n3A_1022 : i32
        %jit3A_1025 = arith.constant 0 : i32
        %select_n3A_1026 = arith.select %lt3A_1015, %jit3A_1025, %select_n3A_1024 : i32
        %get3A_1027 = arith.index_cast %select_n3A_1026 : i32 to index
        %get3A_1028 = arith.constant 0 : index
        %get3A_1029 = tpu.vector_load %arg4[%get3A_1027, %get3A_1028] {strides = array<i32>} : memref<5x64xf32, #tpu.memory_space<vmem>>, vector<1x16xf32>,
        %get3A_1030 = vector.shape_cast %get3A_1029 : vector<1x16xf32> to vector<16xf32>
        %mul3A_1031 = arith.constant 16 : i32
        %mul3A_1032 = arith.muli %scan3A_38, %mul3A_1031 : i32
        %add3A_1033 = arith.constant 14 : i32
        %add3A_1034 = arith.addi %mul3A_1032, %add3A_1033 : i32
        %swap3A_1035 = arith.index_cast %add3A_1034 : i32 to index
        %swap3A_1036 = arith.constant 0 : index
        %swap3A_1037 = tpu.vector_load %arg5[%swap3A_1035, %swap3A_1036] {strides = array<i32>} : memref<448x64xf32, #tpu.memory_space<vmem>>, vector<1x16xf32>,
        %swap3A_1038 = vector.shape_cast %swap3A_1037 : vector<1x16xf32> to vector<16xf32>
        %swap3A_1039 = vector.shape_cast %get3A_1030 : vector<16xf32> to vector<1x16xf32>
        tpu.vector_store %arg5[%swap3A_1035, %swap3A_1036], %swap3A_1039 {strides = array<i32>} : memref<448x64xf32, #tpu.memory_space<vmem>>, vector<1x16xf32>,
        %get3A_1040 = arith.index_cast %select_n3A_1026 : i32 to index
        %get3A_1041 = arith.constant 16 : index
        %get3A_1042 = tpu.vector_load %arg4[%get3A_1040, %get3A_1041] {strides = array<i32>} : memref<5x64xf32, #tpu.memory_space<vmem>>, vector<1x16xf32>,
        %get3A_1043 = vector.shape_cast %get3A_1042 : vector<1x16xf32> to vector<16xf32>
        %mul3A_1044 = arith.constant 16 : i32
        %mul3A_1045 = arith.muli %scan3A_38, %mul3A_1044 : i32
        %add3A_1046 = arith.constant 14 : i32
        %add3A_1047 = arith.addi %mul3A_1045, %add3A_1046 : i32
        %swap3A_1048 = arith.index_cast %add3A_1047 : i32 to index
        %swap3A_1049 = arith.constant 16 : index
        %swap3A_1050 = tpu.vector_load %arg5[%swap3A_1048, %swap3A_1049] {strides = array<i32>} : memref<448x64xf32, #tpu.memory_space<vmem>>, vector<1x16xf32>,
        %swap3A_1051 = vector.shape_cast %swap3A_1050 : vector<1x16xf32> to vector<16xf32>
        %swap3A_1052 = vector.shape_cast %get3A_1043 : vector<16xf32> to vector<1x16xf32>
        tpu.vector_store %arg5[%swap3A_1048, %swap3A_1049], %swap3A_1052 {strides = array<i32>} : memref<448x64xf32, #tpu.memory_space<vmem>>, vector<1x16xf32>,
        %get3A_1053 = arith.index_cast %select_n3A_1026 : i32 to index
        %get3A_1054 = arith.constant 32 : index
        %get3A_1055 = tpu.vector_load %arg4[%get3A_1053, %get3A_1054] {strides = array<i32>} : memref<5x64xf32, #tpu.memory_space<vmem>>, vector<1x16xf32>,
        %get3A_1056 = vector.shape_cast %get3A_1055 : vector<1x16xf32> to vector<16xf32>
        %mul3A_1057 = arith.constant 16 : i32
        %mul3A_1058 = arith.muli %scan3A_38, %mul3A_1057 : i32
        %add3A_1059 = arith.constant 14 : i32
        %add3A_1060 = arith.addi %mul3A_1058, %add3A_1059 : i32
        %swap3A_1061 = arith.index_cast %add3A_1060 : i32 to index
        %swap3A_1062 = arith.constant 32 : index
        %swap3A_1063 = tpu.vector_load %arg5[%swap3A_1061, %swap3A_1062] {strides = array<i32>} : memref<448x64xf32, #tpu.memory_space<vmem>>, vector<1x16xf32>,
        %swap3A_1064 = vector.shape_cast %swap3A_1063 : vector<1x16xf32> to vector<16xf32>
        %swap3A_1065 = vector.shape_cast %get3A_1056 : vector<16xf32> to vector<1x16xf32>
        tpu.vector_store %arg5[%swap3A_1061, %swap3A_1062], %swap3A_1065 {strides = array<i32>} : memref<448x64xf32, #tpu.memory_space<vmem>>, vector<1x16xf32>,
        %get3A_1066 = arith.index_cast %select_n3A_1026 : i32 to index
        %get3A_1067 = arith.constant 48 : index
        %get3A_1068 = tpu.vector_load %arg4[%get3A_1066, %get3A_1067] {strides = array<i32>} : memref<5x64xf32, #tpu.memory_space<vmem>>, vector<1x16xf32>,
        %get3A_1069 = vector.shape_cast %get3A_1068 : vector<1x16xf32> to vector<16xf32>
        %mul3A_1070 = arith.constant 16 : i32
        %mul3A_1071 = arith.muli %scan3A_38, %mul3A_1070 : i32
        %add3A_1072 = arith.constant 14 : i32
        %add3A_1073 = arith.addi %mul3A_1071, %add3A_1072 : i32
        %swap3A_1074 = arith.index_cast %add3A_1073 : i32 to index
        %swap3A_1075 = arith.constant 48 : index
        %swap3A_1076 = tpu.vector_load %arg5[%swap3A_1074, %swap3A_1075] {strides = array<i32>} : memref<448x64xf32, #tpu.memory_space<vmem>>, vector<1x16xf32>,
        %swap3A_1077 = vector.shape_cast %swap3A_1076 : vector<1x16xf32> to vector<16xf32>
        %swap3A_1078 = vector.shape_cast %get3A_1069 : vector<16xf32> to vector<1x16xf32>
        tpu.vector_store %arg5[%swap3A_1074, %swap3A_1075], %swap3A_1078 {strides = array<i32>} : memref<448x64xf32, #tpu.memory_space<vmem>>, vector<1x16xf32>,
        %add3A_1079 = arith.constant 15 : i32
        %add3A_1080 = arith.addi %add3A_41, %add3A_1079 : i32
        %lt3A_1081 = arith.constant 4094 : i32
        %lt3A_1082 = arith.cmpi slt, %add3A_1080, %lt3A_1081 : i32
        %lt3A_1083 = arith.constant 8186 : i32
        %lt3A_1084 = arith.cmpi slt, %add3A_1080, %lt3A_1083 : i32
        %lt3A_1085 = arith.constant 12276 : i32
        %lt3A_1086 = arith.cmpi slt, %add3A_1080, %lt3A_1085 : i32
        %jit3A_1087 = arith.constant 2 : i32
        %jit3A_1088 = arith.constant 0 : i32
        %select_n3A_1089 = arith.select %lt3A_1086, %jit3A_1087, %jit3A_1088 : i32
        %jit3A_1090 = arith.constant 1 : i32
        %select_n3A_1091 = arith.select %lt3A_1084, %jit3A_1090, %select_n3A_1089 : i32
        %jit3A_1092 = arith.constant 0 : i32
        %select_n3A_1093 = arith.select %lt3A_1082, %jit3A_1092, %select_n3A_1091 : i32
        %get3A_1094 = arith.index_cast %select_n3A_1093 : i32 to index
        %get3A_1095 = arith.constant 0 : index
        %get3A_1096 = tpu.vector_load %arg4[%get3A_1094, %get3A_1095] {strides = array<i32>} : memref<5x64xf32, #tpu.memory_space<vmem>>, vector<1x16xf32>,
        %get3A_1097 = vector.shape_cast %get3A_1096 : vector<1x16xf32> to vector<16xf32>
        %mul3A_1098 = arith.constant 16 : i32
        %mul3A_1099 = arith.muli %scan3A_38, %mul3A_1098 : i32
        %add3A_1100 = arith.constant 15 : i32
        %add3A_1101 = arith.addi %mul3A_1099, %add3A_1100 : i32
        %swap3A_1102 = arith.index_cast %add3A_1101 : i32 to index
        %swap3A_1103 = arith.constant 0 : index
        %swap3A_1104 = tpu.vector_load %arg5[%swap3A_1102, %swap3A_1103] {strides = array<i32>} : memref<448x64xf32, #tpu.memory_space<vmem>>, vector<1x16xf32>,
        %swap3A_1105 = vector.shape_cast %swap3A_1104 : vector<1x16xf32> to vector<16xf32>
        %swap3A_1106 = vector.shape_cast %get3A_1097 : vector<16xf32> to vector<1x16xf32>
        tpu.vector_store %arg5[%swap3A_1102, %swap3A_1103], %swap3A_1106 {strides = array<i32>} : memref<448x64xf32, #tpu.memory_space<vmem>>, vector<1x16xf32>,
        %get3A_1107 = arith.index_cast %select_n3A_1093 : i32 to index
        %get3A_1108 = arith.constant 16 : index
        %get3A_1109 = tpu.vector_load %arg4[%get3A_1107, %get3A_1108] {strides = array<i32>} : memref<5x64xf32, #tpu.memory_space<vmem>>, vector<1x16xf32>,
        %get3A_1110 = vector.shape_cast %get3A_1109 : vector<1x16xf32> to vector<16xf32>
        %mul3A_1111 = arith.constant 16 : i32
        %mul3A_1112 = arith.muli %scan3A_38, %mul3A_1111 : i32
        %add3A_1113 = arith.constant 15 : i32
        %add3A_1114 = arith.addi %mul3A_1112, %add3A_1113 : i32
        %swap3A_1115 = arith.index_cast %add3A_1114 : i32 to index
        %swap3A_1116 = arith.constant 16 : index
        %swap3A_1117 = tpu.vector_load %arg5[%swap3A_1115, %swap3A_1116] {strides = array<i32>} : memref<448x64xf32, #tpu.memory_space<vmem>>, vector<1x16xf32>,
        %swap3A_1118 = vector.shape_cast %swap3A_1117 : vector<1x16xf32> to vector<16xf32>
        %swap3A_1119 = vector.shape_cast %get3A_1110 : vector<16xf32> to vector<1x16xf32>
        tpu.vector_store %arg5[%swap3A_1115, %swap3A_1116], %swap3A_1119 {strides = array<i32>} : memref<448x64xf32, #tpu.memory_space<vmem>>, vector<1x16xf32>,
        %get3A_1120 = arith.index_cast %select_n3A_1093 : i32 to index
        %get3A_1121 = arith.constant 32 : index
        %get3A_1122 = tpu.vector_load %arg4[%get3A_1120, %get3A_1121] {strides = array<i32>} : memref<5x64xf32, #tpu.memory_space<vmem>>, vector<1x16xf32>,
        %get3A_1123 = vector.shape_cast %get3A_1122 : vector<1x16xf32> to vector<16xf32>
        %mul3A_1124 = arith.constant 16 : i32
        %mul3A_1125 = arith.muli %scan3A_38, %mul3A_1124 : i32
        %add3A_1126 = arith.constant 15 : i32
        %add3A_1127 = arith.addi %mul3A_1125, %add3A_1126 : i32
        %swap3A_1128 = arith.index_cast %add3A_1127 : i32 to index
        %swap3A_1129 = arith.constant 32 : index
        %swap3A_1130 = tpu.vector_load %arg5[%swap3A_1128, %swap3A_1129] {strides = array<i32>} : memref<448x64xf32, #tpu.memory_space<vmem>>, vector<1x16xf32>,
        %swap3A_1131 = vector.shape_cast %swap3A_1130 : vector<1x16xf32> to vector<16xf32>
        %swap3A_1132 = vector.shape_cast %get3A_1123 : vector<16xf32> to vector<1x16xf32>
        tpu.vector_store %arg5[%swap3A_1128, %swap3A_1129], %swap3A_1132 {strides = array<i32>} : memref<448x64xf32, #tpu.memory_space<vmem>>, vector<1x16xf32>,
        %get3A_1133 = arith.index_cast %select_n3A_1093 : i32 to index
        %get3A_1134 = arith.constant 48 : index
        %get3A_1135 = tpu.vector_load %arg4[%get3A_1133, %get3A_1134] {strides = array<i32>} : memref<5x64xf32, #tpu.memory_space<vmem>>, vector<1x16xf32>,
        %get3A_1136 = vector.shape_cast %get3A_1135 : vector<1x16xf32> to vector<16xf32>
        %mul3A_1137 = arith.constant 16 : i32
        %mul3A_1138 = arith.muli %scan3A_38, %mul3A_1137 : i32
        %add3A_1139 = arith.constant 15 : i32
        %add3A_1140 = arith.addi %mul3A_1138, %add3A_1139 : i32
        %swap3A_1141 = arith.index_cast %add3A_1140 : i32 to index
        %swap3A_1142 = arith.constant 48 : index
        %swap3A_1143 = tpu.vector_load %arg5[%swap3A_1141, %swap3A_1142] {strides = array<i32>} : memref<448x64xf32, #tpu.memory_space<vmem>>, vector<1x16xf32>,
        %swap3A_1144 = vector.shape_cast %swap3A_1143 : vector<1x16xf32> to vector<16xf32>
        %swap3A_1145 = vector.shape_cast %get3A_1136 : vector<16xf32> to vector<1x16xf32>
        tpu.vector_store %arg5[%swap3A_1141, %swap3A_1142], %swap3A_1145 {strides = array<i32>} : memref<448x64xf32, #tpu.memory_space<vmem>>, vector<1x16xf32>,
      } else {
      }
    }
    %scan3A_22 = arith.constant 14 : i32
    %dma_wait3A = arith.constant 0 : i32
    %dma_wait3A_23 = arith.constant 0 : i32
    %dma_wait3A_24 = tpu.memref_slice %arg5[%dma_wait3A, %dma_wait3A_23] : memref<448x64xf32, #tpu.memory_space<vmem>> -> memref<224x64xf32, #tpu.memory_space<vmem>>
    %dma_wait3A_25 = arith.constant 0 : i32
    %dma_wait3A_26 = tpu.memref_slice %arg3[%mul3A_2, %dma_wait3A_25] : memref<14324x64xf32, #tpu.memory_space<hbm>> -> memref<224x64xf32, #tpu.memory_space<hbm>>
    %dma_wait3A_27 = arith.constant 0 : i32
    %dma_wait3A_28 = tpu.memref_slice %arg3[%mul3A_2, %dma_wait3A_27] : memref<14324x64xf32, #tpu.memory_space<hbm>> -> memref<224x64xf32, #tpu.memory_space<hbm>>
    %dma_wait3A_29 = arith.constant 0 : i32
    %dma_wait3A_30 = arith.constant 0 : i32
    %dma_wait3A_31 = tpu.memref_slice %arg5[%dma_wait3A_29, %dma_wait3A_30] : memref<448x64xf32, #tpu.memory_space<vmem>> -> memref<224x64xf32, #tpu.memory_space<vmem>>
    tpu.wait_dma2 semaphore(%arg6 : memref<!tpu.dma_semaphore, #tpu.memory_space<semaphore_mem>>) src(%dma_wait3A_31 : memref<224x64xf32, #tpu.memory_space<vmem>>) dst(%dma_wait3A_28 : memref<224x64xf32, #tpu.memory_space<hbm>>)
    %lt3A = arith.constant 31 : i32
    %lt3A_32 = arith.cmpi slt, %add3A, %lt3A : i32
    %convert_element_type3A = arith.extui %lt3A_32 : i1 to i32
    %cond3A = arith.constant 0 : i32
    %cond3A_33 = arith.cmpi ne, %convert_element_type3A, %cond3A : i32
    scf.if %cond3A_33 {
      %add3A_38 = arith.constant 224 : i32
      %add3A_39 = arith.addi %mul3A_2, %add3A_38 : i32
      "tpu.region"() ({
        %run_scoped3A = tpu.sem_alloc : memref<!tpu.dma_semaphore, #tpu.memory_space<semaphore_mem>>
        %dma_start3A_40 = arith.constant 224 : i32
        %dma_start3A_41 = arith.constant 0 : i32
        %dma_start3A_42 = tpu.memref_slice %arg5[%dma_start3A_40, %dma_start3A_41] : memref<448x64xf32, #tpu.memory_space<vmem>> -> memref<224x64xf32, #tpu.memory_space<vmem>>
        %dma_start3A_43 = arith.constant 0 : i32
        %dma_start3A_44 = tpu.memref_slice %arg3[%add3A_39, %dma_start3A_43] : memref<14324x64xf32, #tpu.memory_space<hbm>> -> memref<224x64xf32, #tpu.memory_space<hbm>>
        %dma_start3A_45 = arith.constant 0 : i32
        %dma_start3A_46 = tpu.memref_slice %arg3[%add3A_39, %dma_start3A_45] : memref<14324x64xf32, #tpu.memory_space<hbm>> -> memref<224x64xf32, #tpu.memory_space<hbm>>
        %dma_start3A_47 = arith.constant 224 : i32
        %dma_start3A_48 = arith.constant 0 : i32
        %dma_start3A_49 = tpu.memref_slice %arg5[%dma_start3A_47, %dma_start3A_48] : memref<448x64xf32, #tpu.memory_space<vmem>> -> memref<224x64xf32, #tpu.memory_space<vmem>>
        tpu.enqueue_dma source(%dma_start3A_49 : memref<224x64xf32, #tpu.memory_space<vmem>>) target(%dma_start3A_46 : memref<224x64xf32, #tpu.memory_space<hbm>>) target_semaphore(%run_scoped3A : memref<!tpu.dma_semaphore, #tpu.memory_space<semaphore_mem>>)
        %dma_wait3A_50 = arith.constant 224 : i32
        %dma_wait3A_51 = arith.constant 0 : i32
        %dma_wait3A_52 = tpu.memref_slice %arg5[%dma_wait3A_50, %dma_wait3A_51] : memref<448x64xf32, #tpu.memory_space<vmem>> -> memref<224x64xf32, #tpu.memory_space<vmem>>
        %dma_wait3A_53 = arith.constant 0 : i32
        %dma_wait3A_54 = tpu.memref_slice %arg3[%add3A_39, %dma_wait3A_53] : memref<14324x64xf32, #tpu.memory_space<hbm>> -> memref<224x64xf32, #tpu.memory_space<hbm>>
        %dma_wait3A_55 = arith.constant 0 : i32
        %dma_wait3A_56 = tpu.memref_slice %arg3[%add3A_39, %dma_wait3A_55] : memref<14324x64xf32, #tpu.memory_space<hbm>> -> memref<224x64xf32, #tpu.memory_space<hbm>>
        %dma_wait3A_57 = arith.constant 224 : i32
        %dma_wait3A_58 = arith.constant 0 : i32
        %dma_wait3A_59 = tpu.memref_slice %arg5[%dma_wait3A_57, %dma_wait3A_58] : memref<448x64xf32, #tpu.memory_space<vmem>> -> memref<224x64xf32, #tpu.memory_space<vmem>>
        tpu.wait_dma2 semaphore(%run_scoped3A : memref<!tpu.dma_semaphore, #tpu.memory_space<semaphore_mem>>) src(%dma_wait3A_59 : memref<224x64xf32, #tpu.memory_space<vmem>>) dst(%dma_wait3A_56 : memref<224x64xf32, #tpu.memory_space<hbm>>)
        tpu.yield
      }) : () -> ()
    } else {
    }
    %eq3A = arith.constant 31 : i32
    %eq3A_34 = arith.cmpi eq, %add3A, %eq3A : i32
    %convert_element_type3A_35 = arith.extui %eq3A_34 : i1 to i32
    %cond3A_36 = arith.constant 0 : i32
    %cond3A_37 = arith.cmpi ne, %convert_element_type3A_35, %cond3A_36 : i32
    scf.if %cond3A_37 {
      %add3A_38 = arith.constant 224 : i32
      %add3A_39 = arith.addi %mul3A_2, %add3A_38 : i32
      "tpu.region"() ({
        %run_scoped3A = tpu.sem_alloc : memref<!tpu.dma_semaphore, #tpu.memory_space<semaphore_mem>>
        %dma_start3A_40 = arith.constant 224 : i32
        %dma_start3A_41 = arith.constant 0 : i32
        %dma_start3A_42 = tpu.memref_slice %arg5[%dma_start3A_40, %dma_start3A_41] : memref<448x64xf32, #tpu.memory_space<vmem>> -> memref<208x64xf32, #tpu.memory_space<vmem>>
        %dma_start3A_43 = arith.constant 0 : i32
        %dma_start3A_44 = tpu.memref_slice %arg3[%add3A_39, %dma_start3A_43] : memref<14324x64xf32, #tpu.memory_space<hbm>> -> memref<208x64xf32, #tpu.memory_space<hbm>>
        %dma_start3A_45 = arith.constant 0 : i32
        %dma_start3A_46 = tpu.memref_slice %arg3[%add3A_39, %dma_start3A_45] : memref<14324x64xf32, #tpu.memory_space<hbm>> -> memref<208x64xf32, #tpu.memory_space<hbm>>
        %dma_start3A_47 = arith.constant 224 : i32
        %dma_start3A_48 = arith.constant 0 : i32
        %dma_start3A_49 = tpu.memref_slice %arg5[%dma_start3A_47, %dma_start3A_48] : memref<448x64xf32, #tpu.memory_space<vmem>> -> memref<208x64xf32, #tpu.memory_space<vmem>>
        tpu.enqueue_dma source(%dma_start3A_49 : memref<208x64xf32, #tpu.memory_space<vmem>>) target(%dma_start3A_46 : memref<208x64xf32, #tpu.memory_space<hbm>>) target_semaphore(%run_scoped3A : memref<!tpu.dma_semaphore, #tpu.memory_space<semaphore_mem>>)
        %dma_wait3A_50 = arith.constant 224 : i32
        %dma_wait3A_51 = arith.constant 0 : i32
        %dma_wait3A_52 = tpu.memref_slice %arg5[%dma_wait3A_50, %dma_wait3A_51] : memref<448x64xf32, #tpu.memory_space<vmem>> -> memref<208x64xf32, #tpu.memory_space<vmem>>
        %dma_wait3A_53 = arith.constant 0 : i32
        %dma_wait3A_54 = tpu.memref_slice %arg3[%add3A_39, %dma_wait3A_53] : memref<14324x64xf32, #tpu.memory_space<hbm>> -> memref<208x64xf32, #tpu.memory_space<hbm>>
        %dma_wait3A_55 = arith.constant 0 : i32
        %dma_wait3A_56 = tpu.memref_slice %arg3[%add3A_39, %dma_wait3A_55] : memref<14324x64xf32, #tpu.memory_space<hbm>> -> memref<208x64xf32, #tpu.memory_space<hbm>>
        %dma_wait3A_57 = arith.constant 224 : i32
        %dma_wait3A_58 = arith.constant 0 : i32
        %dma_wait3A_59 = tpu.memref_slice %arg5[%dma_wait3A_57, %dma_wait3A_58] : memref<448x64xf32, #tpu.memory_space<vmem>> -> memref<208x64xf32, #tpu.memory_space<vmem>>
        tpu.wait_dma2 semaphore(%run_scoped3A : memref<!tpu.dma_semaphore, #tpu.memory_space<semaphore_mem>>) src(%dma_wait3A_59 : memref<208x64xf32, #tpu.memory_space<vmem>>) dst(%dma_wait3A_56 : memref<208x64xf32, #tpu.memory_space<hbm>>)
        tpu.yield
      }) : () -> ()
    } else {
    }
    return
  }
}

module attributes {stable_mosaic.version = 14 : i64} {
  func.func @tc_kernel(%arg0: i32, %arg1: memref<8x64xf32, #tpu.memory_space<vmem>>, %arg2: memref<8x64xf32, #tpu.memory_space<vmem>>, %arg3: memref<2x14324xi32, #tpu.memory_space<vmem>>) attributes {dimension_semantics = [#tpu.dimension_semantics<arbitrary>], iteration_bounds = array<i64: 1>, scalar_prefetch = 0 : i64, scratch_operands = 0 : i64, tpu.core_type = #tpu.core_type<tc>, window_params = [{transform_indices = @transform_0, window_bounds = array<i64: 8, 64>}, {transform_indices = @transform_1, window_bounds = array<i64: 8, 64>}, {pipeline_mode = #tpu.pipeline_mode<synchronous>, transform_indices = @transform_2, window_bounds = array<i64: 2, 14324>}]} {
    %iota3A = tpu.iota {dimensions = array<i32: 0>} : vector<2x14324xi32>
    %iota3A_0 = tpu.iota {dimensions = array<i32: 1>} : vector<2x14324xi32>
    %lt3A = arith.constant 4094 : i32
    %lt3A_1 = vector.broadcast %lt3A : i32 to vector<2x14324xi32>
    %lt3A_2 = arith.cmpi slt, %iota3A_0, %lt3A_1 : vector<2x14324xi32>
    %lt3A_3 = arith.constant 8186 : i32
    %lt3A_4 = vector.broadcast %lt3A_3 : i32 to vector<2x14324xi32>
    %lt3A_5 = arith.cmpi slt, %iota3A_0, %lt3A_4 : vector<2x14324xi32>
    %lt3A_6 = arith.constant 12276 : i32
    %lt3A_7 = vector.broadcast %lt3A_6 : i32 to vector<2x14324xi32>
    %lt3A_8 = arith.cmpi slt, %iota3A_0, %lt3A_7 : vector<2x14324xi32>
    %jit3A = arith.constant 8186 : i32
    %jit3A_9 = arith.constant 12276 : i32
    %broadcast_in_dim3A = vector.broadcast %jit3A : i32 to vector<2x14324xi32>
    %broadcast_in_dim3A_10 = vector.broadcast %jit3A_9 : i32 to vector<2x14324xi32>
    %select_n3A = arith.select %lt3A_8, %broadcast_in_dim3A, %broadcast_in_dim3A_10 : vector<2x14324xi1>, vector<2x14324xi32>
    %jit3A_11 = arith.constant 4094 : i32
    %broadcast_in_dim3A_12 = vector.broadcast %jit3A_11 : i32 to vector<2x14324xi32>
    %select_n3A_13 = arith.select %lt3A_5, %broadcast_in_dim3A_12, %select_n3A : vector<2x14324xi1>, vector<2x14324xi32>
    %jit3A_14 = arith.constant 0 : i32
    %broadcast_in_dim3A_15 = vector.broadcast %jit3A_14 : i32 to vector<2x14324xi32>
    %select_n3A_16 = arith.select %lt3A_2, %broadcast_in_dim3A_15, %select_n3A_13 : vector<2x14324xi1>, vector<2x14324xi32>
    %jit3A_17 = arith.constant 3 : i32
    %jit3A_18 = arith.constant 0 : i32
    %broadcast_in_dim3A_19 = vector.broadcast %jit3A_17 : i32 to vector<2x14324xi32>
    %broadcast_in_dim3A_20 = vector.broadcast %jit3A_18 : i32 to vector<2x14324xi32>
    %select_n3A_21 = arith.select %lt3A_8, %broadcast_in_dim3A_19, %broadcast_in_dim3A_20 : vector<2x14324xi1>, vector<2x14324xi32>
    %jit3A_22 = arith.constant 2 : i32
    %broadcast_in_dim3A_23 = vector.broadcast %jit3A_22 : i32 to vector<2x14324xi32>
    %select_n3A_24 = arith.select %lt3A_5, %broadcast_in_dim3A_23, %select_n3A_21 : vector<2x14324xi1>, vector<2x14324xi32>
    %jit3A_25 = arith.constant 1 : i32
    %broadcast_in_dim3A_26 = vector.broadcast %jit3A_25 : i32 to vector<2x14324xi32>
    %select_n3A_27 = arith.select %lt3A_2, %broadcast_in_dim3A_26, %select_n3A_24 : vector<2x14324xi1>, vector<2x14324xi32>
    %sub3A = arith.subi %iota3A_0, %select_n3A_16 : vector<2x14324xi32>
    %shift_right_arithmetic3A = arith.constant 1 : i32
    %shift_right_arithmetic3A_28 = vector.broadcast %shift_right_arithmetic3A : i32 to vector<2x14324xi32>
    %shift_right_arithmetic3A_29 = arith.shrsi %sub3A, %shift_right_arithmetic3A_28 : vector<2x14324xi32>
    %and3A = arith.constant 1 : i32
    %and3A_30 = vector.broadcast %and3A : i32 to vector<2x14324xi32>
    %and3A_31 = arith.andi %sub3A, %and3A_30 : vector<2x14324xi32>
    %xor3A = arith.xori %and3A_31, %iota3A : vector<2x14324xi32>
    %mul3A = arith.muli %xor3A, %select_n3A_27 : vector<2x14324xi32>
    %add3A = arith.addi %shift_right_arithmetic3A_29, %mul3A : vector<2x14324xi32>
    %select_n3A_32 = arith.select %lt3A_8, %add3A, %sub3A : vector<2x14324xi1>, vector<2x14324xi32>
    %swap3A = arith.constant 0 : index
    %swap3A_33 = arith.constant 0 : index
    %swap3A_34 = vector.load %arg3[%swap3A, %swap3A_33] : memref<2x14324xi32, #tpu.memory_space<vmem>>, vector<2x14324xi32>
    tpu.vector_store %arg3[%swap3A, %swap3A_33], %select_n3A_32 {strides = array<i32>} : memref<2x14324xi32, #tpu.memory_space<vmem>>, vector<2x14324xi32>,
    %get3A = arith.constant 0 : index
    %get3A_35 = arith.constant 0 : index
    %get3A_36 = vector.load %arg1[%get3A, %get3A_35] : memref<8x64xf32, #tpu.memory_space<vmem>>, vector<8x64xf32>
    %swap3A_37 = arith.constant 0 : index
    %swap3A_38 = arith.constant 0 : index
    %swap3A_39 = vector.load %arg2[%swap3A_37, %swap3A_38] : memref<8x64xf32, #tpu.memory_space<vmem>>, vector<8x64xf32>
    tpu.vector_store %arg2[%swap3A_37, %swap3A_38], %get3A_36 {strides = array<i32>} : memref<8x64xf32, #tpu.memory_space<vmem>>, vector<8x64xf32>,
    return
  }
  func.func @transform_0(%arg0: i32) -> (i32, i32) {
    %c1788_i32 = arith.constant 1788 : i32
    %c0_i32 = arith.constant 0 : i32
    %c0_i32_0 = arith.constant 0 : i32
    return %c1788_i32, %c0_i32 : i32, i32
  }
  func.func @transform_1(%arg0: i32) -> (i32, i32) {
    %c1790_i32 = arith.constant 1790 : i32
    %c0_i32 = arith.constant 0 : i32
    %c0_i32_0 = arith.constant 0 : i32
    return %c1790_i32, %c0_i32 : i32, i32
  }
  func.func @transform_2(%arg0: i32) -> (i32, i32) {
    %c0_i32 = arith.constant 0 : i32
    %c0_i32_0 = arith.constant 0 : i32
    %c0_i32_1 = arith.constant 0 : i32
    return %c0_i32, %c0_i32_0 : i32, i32
  }
}

</mosaic_0001>

<sc_bundles>
// kernel: kernel.4.cloned.1.call-start
scs
__scs_entry_jumppad:
0x0: {  	(pc) =	sbr.rel $0x88, $3  }
0x1: {  	(tag) =	ssettag $0x0;
	lr =	simm.s32 $0x1  }
0x2: {  	[smem:$0x3FA0] =	sst lr;
	_ =	strace $0xD0000000  }
0x3: {  	_ = 	snop  }
0x4: {  	_ = 	snop  }
0x5: {  	_ = 	snop  }
0x6: {  	_ = 	snop  }
0x7: {  	_ = 	snop  }
__scs_overlays_trampoline_lowered:
0x8: {  	[smem:$0x3FAF] =	sst s0  }
0x9: {  	[smem:$0x3FB0] =	sst s1  }
0xa: {  	[smem:$0x3FB1] =	sst s2  }
0xb: {  	[smem:$0x3FB2] =	sst s3  }
0xc: {  	[smem:$0x3FB3] =	sst s4  }
0xd: {  	[smem:$0x3FB4] =	sst s5  }
0xe: {  	[smem:$0x3FB5] =	sst s6  }
0xf: {  	[smem:$0x3FB6] =	sst s7  }
0x10: {  	[smem:$0x3FB7] =	sst s8  }
0x11: {  	[smem:$0x3FB8] =	sst s9;
	s0 =	simm.s32 @!p0 $0x0  }
0x12: {  	s1 =	sld [smem:$0x3F9E];
	s0 =	simm.s32 @p0 $0x1  }
0x13: {  	[smem:$0x3FB9] =	sst s0;
	s0 =	simm.s32 @!p1 $0x0  }
0x14: {  	s2 =	sld [smem:$0x3F9D];
	s0 =	simm.s32 @p1 $0x1  }
0x15: {  	[smem:$0x3FBA] =	sst s0;
	s0 =	simm.s32 @!p2 $0x0  }
0x16: {  	s3 =	sld [smem:$0x3FDB];
	s0 =	simm.s32 @p2 $0x1  }
0x17: {  	s4 =	simm.s32 $0x1BF5;
	[smem:$0x3FBC] =	sst s0  }
0x18: {  	s0 =	sld [smem:$0x3F9F];
	_ =	swait.ge [sflag:s4], $0x0  }
0x19: {  	s7 =	sld [smem:$0x3FA0]  }
0x1a: {  	s8 =	sadd.s32 $0xFFFFE003, lr  }
0x1b: {  	s9 =	sadd.s32 $0xFFFFFEF7, lr;
	s5 =	simm.s32 $0xFFFFFFFF;
	p2 =	slt.u32 s8, $0xFFFFF086  }
0x1c: {  	p1 =	slt.u32 s9, $0xF7A;
	s5 =	simm.s32 @!p2 $0x0  }
0x1d: {  	s5 =	simm.s32 @p1 $0x1;
	p0 =	seq.s32 s7, s2  }
0x1e: {  	s7 =	smul.u32 @!p0 $0xF7A, s2;
	p2 =	seq.s32 @!p0 s5, $0x0  }
0x1f: {  	s9 =	smul.u32 $0xF7A, s1;
	s8 =	simm.s32 @!p0 $0x1BF5;
	p2 =	por !p2, p0  }
0x20: {  	[sflag:s8] =	ssyncset.s32 @!p0 $0xFFFFF086;
	s6 =	sadd.s32 @!p0 s3, s7;
	s7 =	simm.s32 @!p0 $0x108  }
0x21: {  	s3 =	sadd.s32 s3, s9;
	s6 =	sadd.s32 @!p0 $0x88, s6;
	s7 =	simm.s32 @p2 $0x1082  }
0x22: {  	[simem:s7], [sflag:s8] =	dma.local @!p0 [hbm:s6], $0xF7A  }
0x23: {  	s9 =	sor.u32 $0xD0000000, s2;
	s6 =	simm.s32 $0x108;
	_ =	swait.ge @!p0 [sflag:s8], $0x0  }
0x24: {  	s3 =	sadd.s32 $0x88, s3;
	s6 =	simm.s32 @!p1 $0x1082;
	[sflag:s4] =	ssyncset.s32 $0xFFFFF086  }
0x25: {  	[simem:s6], [sflag:s4] =	dma.local [hbm:s3], $0xF7A  }
0x26: {  	[smem:$0x3FA0] =	sst s1;
	(tag) =	ssettag s2;
	_ =	strace s9  }
0x27: {  	s1 =	sld [smem:$0x3FB0]  }
0x28: {  	s2 =	sld [smem:$0x3FB1]  }
0x29: {  	s4 =	sld [smem:$0x3FB3]  }
0x2a: {  	p0 =	seq.s32 s5, $0x0;
	s5 =	sld [smem:$0x3FB4]  }
0x2b: {  	s6 =	sld [smem:$0x3FB5]  }
0x2c: {  	s7 =	sld [smem:$0x3FB6]  }
0x2d: {  	s3 =	simm.s32 $0x108;
	s8 =	sld [smem:$0x3FB7]  }
0x2e: {  	s3 =	simm.s32 @!p0 $0x1082;
	s9 =	sld [smem:$0x3FB8]  }
0x2f: {  	lr =	sadd.s32 s0, s3;
	s0 =	sld [smem:$0x3FAF]  }
0x30: {  	s3 =	sld [smem:$0x3FB2]  }
0x31: {  	[smem:$0x3FBB] =	sst s10  }
0x32: {  	s10 =	sld [smem:$0x3FB9];
	_ =	sdelay $0x3  }
0x33: {  	p0 =	seq.s32 s10, $0x1;
	s10 =	sld [smem:$0x3FBB];
	_ =	sdelay $0x3  }
0x34: {  	[smem:$0x3FBB] =	sst s10  }
0x35: {  	s10 =	sld [smem:$0x3FBA];
	_ =	sdelay $0x3  }
0x36: {  	p1 =	seq.s32 s10, $0x1;
	s10 =	sld [smem:$0x3FBB];
	_ =	sdelay $0x3  }
0x37: {  	[smem:$0x3FBB] =	sst s10  }
0x38: {  	s10 =	sld [smem:$0x3FBC]  }
0x39: {  	_ = 	snop;
	(pc) =	sbr.ind lr, $3  }
0x3a: {  	_ = 	snop  }
0x3b: {  	_ = 	snop  }
0x3c: {  	p2 =	seq.s32 s10, $0x1;
	s10 =	sld [smem:$0x3FBB]  }
0x3d: {  	_ =	shalt  }
0x3e: {  	_ =	shalt  }
0x3f: {  	_ =	shalt  }
0x40: {  	_ =	shalt  }
0x41: {  	_ =	shalt  }
0x42: {  	_ =	shalt  }
0x43: {  	_ =	shalt  }
0x44: {  	_ =	shalt  }
0x45: {  	_ =	shalt  }
0x46: {  	_ =	shalt  }
0x47: {  	_ =	shalt  }
0x48: {  	_ =	shalt  }
0x49: {  	_ =	shalt  }
0x4a: {  	_ =	shalt  }
0x4b: {  	_ =	shalt  }
0x4c: {  	_ =	shalt  }
0x4d: {  	_ =	shalt  }
0x4e: {  	_ =	shalt  }
0x4f: {  	_ =	shalt  }
0x50: {  	_ =	shalt  }
0x51: {  	_ =	shalt  }
0x52: {  	_ =	shalt  }
0x53: {  	_ =	shalt  }
0x54: {  	_ =	shalt  }
0x55: {  	_ =	shalt  }
0x56: {  	_ =	shalt  }
0x57: {  	_ =	shalt  }
0x58: {  	_ =	shalt  }
0x59: {  	_ =	shalt  }
0x5a: {  	_ =	shalt  }
0x5b: {  	_ =	shalt  }
0x5c: {  	_ =	shalt  }
0x5d: {  	_ =	shalt  }
0x5e: {  	_ =	shalt  }
0x5f: {  	_ =	shalt  }
0x60: {  	_ =	shalt  }
0x61: {  	_ =	shalt  }
0x62: {  	_ =	shalt  }
0x63: {  	_ =	shalt  }
0x64: {  	_ =	shalt  }
0x65: {  	_ =	shalt  }
0x66: {  	_ =	shalt  }
0x67: {  	_ =	shalt  }
0x68: {  	_ =	shalt  }
0x69: {  	_ =	shalt  }
0x6a: {  	_ =	shalt  }
0x6b: {  	_ =	shalt  }
0x6c: {  	_ =	shalt  }
0x6d: {  	_ =	shalt  }
0x6e: {  	_ =	shalt  }
0x6f: {  	_ =	shalt  }
0x70: {  	_ =	shalt  }
0x71: {  	_ =	shalt  }
0x72: {  	_ =	shalt  }
0x73: {  	_ =	shalt  }
0x74: {  	_ =	shalt  }
0x75: {  	_ =	shalt  }
0x76: {  	_ =	shalt  }
0x77: {  	_ =	shalt  }
0x78: {  	_ =	shalt  }
0x79: {  	_ =	shalt  }
0x7a: {  	_ =	shalt  }
0x7b: {  	_ =	shalt  }
0x7c: {  	_ =	shalt  }
0x7d: {  	_ =	shalt  }
0x7e: {  	_ =	shalt  }
0x7f: {  	_ =	shalt  }
0x80: {  	_ =	shalt  }
0x81: {  	_ =	shalt  }
0x82: {  	_ =	shalt  }
0x83: {  	_ =	shalt  }
0x84: {  	_ =	shalt  }
0x85: {  	_ =	shalt  }
0x86: {  	_ =	shalt  }
0x87: {  	_ =	shalt  }
.Lfunc_end0:
.L_simem_size_0:
called_computation_lowered:
.L_overlay_start_0:
0x88: {  	s2 =	sld [smem:$0x3FD9]  }
0x89: {  	s3 =	sld [smem:$0x3FFE];
	_ =	sdelay $0x1  }
0x8a: {  	s1 =	srdreg.scid  }
0x8b: {  	s0 =	sand.u32 $0x1, s1  }
0x8c: {  	s17 =	sshll.u32 s0, $0xA;
	s2 =	sadd.s32 s3, s2  }
0x8d: {  	s2 =	sadd.s32 s2, s17  }
0x8e: {  	[smem:$0x3FC7] =	sst s2  }
0x8f: {  	_ = 	snop  }
0x90: {  	s2 =	sld [smem:$0x3FC9];
	(tm) =	ssettm $0x1  }
0x91: {  	s18 =	sld [smem:$0x3FFB];
	_ =	sdelay $0x3  }
0x92: {  	_ =	strace s18  }
0x93: {  	s3 =	sld [smem:$0x3FFC];
	_ =	sdelay $0x3  }
0x94: {  	_ =	strace s3  }
0x95: {  	s3 =	sld [smem:$0x3FFD];
	_ =	sdelay $0x3  }
0x96: {  	_ =	strace s3  }
0x97: {  	_ =	strace $0x8FFFFFFF  }
0x98: {  	s19 =	sld [smem:$0x3FDB];
	_ =	sdelay $0x1  }
0x99: {  	s4 =	simm.s32 $_scs_section_size  }
0x9a: {  	s5 =	simm.s32 $_size__tile_overlayer_lowered;
	s6 =	simm.s32 $_tile_overlayer_lowered  }
0x9b: {  	s22 =	simm.s32 $0x1BFF;
	s21 =	sshll.u32 s6, $0x1;
	s3 =	sadd.s32 s4, s19  }
0x9c: {  	s7 =	simm.s32 $0x0;
	s20 =	sshll.u32 s5, $0x1;
	s5 =	sadd.s32 s21, s3  }
0x9d: {  	[timem:s7], [sflag:s22] =	dma.local [hbm:s5], s20  }
0x9e: {  	_ =	swait.ge [sflag:s22], s20  }
0x9f: {  	s4 =	ssub.s32 $0x0, s20;
	[sflag:s22] =	ssyncset.done $0x0  }
0xa0: {  	[sflag:s22] =	ssyncadd.s32 s4;
	_ =	sdelay $0x1  }
0xa1: {  	s23 =	simm.s32 $0x1B8B  }
0xa2: {  	_ =	swait.ge [sflag:s23], $0x1  }
0xa3: {  	[sflag:s23] =	ssyncset.done $0x0  }
0xa4: {  	s25 =	simm.s32 $0x1B8E;
	s24 =	sld [smem:$0x3FFE];
	[sflag:s23] =	ssyncadd.s32 $0xFFFFFFFF  }
0xa5: {  	s26 =	simm.s32 $execute0_lowered;
	[smem:$0x3FD2] =	sst s25  }
0xa6: {  	s5 =	sshll.u32 s26, $0x1;
	_ =	strace $0x80000046;
	[dreg:$0x1] =	wrdreg $0xFFFFFFFF  }
0xa7: {  	s28 =	simm.s32 $_size_execute0_lowered;
	s3 =	sadd.s32 s3, s5;
	[dreg:$0x0] =	wrdreg $0x0  }
0xa8: {  	s5 =	sshll.u32 s28, $0x1;
	[dreg:$0x2] =	wrdreg s3  }
0xa9: {  	[dreg:$0x3] =	wrdreg s5  }
0xaa: {  	[dreg:$0x4] =	wrdreg $0xC0  }
0xab: {  	_ =	task [dreg:s7], $0x5FFFF  }
0xac: {  	[dreg:$0x1] =	wrdreg $0xFFFFFFFF  }
0xad: {  	[dreg:$0x0] =	wrdreg $0x60  }
0xae: {  	[dreg:$0x2] =	wrdreg s2  }
0xaf: {  	[dreg:$0x3] =	wrdreg s24  }
0xb0: {  	[dreg:$0x4] =	wrdreg $0x9  }
0xb1: {  	_ =	task.clear_ibuf [dreg:s7], $0x5FFFF;
	_ =	strace $0x90000046  }
0xb2: {  	s29 =	simm.s32 $0x9;
	_ =	strace $0x80000048  }
0xb3: {  	_ =	swait.ge [sflag:s29], $0x1  }
0xb4: {  	[sflag:s29] =	ssyncadd.s32 $0xFFFFFFFF  }
0xb5: {  	_ =	strace $0x90000048  }
0xb6: {  	_ =	sfence  }
0xb7: {  	s30 =	sld [smem:$0x0];
	_ =	sdelay $0x2  }
0xb8: {  	s31 =	sshll.u32 s1, $0xD;
	s1 =	sshrl.u32 s1, $0x2  }
0xb9: {  	s3 =	sand.u32 $0x4000, s31;
	s1 =	sadd.s32 s1, s30  }
0xba: {  	s0 =	sor.u32 s3, s0;
	s1 =	sshll.u32 s1, $0x11  }
0xbb: {  	s0 =	sor.u32 s1, s0  }
0xbc: {  	s0 =	sadd.s32 $0x8F2B, s0  }
0xbd: {  	[sflag:s0] =	ssyncadd.remote.s32 $0x1  }
0xbe: {  	_ =	sfence.sel $0xFFFF  }
0xbf: {  	[dreg:$0x0] =	wrdreg $0xFFFFFFFF;
	(pc) =	sbr.abs _section_cstart, $3  }
0xc0: {  	[dreg:$0x1] =	wrdreg $0xFFFFFFFF  }
0xc1: {  	_ =	task.clear_ibuf [dreg:s7], $0x2FFFF;
	_ =	strace $0x9FFFFFFF  }
0xc2: {  	(tm) =	ssettm $0x7FFFFFFF  }
0xc3: {  	_ =	shalt  }
tec
execute0_lowered:
.L_overlay_start_1:
0x0: {  	(tag) =	ssettag $0x1  }
0x1: {  	s2 =	rddreg [dreg:$0x0]  }
0x2: {  	s1 =	srdreg.scid;
	s0 =	stileid.u32  }
0x3: {  	s6 =	rddreg [dreg:$0x1];
	s3 =	simm.s32 $0x0;
	s4 =	sand.u32 $0x1, s1  }
0x4: {  	s5 =	sshll.u32 s0, $0x1;
	s1 =	rddreg [dreg:$0x2];
	s10 =	smul.u32 $0x380, s0  }
0x5: {  	[smem:$0x7FF] =	sst s3;
	s12 =	sor.u32 s4, s5;
	s13 =	smul.u32 $0x1C0, s4  }
0x6: {  	s7 =	sadd.s32 $0x800, s6;
	s6 =	sadd.s32 $0x37A00, s6;
	s5 =	smul.u32 $0xE000, s12  }
0x7: {  	_ =	strace $0x80000047;
	s9 =	ssub.s32 $0x2, s4;
	s8 =	smul.u32 $0x1C00, s12  }
.Ltmp0:
0x8: {  	s11 =	sshrl.u32 s9, $0x1;
	p0 =	seq.s32 s12, $0x1F;
	(pc) =	sbr.rel .LBB2_1-.Ltmp0, $4  }
0x9: {  	s12 =	simm.s32 $0x1;
	s9 =	ssub.s32 s9, s11;
	s11 =	simm.s32 $0x400  }
0xa: {  	s5 =	sshrl.u32 s5, $0x3;
	s4 =	sadd.s32 s7, s8;
	s8 =	sadd.s32 s13, s10  }
0xb: {  	s10 =	simm.s32 $0x2;
	s13 =	simm.s32 $0x0;
	s5 =	sadd.s32 s7, s5  }
0xc: {  	s7 =	smax.u32 s9, $0x1;
	s9 =	sadd.s32 $0xEF, s8;
	s5 =	sadd.s32 $0xE00, s5  }
.LBB2_11:
0xd: {  	_ =	swait.ge [sflag:s12], $0x7000  }
0xe: {  	[sflag:s12] =	ssyncset.done $0x0  }
0xf: {  	s14 =	simm.s32 @p0 $0x0;
	s15 =	simm.s32 @p0 $0x7400;
	[sflag:s12] =	ssyncadd.s32 $0xFFFF9000  }
0x10: {  	[hbm4b:s6+s14] =	stream.linear.scatter @p0 [tilespmem:s15], [sflag:$0x2], $0x6800, $0x38;
	[tilespmem:$0xE400] =	vst v63  }
0x11: {  	s14 =	simm.s32 @p0 $0x2  }
0x12: {  	s13 =	sadd.s32 $0x1, s13;
	_ =	swait.ge @p0 [sflag:s14], $0x6800  }
0x13: {  	p1 =	sne.s32 s13, s7;
	[sflag:s14] =	ssyncset.done @p0 $0x0  }
0x14: {  	s15 =	simm.s32 @!p0 $0x7400;
	[sflag:s14] =	ssyncadd.s32 @p0 $0xFFFF9800;
	s14 =	simm.s32 @!p0 $0x0  }
0x15: {  	[hbm4b:s5+s14] =	stream.linear.scatter @!p0 [tilespmem:s15], [sflag:$0x2], $0x7000, $0x38;
	[tilespmem:$0xE400] =	vst v63  }
.Ltmp1:
0x16: {  	_ = 	snop;
	(pc) =	sbr.rel @!p1 .LBB2_12-.Ltmp1, $4  }
0x17: {  	s14 =	simm.s32 @!p0 $0x2  }
0x18: {  	_ =	swait.ge @!p0 [sflag:s14], $0x7000  }
0x19: {  	[sflag:s14] =	ssyncset.done @!p0 $0x0  }
0x1a: {  	[sflag:s14] =	ssyncadd.s32 @!p0 $0xFFFF9000  }
.LBB2_1:
.Ltmp2:
0x1b: {  	(pc) =	sbr.rel .LBB2_2-.Ltmp2, $4  }
0x1c: {  	[tilespmem:s3], [sflag:$0x2] =	stream.linear.gather [hbm4b:s2+s3], $0x280, $0x38;
	[tilespmem:$0xE400] =	vst v63  }
0x1d: {  	_ =	swait.ge [sflag:s10], $0x280  }
0x1e: {  	[sflag:s10] =	ssyncset.done $0x0  }
0x1f: {  	s14 =	simm.s32 $0x800;
	s15 =	simm.s32 $0x0;
	[sflag:s10] =	ssyncadd.s32 $0xFFFFFD80  }
.LBB2_4:
0x20: {  	[tilespmem:s14+$0xFFFFFC00] =	vst v0  }
0x21: {  	v0 =	vld [tilespmem:s18+$0x10];
	_ =	sdelay $0x4  }
0x22: {  	[tilespmem:s14+$0xFFFFFC10] =	vst v0  }
0x23: {  	v0 =	vld [tilespmem:s18+$0x20];
	_ =	sdelay $0x4  }
0x24: {  	[tilespmem:s14+$0xFFFFFC20] =	vst v0  }
0x25: {  	v0 =	vld [tilespmem:s18+$0x30]  }
0x26: {  	s18 =	simm.s32 $0x100  }
0x27: {  	s18 =	simm.s32 @!p1 $0x0  }
0x28: {  	s19 =	smov.u32 s18  }
0x29: {  	s19 =	simm.s32 @p2 $0x80  }
0x2a: {  	s19 =	simm.s32 @p3 $0x0;
	[tilespmem:s14+$0xFFFFFC30] =	vst v0  }
0x2b: {  	v0 =	vld [tilespmem:s19+$0x0];
	_ =	sdelay $0x4  }
0x2c: {  	[tilespmem:s14+$0xFFFFFC80] =	vst v0  }
0x2d: {  	v0 =	vld [tilespmem:s19+$0x10];
	_ =	sdelay $0x4  }
0x2e: {  	[tilespmem:s14+$0xFFFFFC90] =	vst v0  }
0x2f: {  	v0 =	vld [tilespmem:s19+$0x20];
	_ =	sdelay $0x4  }
0x30: {  	[tilespmem:s14+$0xFFFFFCA0] =	vst v0  }
0x31: {  	v0 =	vld [tilespmem:s19+$0x30];
	_ =	sdelay $0x1  }
0x32: {  	s30 =	sadd.s32 $0x2, s17  }
0x33: {  	p1 =	slt.u32 s30, $0x1FFA;
	s20 =	smov.u32 s18  }
0x34: {  	p2 =	slt.u32 s30, $0xFFE;
	s20 =	simm.s32 @p1 $0x80  }
0x35: {  	s20 =	simm.s32 @p2 $0x0;
	[tilespmem:s14+$0xFFFFFCB0] =	vst v0  }
0x36: {  	v0 =	vld [tilespmem:s20+$0x0];
	_ =	sdelay $0x4  }
0x37: {  	[tilespmem:s14+$0xFFFFFD00] =	vst v0  }
0x38: {  	v0 =	vld [tilespmem:s20+$0x10];
	_ =	sdelay $0x4  }
0x39: {  	[tilespmem:s14+$0xFFFFFD10] =	vst v0  }
0x3a: {  	v0 =	vld [tilespmem:s20+$0x20];
	_ =	sdelay $0x4  }
0x3b: {  	[tilespmem:s14+$0xFFFFFD20] =	vst v0  }
0x3c: {  	v0 =	vld [tilespmem:s20+$0x30];
	_ =	sdelay $0x1  }
0x3d: {  	s31 =	sadd.s32 $0x3, s17  }
0x3e: {  	p1 =	slt.u32 s31, $0x1FFA  }
0x3f: {  	p2 =	slt.u32 s31, $0xFFE;
	s18 =	simm.s32 @p1 $0x80  }
0x40: {  	s18 =	simm.s32 @p2 $0x0;
	[tilespmem:s14+$0xFFFFFD30] =	vst v0  }
0x41: {  	v0 =	vld [tilespmem:s18+$0x0];
	_ =	sdelay $0x4  }
0x42: {  	[tilespmem:s14+$0xFFFFFD80] =	vst v0  }
0x43: {  	v0 =	vld [tilespmem:s18+$0x10];
	_ =	sdelay $0x4  }
0x44: {  	[tilespmem:s14+$0xFFFFFD90] =	vst v0  }
0x45: {  	v0 =	vld [tilespmem:s18+$0x20];
	_ =	sdelay $0x4  }
0x46: {  	[tilespmem:s14+$0xFFFFFDA0] =	vst v0  }
0x47: {  	v0 =	vld [tilespmem:s18+$0x30]  }
0x48: {  	s20 =	sadd.s32 $0x4, s17  }
0x49: {  	s19 =	simm.s32 $0x100;
	p1 =	slt.u32 s20, $0x2FF4  }
0x4a: {  	p2 =	slt.u32 s20, $0x1FFA;
	s19 =	simm.s32 @!p1 $0x0  }
0x4b: {  	p1 =	slt.u32 s20, $0xFFE;
	s19 =	simm.s32 @p2 $0x80  }
0x4c: {  	s19 =	simm.s32 @p1 $0x0;
	[tilespmem:s14+$0xFFFFFDB0] =	vst v0  }
0x4d: {  	v0 =	vld [tilespmem:s19+$0x0];
	_ =	sdelay $0x4  }
0x4e: {  	[tilespmem:s14+$0xFFFFFE00] =	vst v0  }
0x4f: {  	v0 =	vld [tilespmem:s19+$0x10];
	_ =	sdelay $0x4  }
0x50: {  	[tilespmem:s14+$0xFFFFFE10] =	vst v0  }
0x51: {  	v0 =	vld [tilespmem:s19+$0x20];
	_ =	sdelay $0x4  }
0x52: {  	[tilespmem:s14+$0xFFFFFE20] =	vst v0  }
0x53: {  	v0 =	vld [tilespmem:s19+$0x30]  }
0x54: {  	s21 =	sadd.s32 $0x5, s17  }
0x55: {  	p1 =	slt.u32 s21, $0x2FF4;
	s19 =	simm.s32 $0x100  }
0x56: {  	p2 =	slt.u32 s21, $0x1FFA;
	s19 =	simm.s32 @!p1 $0x0  }
0x57: {  	p1 =	slt.u32 s21, $0xFFE;
	s19 =	simm.s32 @p2 $0x80  }
0x58: {  	s19 =	simm.s32 @p1 $0x0;
	[tilespmem:s14+$0xFFFFFE30] =	vst v0  }
0x59: {  	v0 =	vld [tilespmem:s19+$0x0];
	_ =	sdelay $0x4  }
0x5a: {  	[tilespmem:s14+$0xFFFFFE80] =	vst v0  }
0x5b: {  	v0 =	vld [tilespmem:s19+$0x10];
	_ =	sdelay $0x4  }
0x5c: {  	[tilespmem:s14+$0xFFFFFE90] =	vst v0  }
0x5d: {  	v0 =	vld [tilespmem:s19+$0x20];
	_ =	sdelay $0x4  }
0x5e: {  	[tilespmem:s14+$0xFFFFFEA0] =	vst v0  }
0x5f: {  	v0 =	vld [tilespmem:s19+$0x30]  }
0x60: {  	s22 =	sadd.s32 $0x6, s17  }
0x61: {  	p1 =	slt.u32 s22, $0x2FF4;
	s19 =	simm.s32 $0x100  }
0x62: {  	p2 =	slt.u32 s22, $0x1FFA;
	s19 =	simm.s32 @!p1 $0x0  }
0x63: {  	p1 =	slt.u32 s22, $0xFFE;
	s19 =	simm.s32 @p2 $0x80  }
0x64: {  	s19 =	simm.s32 @p1 $0x0;
	[tilespmem:s14+$0xFFFFFEB0] =	vst v0  }
0x65: {  	v0 =	vld [tilespmem:s19+$0x0];
	_ =	sdelay $0x4  }
0x66: {  	[tilespmem:s14+$0xFFFFFF00] =	vst v0  }
0x67: {  	v0 =	vld [tilespmem:s19+$0x10];
	_ =	sdelay $0x4  }
0x68: {  	[tilespmem:s14+$0xFFFFFF10] =	vst v0  }
0x69: {  	v0 =	vld [tilespmem:s19+$0x20];
	_ =	sdelay $0x4  }
0x6a: {  	[tilespmem:s14+$0xFFFFFF20] =	vst v0  }
0x6b: {  	v0 =	vld [tilespmem:s19+$0x30]  }
0x6c: {  	s23 =	sadd.s32 $0x7, s17  }
0x6d: {  	p1 =	slt.u32 s23, $0x2FF4;
	s19 =	simm.s32 $0x100  }
0x6e: {  	p2 =	slt.u32 s23, $0x1FFA;
	s19 =	simm.s32 @!p1 $0x0  }
0x6f: {  	p1 =	slt.u32 s23, $0xFFE;
	s19 =	simm.s32 @p2 $0x80  }
0x70: {  	s19 =	simm.s32 @p1 $0x0;
	[tilespmem:s14+$0xFFFFFF30] =	vst v0  }
0x71: {  	v0 =	vld [tilespmem:s19+$0x0];
	_ =	sdelay $0x4  }
0x72: {  	[tilespmem:s14+$0xFFFFFF80] =	vst v0  }
0x73: {  	v0 =	vld [tilespmem:s19+$0x10];
	_ =	sdelay $0x4  }
0x74: {  	[tilespmem:s14+$0xFFFFFF90] =	vst v0  }
0x75: {  	v0 =	vld [tilespmem:s19+$0x20];
	_ =	sdelay $0x4  }
0x76: {  	[tilespmem:s14+$0xFFFFFFA0] =	vst v0  }
0x77: {  	v0 =	vld [tilespmem:s19+$0x30]  }
0x78: {  	s24 =	sadd.s32 $0x8, s17  }
0x79: {  	p1 =	slt.u32 s24, $0x2FF4;
	s19 =	simm.s32 $0x100  }
0x7a: {  	p2 =	slt.u32 s24, $0x1FFA;
	s19 =	simm.s32 @!p1 $0x0  }
0x7b: {  	p1 =	slt.u32 s24, $0xFFE;
	s19 =	simm.s32 @p2 $0x80  }
0x7c: {  	s19 =	simm.s32 @p1 $0x0;
	[tilespmem:s14+$0xFFFFFFB0] =	vst v0  }
0x7d: {  	v0 =	vld [tilespmem:s19+$0x0];
	_ =	sdelay $0x4  }
0x7e: {  	[tilespmem:s14+$0x0] =	vst v0  }
0x7f: {  	v0 =	vld [tilespmem:s19+$0x10];
	_ =	sdelay $0x4  }
0x80: {  	[tilespmem:s14+$0x10] =	vst v0  }
0x81: {  	v0 =	vld [tilespmem:s19+$0x20];
	_ =	sdelay $0x4  }
0x82: {  	[tilespmem:s14+$0x20] =	vst v0  }
0x83: {  	v0 =	vld [tilespmem:s19+$0x30]  }
0x84: {  	s25 =	sadd.s32 $0x9, s17  }
0x85: {  	p1 =	slt.u32 s25, $0x2FF4;
	s19 =	simm.s32 $0x100  }
0x86: {  	p2 =	slt.u32 s25, $0x1FFA;
	s19 =	simm.s32 @!p1 $0x0  }
0x87: {  	p1 =	slt.u32 s25, $0xFFE;
	s19 =	simm.s32 @p2 $0x80  }
0x88: {  	s19 =	simm.s32 @p1 $0x0;
	[tilespmem:s14+$0x30] =	vst v0  }
0x89: {  	v0 =	vld [tilespmem:s19+$0x0];
	_ =	sdelay $0x4  }
0x8a: {  	[tilespmem:s14+$0x80] =	vst v0  }
0x8b: {  	v0 =	vld [tilespmem:s19+$0x10];
	_ =	sdelay $0x4  }
0x8c: {  	[tilespmem:s14+$0x90] =	vst v0  }
0x8d: {  	v0 =	vld [tilespmem:s19+$0x20];
	_ =	sdelay $0x4  }
0x8e: {  	[tilespmem:s14+$0xA0] =	vst v0  }
0x8f: {  	v0 =	vld [tilespmem:s19+$0x30]  }
0x90: {  	s26 =	sadd.s32 $0xA, s17  }
0x91: {  	p1 =	slt.u32 s26, $0x2FF4;
	s19 =	simm.s32 $0x100  }
0x92: {  	p2 =	slt.u32 s26, $0x1FFA;
	s19 =	simm.s32 @!p1 $0x0  }
0x93: {  	p1 =	slt.u32 s26, $0xFFE;
	s19 =	simm.s32 @p2 $0x80  }
0x94: {  	s19 =	simm.s32 @p1 $0x0;
	[tilespmem:s14+$0xB0] =	vst v0  }
0x95: {  	v0 =	vld [tilespmem:s19+$0x0];
	_ =	sdelay $0x4  }
0x96: {  	[tilespmem:s14+$0x100] =	vst v0  }
0x97: {  	v0 =	vld [tilespmem:s19+$0x10];
	_ =	sdelay $0x4  }
0x98: {  	[tilespmem:s14+$0x110] =	vst v0  }
0x99: {  	v0 =	vld [tilespmem:s19+$0x20];
	_ =	sdelay $0x4  }
0x9a: {  	[tilespmem:s14+$0x120] =	vst v0  }
0x9b: {  	v0 =	vld [tilespmem:s19+$0x30]  }
0x9c: {  	s28 =	sadd.s32 $0xB, s17  }
0x9d: {  	p1 =	slt.u32 s28, $0x2FF4;
	s19 =	simm.s32 $0x100  }
0x9e: {  	p2 =	slt.u32 s28, $0x1FFA;
	s19 =	simm.s32 @!p1 $0x0  }
0x9f: {  	p1 =	slt.u32 s28, $0xFFE;
	s19 =	simm.s32 @p2 $0x80  }
0xa0: {  	s19 =	simm.s32 @p1 $0x0;
	[tilespmem:s14+$0x130] =	vst v0  }
0xa1: {  	v0 =	vld [tilespmem:s19+$0x0];
	_ =	sdelay $0x4  }
0xa2: {  	[tilespmem:s14+$0x180] =	vst v0  }
0xa3: {  	v0 =	vld [tilespmem:s19+$0x10];
	_ =	sdelay $0x4  }
0xa4: {  	[tilespmem:s14+$0x190] =	vst v0  }
0xa5: {  	v0 =	vld [tilespmem:s19+$0x20];
	_ =	sdelay $0x4  }
0xa6: {  	[tilespmem:s14+$0x1A0] =	vst v0  }
0xa7: {  	v0 =	vld [tilespmem:s19+$0x30]  }
0xa8: {  	s29 =	sadd.s32 $0xC, s17  }
0xa9: {  	p1 =	slt.u32 s29, $0x2FF4;
	s19 =	simm.s32 $0x100  }
0xaa: {  	p2 =	slt.u32 s29, $0x1FFA;
	s19 =	simm.s32 @!p1 $0x0  }
0xab: {  	p1 =	slt.u32 s29, $0xFFE;
	s19 =	simm.s32 @p2 $0x80  }
0xac: {  	s19 =	simm.s32 @p1 $0x0;
	[tilespmem:s14+$0x1B0] =	vst v0  }
0xad: {  	v0 =	vld [tilespmem:s19+$0x0];
	_ =	sdelay $0x4  }
0xae: {  	[tilespmem:s14+$0x200] =	vst v0  }
0xaf: {  	v0 =	vld [tilespmem:s19+$0x10];
	_ =	sdelay $0x4  }
0xb0: {  	[tilespmem:s14+$0x210] =	vst v0  }
0xb1: {  	v0 =	vld [tilespmem:s19+$0x20];
	_ =	sdelay $0x4  }
0xb2: {  	[tilespmem:s14+$0x220] =	vst v0  }
0xb3: {  	v0 =	vld [tilespmem:s19+$0x30]  }
0xb4: {  	s30 =	sadd.s32 $0xD, s17  }
0xb5: {  	p1 =	slt.u32 s30, $0x2FF4;
	s19 =	simm.s32 $0x100  }
0xb6: {  	p2 =	slt.u32 s30, $0x1FFA;
	s19 =	simm.s32 @!p1 $0x0  }
0xb7: {  	p1 =	slt.u32 s30, $0xFFE;
	s19 =	simm.s32 @p2 $0x80  }
0xb8: {  	s19 =	simm.s32 @p1 $0x0;
	[tilespmem:s14+$0x230] =	vst v0  }
0xb9: {  	v0 =	vld [tilespmem:s19+$0x0];
	_ =	sdelay $0x4  }
0xba: {  	[tilespmem:s14+$0x280] =	vst v0  }
0xbb: {  	v0 =	vld [tilespmem:s19+$0x10];
	_ =	sdelay $0x4  }
0xbc: {  	[tilespmem:s14+$0x290] =	vst v0  }
0xbd: {  	v0 =	vld [tilespmem:s19+$0x20];
	_ =	sdelay $0x4  }
0xbe: {  	[tilespmem:s14+$0x2A0] =	vst v0  }
0xbf: {  	v0 =	vld [tilespmem:s19+$0x30]  }
0xc0: {  	s31 =	sadd.s32 $0xE, s17  }
0xc1: {  	s18 =	simm.s32 $0x100;
	p1 =	slt.u32 s31, $0x2FF4  }
0xc2: {  	p2 =	slt.u32 s31, $0x1FFA;
	s18 =	simm.s32 @!p1 $0x0  }
0xc3: {  	p1 =	slt.u32 s31, $0xFFE;
	s18 =	simm.s32 @p2 $0x80  }
0xc4: {  	s18 =	simm.s32 @p1 $0x0;
	[tilespmem:s14+$0x2B0] =	vst v0  }
0xc5: {  	v0 =	vld [tilespmem:s18+$0x0];
	_ =	sdelay $0x4  }
0xc6: {  	[tilespmem:s14+$0x300] =	vst v0  }
0xc7: {  	v0 =	vld [tilespmem:s18+$0x10];
	_ =	sdelay $0x4  }
0xc8: {  	[tilespmem:s14+$0x310] =	vst v0  }
0xc9: {  	v0 =	vld [tilespmem:s18+$0x20];
	_ =	sdelay $0x4  }
0xca: {  	[tilespmem:s14+$0x320] =	vst v0  }
0xcb: {  	v0 =	vld [tilespmem:s18+$0x30];
	_ =	sdelay $0x4  }
0xcc: {  	s16 =	sshll.u32 s16, $0x7;
	[tilespmem:s14+$0x330] =	vst v0  }
0xcd: {  	v0 =	vld [tilespmem:s16+$0x0];
	_ =	sdelay $0x4  }
0xce: {  	[tilespmem:s14+$0x380] =	vst v0  }
0xcf: {  	v0 =	vld [tilespmem:s16+$0x10];
	_ =	sdelay $0x4  }
0xd0: {  	[tilespmem:s14+$0x390] =	vst v0  }
0xd1: {  	v0 =	vld [tilespmem:s16+$0x20];
	_ =	sdelay $0x4  }
0xd2: {  	[tilespmem:s14+$0x3A0] =	vst v0  }
0xd3: {  	v1 =	vld [tilespmem:s16+$0x30]  }
.LBB2_5:
0xd4: {  	s15 =	sadd.s32 $0x10, s15  }
0xd5: {  	p1 =	sne.s32 s15, $0xE0  }
.Ltmp3:
0xd6: {  	_ = 	snop;
	(pc) =	sbr.rel @!p1 .LBB2_6-.Ltmp3, $2  }
0xd7: {  	_ =	sdelay $0x2  }
0xd8: {  	[tilespmem:s14+$0x3B0] =	vst v1;
	s14 =	sadd.s32 $0x800, s14  }
.LBB2_2:
0xd9: {  	s17 =	sadd.s32 s15, s8  }
0xda: {  	s16 =	sadd.s32 $0xF, s17  }
0xdb: {  	s18 =	simm.s32 $0x2;
	p1 =	slt.u32 s17, $0x2FF4;
	p4 =	slt.u32 s16, $0xFFE  }
0xdc: {  	p5 =	slt.u32 s16, $0x1FFA;
	p3 =	slt.u32 s16, $0x2FF4;
	s16 =	simm.s32 $0x2  }
0xdd: {  	p2 =	slt.u32 s17, $0x1FFA;
	s18 =	simm.s32 @!p1 $0x0;
	s16 =	simm.s32 @!p3 $0x0  }
0xde: {  	p3 =	slt.u32 s17, $0xFFE;
	s18 =	simm.s32 @p2 $0x1;
	s16 =	simm.s32 @p5 $0x1  }
0xdf: {  	s18 =	simm.s32 @p3 $0x0;
	s16 =	simm.s32 @p4 $0x0  }
0xe0: {  	p4 =	sne.s32 s18, s16;
	s18 =	sshll.u32 s18, $0x7  }
.Ltmp4:
0xe1: {  	v0 =	vld [tilespmem:s18+$0x0];
	(pc) =	sbr.rel @p4 .LBB2_4-.Ltmp4, $1  }
0xe2: {  	_ =	sdelay $0x3  }
0xe3: {  	v2 =	vld [tilespmem:s18+$0x10]  }
0xe4: {  	v3 =	vld [tilespmem:s18+$0x20]  }
0xe5: {  	v1 =	vld [tilespmem:s18+$0x30];
	[tilespmem:s14+$0xFFFFFC00] =	vst v0  }
0xe6: {  	[tilespmem:s14+$0xFFFFFC80] =	vst v0  }
0xe7: {  	[tilespmem:s14+$0xFFFFFD00] =	vst v0  }
0xe8: {  	[tilespmem:s14+$0xFFFFFD80] =	vst v0  }
0xe9: {  	[tilespmem:s14+$0xFFFFFE00] =	vst v0  }
0xea: {  	[tilespmem:s14+$0xFFFFFE80] =	vst v0  }
0xeb: {  	[tilespmem:s14+$0xFFFFFF00] =	vst v0  }
0xec: {  	[tilespmem:s14+$0xFFFFFF80] =	vst v0  }
0xed: {  	[tilespmem:s14+$0x0] =	vst v0  }
0xee: {  	[tilespmem:s14+$0x80] =	vst v0  }
0xef: {  	[tilespmem:s14+$0x100] =	vst v0  }
0xf0: {  	[tilespmem:s14+$0x180] =	vst v0  }
0xf1: {  	[tilespmem:s14+$0x200] =	vst v0  }
0xf2: {  	[tilespmem:s14+$0x280] =	vst v0  }
0xf3: {  	[tilespmem:s14+$0x300] =	vst v0  }
0xf4: {  	[tilespmem:s14+$0x380] =	vst v0  }
0xf5: {  	[tilespmem:s14+$0xFFFFFC10] =	vst v2  }
0xf6: {  	[tilespmem:s14+$0xFFFFFC20] =	vst v3  }
0xf7: {  	[tilespmem:s14+$0xFFFFFC30] =	vst v1  }
0xf8: {  	[tilespmem:s14+$0xFFFFFC90] =	vst v2  }
0xf9: {  	[tilespmem:s14+$0xFFFFFCA0] =	vst v3  }
0xfa: {  	[tilespmem:s14+$0xFFFFFCB0] =	vst v1  }
0xfb: {  	[tilespmem:s14+$0xFFFFFD10] =	vst v2  }
0xfc: {  	[tilespmem:s14+$0xFFFFFD20] =	vst v3  }
0xfd: {  	[tilespmem:s14+$0xFFFFFD30] =	vst v1  }
0xfe: {  	[tilespmem:s14+$0xFFFFFD90] =	vst v2  }
0xff: {  	[tilespmem:s14+$0xFFFFFDA0] =	vst v3  }
0x100: {  	[tilespmem:s14+$0xFFFFFDB0] =	vst v1  }
0x101: {  	[tilespmem:s14+$0xFFFFFE10] =	vst v2  }
0x102: {  	[tilespmem:s14+$0xFFFFFE20] =	vst v3  }
0x103: {  	[tilespmem:s14+$0xFFFFFE30] =	vst v1  }
0x104: {  	[tilespmem:s14+$0xFFFFFE90] =	vst v2  }
0x105: {  	[tilespmem:s14+$0xFFFFFEA0] =	vst v3  }
0x106: {  	[tilespmem:s14+$0xFFFFFEB0] =	vst v1  }
0x107: {  	[tilespmem:s14+$0xFFFFFF10] =	vst v2  }
0x108: {  	[tilespmem:s14+$0xFFFFFF20] =	vst v3  }
0x109: {  	[tilespmem:s14+$0xFFFFFF30] =	vst v1  }
0x10a: {  	[tilespmem:s14+$0xFFFFFF90] =	vst v2  }
0x10b: {  	[tilespmem:s14+$0xFFFFFFA0] =	vst v3  }
0x10c: {  	[tilespmem:s14+$0xFFFFFFB0] =	vst v1  }
0x10d: {  	[tilespmem:s14+$0x10] =	vst v2  }
0x10e: {  	[tilespmem:s14+$0x20] =	vst v3  }
0x10f: {  	[tilespmem:s14+$0x30] =	vst v1  }
0x110: {  	[tilespmem:s14+$0x90] =	vst v2  }
0x111: {  	[tilespmem:s14+$0xA0] =	vst v3  }
0x112: {  	[tilespmem:s14+$0xB0] =	vst v1  }
0x113: {  	[tilespmem:s14+$0x110] =	vst v2  }
0x114: {  	[tilespmem:s14+$0x120] =	vst v3  }
0x115: {  	[tilespmem:s14+$0x130] =	vst v1  }
0x116: {  	[tilespmem:s14+$0x190] =	vst v2  }
0x117: {  	[tilespmem:s14+$0x1A0] =	vst v3  }
0x118: {  	[tilespmem:s14+$0x1B0] =	vst v1  }
0x119: {  	[tilespmem:s14+$0x210] =	vst v2  }
0x11a: {  	[tilespmem:s14+$0x220] =	vst v3  }
0x11b: {  	[tilespmem:s14+$0x230] =	vst v1  }
0x11c: {  	[tilespmem:s14+$0x290] =	vst v2  }
0x11d: {  	[tilespmem:s14+$0x2A0] =	vst v3  }
0x11e: {  	[tilespmem:s14+$0x2B0] =	vst v1  }
.Ltmp5:
0x11f: {  	[tilespmem:s14+$0x310] =	vst v2;
	(pc) =	sbr.rel .LBB2_5-.Ltmp5, $4  }
0x120: {  	[tilespmem:s14+$0x320] =	vst v3  }
0x121: {  	[tilespmem:s14+$0x330] =	vst v1  }
0x122: {  	[tilespmem:s14+$0x390] =	vst v2  }
0x123: {  	[tilespmem:s14+$0x3A0] =	vst v3  }
.LBB2_6:
.Ltmp6:
0x124: {  	(pc) =	sbr.rel .LBB2_7-.Ltmp6, $3  }
0x125: {  	_ =	sdelay $0x1  }
0x126: {  	s14 =	simm.s32 $0x0;
	s15 =	smov.u32 s9  }
0x127: {  	[hbm4b:s4+s14] =	stream.linear.scatter [tilespmem:s11], [sflag:$0x1], $0x7000, $0x38;
	[tilespmem:$0xE400] =	vst v63  }
.LBB2_9:
0x128: {  	[tilespmem:s16+$0x7400] =	vst v0  }
0x129: {  	v0 =	vld [tilespmem:s18+$0x10];
	_ =	sdelay $0x4  }
0x12a: {  	[tilespmem:s16+$0x7410] =	vst v0  }
0x12b: {  	v0 =	vld [tilespmem:s18+$0x20];
	_ =	sdelay $0x4  }
0x12c: {  	[tilespmem:s16+$0x7420] =	vst v0  }
0x12d: {  	v0 =	vld [tilespmem:s18+$0x30]  }
0x12e: {  	s18 =	simm.s32 $0x100  }
0x12f: {  	s18 =	simm.s32 @!p3 $0x0  }
0x130: {  	s19 =	smov.u32 s18  }
0x131: {  	s19 =	simm.s32 @p2 $0x80  }
0x132: {  	s19 =	simm.s32 @p1 $0x0;
	[tilespmem:s16+$0x7430] =	vst v0  }
0x133: {  	v0 =	vld [tilespmem:s19+$0x0];
	_ =	sdelay $0x4  }
0x134: {  	[tilespmem:s16+$0x7480] =	vst v0  }
0x135: {  	v0 =	vld [tilespmem:s19+$0x10];
	_ =	sdelay $0x4  }
0x136: {  	[tilespmem:s16+$0x7490] =	vst v0  }
0x137: {  	v0 =	vld [tilespmem:s19+$0x20];
	_ =	sdelay $0x4  }
0x138: {  	[tilespmem:s16+$0x74A0] =	vst v0  }
0x139: {  	v0 =	vld [tilespmem:s19+$0x30];
	_ =	sdelay $0x1  }
0x13a: {  	s30 =	sadd.s32 $0xFFFFFFF3, s15  }
0x13b: {  	s20 =	smov.u32 s18;
	p1 =	slt.u32 s30, $0x1FFA  }
0x13c: {  	p2 =	slt.u32 s30, $0xFFE;
	s20 =	simm.s32 @p1 $0x80  }
0x13d: {  	s20 =	simm.s32 @p2 $0x0;
	[tilespmem:s16+$0x74B0] =	vst v0  }
0x13e: {  	v0 =	vld [tilespmem:s20+$0x0];
	_ =	sdelay $0x4  }
0x13f: {  	[tilespmem:s16+$0x7500] =	vst v0  }
0x140: {  	v0 =	vld [tilespmem:s20+$0x10];
	_ =	sdelay $0x4  }
0x141: {  	[tilespmem:s16+$0x7510] =	vst v0  }
0x142: {  	v0 =	vld [tilespmem:s20+$0x20];
	_ =	sdelay $0x4  }
0x143: {  	[tilespmem:s16+$0x7520] =	vst v0  }
0x144: {  	v0 =	vld [tilespmem:s20+$0x30];
	_ =	sdelay $0x1  }
0x145: {  	s31 =	sadd.s32 $0xFFFFFFF4, s15  }
0x146: {  	p1 =	slt.u32 s31, $0x1FFA  }
0x147: {  	p2 =	slt.u32 s31, $0xFFE;
	s18 =	simm.s32 @p1 $0x80  }
0x148: {  	s18 =	simm.s32 @p2 $0x0;
	[tilespmem:s16+$0x7530] =	vst v0  }
0x149: {  	v0 =	vld [tilespmem:s18+$0x0];
	_ =	sdelay $0x4  }
0x14a: {  	[tilespmem:s16+$0x7580] =	vst v0  }
0x14b: {  	v0 =	vld [tilespmem:s18+$0x10];
	_ =	sdelay $0x4  }
0x14c: {  	[tilespmem:s16+$0x7590] =	vst v0  }
0x14d: {  	v0 =	vld [tilespmem:s18+$0x20];
	_ =	sdelay $0x4  }
0x14e: {  	[tilespmem:s16+$0x75A0] =	vst v0  }
0x14f: {  	v0 =	vld [tilespmem:s18+$0x30]  }
0x150: {  	s20 =	sadd.s32 $0xFFFFFFF5, s15  }
0x151: {  	s19 =	simm.s32 $0x100;
	p1 =	slt.u32 s20, $0x2FF4  }
0x152: {  	p2 =	slt.u32 s20, $0x1FFA;
	s19 =	simm.s32 @!p1 $0x0  }
0x153: {  	p1 =	slt.u32 s20, $0xFFE;
	s19 =	simm.s32 @p2 $0x80  }
0x154: {  	s19 =	simm.s32 @p1 $0x0;
	[tilespmem:s16+$0x75B0] =	vst v0  }
0x155: {  	v0 =	vld [tilespmem:s19+$0x0];
	_ =	sdelay $0x4  }
0x156: {  	[tilespmem:s16+$0x7600] =	vst v0  }
0x157: {  	v0 =	vld [tilespmem:s19+$0x10];
	_ =	sdelay $0x4  }
0x158: {  	[tilespmem:s16+$0x7610] =	vst v0  }
0x159: {  	v0 =	vld [tilespmem:s19+$0x20];
	_ =	sdelay $0x4  }
0x15a: {  	[tilespmem:s16+$0x7620] =	vst v0  }
0x15b: {  	v0 =	vld [tilespmem:s19+$0x30]  }
0x15c: {  	s21 =	sadd.s32 $0xFFFFFFF6, s15  }
0x15d: {  	p1 =	slt.u32 s21, $0x2FF4;
	s19 =	simm.s32 $0x100  }
0x15e: {  	p2 =	slt.u32 s21, $0x1FFA;
	s19 =	simm.s32 @!p1 $0x0  }
0x15f: {  	p1 =	slt.u32 s21, $0xFFE;
	s19 =	simm.s32 @p2 $0x80  }
0x160: {  	s19 =	simm.s32 @p1 $0x0;
	[tilespmem:s16+$0x7630] =	vst v0  }
0x161: {  	v0 =	vld [tilespmem:s19+$0x0];
	_ =	sdelay $0x4  }
0x162: {  	[tilespmem:s16+$0x7680] =	vst v0  }
0x163: {  	v0 =	vld [tilespmem:s19+$0x10];
	_ =	sdelay $0x4  }
0x164: {  	[tilespmem:s16+$0x7690] =	vst v0  }
0x165: {  	v0 =	vld [tilespmem:s19+$0x20];
	_ =	sdelay $0x4  }
0x166: {  	[tilespmem:s16+$0x76A0] =	vst v0  }
0x167: {  	v0 =	vld [tilespmem:s19+$0x30]  }
0x168: {  	s22 =	sadd.s32 $0xFFFFFFF7, s15  }
0x169: {  	p1 =	slt.u32 s22, $0x2FF4;
	s19 =	simm.s32 $0x100  }
0x16a: {  	p2 =	slt.u32 s22, $0x1FFA;
	s19 =	simm.s32 @!p1 $0x0  }
0x16b: {  	p1 =	slt.u32 s22, $0xFFE;
	s19 =	simm.s32 @p2 $0x80  }
0x16c: {  	s19 =	simm.s32 @p1 $0x0;
	[tilespmem:s16+$0x76B0] =	vst v0  }
0x16d: {  	v0 =	vld [tilespmem:s19+$0x0];
	_ =	sdelay $0x4  }
0x16e: {  	[tilespmem:s16+$0x7700] =	vst v0  }
0x16f: {  	v0 =	vld [tilespmem:s19+$0x10];
	_ =	sdelay $0x4  }
0x170: {  	[tilespmem:s16+$0x7710] =	vst v0  }
0x171: {  	v0 =	vld [tilespmem:s19+$0x20];
	_ =	sdelay $0x4  }
0x172: {  	[tilespmem:s16+$0x7720] =	vst v0  }
0x173: {  	v0 =	vld [tilespmem:s19+$0x30]  }
0x174: {  	s23 =	sadd.s32 $0xFFFFFFF8, s15  }
0x175: {  	p1 =	slt.u32 s23, $0x2FF4;
	s19 =	simm.s32 $0x100  }
0x176: {  	p2 =	slt.u32 s23, $0x1FFA;
	s19 =	simm.s32 @!p1 $0x0  }
0x177: {  	p1 =	slt.u32 s23, $0xFFE;
	s19 =	simm.s32 @p2 $0x80  }
0x178: {  	s19 =	simm.s32 @p1 $0x0;
	[tilespmem:s16+$0x7730] =	vst v0  }
0x179: {  	v0 =	vld [tilespmem:s19+$0x0];
	_ =	sdelay $0x4  }
0x17a: {  	[tilespmem:s16+$0x7780] =	vst v0  }
0x17b: {  	v0 =	vld [tilespmem:s19+$0x10];
	_ =	sdelay $0x4  }
0x17c: {  	[tilespmem:s16+$0x7790] =	vst v0  }
0x17d: {  	v0 =	vld [tilespmem:s19+$0x20];
	_ =	sdelay $0x4  }
0x17e: {  	[tilespmem:s16+$0x77A0] =	vst v0  }
0x17f: {  	v0 =	vld [tilespmem:s19+$0x30]  }
0x180: {  	s24 =	sadd.s32 $0xFFFFFFF9, s15  }
0x181: {  	p1 =	slt.u32 s24, $0x2FF4;
	s19 =	simm.s32 $0x100  }
0x182: {  	p2 =	slt.u32 s24, $0x1FFA;
	s19 =	simm.s32 @!p1 $0x0  }
0x183: {  	p1 =	slt.u32 s24, $0xFFE;
	s19 =	simm.s32 @p2 $0x80  }
0x184: {  	s19 =	simm.s32 @p1 $0x0;
	[tilespmem:s16+$0x77B0] =	vst v0  }
0x185: {  	v0 =	vld [tilespmem:s19+$0x0];
	_ =	sdelay $0x4  }
0x186: {  	[tilespmem:s16+$0x7800] =	vst v0  }
0x187: {  	v0 =	vld [tilespmem:s19+$0x10];
	_ =	sdelay $0x4  }
0x188: {  	[tilespmem:s16+$0x7810] =	vst v0  }
0x189: {  	v0 =	vld [tilespmem:s19+$0x20];
	_ =	sdelay $0x4  }
0x18a: {  	[tilespmem:s16+$0x7820] =	vst v0  }
0x18b: {  	v0 =	vld [tilespmem:s19+$0x30]  }
0x18c: {  	s25 =	sadd.s32 $0xFFFFFFFA, s15  }
0x18d: {  	p1 =	slt.u32 s25, $0x2FF4;
	s19 =	simm.s32 $0x100  }
0x18e: {  	p2 =	slt.u32 s25, $0x1FFA;
	s19 =	simm.s32 @!p1 $0x0  }
0x18f: {  	p1 =	slt.u32 s25, $0xFFE;
	s19 =	simm.s32 @p2 $0x80  }
0x190: {  	s19 =	simm.s32 @p1 $0x0;
	[tilespmem:s16+$0x7830] =	vst v0  }
0x191: {  	v0 =	vld [tilespmem:s19+$0x0];
	_ =	sdelay $0x4  }
0x192: {  	[tilespmem:s16+$0x7880] =	vst v0  }
0x193: {  	v0 =	vld [tilespmem:s19+$0x10];
	_ =	sdelay $0x4  }
0x194: {  	[tilespmem:s16+$0x7890] =	vst v0  }
0x195: {  	v0 =	vld [tilespmem:s19+$0x20];
	_ =	sdelay $0x4  }
0x196: {  	[tilespmem:s16+$0x78A0] =	vst v0  }
0x197: {  	v0 =	vld [tilespmem:s19+$0x30]  }
0x198: {  	s26 =	sadd.s32 $0xFFFFFFFB, s15  }
0x199: {  	p1 =	slt.u32 s26, $0x2FF4;
	s19 =	simm.s32 $0x100  }
0x19a: {  	p2 =	slt.u32 s26, $0x1FFA;
	s19 =	simm.s32 @!p1 $0x0  }
0x19b: {  	p1 =	slt.u32 s26, $0xFFE;
	s19 =	simm.s32 @p2 $0x80  }
0x19c: {  	s19 =	simm.s32 @p1 $0x0;
	[tilespmem:s16+$0x78B0] =	vst v0  }
0x19d: {  	v0 =	vld [tilespmem:s19+$0x0];
	_ =	sdelay $0x4  }
0x19e: {  	[tilespmem:s16+$0x7900] =	vst v0  }
0x19f: {  	v0 =	vld [tilespmem:s19+$0x10];
	_ =	sdelay $0x4  }
0x1a0: {  	[tilespmem:s16+$0x7910] =	vst v0  }
0x1a1: {  	v0 =	vld [tilespmem:s19+$0x20];
	_ =	sdelay $0x4  }
0x1a2: {  	[tilespmem:s16+$0x7920] =	vst v0  }
0x1a3: {  	v0 =	vld [tilespmem:s19+$0x30]  }
0x1a4: {  	s28 =	sadd.s32 $0xFFFFFFFC, s15  }
0x1a5: {  	p1 =	slt.u32 s28, $0x2FF4;
	s19 =	simm.s32 $0x100  }
0x1a6: {  	p2 =	slt.u32 s28, $0x1FFA;
	s19 =	simm.s32 @!p1 $0x0  }
0x1a7: {  	p1 =	slt.u32 s28, $0xFFE;
	s19 =	simm.s32 @p2 $0x80  }
0x1a8: {  	s19 =	simm.s32 @p1 $0x0;
	[tilespmem:s16+$0x7930] =	vst v0  }
0x1a9: {  	v0 =	vld [tilespmem:s19+$0x0];
	_ =	sdelay $0x4  }
0x1aa: {  	[tilespmem:s16+$0x7980] =	vst v0  }
0x1ab: {  	v0 =	vld [tilespmem:s19+$0x10];
	_ =	sdelay $0x4  }
0x1ac: {  	[tilespmem:s16+$0x7990] =	vst v0  }
0x1ad: {  	v0 =	vld [tilespmem:s19+$0x20];
	_ =	sdelay $0x4  }
0x1ae: {  	[tilespmem:s16+$0x79A0] =	vst v0  }
0x1af: {  	v0 =	vld [tilespmem:s19+$0x30]  }
0x1b0: {  	s29 =	sadd.s32 $0xFFFFFFFD, s15  }
0x1b1: {  	p1 =	slt.u32 s29, $0x2FF4;
	s19 =	simm.s32 $0x100  }
0x1b2: {  	p2 =	slt.u32 s29, $0x1FFA;
	s19 =	simm.s32 @!p1 $0x0  }
0x1b3: {  	p1 =	slt.u32 s29, $0xFFE;
	s19 =	simm.s32 @p2 $0x80  }
0x1b4: {  	s19 =	simm.s32 @p1 $0x0;
	[tilespmem:s16+$0x79B0] =	vst v0  }
0x1b5: {  	v0 =	vld [tilespmem:s19+$0x0];
	_ =	sdelay $0x4  }
0x1b6: {  	[tilespmem:s16+$0x7A00] =	vst v0  }
0x1b7: {  	v0 =	vld [tilespmem:s19+$0x10];
	_ =	sdelay $0x4  }
0x1b8: {  	[tilespmem:s16+$0x7A10] =	vst v0  }
0x1b9: {  	v0 =	vld [tilespmem:s19+$0x20];
	_ =	sdelay $0x4  }
0x1ba: {  	[tilespmem:s16+$0x7A20] =	vst v0  }
0x1bb: {  	v0 =	vld [tilespmem:s19+$0x30]  }
0x1bc: {  	s30 =	sadd.s32 $0xFFFFFFFE, s15  }
0x1bd: {  	p1 =	slt.u32 s30, $0x2FF4;
	s19 =	simm.s32 $0x100  }
0x1be: {  	p2 =	slt.u32 s30, $0x1FFA;
	s19 =	simm.s32 @!p1 $0x0  }
0x1bf: {  	p1 =	slt.u32 s30, $0xFFE;
	s19 =	simm.s32 @p2 $0x80  }
0x1c0: {  	s19 =	simm.s32 @p1 $0x0;
	[tilespmem:s16+$0x7A30] =	vst v0  }
0x1c1: {  	v0 =	vld [tilespmem:s19+$0x0];
	_ =	sdelay $0x4  }
0x1c2: {  	[tilespmem:s16+$0x7A80] =	vst v0  }
0x1c3: {  	v0 =	vld [tilespmem:s19+$0x10];
	_ =	sdelay $0x4  }
0x1c4: {  	[tilespmem:s16+$0x7A90] =	vst v0  }
0x1c5: {  	v0 =	vld [tilespmem:s19+$0x20];
	_ =	sdelay $0x4  }
0x1c6: {  	[tilespmem:s16+$0x7AA0] =	vst v0  }
0x1c7: {  	v0 =	vld [tilespmem:s19+$0x30]  }
0x1c8: {  	s31 =	sadd.s32 $0xFFFFFFFF, s15  }
0x1c9: {  	p1 =	slt.u32 s31, $0x2FF4;
	s19 =	simm.s32 $0x100  }
0x1ca: {  	p2 =	slt.u32 s31, $0x1FFA;
	s19 =	simm.s32 @!p1 $0x0  }
0x1cb: {  	p1 =	slt.u32 s31, $0xFFE;
	s19 =	simm.s32 @p2 $0x80  }
0x1cc: {  	s19 =	simm.s32 @p1 $0x0;
	[tilespmem:s16+$0x7AB0] =	vst v0  }
0x1cd: {  	v0 =	vld [tilespmem:s19+$0x0];
	_ =	sdelay $0x4  }
0x1ce: {  	[tilespmem:s16+$0x7B00] =	vst v0  }
0x1cf: {  	v0 =	vld [tilespmem:s19+$0x10];
	_ =	sdelay $0x4  }
0x1d0: {  	[tilespmem:s16+$0x7B10] =	vst v0  }
0x1d1: {  	v0 =	vld [tilespmem:s19+$0x20];
	_ =	sdelay $0x4  }
0x1d2: {  	[tilespmem:s16+$0x7B20] =	vst v0  }
0x1d3: {  	v0 =	vld [tilespmem:s19+$0x30];
	_ =	sdelay $0x4  }
0x1d4: {  	s17 =	sshll.u32 s17, $0x7;
	[tilespmem:s16+$0x7B30] =	vst v0  }
0x1d5: {  	v0 =	vld [tilespmem:s17+$0x0];
	_ =	sdelay $0x4  }
0x1d6: {  	[tilespmem:s16+$0x7B80] =	vst v0  }
0x1d7: {  	v0 =	vld [tilespmem:s17+$0x10];
	_ =	sdelay $0x4  }
0x1d8: {  	[tilespmem:s16+$0x7B90] =	vst v0  }
0x1d9: {  	v0 =	vld [tilespmem:s17+$0x20];
	_ =	sdelay $0x4  }
0x1da: {  	[tilespmem:s16+$0x7BA0] =	vst v0  }
0x1db: {  	v1 =	vld [tilespmem:s17+$0x30]  }
.LBB2_10:
0x1dc: {  	s14 =	sadd.s32 $0x2000, s14  }
0x1dd: {  	p1 =	sne.s32 s14, $0x1C000  }
.Ltmp7:
0x1de: {  	_ = 	snop;
	(pc) =	sbr.rel @!p1 .LBB2_11-.Ltmp7, $2  }
0x1df: {  	_ =	sdelay $0x2  }
0x1e0: {  	s15 =	sadd.s32 $0x10, s15;
	[tilespmem:s16+$0x7BB0] =	vst v1  }
.LBB2_7:
0x1e1: {  	s16 =	sadd.s32 $0xFFFFFFF1, s15  }
0x1e2: {  	p4 =	slt.u32 s15, $0x2FF4;
	s17 =	simm.s32 $0x2;
	p1 =	slt.u32 s16, $0xFFE  }
0x1e3: {  	p2 =	slt.u32 s16, $0x1FFA;
	p3 =	slt.u32 s16, $0x2FF4;
	s16 =	simm.s32 $0x2  }
0x1e4: {  	p5 =	slt.u32 s15, $0x1FFA;
	s17 =	simm.s32 @!p4 $0x0;
	s16 =	simm.s32 @!p3 $0x0  }
0x1e5: {  	p4 =	slt.u32 s15, $0xFFE;
	s17 =	simm.s32 @p5 $0x1;
	s16 =	simm.s32 @p2 $0x1  }
0x1e6: {  	s17 =	simm.s32 @p4 $0x0;
	s16 =	simm.s32 @p1 $0x0  }
0x1e7: {  	p4 =	sne.s32 s16, s17;
	s18 =	sshll.u32 s16, $0x7  }
.Ltmp8:
0x1e8: {  	v0 =	vld [tilespmem:s18+$0x0];
	(pc) =	sbr.rel @p4 .LBB2_9-.Ltmp8, $2  }
0x1e9: {  	_ =	sdelay $0x2  }
0x1ea: {  	s16 =	sshra.s32 s14, $0x2  }
0x1eb: {  	v2 =	vld [tilespmem:s18+$0x10]  }
0x1ec: {  	v3 =	vld [tilespmem:s18+$0x20]  }
0x1ed: {  	v1 =	vld [tilespmem:s18+$0x30];
	[tilespmem:s16+$0x7400] =	vst v0  }
0x1ee: {  	[tilespmem:s16+$0x7480] =	vst v0  }
0x1ef: {  	[tilespmem:s16+$0x7500] =	vst v0  }
0x1f0: {  	[tilespmem:s16+$0x7580] =	vst v0  }
0x1f1: {  	[tilespmem:s16+$0x7600] =	vst v0  }
0x1f2: {  	[tilespmem:s16+$0x7680] =	vst v0  }
0x1f3: {  	[tilespmem:s16+$0x7700] =	vst v0  }
0x1f4: {  	[tilespmem:s16+$0x7780] =	vst v0  }
0x1f5: {  	[tilespmem:s16+$0x7800] =	vst v0  }
0x1f6: {  	[tilespmem:s16+$0x7880] =	vst v0  }
0x1f7: {  	[tilespmem:s16+$0x7900] =	vst v0  }
0x1f8: {  	[tilespmem:s16+$0x7980] =	vst v0  }
0x1f9: {  	[tilespmem:s16+$0x7A00] =	vst v0  }
0x1fa: {  	[tilespmem:s16+$0x7A80] =	vst v0  }
0x1fb: {  	[tilespmem:s16+$0x7B00] =	vst v0  }
0x1fc: {  	[tilespmem:s16+$0x7B80] =	vst v0  }
0x1fd: {  	[tilespmem:s16+$0x7410] =	vst v2  }
0x1fe: {  	[tilespmem:s16+$0x7420] =	vst v3  }
0x1ff: {  	[tilespmem:s16+$0x7430] =	vst v1  }
0x200: {  	[tilespmem:s16+$0x7490] =	vst v2  }
0x201: {  	[tilespmem:s16+$0x74A0] =	vst v3  }
0x202: {  	[tilespmem:s16+$0x74B0] =	vst v1  }
0x203: {  	[tilespmem:s16+$0x7510] =	vst v2  }
0x204: {  	[tilespmem:s16+$0x7520] =	vst v3  }
0x205: {  	[tilespmem:s16+$0x7530] =	vst v1  }
0x206: {  	[tilespmem:s16+$0x7590] =	vst v2  }
0x207: {  	[tilespmem:s16+$0x75A0] =	vst v3  }
0x208: {  	[tilespmem:s16+$0x75B0] =	vst v1  }
0x209: {  	[tilespmem:s16+$0x7610] =	vst v2  }
0x20a: {  	[tilespmem:s16+$0x7620] =	vst v3  }
0x20b: {  	[tilespmem:s16+$0x7630] =	vst v1  }
0x20c: {  	[tilespmem:s16+$0x7690] =	vst v2  }
0x20d: {  	[tilespmem:s16+$0x76A0] =	vst v3  }
0x20e: {  	[tilespmem:s16+$0x76B0] =	vst v1  }
0x20f: {  	[tilespmem:s16+$0x7710] =	vst v2  }
0x210: {  	[tilespmem:s16+$0x7720] =	vst v3  }
0x211: {  	[tilespmem:s16+$0x7730] =	vst v1  }
0x212: {  	[tilespmem:s16+$0x7790] =	vst v2  }
0x213: {  	[tilespmem:s16+$0x77A0] =	vst v3  }
0x214: {  	[tilespmem:s16+$0x77B0] =	vst v1  }
0x215: {  	[tilespmem:s16+$0x7810] =	vst v2  }
0x216: {  	[tilespmem:s16+$0x7820] =	vst v3  }
0x217: {  	[tilespmem:s16+$0x7830] =	vst v1  }
0x218: {  	[tilespmem:s16+$0x7890] =	vst v2  }
0x219: {  	[tilespmem:s16+$0x78A0] =	vst v3  }
0x21a: {  	[tilespmem:s16+$0x78B0] =	vst v1  }
0x21b: {  	[tilespmem:s16+$0x7910] =	vst v2  }
0x21c: {  	[tilespmem:s16+$0x7920] =	vst v3  }
0x21d: {  	[tilespmem:s16+$0x7930] =	vst v1  }
0x21e: {  	[tilespmem:s16+$0x7990] =	vst v2  }
0x21f: {  	[tilespmem:s16+$0x79A0] =	vst v3  }
0x220: {  	[tilespmem:s16+$0x79B0] =	vst v1  }
0x221: {  	[tilespmem:s16+$0x7A10] =	vst v2  }
0x222: {  	[tilespmem:s16+$0x7A20] =	vst v3  }
0x223: {  	[tilespmem:s16+$0x7A30] =	vst v1  }
0x224: {  	[tilespmem:s16+$0x7A90] =	vst v2  }
0x225: {  	[tilespmem:s16+$0x7AA0] =	vst v3  }
0x226: {  	[tilespmem:s16+$0x7AB0] =	vst v1  }
.Ltmp9:
0x227: {  	[tilespmem:s16+$0x7B10] =	vst v2;
	(pc) =	sbr.rel .LBB2_10-.Ltmp9, $4  }
0x228: {  	[tilespmem:s16+$0x7B20] =	vst v3  }
0x229: {  	[tilespmem:s16+$0x7B30] =	vst v1  }
0x22a: {  	[tilespmem:s16+$0x7B90] =	vst v2  }
0x22b: {  	[tilespmem:s16+$0x7BA0] =	vst v3  }
.LBB2_12:
0x22c: {  	_ =	sfence.sel $0x180000  }
0x22d: {  	[bflag:$0x0] =	sbarrier.arrive $0xFFFF  }
0x22e: {  	p0 =	sne.s32 s0, $0x0;
	_ =	strace $0x90000047  }
0x22f: {  	s0 =	sadd.s32 @!p0 $0x100000, s1;
	[bflag:$0x2] =	sbarrier.arrive $0xFFFF  }
0x230: {  	[sflag:s0] =	ssyncadd.tile.s32 @!p0 $0x1;
	_ =	shalt  }
.Lfunc_end2:
_tile_overlayer_lowered:
.L_overlay_start_2:
0x231: {  	(tag) =	ssettag $0x2  }
0x232: {  	s0 =	rddreg [dreg:$0x0];
	s2 =	stileid.u32  }
0x233: {  	s1 =	rddreg [dreg:$0x1];
	p0 =	sne.s32 s2, $0x0  }
0x234: {  	s3 =	rddreg [dreg:$0x2];
	[bflag:$0x3] =	sbarrier.arrive $0xFFFF;
	s2 =	simm.s32 @!p0 $0x1C02  }
0x235: {  	[timem:s3], [sflag:s2] =	dma.local @!p0 [hbm:s0], s1  }
0x236: {  	s0 =	simm.s32 @!p0 $0x2  }
0x237: {  	_ =	swait.ge @!p0 [sflag:s0], s1  }
0x238: {  	s1 =	ssub.s32 @!p0 $0x0, s1;
	[sflag:s0] =	ssyncset.done @!p0 $0x0  }
0x239: {  	[sflag:s0] =	ssyncadd.s32 @!p0 s1  }
0x23a: {  	[bflag:$0x3] =	sbarrier.arrive $0xFFFF  }
0x23b: {  	_ =	shalt  }

</sc_bundles>
